<compile_context>
chip_gen: v7x
topology: tpu7x:2x2x1
jax: 0.10.2.dev20260603
libtpu: 0.0.44.dev20260713+nightly
codegen_flags: <defaults>
</compile_context>

<pallas_src>
import functools

import jax
import jax.numpy as jnp
from jax import lax
from jax.experimental import pallas as pl
from jax.experimental.pallas import tpu as pltpu
from jax.experimental.pallas import tpu_sc as plsc

_B, _C, _H, _W = 8, 96, 224, 224
_E = 64
_HW = _H * _W
_OUTB = (_C + _E) * _HW
_IMGB = _C * _HW
_NW = 32
_EPW = _E * _B // _NW
_IPW = _C * _B // _NW
_FILL_UNROLL = 8
_FILL_ITERS = _HW // (16 * _FILL_UNROLL)


def _sc_body(idx_hbm, emb_hbm, img_hbm, out_hbm,
             idx_v, rows_v, buf0, buf1, sem_g, sem_in, sem_out):
    w = lax.axis_index("s") * 2 + lax.axis_index("c")
    bufs = (buf0, buf1)

    pltpu.sync_copy(idx_hbm, idx_v)
    pltpu.async_copy(emb_hbm.at[idx_v], rows_v, sem_g).wait()

    b_e = w // 4
    c0 = (w % 4) * _EPW
    vals16 = rows_v[b_e, pl.ds(c0, _EPW)]

    emb_copies = []
    for j in range(_EPW):
        buf = bufs[j % 2]
        if j >= 2:
            emb_copies[j - 2].wait()
        splat = jnp.full((16,), vals16[j], jnp.float32)

        def _fill(i, _, buf=buf, splat=splat):
            base = i * (16 * _FILL_UNROLL)
            for u in range(_FILL_UNROLL):
                buf[pl.ds(base + u * 16, 16)] = splat
            return _

        lax.fori_loop(0, _FILL_ITERS, _fill, None)
        off = pl.multiple_of(b_e * _OUTB + (c0 + j) * _HW, 8)
        cp = pltpu.make_async_copy(buf, out_hbm.at[pl.ds(off, _HW)], sem_out)
        cp.start()
        emb_copies.append(cp)
    emb_copies[_EPW - 2].wait()
    emb_copies[_EPW - 1].wait()

    def _img_in(t, buf):
        k = w * _IPW + t
        b = k // _C
        c = k % _C
        src = pl.multiple_of(b * _IMGB + c * _HW, 8)
        return pltpu.make_async_copy(img_hbm.at[pl.ds(src, _HW)], buf, sem_in)

    def _img_out(t, buf):
        k = w * _IPW + t
        b = k // _C
        c = k % _C
        dst = pl.multiple_of(b * _OUTB + _E * _HW + c * _HW, 8)
        return pltpu.make_async_copy(buf, out_hbm.at[pl.ds(dst, _HW)], sem_out)

    in_cp = [None] * _IPW
    out_cp = [None] * _IPW
    in_cp[0] = _img_in(0, bufs[0])
    in_cp[0].start()
    for t in range(_IPW):
        buf = bufs[t % 2]
        in_cp[t].wait()
        if t >= 1:
            out_cp[t - 1].wait()
        if t + 1 < _IPW:
            in_cp[t + 1] = _img_in(t + 1, bufs[(t + 1) % 2])
            in_cp[t + 1].start()
        out_cp[t] = _img_out(t, buf)
        out_cp[t].start()
    out_cp[_IPW - 1].wait()


def kernel(class_idx, image, emb_table):
    idx16 = jnp.pad(class_idx.astype(jnp.int32), (0, 16 - _B))
    img_flat = image.reshape(-1)

    k = functools.partial(
        pl.kernel,
        mesh=plsc.VectorSubcoreMesh(core_axis_name="c", subcore_axis_name="s"),
        out_type=jax.ShapeDtypeStruct((_B * _OUTB,), jnp.float32),
        scratch_types=[
            pltpu.VMEM((16,), jnp.int32),
            pltpu.VMEM((16, 128), jnp.float32),
            pltpu.VMEM((_HW,), jnp.float32),
            pltpu.VMEM((_HW,), jnp.float32),
            pltpu.SemaphoreType.DMA,
            pltpu.SemaphoreType.DMA,
            pltpu.SemaphoreType.DMA,
        ],
    )(_sc_body)
    table128 = jnp.pad(emb_table, ((0, 0), (0, 128 - _E)))
    out_flat = k(idx16, table128, img_flat)
    return out_flat.reshape(_B, _C + _E, _H, _W)

# --- scband reference (transcript-rebuilt; emitter-appended) ---
"""Pipeline reference for scband-class-conditioner-concat-56951266345581 (READ-ONLY COPY).

The authoritative reference and input builder live on the scoring server;
editing this copy changes nothing except your own understanding.
"""

import jax, jax.numpy as jnp
import numpy as np

NUM_CLASSES = 100
EMB_DIM = 64
B, C, H, W = 8, 96, 224, 224


def setup_inputs(seed: int = 0) -> dict:
    key = jax.random.key(seed)
    k1, k2, k3 = jax.random.split(key, 3)
    class_idx = jax.random.randint(k1, (B,), 0, NUM_CLASSES)
    image = jax.random.normal(k2, (B, C, H, W), dtype=jnp.float32)
    emb_table = jax.random.normal(k3, (NUM_CLASSES, EMB_DIM), dtype=jnp.float32)
    return {"class_idx": class_idx, "image": image, "emb_table": emb_table}


def reference(class_idx, image, emb_table):
    # embedding lookup (gather rows)
    x = jnp.take(emb_table, class_idx, axis=0)  # [B, emb_dim]
    # [..., None, None] then expand to spatial dims of image
    x = x[:, :, None, None]
    x = jnp.broadcast_to(x, (x.shape[0], x.shape[1], image.shape[2], image.shape[3]))
    # concat along channel dim
    out = jnp.concatenate([x, image], axis=1)
    return out

if __name__ == "__main__":
    import jax
    _d = setup_inputs()
    print(jax.jit(kernel)(*tuple(_d.values())))

</pallas_src>

<mosaic_0001>
#map = affine_map<(d0, d1) -> (0)>
#map1 = affine_map<(d0, d1) -> (0, 0)>
module attributes {stable_mosaic.version = 14 : i64} {
  func.func @_sc_body(%arg0: i32, %arg1: i32, %arg2: memref<16xi32, #tpu.memory_space<hbm>>, %arg3: memref<100x128xf32, #tpu.memory_space<hbm>>, %arg4: memref<38535168xf32, #tpu.memory_space<hbm>>, %arg5: memref<64225280xf32, #tpu.memory_space<hbm>>, %arg6: memref<16xi32, #tpu.memory_space<vmem>>, %arg7: memref<16x128xf32, #tpu.memory_space<vmem>>, %arg8: memref<50176xf32, #tpu.memory_space<vmem>>, %arg9: memref<50176xf32, #tpu.memory_space<vmem>>, %arg10: memref<!tpu.dma_semaphore, #tpu.memory_space<semaphore_mem>>, %arg11: memref<!tpu.dma_semaphore, #tpu.memory_space<semaphore_mem>>, %arg12: memref<!tpu.dma_semaphore, #tpu.memory_space<semaphore_mem>>) attributes {dimension_semantics = [#tpu.dimension_semantics<core_parallel>, #tpu.dimension_semantics<subcore_parallel>], iteration_bounds = array<i64: 2, 16>, scalar_prefetch = 0 : i64, scratch_operands = 7 : i64, tpu.core_type = #tpu.core_type<sc_vector_subcore>, window_params = [{transform_indices = #map}, {transform_indices = #map1}, {transform_indices = #map}, {transform_indices = #map}]} {
    %mul3A = arith.constant 2 : i32
    %mul3A_0 = arith.muli %arg1, %mul3A : i32
    %add3A = arith.addi %mul3A_0, %arg0 : i32
    "tpu.region"() ({
      %run_scoped3A = tpu.sem_alloc : memref<!tpu.dma_semaphore, #tpu.memory_space<semaphore_mem>>
      tpu.enqueue_dma source(%arg2 : memref<16xi32, #tpu.memory_space<hbm>>) target(%arg6 : memref<16xi32, #tpu.memory_space<vmem>>) target_semaphore(%run_scoped3A : memref<!tpu.dma_semaphore, #tpu.memory_space<semaphore_mem>>)
      tpu.wait_dma2 semaphore(%run_scoped3A : memref<!tpu.dma_semaphore, #tpu.memory_space<semaphore_mem>>) src(%arg2 : memref<16xi32, #tpu.memory_space<hbm>>) dst(%arg6 : memref<16xi32, #tpu.memory_space<vmem>>)
      tpu.yield
    }) : () -> ()
    %dma_start3A = arith.constant 0 : i32
    %dma_start3A_1 = arith.constant 0 : i32
    %dma_start3A_2 = tpu.memref_slice %arg3[%dma_start3A, %dma_start3A_1] : memref<100x128xf32, #tpu.memory_space<hbm>> -> memref<100x128xf32, #tpu.memory_space<hbm>>
    tpu.enqueue_indirect_dma source(%dma_start3A_2 : memref<100x128xf32, #tpu.memory_space<hbm>>) target(%arg7 : memref<16x128xf32, #tpu.memory_space<vmem>>) offsets(%arg6 : memref<16xi32, #tpu.memory_space<vmem>>) semaphore(%arg10 : memref<!tpu.dma_semaphore, #tpu.memory_space<semaphore_mem>>)
    %dma_wait3A = arith.constant 0 : i32
    %dma_wait3A_3 = arith.constant 0 : i32
    %dma_wait3A_4 = tpu.memref_slice %arg3[%dma_wait3A, %dma_wait3A_3] : memref<100x128xf32, #tpu.memory_space<hbm>> -> memref<100x128xf32, #tpu.memory_space<hbm>>
    tpu.wait_indirect_dma semaphore(%arg10 : memref<!tpu.dma_semaphore, #tpu.memory_space<semaphore_mem>>) src(%dma_wait3A_4 : memref<100x128xf32, #tpu.memory_space<hbm>>) dst(%arg7 : memref<16x128xf32, #tpu.memory_space<vmem>>)
    %jit3A = arith.constant 4 : i32
    %div3A = arith.divsi %add3A, %jit3A : i32
    %sign3A = arith.constant 0 : i32
    %sign3A_5 = arith.cmpi sgt, %add3A, %sign3A : i32
    %sign3A_6 = arith.extui %sign3A_5 : i1 to i32
    %sign3A_7 = arith.constant 0 : i32
    %sign3A_8 = arith.cmpi slt, %add3A, %sign3A_7 : i32
    %sign3A_9 = arith.extui %sign3A_8 : i1 to i32
    %sign3A_10 = arith.subi %sign3A_6, %sign3A_9 : i32
    %sign3A_11 = arith.constant 0 : i32
    %sign3A_12 = arith.cmpi sgt, %jit3A, %sign3A_11 : i32
    %sign3A_13 = arith.extui %sign3A_12 : i1 to i32
    %sign3A_14 = arith.constant 0 : i32
    %sign3A_15 = arith.cmpi slt, %jit3A, %sign3A_14 : i32
    %sign3A_16 = arith.extui %sign3A_15 : i1 to i32
    %sign3A_17 = arith.subi %sign3A_13, %sign3A_16 : i32
    %ne3A = arith.cmpi ne, %sign3A_10, %sign3A_17 : i32
    %rem3A = arith.remsi %add3A, %jit3A : i32
    %ne3A_18 = arith.constant 0 : i32
    %ne3A_19 = arith.cmpi ne, %rem3A, %ne3A_18 : i32
    %and3A = arith.andi %ne3A, %ne3A_19 : i1
    %sub3A = arith.constant 1 : i32
    %sub3A_20 = arith.subi %div3A, %sub3A : i32
    %select_n3A = arith.select %and3A, %sub3A_20, %div3A : i32
    %jit3A_21 = arith.constant 4 : i32
    %eq3A = arith.constant 0 : i32
    %eq3A_22 = arith.cmpi eq, %jit3A_21, %eq3A : i32
    %jit3A_23 = arith.constant 1 : i32
    %select_n3A_24 = arith.select %eq3A_22, %jit3A_23, %jit3A_21 : i32
    %rem3A_25 = arith.remsi %add3A, %select_n3A_24 : i32
    %ne3A_26 = arith.constant 0 : i32
    %ne3A_27 = arith.cmpi ne, %rem3A_25, %ne3A_26 : i32
    %lt3A = arith.constant 0 : i32
    %lt3A_28 = arith.cmpi slt, %rem3A_25, %lt3A : i32
    %lt3A_29 = arith.constant 0 : i32
    %lt3A_30 = arith.cmpi slt, %select_n3A_24, %lt3A_29 : i32
    %ne3A_31 = arith.xori %lt3A_28, %lt3A_30 : i1
    %and3A_32 = arith.andi %ne3A_31, %ne3A_27 : i1
    %add3A_33 = arith.addi %rem3A_25, %select_n3A_24 : i32
    %select_n3A_34 = arith.select %and3A_32, %add3A_33, %rem3A_25 : i32
    %mul3A_35 = arith.constant 16 : i32
    %mul3A_36 = arith.muli %select_n3A_34, %mul3A_35 : i32
    %get3A = arith.index_cast %select_n3A : i32 to index
    %get3A_37 = arith.index_cast %mul3A_36 : i32 to index
    %get3A_38 = tpu.vector_load %arg7[%get3A, %get3A_37] {strides = array<i32>} : memref<16x128xf32, #tpu.memory_space<vmem>>, vector<1x16xf32>,
    %get3A_39 = vector.shape_cast %get3A_38 : vector<1x16xf32> to vector<16xf32>
    %slice3A = vector.extract_strided_slice %get3A_39 {offsets = [0], sizes = [1], strides = [1]} : vector<16xf32> to vector<1xf32>
    %squeeze3A = vector.extract %slice3A[0] : f32 from vector<1xf32>
    %broadcast_in_dim3A = vector.broadcast %squeeze3A : f32 to vector<16xf32>
    %scan3A = arith.constant 0 : i32
    %scan3A_40 = arith.constant 392 : i32
    %scan3A_41 = arith.addi %scan3A, %scan3A_40 : i32
    %scan3A_42 = arith.constant 1 : i32
    scf.for %scan3A_2995 = %scan3A to %scan3A_41 step %scan3A_42  : i32 {
      %mul3A_2996 = arith.constant 128 : i32
      %mul3A_2997 = arith.muli %scan3A_2995, %mul3A_2996 : i32
      %add3A_2998 = arith.constant 0 : i32
      %add3A_2999 = arith.addi %mul3A_2997, %add3A_2998 : i32
      %swap3A = arith.index_cast %add3A_2999 : i32 to index
      %swap3A_3000 = tpu.vector_load %arg8[%swap3A] {strides = array<i32>} : memref<50176xf32, #tpu.memory_space<vmem>>, vector<16xf32>,
      %swap3A_3001 = vector.shape_cast %swap3A_3000 : vector<16xf32> to vector<16xf32>
      %swap3A_3002 = vector.shape_cast %broadcast_in_dim3A : vector<16xf32> to vector<16xf32>
      tpu.vector_store %arg8[%swap3A], %swap3A_3002 {strides = array<i32>} : memref<50176xf32, #tpu.memory_space<vmem>>, vector<16xf32>,
      %add3A_3003 = arith.constant 16 : i32
      %add3A_3004 = arith.addi %mul3A_2997, %add3A_3003 : i32
      %swap3A_3005 = arith.index_cast %add3A_3004 : i32 to index
      %swap3A_3006 = tpu.vector_load %arg8[%swap3A_3005] {strides = array<i32>} : memref<50176xf32, #tpu.memory_space<vmem>>, vector<16xf32>,
      %swap3A_3007 = vector.shape_cast %swap3A_3006 : vector<16xf32> to vector<16xf32>
      %swap3A_3008 = vector.shape_cast %broadcast_in_dim3A : vector<16xf32> to vector<16xf32>
      tpu.vector_store %arg8[%swap3A_3005], %swap3A_3008 {strides = array<i32>} : memref<50176xf32, #tpu.memory_space<vmem>>, vector<16xf32>,
      %add3A_3009 = arith.constant 32 : i32
      %add3A_3010 = arith.addi %mul3A_2997, %add3A_3009 : i32
      %swap3A_3011 = arith.index_cast %add3A_3010 : i32 to index
      %swap3A_3012 = tpu.vector_load %arg8[%swap3A_3011] {strides = array<i32>} : memref<50176xf32, #tpu.memory_space<vmem>>, vector<16xf32>,
      %swap3A_3013 = vector.shape_cast %swap3A_3012 : vector<16xf32> to vector<16xf32>
      %swap3A_3014 = vector.shape_cast %broadcast_in_dim3A : vector<16xf32> to vector<16xf32>
      tpu.vector_store %arg8[%swap3A_3011], %swap3A_3014 {strides = array<i32>} : memref<50176xf32, #tpu.memory_space<vmem>>, vector<16xf32>,
      %add3A_3015 = arith.constant 48 : i32
      %add3A_3016 = arith.addi %mul3A_2997, %add3A_3015 : i32
      %swap3A_3017 = arith.index_cast %add3A_3016 : i32 to index
      %swap3A_3018 = tpu.vector_load %arg8[%swap3A_3017] {strides = array<i32>} : memref<50176xf32, #tpu.memory_space<vmem>>, vector<16xf32>,
      %swap3A_3019 = vector.shape_cast %swap3A_3018 : vector<16xf32> to vector<16xf32>
      %swap3A_3020 = vector.shape_cast %broadcast_in_dim3A : vector<16xf32> to vector<16xf32>
      tpu.vector_store %arg8[%swap3A_3017], %swap3A_3020 {strides = array<i32>} : memref<50176xf32, #tpu.memory_space<vmem>>, vector<16xf32>,
      %add3A_3021 = arith.constant 64 : i32
      %add3A_3022 = arith.addi %mul3A_2997, %add3A_3021 : i32
      %swap3A_3023 = arith.index_cast %add3A_3022 : i32 to index
      %swap3A_3024 = tpu.vector_load %arg8[%swap3A_3023] {strides = array<i32>} : memref<50176xf32, #tpu.memory_space<vmem>>, vector<16xf32>,
      %swap3A_3025 = vector.shape_cast %swap3A_3024 : vector<16xf32> to vector<16xf32>
      %swap3A_3026 = vector.shape_cast %broadcast_in_dim3A : vector<16xf32> to vector<16xf32>
      tpu.vector_store %arg8[%swap3A_3023], %swap3A_3026 {strides = array<i32>} : memref<50176xf32, #tpu.memory_space<vmem>>, vector<16xf32>,
      %add3A_3027 = arith.constant 80 : i32
      %add3A_3028 = arith.addi %mul3A_2997, %add3A_3027 : i32
      %swap3A_3029 = arith.index_cast %add3A_3028 : i32 to index
      %swap3A_3030 = tpu.vector_load %arg8[%swap3A_3029] {strides = array<i32>} : memref<50176xf32, #tpu.memory_space<vmem>>, vector<16xf32>,
      %swap3A_3031 = vector.shape_cast %swap3A_3030 : vector<16xf32> to vector<16xf32>
      %swap3A_3032 = vector.shape_cast %broadcast_in_dim3A : vector<16xf32> to vector<16xf32>
      tpu.vector_store %arg8[%swap3A_3029], %swap3A_3032 {strides = array<i32>} : memref<50176xf32, #tpu.memory_space<vmem>>, vector<16xf32>,
      %add3A_3033 = arith.constant 96 : i32
      %add3A_3034 = arith.addi %mul3A_2997, %add3A_3033 : i32
      %swap3A_3035 = arith.index_cast %add3A_3034 : i32 to index
      %swap3A_3036 = tpu.vector_load %arg8[%swap3A_3035] {strides = array<i32>} : memref<50176xf32, #tpu.memory_space<vmem>>, vector<16xf32>,
      %swap3A_3037 = vector.shape_cast %swap3A_3036 : vector<16xf32> to vector<16xf32>
      %swap3A_3038 = vector.shape_cast %broadcast_in_dim3A : vector<16xf32> to vector<16xf32>
      tpu.vector_store %arg8[%swap3A_3035], %swap3A_3038 {strides = array<i32>} : memref<50176xf32, #tpu.memory_space<vmem>>, vector<16xf32>,
      %add3A_3039 = arith.constant 112 : i32
      %add3A_3040 = arith.addi %mul3A_2997, %add3A_3039 : i32
      %swap3A_3041 = arith.index_cast %add3A_3040 : i32 to index
      %swap3A_3042 = tpu.vector_load %arg8[%swap3A_3041] {strides = array<i32>} : memref<50176xf32, #tpu.memory_space<vmem>>, vector<16xf32>,
      %swap3A_3043 = vector.shape_cast %swap3A_3042 : vector<16xf32> to vector<16xf32>
      %swap3A_3044 = vector.shape_cast %broadcast_in_dim3A : vector<16xf32> to vector<16xf32>
      tpu.vector_store %arg8[%swap3A_3041], %swap3A_3044 {strides = array<i32>} : memref<50176xf32, #tpu.memory_space<vmem>>, vector<16xf32>,
    }
    %scan3A_43 = arith.constant 392 : i32
    %mul3A_44 = arith.constant 8028160 : i32
    %mul3A_45 = arith.muli %select_n3A, %mul3A_44 : i32
    %add3A_46 = arith.constant 0 : i32
    %add3A_47 = arith.addi %mul3A_36, %add3A_46 : i32
    %mul3A_48 = arith.constant 50176 : i32
    %mul3A_49 = arith.muli %add3A_47, %mul3A_48 : i32
    %add3A_50 = arith.addi %mul3A_45, %mul3A_49 : i32
    %multiple_of3A = tpu.assume_multiple %add3A_50, 8 : i32
    %dma_start3A_51 = tpu.memref_slice %arg5[%multiple_of3A] : memref<64225280xf32, #tpu.memory_space<hbm>> -> memref<50176xf32, #tpu.memory_space<hbm>>
    %dma_start3A_52 = tpu.memref_slice %arg5[%multiple_of3A] : memref<64225280xf32, #tpu.memory_space<hbm>> -> memref<50176xf32, #tpu.memory_space<hbm>>
    tpu.enqueue_dma source(%arg8 : memref<50176xf32, #tpu.memory_space<vmem>>) target(%dma_start3A_52 : memref<50176xf32, #tpu.memory_space<hbm>>) target_semaphore(%arg12 : memref<!tpu.dma_semaphore, #tpu.memory_space<semaphore_mem>>)
    %slice3A_53 = vector.extract_strided_slice %get3A_39 {offsets = [1], sizes = [1], strides = [1]} : vector<16xf32> to vector<1xf32>
    %squeeze3A_54 = vector.extract %slice3A_53[0] : f32 from vector<1xf32>
    %broadcast_in_dim3A_55 = vector.broadcast %squeeze3A_54 : f32 to vector<16xf32>
    %scan3A_56 = arith.constant 0 : i32
    %scan3A_57 = arith.constant 392 : i32
    %scan3A_58 = arith.addi %scan3A_56, %scan3A_57 : i32
    %scan3A_59 = arith.constant 1 : i32
    scf.for %scan3A_2995 = %scan3A_56 to %scan3A_58 step %scan3A_59  : i32 {
      %mul3A_2996 = arith.constant 128 : i32
      %mul3A_2997 = arith.muli %scan3A_2995, %mul3A_2996 : i32
      %add3A_2998 = arith.constant 0 : i32
      %add3A_2999 = arith.addi %mul3A_2997, %add3A_2998 : i32
      %swap3A = arith.index_cast %add3A_2999 : i32 to index
      %swap3A_3000 = tpu.vector_load %arg9[%swap3A] {strides = array<i32>} : memref<50176xf32, #tpu.memory_space<vmem>>, vector<16xf32>,
      %swap3A_3001 = vector.shape_cast %swap3A_3000 : vector<16xf32> to vector<16xf32>
      %swap3A_3002 = vector.shape_cast %broadcast_in_dim3A_55 : vector<16xf32> to vector<16xf32>
      tpu.vector_store %arg9[%swap3A], %swap3A_3002 {strides = array<i32>} : memref<50176xf32, #tpu.memory_space<vmem>>, vector<16xf32>,
      %add3A_3003 = arith.constant 16 : i32
      %add3A_3004 = arith.addi %mul3A_2997, %add3A_3003 : i32
      %swap3A_3005 = arith.index_cast %add3A_3004 : i32 to index
      %swap3A_3006 = tpu.vector_load %arg9[%swap3A_3005] {strides = array<i32>} : memref<50176xf32, #tpu.memory_space<vmem>>, vector<16xf32>,
      %swap3A_3007 = vector.shape_cast %swap3A_3006 : vector<16xf32> to vector<16xf32>
      %swap3A_3008 = vector.shape_cast %broadcast_in_dim3A_55 : vector<16xf32> to vector<16xf32>
      tpu.vector_store %arg9[%swap3A_3005], %swap3A_3008 {strides = array<i32>} : memref<50176xf32, #tpu.memory_space<vmem>>, vector<16xf32>,
      %add3A_3009 = arith.constant 32 : i32
      %add3A_3010 = arith.addi %mul3A_2997, %add3A_3009 : i32
      %swap3A_3011 = arith.index_cast %add3A_3010 : i32 to index
      %swap3A_3012 = tpu.vector_load %arg9[%swap3A_3011] {strides = array<i32>} : memref<50176xf32, #tpu.memory_space<vmem>>, vector<16xf32>,
      %swap3A_3013 = vector.shape_cast %swap3A_3012 : vector<16xf32> to vector<16xf32>
      %swap3A_3014 = vector.shape_cast %broadcast_in_dim3A_55 : vector<16xf32> to vector<16xf32>
      tpu.vector_store %arg9[%swap3A_3011], %swap3A_3014 {strides = array<i32>} : memref<50176xf32, #tpu.memory_space<vmem>>, vector<16xf32>,
      %add3A_3015 = arith.constant 48 : i32
      %add3A_3016 = arith.addi %mul3A_2997, %add3A_3015 : i32
      %swap3A_3017 = arith.index_cast %add3A_3016 : i32 to index
      %swap3A_3018 = tpu.vector_load %arg9[%swap3A_3017] {strides = array<i32>} : memref<50176xf32, #tpu.memory_space<vmem>>, vector<16xf32>,
      %swap3A_3019 = vector.shape_cast %swap3A_3018 : vector<16xf32> to vector<16xf32>
      %swap3A_3020 = vector.shape_cast %broadcast_in_dim3A_55 : vector<16xf32> to vector<16xf32>
      tpu.vector_store %arg9[%swap3A_3017], %swap3A_3020 {strides = array<i32>} : memref<50176xf32, #tpu.memory_space<vmem>>, vector<16xf32>,
      %add3A_3021 = arith.constant 64 : i32
      %add3A_3022 = arith.addi %mul3A_2997, %add3A_3021 : i32
      %swap3A_3023 = arith.index_cast %add3A_3022 : i32 to index
      %swap3A_3024 = tpu.vector_load %arg9[%swap3A_3023] {strides = array<i32>} : memref<50176xf32, #tpu.memory_space<vmem>>, vector<16xf32>,
      %swap3A_3025 = vector.shape_cast %swap3A_3024 : vector<16xf32> to vector<16xf32>
      %swap3A_3026 = vector.shape_cast %broadcast_in_dim3A_55 : vector<16xf32> to vector<16xf32>
      tpu.vector_store %arg9[%swap3A_3023], %swap3A_3026 {strides = array<i32>} : memref<50176xf32, #tpu.memory_space<vmem>>, vector<16xf32>,
      %add3A_3027 = arith.constant 80 : i32
      %add3A_3028 = arith.addi %mul3A_2997, %add3A_3027 : i32
      %swap3A_3029 = arith.index_cast %add3A_3028 : i32 to index
      %swap3A_3030 = tpu.vector_load %arg9[%swap3A_3029] {strides = array<i32>} : memref<50176xf32, #tpu.memory_space<vmem>>, vector<16xf32>,
      %swap3A_3031 = vector.shape_cast %swap3A_3030 : vector<16xf32> to vector<16xf32>
      %swap3A_3032 = vector.shape_cast %broadcast_in_dim3A_55 : vector<16xf32> to vector<16xf32>
      tpu.vector_store %arg9[%swap3A_3029], %swap3A_3032 {strides = array<i32>} : memref<50176xf32, #tpu.memory_space<vmem>>, vector<16xf32>,
      %add3A_3033 = arith.constant 96 : i32
      %add3A_3034 = arith.addi %mul3A_2997, %add3A_3033 : i32
      %swap3A_3035 = arith.index_cast %add3A_3034 : i32 to index
      %swap3A_3036 = tpu.vector_load %arg9[%swap3A_3035] {strides = array<i32>} : memref<50176xf32, #tpu.memory_space<vmem>>, vector<16xf32>,
      %swap3A_3037 = vector.shape_cast %swap3A_3036 : vector<16xf32> to vector<16xf32>
      %swap3A_3038 = vector.shape_cast %broadcast_in_dim3A_55 : vector<16xf32> to vector<16xf32>
      tpu.vector_store %arg9[%swap3A_3035], %swap3A_3038 {strides = array<i32>} : memref<50176xf32, #tpu.memory_space<vmem>>, vector<16xf32>,
      %add3A_3039 = arith.constant 112 : i32
      %add3A_3040 = arith.addi %mul3A_2997, %add3A_3039 : i32
      %swap3A_3041 = arith.index_cast %add3A_3040 : i32 to index
      %swap3A_3042 = tpu.vector_load %arg9[%swap3A_3041] {strides = array<i32>} : memref<50176xf32, #tpu.memory_space<vmem>>, vector<16xf32>,
      %swap3A_3043 = vector.shape_cast %swap3A_3042 : vector<16xf32> to vector<16xf32>
      %swap3A_3044 = vector.shape_cast %broadcast_in_dim3A_55 : vector<16xf32> to vector<16xf32>
      tpu.vector_store %arg9[%swap3A_3041], %swap3A_3044 {strides = array<i32>} : memref<50176xf32, #tpu.memory_space<vmem>>, vector<16xf32>,
    }
    %scan3A_60 = arith.constant 392 : i32
    %mul3A_61 = arith.constant 8028160 : i32
    %mul3A_62 = arith.muli %select_n3A, %mul3A_61 : i32
    %add3A_63 = arith.constant 1 : i32
    %add3A_64 = arith.addi %mul3A_36, %add3A_63 : i32
    %mul3A_65 = arith.constant 50176 : i32
    %mul3A_66 = arith.muli %add3A_64, %mul3A_65 : i32
    %add3A_67 = arith.addi %mul3A_62, %mul3A_66 : i32
    %multiple_of3A_68 = tpu.assume_multiple %add3A_67, 8 : i32
    %dma_start3A_69 = tpu.memref_slice %arg5[%multiple_of3A_68] : memref<64225280xf32, #tpu.memory_space<hbm>> -> memref<50176xf32, #tpu.memory_space<hbm>>
    %dma_start3A_70 = tpu.memref_slice %arg5[%multiple_of3A_68] : memref<64225280xf32, #tpu.memory_space<hbm>> -> memref<50176xf32, #tpu.memory_space<hbm>>
    tpu.enqueue_dma source(%arg9 : memref<50176xf32, #tpu.memory_space<vmem>>) target(%dma_start3A_70 : memref<50176xf32, #tpu.memory_space<hbm>>) target_semaphore(%arg12 : memref<!tpu.dma_semaphore, #tpu.memory_space<semaphore_mem>>)
    %dma_wait3A_71 = tpu.memref_slice %arg5[%multiple_of3A] : memref<64225280xf32, #tpu.memory_space<hbm>> -> memref<50176xf32, #tpu.memory_space<hbm>>
    %dma_wait3A_72 = tpu.memref_slice %arg5[%multiple_of3A] : memref<64225280xf32, #tpu.memory_space<hbm>> -> memref<50176xf32, #tpu.memory_space<hbm>>
    tpu.wait_dma2 semaphore(%arg12 : memref<!tpu.dma_semaphore, #tpu.memory_space<semaphore_mem>>) src(%arg8 : memref<50176xf32, #tpu.memory_space<vmem>>) dst(%dma_wait3A_72 : memref<50176xf32, #tpu.memory_space<hbm>>)
    %slice3A_73 = vector.extract_strided_slice %get3A_39 {offsets = [2], sizes = [1], strides = [1]} : vector<16xf32> to vector<1xf32>
    %squeeze3A_74 = vector.extract %slice3A_73[0] : f32 from vector<1xf32>
    %broadcast_in_dim3A_75 = vector.broadcast %squeeze3A_74 : f32 to vector<16xf32>
    %scan3A_76 = arith.constant 0 : i32
    %scan3A_77 = arith.constant 392 : i32
    %scan3A_78 = arith.addi %scan3A_76, %scan3A_77 : i32
    %scan3A_79 = arith.constant 1 : i32
    scf.for %scan3A_2995 = %scan3A_76 to %scan3A_78 step %scan3A_79  : i32 {
      %mul3A_2996 = arith.constant 128 : i32
      %mul3A_2997 = arith.muli %scan3A_2995, %mul3A_2996 : i32
      %add3A_2998 = arith.constant 0 : i32
      %add3A_2999 = arith.addi %mul3A_2997, %add3A_2998 : i32
      %swap3A = arith.index_cast %add3A_2999 : i32 to index
      %swap3A_3000 = tpu.vector_load %arg8[%swap3A] {strides = array<i32>} : memref<50176xf32, #tpu.memory_space<vmem>>, vector<16xf32>,
      %swap3A_3001 = vector.shape_cast %swap3A_3000 : vector<16xf32> to vector<16xf32>
      %swap3A_3002 = vector.shape_cast %broadcast_in_dim3A_75 : vector<16xf32> to vector<16xf32>
      tpu.vector_store %arg8[%swap3A], %swap3A_3002 {strides = array<i32>} : memref<50176xf32, #tpu.memory_space<vmem>>, vector<16xf32>,
      %add3A_3003 = arith.constant 16 : i32
      %add3A_3004 = arith.addi %mul3A_2997, %add3A_3003 : i32
      %swap3A_3005 = arith.index_cast %add3A_3004 : i32 to index
      %swap3A_3006 = tpu.vector_load %arg8[%swap3A_3005] {strides = array<i32>} : memref<50176xf32, #tpu.memory_space<vmem>>, vector<16xf32>,
      %swap3A_3007 = vector.shape_cast %swap3A_3006 : vector<16xf32> to vector<16xf32>
      %swap3A_3008 = vector.shape_cast %broadcast_in_dim3A_75 : vector<16xf32> to vector<16xf32>
      tpu.vector_store %arg8[%swap3A_3005], %swap3A_3008 {strides = array<i32>} : memref<50176xf32, #tpu.memory_space<vmem>>, vector<16xf32>,
      %add3A_3009 = arith.constant 32 : i32
      %add3A_3010 = arith.addi %mul3A_2997, %add3A_3009 : i32
      %swap3A_3011 = arith.index_cast %add3A_3010 : i32 to index
      %swap3A_3012 = tpu.vector_load %arg8[%swap3A_3011] {strides = array<i32>} : memref<50176xf32, #tpu.memory_space<vmem>>, vector<16xf32>,
      %swap3A_3013 = vector.shape_cast %swap3A_3012 : vector<16xf32> to vector<16xf32>
      %swap3A_3014 = vector.shape_cast %broadcast_in_dim3A_75 : vector<16xf32> to vector<16xf32>
      tpu.vector_store %arg8[%swap3A_3011], %swap3A_3014 {strides = array<i32>} : memref<50176xf32, #tpu.memory_space<vmem>>, vector<16xf32>,
      %add3A_3015 = arith.constant 48 : i32
      %add3A_3016 = arith.addi %mul3A_2997, %add3A_3015 : i32
      %swap3A_3017 = arith.index_cast %add3A_3016 : i32 to index
      %swap3A_3018 = tpu.vector_load %arg8[%swap3A_3017] {strides = array<i32>} : memref<50176xf32, #tpu.memory_space<vmem>>, vector<16xf32>,
      %swap3A_3019 = vector.shape_cast %swap3A_3018 : vector<16xf32> to vector<16xf32>
      %swap3A_3020 = vector.shape_cast %broadcast_in_dim3A_75 : vector<16xf32> to vector<16xf32>
      tpu.vector_store %arg8[%swap3A_3017], %swap3A_3020 {strides = array<i32>} : memref<50176xf32, #tpu.memory_space<vmem>>, vector<16xf32>,
      %add3A_3021 = arith.constant 64 : i32
      %add3A_3022 = arith.addi %mul3A_2997, %add3A_3021 : i32
      %swap3A_3023 = arith.index_cast %add3A_3022 : i32 to index
      %swap3A_3024 = tpu.vector_load %arg8[%swap3A_3023] {strides = array<i32>} : memref<50176xf32, #tpu.memory_space<vmem>>, vector<16xf32>,
      %swap3A_3025 = vector.shape_cast %swap3A_3024 : vector<16xf32> to vector<16xf32>
      %swap3A_3026 = vector.shape_cast %broadcast_in_dim3A_75 : vector<16xf32> to vector<16xf32>
      tpu.vector_store %arg8[%swap3A_3023], %swap3A_3026 {strides = array<i32>} : memref<50176xf32, #tpu.memory_space<vmem>>, vector<16xf32>,
      %add3A_3027 = arith.constant 80 : i32
      %add3A_3028 = arith.addi %mul3A_2997, %add3A_3027 : i32
      %swap3A_3029 = arith.index_cast %add3A_3028 : i32 to index
      %swap3A_3030 = tpu.vector_load %arg8[%swap3A_3029] {strides = array<i32>} : memref<50176xf32, #tpu.memory_space<vmem>>, vector<16xf32>,
      %swap3A_3031 = vector.shape_cast %swap3A_3030 : vector<16xf32> to vector<16xf32>
      %swap3A_3032 = vector.shape_cast %broadcast_in_dim3A_75 : vector<16xf32> to vector<16xf32>
      tpu.vector_store %arg8[%swap3A_3029], %swap3A_3032 {strides = array<i32>} : memref<50176xf32, #tpu.memory_space<vmem>>, vector<16xf32>,
      %add3A_3033 = arith.constant 96 : i32
      %add3A_3034 = arith.addi %mul3A_2997, %add3A_3033 : i32
      %swap3A_3035 = arith.index_cast %add3A_3034 : i32 to index
      %swap3A_3036 = tpu.vector_load %arg8[%swap3A_3035] {strides = array<i32>} : memref<50176xf32, #tpu.memory_space<vmem>>, vector<16xf32>,
      %swap3A_3037 = vector.shape_cast %swap3A_3036 : vector<16xf32> to vector<16xf32>
      %swap3A_3038 = vector.shape_cast %broadcast_in_dim3A_75 : vector<16xf32> to vector<16xf32>
      tpu.vector_store %arg8[%swap3A_3035], %swap3A_3038 {strides = array<i32>} : memref<50176xf32, #tpu.memory_space<vmem>>, vector<16xf32>,
      %add3A_3039 = arith.constant 112 : i32
      %add3A_3040 = arith.addi %mul3A_2997, %add3A_3039 : i32
      %swap3A_3041 = arith.index_cast %add3A_3040 : i32 to index
      %swap3A_3042 = tpu.vector_load %arg8[%swap3A_3041] {strides = array<i32>} : memref<50176xf32, #tpu.memory_space<vmem>>, vector<16xf32>,
      %swap3A_3043 = vector.shape_cast %swap3A_3042 : vector<16xf32> to vector<16xf32>
      %swap3A_3044 = vector.shape_cast %broadcast_in_dim3A_75 : vector<16xf32> to vector<16xf32>
      tpu.vector_store %arg8[%swap3A_3041], %swap3A_3044 {strides = array<i32>} : memref<50176xf32, #tpu.memory_space<vmem>>, vector<16xf32>,
    }
    %scan3A_80 = arith.constant 392 : i32
    %mul3A_81 = arith.constant 8028160 : i32
    %mul3A_82 = arith.muli %select_n3A, %mul3A_81 : i32
    %add3A_83 = arith.constant 2 : i32
    %add3A_84 = arith.addi %mul3A_36, %add3A_83 : i32
    %mul3A_85 = arith.constant 50176 : i32
    %mul3A_86 = arith.muli %add3A_84, %mul3A_85 : i32
    %add3A_87 = arith.addi %mul3A_82, %mul3A_86 : i32
    %multiple_of3A_88 = tpu.assume_multiple %add3A_87, 8 : i32
    %dma_start3A_89 = tpu.memref_slice %arg5[%multiple_of3A_88] : memref<64225280xf32, #tpu.memory_space<hbm>> -> memref<50176xf32, #tpu.memory_space<hbm>>
    %dma_start3A_90 = tpu.memref_slice %arg5[%multiple_of3A_88] : memref<64225280xf32, #tpu.memory_space<hbm>> -> memref<50176xf32, #tpu.memory_space<hbm>>
    tpu.enqueue_dma source(%arg8 : memref<50176xf32, #tpu.memory_space<vmem>>) target(%dma_start3A_90 : memref<50176xf32, #tpu.memory_space<hbm>>) target_semaphore(%arg12 : memref<!tpu.dma_semaphore, #tpu.memory_space<semaphore_mem>>)
    %dma_wait3A_91 = tpu.memref_slice %arg5[%multiple_of3A_68] : memref<64225280xf32, #tpu.memory_space<hbm>> -> memref<50176xf32, #tpu.memory_space<hbm>>
    %dma_wait3A_92 = tpu.memref_slice %arg5[%multiple_of3A_68] : memref<64225280xf32, #tpu.memory_space<hbm>> -> memref<50176xf32, #tpu.memory_space<hbm>>
    tpu.wait_dma2 semaphore(%arg12 : memref<!tpu.dma_semaphore, #tpu.memory_space<semaphore_mem>>) src(%arg9 : memref<50176xf32, #tpu.memory_space<vmem>>) dst(%dma_wait3A_92 : memref<50176xf32, #tpu.memory_space<hbm>>)
    %slice3A_93 = vector.extract_strided_slice %get3A_39 {offsets = [3], sizes = [1], strides = [1]} : vector<16xf32> to vector<1xf32>
    %squeeze3A_94 = vector.extract %slice3A_93[0] : f32 from vector<1xf32>
    %broadcast_in_dim3A_95 = vector.broadcast %squeeze3A_94 : f32 to vector<16xf32>
    %scan3A_96 = arith.constant 0 : i32
    %scan3A_97 = arith.constant 392 : i32
    %scan3A_98 = arith.addi %scan3A_96, %scan3A_97 : i32
    %scan3A_99 = arith.constant 1 : i32
    scf.for %scan3A_2995 = %scan3A_96 to %scan3A_98 step %scan3A_99  : i32 {
      %mul3A_2996 = arith.constant 128 : i32
      %mul3A_2997 = arith.muli %scan3A_2995, %mul3A_2996 : i32
      %add3A_2998 = arith.constant 0 : i32
      %add3A_2999 = arith.addi %mul3A_2997, %add3A_2998 : i32
      %swap3A = arith.index_cast %add3A_2999 : i32 to index
      %swap3A_3000 = tpu.vector_load %arg9[%swap3A] {strides = array<i32>} : memref<50176xf32, #tpu.memory_space<vmem>>, vector<16xf32>,
      %swap3A_3001 = vector.shape_cast %swap3A_3000 : vector<16xf32> to vector<16xf32>
      %swap3A_3002 = vector.shape_cast %broadcast_in_dim3A_95 : vector<16xf32> to vector<16xf32>
      tpu.vector_store %arg9[%swap3A], %swap3A_3002 {strides = array<i32>} : memref<50176xf32, #tpu.memory_space<vmem>>, vector<16xf32>,
      %add3A_3003 = arith.constant 16 : i32
      %add3A_3004 = arith.addi %mul3A_2997, %add3A_3003 : i32
      %swap3A_3005 = arith.index_cast %add3A_3004 : i32 to index
      %swap3A_3006 = tpu.vector_load %arg9[%swap3A_3005] {strides = array<i32>} : memref<50176xf32, #tpu.memory_space<vmem>>, vector<16xf32>,
      %swap3A_3007 = vector.shape_cast %swap3A_3006 : vector<16xf32> to vector<16xf32>
      %swap3A_3008 = vector.shape_cast %broadcast_in_dim3A_95 : vector<16xf32> to vector<16xf32>
      tpu.vector_store %arg9[%swap3A_3005], %swap3A_3008 {strides = array<i32>} : memref<50176xf32, #tpu.memory_space<vmem>>, vector<16xf32>,
      %add3A_3009 = arith.constant 32 : i32
      %add3A_3010 = arith.addi %mul3A_2997, %add3A_3009 : i32
      %swap3A_3011 = arith.index_cast %add3A_3010 : i32 to index
      %swap3A_3012 = tpu.vector_load %arg9[%swap3A_3011] {strides = array<i32>} : memref<50176xf32, #tpu.memory_space<vmem>>, vector<16xf32>,
      %swap3A_3013 = vector.shape_cast %swap3A_3012 : vector<16xf32> to vector<16xf32>
      %swap3A_3014 = vector.shape_cast %broadcast_in_dim3A_95 : vector<16xf32> to vector<16xf32>
      tpu.vector_store %arg9[%swap3A_3011], %swap3A_3014 {strides = array<i32>} : memref<50176xf32, #tpu.memory_space<vmem>>, vector<16xf32>,
      %add3A_3015 = arith.constant 48 : i32
      %add3A_3016 = arith.addi %mul3A_2997, %add3A_3015 : i32
      %swap3A_3017 = arith.index_cast %add3A_3016 : i32 to index
      %swap3A_3018 = tpu.vector_load %arg9[%swap3A_3017] {strides = array<i32>} : memref<50176xf32, #tpu.memory_space<vmem>>, vector<16xf32>,
      %swap3A_3019 = vector.shape_cast %swap3A_3018 : vector<16xf32> to vector<16xf32>
      %swap3A_3020 = vector.shape_cast %broadcast_in_dim3A_95 : vector<16xf32> to vector<16xf32>
      tpu.vector_store %arg9[%swap3A_3017], %swap3A_3020 {strides = array<i32>} : memref<50176xf32, #tpu.memory_space<vmem>>, vector<16xf32>,
      %add3A_3021 = arith.constant 64 : i32
      %add3A_3022 = arith.addi %mul3A_2997, %add3A_3021 : i32
      %swap3A_3023 = arith.index_cast %add3A_3022 : i32 to index
      %swap3A_3024 = tpu.vector_load %arg9[%swap3A_3023] {strides = array<i32>} : memref<50176xf32, #tpu.memory_space<vmem>>, vector<16xf32>,
      %swap3A_3025 = vector.shape_cast %swap3A_3024 : vector<16xf32> to vector<16xf32>
      %swap3A_3026 = vector.shape_cast %broadcast_in_dim3A_95 : vector<16xf32> to vector<16xf32>
      tpu.vector_store %arg9[%swap3A_3023], %swap3A_3026 {strides = array<i32>} : memref<50176xf32, #tpu.memory_space<vmem>>, vector<16xf32>,
      %add3A_3027 = arith.constant 80 : i32
      %add3A_3028 = arith.addi %mul3A_2997, %add3A_3027 : i32
      %swap3A_3029 = arith.index_cast %add3A_3028 : i32 to index
      %swap3A_3030 = tpu.vector_load %arg9[%swap3A_3029] {strides = array<i32>} : memref<50176xf32, #tpu.memory_space<vmem>>, vector<16xf32>,
      %swap3A_3031 = vector.shape_cast %swap3A_3030 : vector<16xf32> to vector<16xf32>
      %swap3A_3032 = vector.shape_cast %broadcast_in_dim3A_95 : vector<16xf32> to vector<16xf32>
      tpu.vector_store %arg9[%swap3A_3029], %swap3A_3032 {strides = array<i32>} : memref<50176xf32, #tpu.memory_space<vmem>>, vector<16xf32>,
      %add3A_3033 = arith.constant 96 : i32
      %add3A_3034 = arith.addi %mul3A_2997, %add3A_3033 : i32
      %swap3A_3035 = arith.index_cast %add3A_3034 : i32 to index
      %swap3A_3036 = tpu.vector_load %arg9[%swap3A_3035] {strides = array<i32>} : memref<50176xf32, #tpu.memory_space<vmem>>, vector<16xf32>,
      %swap3A_3037 = vector.shape_cast %swap3A_3036 : vector<16xf32> to vector<16xf32>
      %swap3A_3038 = vector.shape_cast %broadcast_in_dim3A_95 : vector<16xf32> to vector<16xf32>
      tpu.vector_store %arg9[%swap3A_3035], %swap3A_3038 {strides = array<i32>} : memref<50176xf32, #tpu.memory_space<vmem>>, vector<16xf32>,
      %add3A_3039 = arith.constant 112 : i32
      %add3A_3040 = arith.addi %mul3A_2997, %add3A_3039 : i32
      %swap3A_3041 = arith.index_cast %add3A_3040 : i32 to index
      %swap3A_3042 = tpu.vector_load %arg9[%swap3A_3041] {strides = array<i32>} : memref<50176xf32, #tpu.memory_space<vmem>>, vector<16xf32>,
      %swap3A_3043 = vector.shape_cast %swap3A_3042 : vector<16xf32> to vector<16xf32>
      %swap3A_3044 = vector.shape_cast %broadcast_in_dim3A_95 : vector<16xf32> to vector<16xf32>
      tpu.vector_store %arg9[%swap3A_3041], %swap3A_3044 {strides = array<i32>} : memref<50176xf32, #tpu.memory_space<vmem>>, vector<16xf32>,
    }
    %scan3A_100 = arith.constant 392 : i32
    %mul3A_101 = arith.constant 8028160 : i32
    %mul3A_102 = arith.muli %select_n3A, %mul3A_101 : i32
    %add3A_103 = arith.constant 3 : i32
    %add3A_104 = arith.addi %mul3A_36, %add3A_103 : i32
    %mul3A_105 = arith.constant 50176 : i32
    %mul3A_106 = arith.muli %add3A_104, %mul3A_105 : i32
    %add3A_107 = arith.addi %mul3A_102, %mul3A_106 : i32
    %multiple_of3A_108 = tpu.assume_multiple %add3A_107, 8 : i32
    %dma_start3A_109 = tpu.memref_slice %arg5[%multiple_of3A_108] : memref<64225280xf32, #tpu.memory_space<hbm>> -> memref<50176xf32, #tpu.memory_space<hbm>>
    %dma_start3A_110 = tpu.memref_slice %arg5[%multiple_of3A_108] : memref<64225280xf32, #tpu.memory_space<hbm>> -> memref<50176xf32, #tpu.memory_space<hbm>>
    tpu.enqueue_dma source(%arg9 : memref<50176xf32, #tpu.memory_space<vmem>>) target(%dma_start3A_110 : memref<50176xf32, #tpu.memory_space<hbm>>) target_semaphore(%arg12 : memref<!tpu.dma_semaphore, #tpu.memory_space<semaphore_mem>>)
    %dma_wait3A_111 = tpu.memref_slice %arg5[%multiple_of3A_88] : memref<64225280xf32, #tpu.memory_space<hbm>> -> memref<50176xf32, #tpu.memory_space<hbm>>
    %dma_wait3A_112 = tpu.memref_slice %arg5[%multiple_of3A_88] : memref<64225280xf32, #tpu.memory_space<hbm>> -> memref<50176xf32, #tpu.memory_space<hbm>>
    tpu.wait_dma2 semaphore(%arg12 : memref<!tpu.dma_semaphore, #tpu.memory_space<semaphore_mem>>) src(%arg8 : memref<50176xf32, #tpu.memory_space<vmem>>) dst(%dma_wait3A_112 : memref<50176xf32, #tpu.memory_space<hbm>>)
    %slice3A_113 = vector.extract_strided_slice %get3A_39 {offsets = [4], sizes = [1], strides = [1]} : vector<16xf32> to vector<1xf32>
    %squeeze3A_114 = vector.extract %slice3A_113[0] : f32 from vector<1xf32>
    %broadcast_in_dim3A_115 = vector.broadcast %squeeze3A_114 : f32 to vector<16xf32>
    %scan3A_116 = arith.constant 0 : i32
    %scan3A_117 = arith.constant 392 : i32
    %scan3A_118 = arith.addi %scan3A_116, %scan3A_117 : i32
    %scan3A_119 = arith.constant 1 : i32
    scf.for %scan3A_2995 = %scan3A_116 to %scan3A_118 step %scan3A_119  : i32 {
      %mul3A_2996 = arith.constant 128 : i32
      %mul3A_2997 = arith.muli %scan3A_2995, %mul3A_2996 : i32
      %add3A_2998 = arith.constant 0 : i32
      %add3A_2999 = arith.addi %mul3A_2997, %add3A_2998 : i32
      %swap3A = arith.index_cast %add3A_2999 : i32 to index
      %swap3A_3000 = tpu.vector_load %arg8[%swap3A] {strides = array<i32>} : memref<50176xf32, #tpu.memory_space<vmem>>, vector<16xf32>,
      %swap3A_3001 = vector.shape_cast %swap3A_3000 : vector<16xf32> to vector<16xf32>
      %swap3A_3002 = vector.shape_cast %broadcast_in_dim3A_115 : vector<16xf32> to vector<16xf32>
      tpu.vector_store %arg8[%swap3A], %swap3A_3002 {strides = array<i32>} : memref<50176xf32, #tpu.memory_space<vmem>>, vector<16xf32>,
      %add3A_3003 = arith.constant 16 : i32
      %add3A_3004 = arith.addi %mul3A_2997, %add3A_3003 : i32
      %swap3A_3005 = arith.index_cast %add3A_3004 : i32 to index
      %swap3A_3006 = tpu.vector_load %arg8[%swap3A_3005] {strides = array<i32>} : memref<50176xf32, #tpu.memory_space<vmem>>, vector<16xf32>,
      %swap3A_3007 = vector.shape_cast %swap3A_3006 : vector<16xf32> to vector<16xf32>
      %swap3A_3008 = vector.shape_cast %broadcast_in_dim3A_115 : vector<16xf32> to vector<16xf32>
      tpu.vector_store %arg8[%swap3A_3005], %swap3A_3008 {strides = array<i32>} : memref<50176xf32, #tpu.memory_space<vmem>>, vector<16xf32>,
      %add3A_3009 = arith.constant 32 : i32
      %add3A_3010 = arith.addi %mul3A_2997, %add3A_3009 : i32
      %swap3A_3011 = arith.index_cast %add3A_3010 : i32 to index
      %swap3A_3012 = tpu.vector_load %arg8[%swap3A_3011] {strides = array<i32>} : memref<50176xf32, #tpu.memory_space<vmem>>, vector<16xf32>,
      %swap3A_3013 = vector.shape_cast %swap3A_3012 : vector<16xf32> to vector<16xf32>
      %swap3A_3014 = vector.shape_cast %broadcast_in_dim3A_115 : vector<16xf32> to vector<16xf32>
      tpu.vector_store %arg8[%swap3A_3011], %swap3A_3014 {strides = array<i32>} : memref<50176xf32, #tpu.memory_space<vmem>>, vector<16xf32>,
      %add3A_3015 = arith.constant 48 : i32
      %add3A_3016 = arith.addi %mul3A_2997, %add3A_3015 : i32
      %swap3A_3017 = arith.index_cast %add3A_3016 : i32 to index
      %swap3A_3018 = tpu.vector_load %arg8[%swap3A_3017] {strides = array<i32>} : memref<50176xf32, #tpu.memory_space<vmem>>, vector<16xf32>,
      %swap3A_3019 = vector.shape_cast %swap3A_3018 : vector<16xf32> to vector<16xf32>
      %swap3A_3020 = vector.shape_cast %broadcast_in_dim3A_115 : vector<16xf32> to vector<16xf32>
      tpu.vector_store %arg8[%swap3A_3017], %swap3A_3020 {strides = array<i32>} : memref<50176xf32, #tpu.memory_space<vmem>>, vector<16xf32>,
      %add3A_3021 = arith.constant 64 : i32
      %add3A_3022 = arith.addi %mul3A_2997, %add3A_3021 : i32
      %swap3A_3023 = arith.index_cast %add3A_3022 : i32 to index
      %swap3A_3024 = tpu.vector_load %arg8[%swap3A_3023] {strides = array<i32>} : memref<50176xf32, #tpu.memory_space<vmem>>, vector<16xf32>,
      %swap3A_3025 = vector.shape_cast %swap3A_3024 : vector<16xf32> to vector<16xf32>
      %swap3A_3026 = vector.shape_cast %broadcast_in_dim3A_115 : vector<16xf32> to vector<16xf32>
      tpu.vector_store %arg8[%swap3A_3023], %swap3A_3026 {strides = array<i32>} : memref<50176xf32, #tpu.memory_space<vmem>>, vector<16xf32>,
      %add3A_3027 = arith.constant 80 : i32
      %add3A_3028 = arith.addi %mul3A_2997, %add3A_3027 : i32
      %swap3A_3029 = arith.index_cast %add3A_3028 : i32 to index
      %swap3A_3030 = tpu.vector_load %arg8[%swap3A_3029] {strides = array<i32>} : memref<50176xf32, #tpu.memory_space<vmem>>, vector<16xf32>,
      %swap3A_3031 = vector.shape_cast %swap3A_3030 : vector<16xf32> to vector<16xf32>
      %swap3A_3032 = vector.shape_cast %broadcast_in_dim3A_115 : vector<16xf32> to vector<16xf32>
      tpu.vector_store %arg8[%swap3A_3029], %swap3A_3032 {strides = array<i32>} : memref<50176xf32, #tpu.memory_space<vmem>>, vector<16xf32>,
      %add3A_3033 = arith.constant 96 : i32
      %add3A_3034 = arith.addi %mul3A_2997, %add3A_3033 : i32
      %swap3A_3035 = arith.index_cast %add3A_3034 : i32 to index
      %swap3A_3036 = tpu.vector_load %arg8[%swap3A_3035] {strides = array<i32>} : memref<50176xf32, #tpu.memory_space<vmem>>, vector<16xf32>,
      %swap3A_3037 = vector.shape_cast %swap3A_3036 : vector<16xf32> to vector<16xf32>
      %swap3A_3038 = vector.shape_cast %broadcast_in_dim3A_115 : vector<16xf32> to vector<16xf32>
      tpu.vector_store %arg8[%swap3A_3035], %swap3A_3038 {strides = array<i32>} : memref<50176xf32, #tpu.memory_space<vmem>>, vector<16xf32>,
      %add3A_3039 = arith.constant 112 : i32
      %add3A_3040 = arith.addi %mul3A_2997, %add3A_3039 : i32
      %swap3A_3041 = arith.index_cast %add3A_3040 : i32 to index
      %swap3A_3042 = tpu.vector_load %arg8[%swap3A_3041] {strides = array<i32>} : memref<50176xf32, #tpu.memory_space<vmem>>, vector<16xf32>,
      %swap3A_3043 = vector.shape_cast %swap3A_3042 : vector<16xf32> to vector<16xf32>
      %swap3A_3044 = vector.shape_cast %broadcast_in_dim3A_115 : vector<16xf32> to vector<16xf32>
      tpu.vector_store %arg8[%swap3A_3041], %swap3A_3044 {strides = array<i32>} : memref<50176xf32, #tpu.memory_space<vmem>>, vector<16xf32>,
    }
    %scan3A_120 = arith.constant 392 : i32
    %mul3A_121 = arith.constant 8028160 : i32
    %mul3A_122 = arith.muli %select_n3A, %mul3A_121 : i32
    %add3A_123 = arith.constant 4 : i32
    %add3A_124 = arith.addi %mul3A_36, %add3A_123 : i32
    %mul3A_125 = arith.constant 50176 : i32
    %mul3A_126 = arith.muli %add3A_124, %mul3A_125 : i32
    %add3A_127 = arith.addi %mul3A_122, %mul3A_126 : i32
    %multiple_of3A_128 = tpu.assume_multiple %add3A_127, 8 : i32
    %dma_start3A_129 = tpu.memref_slice %arg5[%multiple_of3A_128] : memref<64225280xf32, #tpu.memory_space<hbm>> -> memref<50176xf32, #tpu.memory_space<hbm>>
    %dma_start3A_130 = tpu.memref_slice %arg5[%multiple_of3A_128] : memref<64225280xf32, #tpu.memory_space<hbm>> -> memref<50176xf32, #tpu.memory_space<hbm>>
    tpu.enqueue_dma source(%arg8 : memref<50176xf32, #tpu.memory_space<vmem>>) target(%dma_start3A_130 : memref<50176xf32, #tpu.memory_space<hbm>>) target_semaphore(%arg12 : memref<!tpu.dma_semaphore, #tpu.memory_space<semaphore_mem>>)
    %dma_wait3A_131 = tpu.memref_slice %arg5[%multiple_of3A_108] : memref<64225280xf32, #tpu.memory_space<hbm>> -> memref<50176xf32, #tpu.memory_space<hbm>>
    %dma_wait3A_132 = tpu.memref_slice %arg5[%multiple_of3A_108] : memref<64225280xf32, #tpu.memory_space<hbm>> -> memref<50176xf32, #tpu.memory_space<hbm>>
    tpu.wait_dma2 semaphore(%arg12 : memref<!tpu.dma_semaphore, #tpu.memory_space<semaphore_mem>>) src(%arg9 : memref<50176xf32, #tpu.memory_space<vmem>>) dst(%dma_wait3A_132 : memref<50176xf32, #tpu.memory_space<hbm>>)
    %slice3A_133 = vector.extract_strided_slice %get3A_39 {offsets = [5], sizes = [1], strides = [1]} : vector<16xf32> to vector<1xf32>
    %squeeze3A_134 = vector.extract %slice3A_133[0] : f32 from vector<1xf32>
    %broadcast_in_dim3A_135 = vector.broadcast %squeeze3A_134 : f32 to vector<16xf32>
    %scan3A_136 = arith.constant 0 : i32
    %scan3A_137 = arith.constant 392 : i32
    %scan3A_138 = arith.addi %scan3A_136, %scan3A_137 : i32
    %scan3A_139 = arith.constant 1 : i32
    scf.for %scan3A_2995 = %scan3A_136 to %scan3A_138 step %scan3A_139  : i32 {
      %mul3A_2996 = arith.constant 128 : i32
      %mul3A_2997 = arith.muli %scan3A_2995, %mul3A_2996 : i32
      %add3A_2998 = arith.constant 0 : i32
      %add3A_2999 = arith.addi %mul3A_2997, %add3A_2998 : i32
      %swap3A = arith.index_cast %add3A_2999 : i32 to index
      %swap3A_3000 = tpu.vector_load %arg9[%swap3A] {strides = array<i32>} : memref<50176xf32, #tpu.memory_space<vmem>>, vector<16xf32>,
      %swap3A_3001 = vector.shape_cast %swap3A_3000 : vector<16xf32> to vector<16xf32>
      %swap3A_3002 = vector.shape_cast %broadcast_in_dim3A_135 : vector<16xf32> to vector<16xf32>
      tpu.vector_store %arg9[%swap3A], %swap3A_3002 {strides = array<i32>} : memref<50176xf32, #tpu.memory_space<vmem>>, vector<16xf32>,
      %add3A_3003 = arith.constant 16 : i32
      %add3A_3004 = arith.addi %mul3A_2997, %add3A_3003 : i32
      %swap3A_3005 = arith.index_cast %add3A_3004 : i32 to index
      %swap3A_3006 = tpu.vector_load %arg9[%swap3A_3005] {strides = array<i32>} : memref<50176xf32, #tpu.memory_space<vmem>>, vector<16xf32>,
      %swap3A_3007 = vector.shape_cast %swap3A_3006 : vector<16xf32> to vector<16xf32>
      %swap3A_3008 = vector.shape_cast %broadcast_in_dim3A_135 : vector<16xf32> to vector<16xf32>
      tpu.vector_store %arg9[%swap3A_3005], %swap3A_3008 {strides = array<i32>} : memref<50176xf32, #tpu.memory_space<vmem>>, vector<16xf32>,
      %add3A_3009 = arith.constant 32 : i32
      %add3A_3010 = arith.addi %mul3A_2997, %add3A_3009 : i32
      %swap3A_3011 = arith.index_cast %add3A_3010 : i32 to index
      %swap3A_3012 = tpu.vector_load %arg9[%swap3A_3011] {strides = array<i32>} : memref<50176xf32, #tpu.memory_space<vmem>>, vector<16xf32>,
      %swap3A_3013 = vector.shape_cast %swap3A_3012 : vector<16xf32> to vector<16xf32>
      %swap3A_3014 = vector.shape_cast %broadcast_in_dim3A_135 : vector<16xf32> to vector<16xf32>
      tpu.vector_store %arg9[%swap3A_3011], %swap3A_3014 {strides = array<i32>} : memref<50176xf32, #tpu.memory_space<vmem>>, vector<16xf32>,
      %add3A_3015 = arith.constant 48 : i32
      %add3A_3016 = arith.addi %mul3A_2997, %add3A_3015 : i32
      %swap3A_3017 = arith.index_cast %add3A_3016 : i32 to index
      %swap3A_3018 = tpu.vector_load %arg9[%swap3A_3017] {strides = array<i32>} : memref<50176xf32, #tpu.memory_space<vmem>>, vector<16xf32>,
      %swap3A_3019 = vector.shape_cast %swap3A_3018 : vector<16xf32> to vector<16xf32>
      %swap3A_3020 = vector.shape_cast %broadcast_in_dim3A_135 : vector<16xf32> to vector<16xf32>
      tpu.vector_store %arg9[%swap3A_3017], %swap3A_3020 {strides = array<i32>} : memref<50176xf32, #tpu.memory_space<vmem>>, vector<16xf32>,
      %add3A_3021 = arith.constant 64 : i32
      %add3A_3022 = arith.addi %mul3A_2997, %add3A_3021 : i32
      %swap3A_3023 = arith.index_cast %add3A_3022 : i32 to index
      %swap3A_3024 = tpu.vector_load %arg9[%swap3A_3023] {strides = array<i32>} : memref<50176xf32, #tpu.memory_space<vmem>>, vector<16xf32>,
      %swap3A_3025 = vector.shape_cast %swap3A_3024 : vector<16xf32> to vector<16xf32>
      %swap3A_3026 = vector.shape_cast %broadcast_in_dim3A_135 : vector<16xf32> to vector<16xf32>
      tpu.vector_store %arg9[%swap3A_3023], %swap3A_3026 {strides = array<i32>} : memref<50176xf32, #tpu.memory_space<vmem>>, vector<16xf32>,
      %add3A_3027 = arith.constant 80 : i32
      %add3A_3028 = arith.addi %mul3A_2997, %add3A_3027 : i32
      %swap3A_3029 = arith.index_cast %add3A_3028 : i32 to index
      %swap3A_3030 = tpu.vector_load %arg9[%swap3A_3029] {strides = array<i32>} : memref<50176xf32, #tpu.memory_space<vmem>>, vector<16xf32>,
      %swap3A_3031 = vector.shape_cast %swap3A_3030 : vector<16xf32> to vector<16xf32>
      %swap3A_3032 = vector.shape_cast %broadcast_in_dim3A_135 : vector<16xf32> to vector<16xf32>
      tpu.vector_store %arg9[%swap3A_3029], %swap3A_3032 {strides = array<i32>} : memref<50176xf32, #tpu.memory_space<vmem>>, vector<16xf32>,
      %add3A_3033 = arith.constant 96 : i32
      %add3A_3034 = arith.addi %mul3A_2997, %add3A_3033 : i32
      %swap3A_3035 = arith.index_cast %add3A_3034 : i32 to index
      %swap3A_3036 = tpu.vector_load %arg9[%swap3A_3035] {strides = array<i32>} : memref<50176xf32, #tpu.memory_space<vmem>>, vector<16xf32>,
      %swap3A_3037 = vector.shape_cast %swap3A_3036 : vector<16xf32> to vector<16xf32>
      %swap3A_3038 = vector.shape_cast %broadcast_in_dim3A_135 : vector<16xf32> to vector<16xf32>
      tpu.vector_store %arg9[%swap3A_3035], %swap3A_3038 {strides = array<i32>} : memref<50176xf32, #tpu.memory_space<vmem>>, vector<16xf32>,
      %add3A_3039 = arith.constant 112 : i32
      %add3A_3040 = arith.addi %mul3A_2997, %add3A_3039 : i32
      %swap3A_3041 = arith.index_cast %add3A_3040 : i32 to index
      %swap3A_3042 = tpu.vector_load %arg9[%swap3A_3041] {strides = array<i32>} : memref<50176xf32, #tpu.memory_space<vmem>>, vector<16xf32>,
      %swap3A_3043 = vector.shape_cast %swap3A_3042 : vector<16xf32> to vector<16xf32>
      %swap3A_3044 = vector.shape_cast %broadcast_in_dim3A_135 : vector<16xf32> to vector<16xf32>
      tpu.vector_store %arg9[%swap3A_3041], %swap3A_3044 {strides = array<i32>} : memref<50176xf32, #tpu.memory_space<vmem>>, vector<16xf32>,
    }
    %scan3A_140 = arith.constant 392 : i32
    %mul3A_141 = arith.constant 8028160 : i32
    %mul3A_142 = arith.muli %select_n3A, %mul3A_141 : i32
    %add3A_143 = arith.constant 5 : i32
    %add3A_144 = arith.addi %mul3A_36, %add3A_143 : i32
    %mul3A_145 = arith.constant 50176 : i32
    %mul3A_146 = arith.muli %add3A_144, %mul3A_145 : i32
    %add3A_147 = arith.addi %mul3A_142, %mul3A_146 : i32
    %multiple_of3A_148 = tpu.assume_multiple %add3A_147, 8 : i32
    %dma_start3A_149 = tpu.memref_slice %arg5[%multiple_of3A_148] : memref<64225280xf32, #tpu.memory_space<hbm>> -> memref<50176xf32, #tpu.memory_space<hbm>>
    %dma_start3A_150 = tpu.memref_slice %arg5[%multiple_of3A_148] : memref<64225280xf32, #tpu.memory_space<hbm>> -> memref<50176xf32, #tpu.memory_space<hbm>>
    tpu.enqueue_dma source(%arg9 : memref<50176xf32, #tpu.memory_space<vmem>>) target(%dma_start3A_150 : memref<50176xf32, #tpu.memory_space<hbm>>) target_semaphore(%arg12 : memref<!tpu.dma_semaphore, #tpu.memory_space<semaphore_mem>>)
    %dma_wait3A_151 = tpu.memref_slice %arg5[%multiple_of3A_128] : memref<64225280xf32, #tpu.memory_space<hbm>> -> memref<50176xf32, #tpu.memory_space<hbm>>
    %dma_wait3A_152 = tpu.memref_slice %arg5[%multiple_of3A_128] : memref<64225280xf32, #tpu.memory_space<hbm>> -> memref<50176xf32, #tpu.memory_space<hbm>>
    tpu.wait_dma2 semaphore(%arg12 : memref<!tpu.dma_semaphore, #tpu.memory_space<semaphore_mem>>) src(%arg8 : memref<50176xf32, #tpu.memory_space<vmem>>) dst(%dma_wait3A_152 : memref<50176xf32, #tpu.memory_space<hbm>>)
    %slice3A_153 = vector.extract_strided_slice %get3A_39 {offsets = [6], sizes = [1], strides = [1]} : vector<16xf32> to vector<1xf32>
    %squeeze3A_154 = vector.extract %slice3A_153[0] : f32 from vector<1xf32>
    %broadcast_in_dim3A_155 = vector.broadcast %squeeze3A_154 : f32 to vector<16xf32>
    %scan3A_156 = arith.constant 0 : i32
    %scan3A_157 = arith.constant 392 : i32
    %scan3A_158 = arith.addi %scan3A_156, %scan3A_157 : i32
    %scan3A_159 = arith.constant 1 : i32
    scf.for %scan3A_2995 = %scan3A_156 to %scan3A_158 step %scan3A_159  : i32 {
      %mul3A_2996 = arith.constant 128 : i32
      %mul3A_2997 = arith.muli %scan3A_2995, %mul3A_2996 : i32
      %add3A_2998 = arith.constant 0 : i32
      %add3A_2999 = arith.addi %mul3A_2997, %add3A_2998 : i32
      %swap3A = arith.index_cast %add3A_2999 : i32 to index
      %swap3A_3000 = tpu.vector_load %arg8[%swap3A] {strides = array<i32>} : memref<50176xf32, #tpu.memory_space<vmem>>, vector<16xf32>,
      %swap3A_3001 = vector.shape_cast %swap3A_3000 : vector<16xf32> to vector<16xf32>
      %swap3A_3002 = vector.shape_cast %broadcast_in_dim3A_155 : vector<16xf32> to vector<16xf32>
      tpu.vector_store %arg8[%swap3A], %swap3A_3002 {strides = array<i32>} : memref<50176xf32, #tpu.memory_space<vmem>>, vector<16xf32>,
      %add3A_3003 = arith.constant 16 : i32
      %add3A_3004 = arith.addi %mul3A_2997, %add3A_3003 : i32
      %swap3A_3005 = arith.index_cast %add3A_3004 : i32 to index
      %swap3A_3006 = tpu.vector_load %arg8[%swap3A_3005] {strides = array<i32>} : memref<50176xf32, #tpu.memory_space<vmem>>, vector<16xf32>,
      %swap3A_3007 = vector.shape_cast %swap3A_3006 : vector<16xf32> to vector<16xf32>
      %swap3A_3008 = vector.shape_cast %broadcast_in_dim3A_155 : vector<16xf32> to vector<16xf32>
      tpu.vector_store %arg8[%swap3A_3005], %swap3A_3008 {strides = array<i32>} : memref<50176xf32, #tpu.memory_space<vmem>>, vector<16xf32>,
      %add3A_3009 = arith.constant 32 : i32
      %add3A_3010 = arith.addi %mul3A_2997, %add3A_3009 : i32
      %swap3A_3011 = arith.index_cast %add3A_3010 : i32 to index
      %swap3A_3012 = tpu.vector_load %arg8[%swap3A_3011] {strides = array<i32>} : memref<50176xf32, #tpu.memory_space<vmem>>, vector<16xf32>,
      %swap3A_3013 = vector.shape_cast %swap3A_3012 : vector<16xf32> to vector<16xf32>
      %swap3A_3014 = vector.shape_cast %broadcast_in_dim3A_155 : vector<16xf32> to vector<16xf32>
      tpu.vector_store %arg8[%swap3A_3011], %swap3A_3014 {strides = array<i32>} : memref<50176xf32, #tpu.memory_space<vmem>>, vector<16xf32>,
      %add3A_3015 = arith.constant 48 : i32
      %add3A_3016 = arith.addi %mul3A_2997, %add3A_3015 : i32
      %swap3A_3017 = arith.index_cast %add3A_3016 : i32 to index
      %swap3A_3018 = tpu.vector_load %arg8[%swap3A_3017] {strides = array<i32>} : memref<50176xf32, #tpu.memory_space<vmem>>, vector<16xf32>,
      %swap3A_3019 = vector.shape_cast %swap3A_3018 : vector<16xf32> to vector<16xf32>
      %swap3A_3020 = vector.shape_cast %broadcast_in_dim3A_155 : vector<16xf32> to vector<16xf32>
      tpu.vector_store %arg8[%swap3A_3017], %swap3A_3020 {strides = array<i32>} : memref<50176xf32, #tpu.memory_space<vmem>>, vector<16xf32>,
      %add3A_3021 = arith.constant 64 : i32
      %add3A_3022 = arith.addi %mul3A_2997, %add3A_3021 : i32
      %swap3A_3023 = arith.index_cast %add3A_3022 : i32 to index
      %swap3A_3024 = tpu.vector_load %arg8[%swap3A_3023] {strides = array<i32>} : memref<50176xf32, #tpu.memory_space<vmem>>, vector<16xf32>,
      %swap3A_3025 = vector.shape_cast %swap3A_3024 : vector<16xf32> to vector<16xf32>
      %swap3A_3026 = vector.shape_cast %broadcast_in_dim3A_155 : vector<16xf32> to vector<16xf32>
      tpu.vector_store %arg8[%swap3A_3023], %swap3A_3026 {strides = array<i32>} : memref<50176xf32, #tpu.memory_space<vmem>>, vector<16xf32>,
      %add3A_3027 = arith.constant 80 : i32
      %add3A_3028 = arith.addi %mul3A_2997, %add3A_3027 : i32
      %swap3A_3029 = arith.index_cast %add3A_3028 : i32 to index
      %swap3A_3030 = tpu.vector_load %arg8[%swap3A_3029] {strides = array<i32>} : memref<50176xf32, #tpu.memory_space<vmem>>, vector<16xf32>,
      %swap3A_3031 = vector.shape_cast %swap3A_3030 : vector<16xf32> to vector<16xf32>
      %swap3A_3032 = vector.shape_cast %broadcast_in_dim3A_155 : vector<16xf32> to vector<16xf32>
      tpu.vector_store %arg8[%swap3A_3029], %swap3A_3032 {strides = array<i32>} : memref<50176xf32, #tpu.memory_space<vmem>>, vector<16xf32>,
      %add3A_3033 = arith.constant 96 : i32
      %add3A_3034 = arith.addi %mul3A_2997, %add3A_3033 : i32
      %swap3A_3035 = arith.index_cast %add3A_3034 : i32 to index
      %swap3A_3036 = tpu.vector_load %arg8[%swap3A_3035] {strides = array<i32>} : memref<50176xf32, #tpu.memory_space<vmem>>, vector<16xf32>,
      %swap3A_3037 = vector.shape_cast %swap3A_3036 : vector<16xf32> to vector<16xf32>
      %swap3A_3038 = vector.shape_cast %broadcast_in_dim3A_155 : vector<16xf32> to vector<16xf32>
      tpu.vector_store %arg8[%swap3A_3035], %swap3A_3038 {strides = array<i32>} : memref<50176xf32, #tpu.memory_space<vmem>>, vector<16xf32>,
      %add3A_3039 = arith.constant 112 : i32
      %add3A_3040 = arith.addi %mul3A_2997, %add3A_3039 : i32
      %swap3A_3041 = arith.index_cast %add3A_3040 : i32 to index
      %swap3A_3042 = tpu.vector_load %arg8[%swap3A_3041] {strides = array<i32>} : memref<50176xf32, #tpu.memory_space<vmem>>, vector<16xf32>,
      %swap3A_3043 = vector.shape_cast %swap3A_3042 : vector<16xf32> to vector<16xf32>
      %swap3A_3044 = vector.shape_cast %broadcast_in_dim3A_155 : vector<16xf32> to vector<16xf32>
      tpu.vector_store %arg8[%swap3A_3041], %swap3A_3044 {strides = array<i32>} : memref<50176xf32, #tpu.memory_space<vmem>>, vector<16xf32>,
    }
    %scan3A_160 = arith.constant 392 : i32
    %mul3A_161 = arith.constant 8028160 : i32
    %mul3A_162 = arith.muli %select_n3A, %mul3A_161 : i32
    %add3A_163 = arith.constant 6 : i32
    %add3A_164 = arith.addi %mul3A_36, %add3A_163 : i32
    %mul3A_165 = arith.constant 50176 : i32
    %mul3A_166 = arith.muli %add3A_164, %mul3A_165 : i32
    %add3A_167 = arith.addi %mul3A_162, %mul3A_166 : i32
    %multiple_of3A_168 = tpu.assume_multiple %add3A_167, 8 : i32
    %dma_start3A_169 = tpu.memref_slice %arg5[%multiple_of3A_168] : memref<64225280xf32, #tpu.memory_space<hbm>> -> memref<50176xf32, #tpu.memory_space<hbm>>
    %dma_start3A_170 = tpu.memref_slice %arg5[%multiple_of3A_168] : memref<64225280xf32, #tpu.memory_space<hbm>> -> memref<50176xf32, #tpu.memory_space<hbm>>
    tpu.enqueue_dma source(%arg8 : memref<50176xf32, #tpu.memory_space<vmem>>) target(%dma_start3A_170 : memref<50176xf32, #tpu.memory_space<hbm>>) target_semaphore(%arg12 : memref<!tpu.dma_semaphore, #tpu.memory_space<semaphore_mem>>)
    %dma_wait3A_171 = tpu.memref_slice %arg5[%multiple_of3A_148] : memref<64225280xf32, #tpu.memory_space<hbm>> -> memref<50176xf32, #tpu.memory_space<hbm>>
    %dma_wait3A_172 = tpu.memref_slice %arg5[%multiple_of3A_148] : memref<64225280xf32, #tpu.memory_space<hbm>> -> memref<50176xf32, #tpu.memory_space<hbm>>
    tpu.wait_dma2 semaphore(%arg12 : memref<!tpu.dma_semaphore, #tpu.memory_space<semaphore_mem>>) src(%arg9 : memref<50176xf32, #tpu.memory_space<vmem>>) dst(%dma_wait3A_172 : memref<50176xf32, #tpu.memory_space<hbm>>)
    %slice3A_173 = vector.extract_strided_slice %get3A_39 {offsets = [7], sizes = [1], strides = [1]} : vector<16xf32> to vector<1xf32>
    %squeeze3A_174 = vector.extract %slice3A_173[0] : f32 from vector<1xf32>
    %broadcast_in_dim3A_175 = vector.broadcast %squeeze3A_174 : f32 to vector<16xf32>
    %scan3A_176 = arith.constant 0 : i32
    %scan3A_177 = arith.constant 392 : i32
    %scan3A_178 = arith.addi %scan3A_176, %scan3A_177 : i32
    %scan3A_179 = arith.constant 1 : i32
    scf.for %scan3A_2995 = %scan3A_176 to %scan3A_178 step %scan3A_179  : i32 {
      %mul3A_2996 = arith.constant 128 : i32
      %mul3A_2997 = arith.muli %scan3A_2995, %mul3A_2996 : i32
      %add3A_2998 = arith.constant 0 : i32
      %add3A_2999 = arith.addi %mul3A_2997, %add3A_2998 : i32
      %swap3A = arith.index_cast %add3A_2999 : i32 to index
      %swap3A_3000 = tpu.vector_load %arg9[%swap3A] {strides = array<i32>} : memref<50176xf32, #tpu.memory_space<vmem>>, vector<16xf32>,
      %swap3A_3001 = vector.shape_cast %swap3A_3000 : vector<16xf32> to vector<16xf32>
      %swap3A_3002 = vector.shape_cast %broadcast_in_dim3A_175 : vector<16xf32> to vector<16xf32>
      tpu.vector_store %arg9[%swap3A], %swap3A_3002 {strides = array<i32>} : memref<50176xf32, #tpu.memory_space<vmem>>, vector<16xf32>,
      %add3A_3003 = arith.constant 16 : i32
      %add3A_3004 = arith.addi %mul3A_2997, %add3A_3003 : i32
      %swap3A_3005 = arith.index_cast %add3A_3004 : i32 to index
      %swap3A_3006 = tpu.vector_load %arg9[%swap3A_3005] {strides = array<i32>} : memref<50176xf32, #tpu.memory_space<vmem>>, vector<16xf32>,
      %swap3A_3007 = vector.shape_cast %swap3A_3006 : vector<16xf32> to vector<16xf32>
      %swap3A_3008 = vector.shape_cast %broadcast_in_dim3A_175 : vector<16xf32> to vector<16xf32>
      tpu.vector_store %arg9[%swap3A_3005], %swap3A_3008 {strides = array<i32>} : memref<50176xf32, #tpu.memory_space<vmem>>, vector<16xf32>,
      %add3A_3009 = arith.constant 32 : i32
      %add3A_3010 = arith.addi %mul3A_2997, %add3A_3009 : i32
      %swap3A_3011 = arith.index_cast %add3A_3010 : i32 to index
      %swap3A_3012 = tpu.vector_load %arg9[%swap3A_3011] {strides = array<i32>} : memref<50176xf32, #tpu.memory_space<vmem>>, vector<16xf32>,
      %swap3A_3013 = vector.shape_cast %swap3A_3012 : vector<16xf32> to vector<16xf32>
      %swap3A_3014 = vector.shape_cast %broadcast_in_dim3A_175 : vector<16xf32> to vector<16xf32>
      tpu.vector_store %arg9[%swap3A_3011], %swap3A_3014 {strides = array<i32>} : memref<50176xf32, #tpu.memory_space<vmem>>, vector<16xf32>,
      %add3A_3015 = arith.constant 48 : i32
      %add3A_3016 = arith.addi %mul3A_2997, %add3A_3015 : i32
      %swap3A_3017 = arith.index_cast %add3A_3016 : i32 to index
      %swap3A_3018 = tpu.vector_load %arg9[%swap3A_3017] {strides = array<i32>} : memref<50176xf32, #tpu.memory_space<vmem>>, vector<16xf32>,
      %swap3A_3019 = vector.shape_cast %swap3A_3018 : vector<16xf32> to vector<16xf32>
      %swap3A_3020 = vector.shape_cast %broadcast_in_dim3A_175 : vector<16xf32> to vector<16xf32>
      tpu.vector_store %arg9[%swap3A_3017], %swap3A_3020 {strides = array<i32>} : memref<50176xf32, #tpu.memory_space<vmem>>, vector<16xf32>,
      %add3A_3021 = arith.constant 64 : i32
      %add3A_3022 = arith.addi %mul3A_2997, %add3A_3021 : i32
      %swap3A_3023 = arith.index_cast %add3A_3022 : i32 to index
      %swap3A_3024 = tpu.vector_load %arg9[%swap3A_3023] {strides = array<i32>} : memref<50176xf32, #tpu.memory_space<vmem>>, vector<16xf32>,
      %swap3A_3025 = vector.shape_cast %swap3A_3024 : vector<16xf32> to vector<16xf32>
      %swap3A_3026 = vector.shape_cast %broadcast_in_dim3A_175 : vector<16xf32> to vector<16xf32>
      tpu.vector_store %arg9[%swap3A_3023], %swap3A_3026 {strides = array<i32>} : memref<50176xf32, #tpu.memory_space<vmem>>, vector<16xf32>,
      %add3A_3027 = arith.constant 80 : i32
      %add3A_3028 = arith.addi %mul3A_2997, %add3A_3027 : i32
      %swap3A_3029 = arith.index_cast %add3A_3028 : i32 to index
      %swap3A_3030 = tpu.vector_load %arg9[%swap3A_3029] {strides = array<i32>} : memref<50176xf32, #tpu.memory_space<vmem>>, vector<16xf32>,
      %swap3A_3031 = vector.shape_cast %swap3A_3030 : vector<16xf32> to vector<16xf32>
      %swap3A_3032 = vector.shape_cast %broadcast_in_dim3A_175 : vector<16xf32> to vector<16xf32>
      tpu.vector_store %arg9[%swap3A_3029], %swap3A_3032 {strides = array<i32>} : memref<50176xf32, #tpu.memory_space<vmem>>, vector<16xf32>,
      %add3A_3033 = arith.constant 96 : i32
      %add3A_3034 = arith.addi %mul3A_2997, %add3A_3033 : i32
      %swap3A_3035 = arith.index_cast %add3A_3034 : i32 to index
      %swap3A_3036 = tpu.vector_load %arg9[%swap3A_3035] {strides = array<i32>} : memref<50176xf32, #tpu.memory_space<vmem>>, vector<16xf32>,
      %swap3A_3037 = vector.shape_cast %swap3A_3036 : vector<16xf32> to vector<16xf32>
      %swap3A_3038 = vector.shape_cast %broadcast_in_dim3A_175 : vector<16xf32> to vector<16xf32>
      tpu.vector_store %arg9[%swap3A_3035], %swap3A_3038 {strides = array<i32>} : memref<50176xf32, #tpu.memory_space<vmem>>, vector<16xf32>,
      %add3A_3039 = arith.constant 112 : i32
      %add3A_3040 = arith.addi %mul3A_2997, %add3A_3039 : i32
      %swap3A_3041 = arith.index_cast %add3A_3040 : i32 to index
      %swap3A_3042 = tpu.vector_load %arg9[%swap3A_3041] {strides = array<i32>} : memref<50176xf32, #tpu.memory_space<vmem>>, vector<16xf32>,
      %swap3A_3043 = vector.shape_cast %swap3A_3042 : vector<16xf32> to vector<16xf32>
      %swap3A_3044 = vector.shape_cast %broadcast_in_dim3A_175 : vector<16xf32> to vector<16xf32>
      tpu.vector_store %arg9[%swap3A_3041], %swap3A_3044 {strides = array<i32>} : memref<50176xf32, #tpu.memory_space<vmem>>, vector<16xf32>,
    }
    %scan3A_180 = arith.constant 392 : i32
    %mul3A_181 = arith.constant 8028160 : i32
    %mul3A_182 = arith.muli %select_n3A, %mul3A_181 : i32
    %add3A_183 = arith.constant 7 : i32
    %add3A_184 = arith.addi %mul3A_36, %add3A_183 : i32
    %mul3A_185 = arith.constant 50176 : i32
    %mul3A_186 = arith.muli %add3A_184, %mul3A_185 : i32
    %add3A_187 = arith.addi %mul3A_182, %mul3A_186 : i32
    %multiple_of3A_188 = tpu.assume_multiple %add3A_187, 8 : i32
    %dma_start3A_189 = tpu.memref_slice %arg5[%multiple_of3A_188] : memref<64225280xf32, #tpu.memory_space<hbm>> -> memref<50176xf32, #tpu.memory_space<hbm>>
    %dma_start3A_190 = tpu.memref_slice %arg5[%multiple_of3A_188] : memref<64225280xf32, #tpu.memory_space<hbm>> -> memref<50176xf32, #tpu.memory_space<hbm>>
    tpu.enqueue_dma source(%arg9 : memref<50176xf32, #tpu.memory_space<vmem>>) target(%dma_start3A_190 : memref<50176xf32, #tpu.memory_space<hbm>>) target_semaphore(%arg12 : memref<!tpu.dma_semaphore, #tpu.memory_space<semaphore_mem>>)
    %dma_wait3A_191 = tpu.memref_slice %arg5[%multiple_of3A_168] : memref<64225280xf32, #tpu.memory_space<hbm>> -> memref<50176xf32, #tpu.memory_space<hbm>>
    %dma_wait3A_192 = tpu.memref_slice %arg5[%multiple_of3A_168] : memref<64225280xf32, #tpu.memory_space<hbm>> -> memref<50176xf32, #tpu.memory_space<hbm>>
    tpu.wait_dma2 semaphore(%arg12 : memref<!tpu.dma_semaphore, #tpu.memory_space<semaphore_mem>>) src(%arg8 : memref<50176xf32, #tpu.memory_space<vmem>>) dst(%dma_wait3A_192 : memref<50176xf32, #tpu.memory_space<hbm>>)
    %slice3A_193 = vector.extract_strided_slice %get3A_39 {offsets = [8], sizes = [1], strides = [1]} : vector<16xf32> to vector<1xf32>
    %squeeze3A_194 = vector.extract %slice3A_193[0] : f32 from vector<1xf32>
    %broadcast_in_dim3A_195 = vector.broadcast %squeeze3A_194 : f32 to vector<16xf32>
    %scan3A_196 = arith.constant 0 : i32
    %scan3A_197 = arith.constant 392 : i32
    %scan3A_198 = arith.addi %scan3A_196, %scan3A_197 : i32
    %scan3A_199 = arith.constant 1 : i32
    scf.for %scan3A_2995 = %scan3A_196 to %scan3A_198 step %scan3A_199  : i32 {
      %mul3A_2996 = arith.constant 128 : i32
      %mul3A_2997 = arith.muli %scan3A_2995, %mul3A_2996 : i32
      %add3A_2998 = arith.constant 0 : i32
      %add3A_2999 = arith.addi %mul3A_2997, %add3A_2998 : i32
      %swap3A = arith.index_cast %add3A_2999 : i32 to index
      %swap3A_3000 = tpu.vector_load %arg8[%swap3A] {strides = array<i32>} : memref<50176xf32, #tpu.memory_space<vmem>>, vector<16xf32>,
      %swap3A_3001 = vector.shape_cast %swap3A_3000 : vector<16xf32> to vector<16xf32>
      %swap3A_3002 = vector.shape_cast %broadcast_in_dim3A_195 : vector<16xf32> to vector<16xf32>
      tpu.vector_store %arg8[%swap3A], %swap3A_3002 {strides = array<i32>} : memref<50176xf32, #tpu.memory_space<vmem>>, vector<16xf32>,
      %add3A_3003 = arith.constant 16 : i32
      %add3A_3004 = arith.addi %mul3A_2997, %add3A_3003 : i32
      %swap3A_3005 = arith.index_cast %add3A_3004 : i32 to index
      %swap3A_3006 = tpu.vector_load %arg8[%swap3A_3005] {strides = array<i32>} : memref<50176xf32, #tpu.memory_space<vmem>>, vector<16xf32>,
      %swap3A_3007 = vector.shape_cast %swap3A_3006 : vector<16xf32> to vector<16xf32>
      %swap3A_3008 = vector.shape_cast %broadcast_in_dim3A_195 : vector<16xf32> to vector<16xf32>
      tpu.vector_store %arg8[%swap3A_3005], %swap3A_3008 {strides = array<i32>} : memref<50176xf32, #tpu.memory_space<vmem>>, vector<16xf32>,
      %add3A_3009 = arith.constant 32 : i32
      %add3A_3010 = arith.addi %mul3A_2997, %add3A_3009 : i32
      %swap3A_3011 = arith.index_cast %add3A_3010 : i32 to index
      %swap3A_3012 = tpu.vector_load %arg8[%swap3A_3011] {strides = array<i32>} : memref<50176xf32, #tpu.memory_space<vmem>>, vector<16xf32>,
      %swap3A_3013 = vector.shape_cast %swap3A_3012 : vector<16xf32> to vector<16xf32>
      %swap3A_3014 = vector.shape_cast %broadcast_in_dim3A_195 : vector<16xf32> to vector<16xf32>
      tpu.vector_store %arg8[%swap3A_3011], %swap3A_3014 {strides = array<i32>} : memref<50176xf32, #tpu.memory_space<vmem>>, vector<16xf32>,
      %add3A_3015 = arith.constant 48 : i32
      %add3A_3016 = arith.addi %mul3A_2997, %add3A_3015 : i32
      %swap3A_3017 = arith.index_cast %add3A_3016 : i32 to index
      %swap3A_3018 = tpu.vector_load %arg8[%swap3A_3017] {strides = array<i32>} : memref<50176xf32, #tpu.memory_space<vmem>>, vector<16xf32>,
      %swap3A_3019 = vector.shape_cast %swap3A_3018 : vector<16xf32> to vector<16xf32>
      %swap3A_3020 = vector.shape_cast %broadcast_in_dim3A_195 : vector<16xf32> to vector<16xf32>
      tpu.vector_store %arg8[%swap3A_3017], %swap3A_3020 {strides = array<i32>} : memref<50176xf32, #tpu.memory_space<vmem>>, vector<16xf32>,
      %add3A_3021 = arith.constant 64 : i32
      %add3A_3022 = arith.addi %mul3A_2997, %add3A_3021 : i32
      %swap3A_3023 = arith.index_cast %add3A_3022 : i32 to index
      %swap3A_3024 = tpu.vector_load %arg8[%swap3A_3023] {strides = array<i32>} : memref<50176xf32, #tpu.memory_space<vmem>>, vector<16xf32>,
      %swap3A_3025 = vector.shape_cast %swap3A_3024 : vector<16xf32> to vector<16xf32>
      %swap3A_3026 = vector.shape_cast %broadcast_in_dim3A_195 : vector<16xf32> to vector<16xf32>
      tpu.vector_store %arg8[%swap3A_3023], %swap3A_3026 {strides = array<i32>} : memref<50176xf32, #tpu.memory_space<vmem>>, vector<16xf32>,
      %add3A_3027 = arith.constant 80 : i32
      %add3A_3028 = arith.addi %mul3A_2997, %add3A_3027 : i32
      %swap3A_3029 = arith.index_cast %add3A_3028 : i32 to index
      %swap3A_3030 = tpu.vector_load %arg8[%swap3A_3029] {strides = array<i32>} : memref<50176xf32, #tpu.memory_space<vmem>>, vector<16xf32>,
      %swap3A_3031 = vector.shape_cast %swap3A_3030 : vector<16xf32> to vector<16xf32>
      %swap3A_3032 = vector.shape_cast %broadcast_in_dim3A_195 : vector<16xf32> to vector<16xf32>
      tpu.vector_store %arg8[%swap3A_3029], %swap3A_3032 {strides = array<i32>} : memref<50176xf32, #tpu.memory_space<vmem>>, vector<16xf32>,
      %add3A_3033 = arith.constant 96 : i32
      %add3A_3034 = arith.addi %mul3A_2997, %add3A_3033 : i32
      %swap3A_3035 = arith.index_cast %add3A_3034 : i32 to index
      %swap3A_3036 = tpu.vector_load %arg8[%swap3A_3035] {strides = array<i32>} : memref<50176xf32, #tpu.memory_space<vmem>>, vector<16xf32>,
      %swap3A_3037 = vector.shape_cast %swap3A_3036 : vector<16xf32> to vector<16xf32>
      %swap3A_3038 = vector.shape_cast %broadcast_in_dim3A_195 : vector<16xf32> to vector<16xf32>
      tpu.vector_store %arg8[%swap3A_3035], %swap3A_3038 {strides = array<i32>} : memref<50176xf32, #tpu.memory_space<vmem>>, vector<16xf32>,
      %add3A_3039 = arith.constant 112 : i32
      %add3A_3040 = arith.addi %mul3A_2997, %add3A_3039 : i32
      %swap3A_3041 = arith.index_cast %add3A_3040 : i32 to index
      %swap3A_3042 = tpu.vector_load %arg8[%swap3A_3041] {strides = array<i32>} : memref<50176xf32, #tpu.memory_space<vmem>>, vector<16xf32>,
      %swap3A_3043 = vector.shape_cast %swap3A_3042 : vector<16xf32> to vector<16xf32>
      %swap3A_3044 = vector.shape_cast %broadcast_in_dim3A_195 : vector<16xf32> to vector<16xf32>
      tpu.vector_store %arg8[%swap3A_3041], %swap3A_3044 {strides = array<i32>} : memref<50176xf32, #tpu.memory_space<vmem>>, vector<16xf32>,
    }
    %scan3A_200 = arith.constant 392 : i32
    %mul3A_201 = arith.constant 8028160 : i32
    %mul3A_202 = arith.muli %select_n3A, %mul3A_201 : i32
    %add3A_203 = arith.constant 8 : i32
    %add3A_204 = arith.addi %mul3A_36, %add3A_203 : i32
    %mul3A_205 = arith.constant 50176 : i32
    %mul3A_206 = arith.muli %add3A_204, %mul3A_205 : i32
    %add3A_207 = arith.addi %mul3A_202, %mul3A_206 : i32
    %multiple_of3A_208 = tpu.assume_multiple %add3A_207, 8 : i32
    %dma_start3A_209 = tpu.memref_slice %arg5[%multiple_of3A_208] : memref<64225280xf32, #tpu.memory_space<hbm>> -> memref<50176xf32, #tpu.memory_space<hbm>>
    %dma_start3A_210 = tpu.memref_slice %arg5[%multiple_of3A_208] : memref<64225280xf32, #tpu.memory_space<hbm>> -> memref<50176xf32, #tpu.memory_space<hbm>>
    tpu.enqueue_dma source(%arg8 : memref<50176xf32, #tpu.memory_space<vmem>>) target(%dma_start3A_210 : memref<50176xf32, #tpu.memory_space<hbm>>) target_semaphore(%arg12 : memref<!tpu.dma_semaphore, #tpu.memory_space<semaphore_mem>>)
    %dma_wait3A_211 = tpu.memref_slice %arg5[%multiple_of3A_188] : memref<64225280xf32, #tpu.memory_space<hbm>> -> memref<50176xf32, #tpu.memory_space<hbm>>
    %dma_wait3A_212 = tpu.memref_slice %arg5[%multiple_of3A_188] : memref<64225280xf32, #tpu.memory_space<hbm>> -> memref<50176xf32, #tpu.memory_space<hbm>>
    tpu.wait_dma2 semaphore(%arg12 : memref<!tpu.dma_semaphore, #tpu.memory_space<semaphore_mem>>) src(%arg9 : memref<50176xf32, #tpu.memory_space<vmem>>) dst(%dma_wait3A_212 : memref<50176xf32, #tpu.memory_space<hbm>>)
    %slice3A_213 = vector.extract_strided_slice %get3A_39 {offsets = [9], sizes = [1], strides = [1]} : vector<16xf32> to vector<1xf32>
    %squeeze3A_214 = vector.extract %slice3A_213[0] : f32 from vector<1xf32>
    %broadcast_in_dim3A_215 = vector.broadcast %squeeze3A_214 : f32 to vector<16xf32>
    %scan3A_216 = arith.constant 0 : i32
    %scan3A_217 = arith.constant 392 : i32
    %scan3A_218 = arith.addi %scan3A_216, %scan3A_217 : i32
    %scan3A_219 = arith.constant 1 : i32
    scf.for %scan3A_2995 = %scan3A_216 to %scan3A_218 step %scan3A_219  : i32 {
      %mul3A_2996 = arith.constant 128 : i32
      %mul3A_2997 = arith.muli %scan3A_2995, %mul3A_2996 : i32
      %add3A_2998 = arith.constant 0 : i32
      %add3A_2999 = arith.addi %mul3A_2997, %add3A_2998 : i32
      %swap3A = arith.index_cast %add3A_2999 : i32 to index
      %swap3A_3000 = tpu.vector_load %arg9[%swap3A] {strides = array<i32>} : memref<50176xf32, #tpu.memory_space<vmem>>, vector<16xf32>,
      %swap3A_3001 = vector.shape_cast %swap3A_3000 : vector<16xf32> to vector<16xf32>
      %swap3A_3002 = vector.shape_cast %broadcast_in_dim3A_215 : vector<16xf32> to vector<16xf32>
      tpu.vector_store %arg9[%swap3A], %swap3A_3002 {strides = array<i32>} : memref<50176xf32, #tpu.memory_space<vmem>>, vector<16xf32>,
      %add3A_3003 = arith.constant 16 : i32
      %add3A_3004 = arith.addi %mul3A_2997, %add3A_3003 : i32
      %swap3A_3005 = arith.index_cast %add3A_3004 : i32 to index
      %swap3A_3006 = tpu.vector_load %arg9[%swap3A_3005] {strides = array<i32>} : memref<50176xf32, #tpu.memory_space<vmem>>, vector<16xf32>,
      %swap3A_3007 = vector.shape_cast %swap3A_3006 : vector<16xf32> to vector<16xf32>
      %swap3A_3008 = vector.shape_cast %broadcast_in_dim3A_215 : vector<16xf32> to vector<16xf32>
      tpu.vector_store %arg9[%swap3A_3005], %swap3A_3008 {strides = array<i32>} : memref<50176xf32, #tpu.memory_space<vmem>>, vector<16xf32>,
      %add3A_3009 = arith.constant 32 : i32
      %add3A_3010 = arith.addi %mul3A_2997, %add3A_3009 : i32
      %swap3A_3011 = arith.index_cast %add3A_3010 : i32 to index
      %swap3A_3012 = tpu.vector_load %arg9[%swap3A_3011] {strides = array<i32>} : memref<50176xf32, #tpu.memory_space<vmem>>, vector<16xf32>,
      %swap3A_3013 = vector.shape_cast %swap3A_3012 : vector<16xf32> to vector<16xf32>
      %swap3A_3014 = vector.shape_cast %broadcast_in_dim3A_215 : vector<16xf32> to vector<16xf32>
      tpu.vector_store %arg9[%swap3A_3011], %swap3A_3014 {strides = array<i32>} : memref<50176xf32, #tpu.memory_space<vmem>>, vector<16xf32>,
      %add3A_3015 = arith.constant 48 : i32
      %add3A_3016 = arith.addi %mul3A_2997, %add3A_3015 : i32
      %swap3A_3017 = arith.index_cast %add3A_3016 : i32 to index
      %swap3A_3018 = tpu.vector_load %arg9[%swap3A_3017] {strides = array<i32>} : memref<50176xf32, #tpu.memory_space<vmem>>, vector<16xf32>,
      %swap3A_3019 = vector.shape_cast %swap3A_3018 : vector<16xf32> to vector<16xf32>
      %swap3A_3020 = vector.shape_cast %broadcast_in_dim3A_215 : vector<16xf32> to vector<16xf32>
      tpu.vector_store %arg9[%swap3A_3017], %swap3A_3020 {strides = array<i32>} : memref<50176xf32, #tpu.memory_space<vmem>>, vector<16xf32>,
      %add3A_3021 = arith.constant 64 : i32
      %add3A_3022 = arith.addi %mul3A_2997, %add3A_3021 : i32
      %swap3A_3023 = arith.index_cast %add3A_3022 : i32 to index
      %swap3A_3024 = tpu.vector_load %arg9[%swap3A_3023] {strides = array<i32>} : memref<50176xf32, #tpu.memory_space<vmem>>, vector<16xf32>,
      %swap3A_3025 = vector.shape_cast %swap3A_3024 : vector<16xf32> to vector<16xf32>
      %swap3A_3026 = vector.shape_cast %broadcast_in_dim3A_215 : vector<16xf32> to vector<16xf32>
      tpu.vector_store %arg9[%swap3A_3023], %swap3A_3026 {strides = array<i32>} : memref<50176xf32, #tpu.memory_space<vmem>>, vector<16xf32>,
      %add3A_3027 = arith.constant 80 : i32
      %add3A_3028 = arith.addi %mul3A_2997, %add3A_3027 : i32
      %swap3A_3029 = arith.index_cast %add3A_3028 : i32 to index
      %swap3A_3030 = tpu.vector_load %arg9[%swap3A_3029] {strides = array<i32>} : memref<50176xf32, #tpu.memory_space<vmem>>, vector<16xf32>,
      %swap3A_3031 = vector.shape_cast %swap3A_3030 : vector<16xf32> to vector<16xf32>
      %swap3A_3032 = vector.shape_cast %broadcast_in_dim3A_215 : vector<16xf32> to vector<16xf32>
      tpu.vector_store %arg9[%swap3A_3029], %swap3A_3032 {strides = array<i32>} : memref<50176xf32, #tpu.memory_space<vmem>>, vector<16xf32>,
      %add3A_3033 = arith.constant 96 : i32
      %add3A_3034 = arith.addi %mul3A_2997, %add3A_3033 : i32
      %swap3A_3035 = arith.index_cast %add3A_3034 : i32 to index
      %swap3A_3036 = tpu.vector_load %arg9[%swap3A_3035] {strides = array<i32>} : memref<50176xf32, #tpu.memory_space<vmem>>, vector<16xf32>,
      %swap3A_3037 = vector.shape_cast %swap3A_3036 : vector<16xf32> to vector<16xf32>
      %swap3A_3038 = vector.shape_cast %broadcast_in_dim3A_215 : vector<16xf32> to vector<16xf32>
      tpu.vector_store %arg9[%swap3A_3035], %swap3A_3038 {strides = array<i32>} : memref<50176xf32, #tpu.memory_space<vmem>>, vector<16xf32>,
      %add3A_3039 = arith.constant 112 : i32
      %add3A_3040 = arith.addi %mul3A_2997, %add3A_3039 : i32
      %swap3A_3041 = arith.index_cast %add3A_3040 : i32 to index
      %swap3A_3042 = tpu.vector_load %arg9[%swap3A_3041] {strides = array<i32>} : memref<50176xf32, #tpu.memory_space<vmem>>, vector<16xf32>,
      %swap3A_3043 = vector.shape_cast %swap3A_3042 : vector<16xf32> to vector<16xf32>
      %swap3A_3044 = vector.shape_cast %broadcast_in_dim3A_215 : vector<16xf32> to vector<16xf32>
      tpu.vector_store %arg9[%swap3A_3041], %swap3A_3044 {strides = array<i32>} : memref<50176xf32, #tpu.memory_space<vmem>>, vector<16xf32>,
    }
    %scan3A_220 = arith.constant 392 : i32
    %mul3A_221 = arith.constant 8028160 : i32
    %mul3A_222 = arith.muli %select_n3A, %mul3A_221 : i32
    %add3A_223 = arith.constant 9 : i32
    %add3A_224 = arith.addi %mul3A_36, %add3A_223 : i32
    %mul3A_225 = arith.constant 50176 : i32
    %mul3A_226 = arith.muli %add3A_224, %mul3A_225 : i32
    %add3A_227 = arith.addi %mul3A_222, %mul3A_226 : i32
    %multiple_of3A_228 = tpu.assume_multiple %add3A_227, 8 : i32
    %dma_start3A_229 = tpu.memref_slice %arg5[%multiple_of3A_228] : memref<64225280xf32, #tpu.memory_space<hbm>> -> memref<50176xf32, #tpu.memory_space<hbm>>
    %dma_start3A_230 = tpu.memref_slice %arg5[%multiple_of3A_228] : memref<64225280xf32, #tpu.memory_space<hbm>> -> memref<50176xf32, #tpu.memory_space<hbm>>
    tpu.enqueue_dma source(%arg9 : memref<50176xf32, #tpu.memory_space<vmem>>) target(%dma_start3A_230 : memref<50176xf32, #tpu.memory_space<hbm>>) target_semaphore(%arg12 : memref<!tpu.dma_semaphore, #tpu.memory_space<semaphore_mem>>)
    %dma_wait3A_231 = tpu.memref_slice %arg5[%multiple_of3A_208] : memref<64225280xf32, #tpu.memory_space<hbm>> -> memref<50176xf32, #tpu.memory_space<hbm>>
    %dma_wait3A_232 = tpu.memref_slice %arg5[%multiple_of3A_208] : memref<64225280xf32, #tpu.memory_space<hbm>> -> memref<50176xf32, #tpu.memory_space<hbm>>
    tpu.wait_dma2 semaphore(%arg12 : memref<!tpu.dma_semaphore, #tpu.memory_space<semaphore_mem>>) src(%arg8 : memref<50176xf32, #tpu.memory_space<vmem>>) dst(%dma_wait3A_232 : memref<50176xf32, #tpu.memory_space<hbm>>)
    %slice3A_233 = vector.extract_strided_slice %get3A_39 {offsets = [10], sizes = [1], strides = [1]} : vector<16xf32> to vector<1xf32>
    %squeeze3A_234 = vector.extract %slice3A_233[0] : f32 from vector<1xf32>
    %broadcast_in_dim3A_235 = vector.broadcast %squeeze3A_234 : f32 to vector<16xf32>
    %scan3A_236 = arith.constant 0 : i32
    %scan3A_237 = arith.constant 392 : i32
    %scan3A_238 = arith.addi %scan3A_236, %scan3A_237 : i32
    %scan3A_239 = arith.constant 1 : i32
    scf.for %scan3A_2995 = %scan3A_236 to %scan3A_238 step %scan3A_239  : i32 {
      %mul3A_2996 = arith.constant 128 : i32
      %mul3A_2997 = arith.muli %scan3A_2995, %mul3A_2996 : i32
      %add3A_2998 = arith.constant 0 : i32
      %add3A_2999 = arith.addi %mul3A_2997, %add3A_2998 : i32
      %swap3A = arith.index_cast %add3A_2999 : i32 to index
      %swap3A_3000 = tpu.vector_load %arg8[%swap3A] {strides = array<i32>} : memref<50176xf32, #tpu.memory_space<vmem>>, vector<16xf32>,
      %swap3A_3001 = vector.shape_cast %swap3A_3000 : vector<16xf32> to vector<16xf32>
      %swap3A_3002 = vector.shape_cast %broadcast_in_dim3A_235 : vector<16xf32> to vector<16xf32>
      tpu.vector_store %arg8[%swap3A], %swap3A_3002 {strides = array<i32>} : memref<50176xf32, #tpu.memory_space<vmem>>, vector<16xf32>,
      %add3A_3003 = arith.constant 16 : i32
      %add3A_3004 = arith.addi %mul3A_2997, %add3A_3003 : i32
      %swap3A_3005 = arith.index_cast %add3A_3004 : i32 to index
      %swap3A_3006 = tpu.vector_load %arg8[%swap3A_3005] {strides = array<i32>} : memref<50176xf32, #tpu.memory_space<vmem>>, vector<16xf32>,
      %swap3A_3007 = vector.shape_cast %swap3A_3006 : vector<16xf32> to vector<16xf32>
      %swap3A_3008 = vector.shape_cast %broadcast_in_dim3A_235 : vector<16xf32> to vector<16xf32>
      tpu.vector_store %arg8[%swap3A_3005], %swap3A_3008 {strides = array<i32>} : memref<50176xf32, #tpu.memory_space<vmem>>, vector<16xf32>,
      %add3A_3009 = arith.constant 32 : i32
      %add3A_3010 = arith.addi %mul3A_2997, %add3A_3009 : i32
      %swap3A_3011 = arith.index_cast %add3A_3010 : i32 to index
      %swap3A_3012 = tpu.vector_load %arg8[%swap3A_3011] {strides = array<i32>} : memref<50176xf32, #tpu.memory_space<vmem>>, vector<16xf32>,
      %swap3A_3013 = vector.shape_cast %swap3A_3012 : vector<16xf32> to vector<16xf32>
      %swap3A_3014 = vector.shape_cast %broadcast_in_dim3A_235 : vector<16xf32> to vector<16xf32>
      tpu.vector_store %arg8[%swap3A_3011], %swap3A_3014 {strides = array<i32>} : memref<50176xf32, #tpu.memory_space<vmem>>, vector<16xf32>,
      %add3A_3015 = arith.constant 48 : i32
      %add3A_3016 = arith.addi %mul3A_2997, %add3A_3015 : i32
      %swap3A_3017 = arith.index_cast %add3A_3016 : i32 to index
      %swap3A_3018 = tpu.vector_load %arg8[%swap3A_3017] {strides = array<i32>} : memref<50176xf32, #tpu.memory_space<vmem>>, vector<16xf32>,
      %swap3A_3019 = vector.shape_cast %swap3A_3018 : vector<16xf32> to vector<16xf32>
      %swap3A_3020 = vector.shape_cast %broadcast_in_dim3A_235 : vector<16xf32> to vector<16xf32>
      tpu.vector_store %arg8[%swap3A_3017], %swap3A_3020 {strides = array<i32>} : memref<50176xf32, #tpu.memory_space<vmem>>, vector<16xf32>,
      %add3A_3021 = arith.constant 64 : i32
      %add3A_3022 = arith.addi %mul3A_2997, %add3A_3021 : i32
      %swap3A_3023 = arith.index_cast %add3A_3022 : i32 to index
      %swap3A_3024 = tpu.vector_load %arg8[%swap3A_3023] {strides = array<i32>} : memref<50176xf32, #tpu.memory_space<vmem>>, vector<16xf32>,
      %swap3A_3025 = vector.shape_cast %swap3A_3024 : vector<16xf32> to vector<16xf32>
      %swap3A_3026 = vector.shape_cast %broadcast_in_dim3A_235 : vector<16xf32> to vector<16xf32>
      tpu.vector_store %arg8[%swap3A_3023], %swap3A_3026 {strides = array<i32>} : memref<50176xf32, #tpu.memory_space<vmem>>, vector<16xf32>,
      %add3A_3027 = arith.constant 80 : i32
      %add3A_3028 = arith.addi %mul3A_2997, %add3A_3027 : i32
      %swap3A_3029 = arith.index_cast %add3A_3028 : i32 to index
      %swap3A_3030 = tpu.vector_load %arg8[%swap3A_3029] {strides = array<i32>} : memref<50176xf32, #tpu.memory_space<vmem>>, vector<16xf32>,
      %swap3A_3031 = vector.shape_cast %swap3A_3030 : vector<16xf32> to vector<16xf32>
      %swap3A_3032 = vector.shape_cast %broadcast_in_dim3A_235 : vector<16xf32> to vector<16xf32>
      tpu.vector_store %arg8[%swap3A_3029], %swap3A_3032 {strides = array<i32>} : memref<50176xf32, #tpu.memory_space<vmem>>, vector<16xf32>,
      %add3A_3033 = arith.constant 96 : i32
      %add3A_3034 = arith.addi %mul3A_2997, %add3A_3033 : i32
      %swap3A_3035 = arith.index_cast %add3A_3034 : i32 to index
      %swap3A_3036 = tpu.vector_load %arg8[%swap3A_3035] {strides = array<i32>} : memref<50176xf32, #tpu.memory_space<vmem>>, vector<16xf32>,
      %swap3A_3037 = vector.shape_cast %swap3A_3036 : vector<16xf32> to vector<16xf32>
      %swap3A_3038 = vector.shape_cast %broadcast_in_dim3A_235 : vector<16xf32> to vector<16xf32>
      tpu.vector_store %arg8[%swap3A_3035], %swap3A_3038 {strides = array<i32>} : memref<50176xf32, #tpu.memory_space<vmem>>, vector<16xf32>,
      %add3A_3039 = arith.constant 112 : i32
      %add3A_3040 = arith.addi %mul3A_2997, %add3A_3039 : i32
      %swap3A_3041 = arith.index_cast %add3A_3040 : i32 to index
      %swap3A_3042 = tpu.vector_load %arg8[%swap3A_3041] {strides = array<i32>} : memref<50176xf32, #tpu.memory_space<vmem>>, vector<16xf32>,
      %swap3A_3043 = vector.shape_cast %swap3A_3042 : vector<16xf32> to vector<16xf32>
      %swap3A_3044 = vector.shape_cast %broadcast_in_dim3A_235 : vector<16xf32> to vector<16xf32>
      tpu.vector_store %arg8[%swap3A_3041], %swap3A_3044 {strides = array<i32>} : memref<50176xf32, #tpu.memory_space<vmem>>, vector<16xf32>,
    }
    %scan3A_240 = arith.constant 392 : i32
    %mul3A_241 = arith.constant 8028160 : i32
    %mul3A_242 = arith.muli %select_n3A, %mul3A_241 : i32
    %add3A_243 = arith.constant 10 : i32
    %add3A_244 = arith.addi %mul3A_36, %add3A_243 : i32
    %mul3A_245 = arith.constant 50176 : i32
    %mul3A_246 = arith.muli %add3A_244, %mul3A_245 : i32
    %add3A_247 = arith.addi %mul3A_242, %mul3A_246 : i32
    %multiple_of3A_248 = tpu.assume_multiple %add3A_247, 8 : i32
    %dma_start3A_249 = tpu.memref_slice %arg5[%multiple_of3A_248] : memref<64225280xf32, #tpu.memory_space<hbm>> -> memref<50176xf32, #tpu.memory_space<hbm>>
    %dma_start3A_250 = tpu.memref_slice %arg5[%multiple_of3A_248] : memref<64225280xf32, #tpu.memory_space<hbm>> -> memref<50176xf32, #tpu.memory_space<hbm>>
    tpu.enqueue_dma source(%arg8 : memref<50176xf32, #tpu.memory_space<vmem>>) target(%dma_start3A_250 : memref<50176xf32, #tpu.memory_space<hbm>>) target_semaphore(%arg12 : memref<!tpu.dma_semaphore, #tpu.memory_space<semaphore_mem>>)
    %dma_wait3A_251 = tpu.memref_slice %arg5[%multiple_of3A_228] : memref<64225280xf32, #tpu.memory_space<hbm>> -> memref<50176xf32, #tpu.memory_space<hbm>>
    %dma_wait3A_252 = tpu.memref_slice %arg5[%multiple_of3A_228] : memref<64225280xf32, #tpu.memory_space<hbm>> -> memref<50176xf32, #tpu.memory_space<hbm>>
    tpu.wait_dma2 semaphore(%arg12 : memref<!tpu.dma_semaphore, #tpu.memory_space<semaphore_mem>>) src(%arg9 : memref<50176xf32, #tpu.memory_space<vmem>>) dst(%dma_wait3A_252 : memref<50176xf32, #tpu.memory_space<hbm>>)
    %slice3A_253 = vector.extract_strided_slice %get3A_39 {offsets = [11], sizes = [1], strides = [1]} : vector<16xf32> to vector<1xf32>
    %squeeze3A_254 = vector.extract %slice3A_253[0] : f32 from vector<1xf32>
    %broadcast_in_dim3A_255 = vector.broadcast %squeeze3A_254 : f32 to vector<16xf32>
    %scan3A_256 = arith.constant 0 : i32
    %scan3A_257 = arith.constant 392 : i32
    %scan3A_258 = arith.addi %scan3A_256, %scan3A_257 : i32
    %scan3A_259 = arith.constant 1 : i32
    scf.for %scan3A_2995 = %scan3A_256 to %scan3A_258 step %scan3A_259  : i32 {
      %mul3A_2996 = arith.constant 128 : i32
      %mul3A_2997 = arith.muli %scan3A_2995, %mul3A_2996 : i32
      %add3A_2998 = arith.constant 0 : i32
      %add3A_2999 = arith.addi %mul3A_2997, %add3A_2998 : i32
      %swap3A = arith.index_cast %add3A_2999 : i32 to index
      %swap3A_3000 = tpu.vector_load %arg9[%swap3A] {strides = array<i32>} : memref<50176xf32, #tpu.memory_space<vmem>>, vector<16xf32>,
      %swap3A_3001 = vector.shape_cast %swap3A_3000 : vector<16xf32> to vector<16xf32>
      %swap3A_3002 = vector.shape_cast %broadcast_in_dim3A_255 : vector<16xf32> to vector<16xf32>
      tpu.vector_store %arg9[%swap3A], %swap3A_3002 {strides = array<i32>} : memref<50176xf32, #tpu.memory_space<vmem>>, vector<16xf32>,
      %add3A_3003 = arith.constant 16 : i32
      %add3A_3004 = arith.addi %mul3A_2997, %add3A_3003 : i32
      %swap3A_3005 = arith.index_cast %add3A_3004 : i32 to index
      %swap3A_3006 = tpu.vector_load %arg9[%swap3A_3005] {strides = array<i32>} : memref<50176xf32, #tpu.memory_space<vmem>>, vector<16xf32>,
      %swap3A_3007 = vector.shape_cast %swap3A_3006 : vector<16xf32> to vector<16xf32>
      %swap3A_3008 = vector.shape_cast %broadcast_in_dim3A_255 : vector<16xf32> to vector<16xf32>
      tpu.vector_store %arg9[%swap3A_3005], %swap3A_3008 {strides = array<i32>} : memref<50176xf32, #tpu.memory_space<vmem>>, vector<16xf32>,
      %add3A_3009 = arith.constant 32 : i32
      %add3A_3010 = arith.addi %mul3A_2997, %add3A_3009 : i32
      %swap3A_3011 = arith.index_cast %add3A_3010 : i32 to index
      %swap3A_3012 = tpu.vector_load %arg9[%swap3A_3011] {strides = array<i32>} : memref<50176xf32, #tpu.memory_space<vmem>>, vector<16xf32>,
      %swap3A_3013 = vector.shape_cast %swap3A_3012 : vector<16xf32> to vector<16xf32>
      %swap3A_3014 = vector.shape_cast %broadcast_in_dim3A_255 : vector<16xf32> to vector<16xf32>
      tpu.vector_store %arg9[%swap3A_3011], %swap3A_3014 {strides = array<i32>} : memref<50176xf32, #tpu.memory_space<vmem>>, vector<16xf32>,
      %add3A_3015 = arith.constant 48 : i32
      %add3A_3016 = arith.addi %mul3A_2997, %add3A_3015 : i32
      %swap3A_3017 = arith.index_cast %add3A_3016 : i32 to index
      %swap3A_3018 = tpu.vector_load %arg9[%swap3A_3017] {strides = array<i32>} : memref<50176xf32, #tpu.memory_space<vmem>>, vector<16xf32>,
      %swap3A_3019 = vector.shape_cast %swap3A_3018 : vector<16xf32> to vector<16xf32>
      %swap3A_3020 = vector.shape_cast %broadcast_in_dim3A_255 : vector<16xf32> to vector<16xf32>
      tpu.vector_store %arg9[%swap3A_3017], %swap3A_3020 {strides = array<i32>} : memref<50176xf32, #tpu.memory_space<vmem>>, vector<16xf32>,
      %add3A_3021 = arith.constant 64 : i32
      %add3A_3022 = arith.addi %mul3A_2997, %add3A_3021 : i32
      %swap3A_3023 = arith.index_cast %add3A_3022 : i32 to index
      %swap3A_3024 = tpu.vector_load %arg9[%swap3A_3023] {strides = array<i32>} : memref<50176xf32, #tpu.memory_space<vmem>>, vector<16xf32>,
      %swap3A_3025 = vector.shape_cast %swap3A_3024 : vector<16xf32> to vector<16xf32>
      %swap3A_3026 = vector.shape_cast %broadcast_in_dim3A_255 : vector<16xf32> to vector<16xf32>
      tpu.vector_store %arg9[%swap3A_3023], %swap3A_3026 {strides = array<i32>} : memref<50176xf32, #tpu.memory_space<vmem>>, vector<16xf32>,
      %add3A_3027 = arith.constant 80 : i32
      %add3A_3028 = arith.addi %mul3A_2997, %add3A_3027 : i32
      %swap3A_3029 = arith.index_cast %add3A_3028 : i32 to index
      %swap3A_3030 = tpu.vector_load %arg9[%swap3A_3029] {strides = array<i32>} : memref<50176xf32, #tpu.memory_space<vmem>>, vector<16xf32>,
      %swap3A_3031 = vector.shape_cast %swap3A_3030 : vector<16xf32> to vector<16xf32>
      %swap3A_3032 = vector.shape_cast %broadcast_in_dim3A_255 : vector<16xf32> to vector<16xf32>
      tpu.vector_store %arg9[%swap3A_3029], %swap3A_3032 {strides = array<i32>} : memref<50176xf32, #tpu.memory_space<vmem>>, vector<16xf32>,
      %add3A_3033 = arith.constant 96 : i32
      %add3A_3034 = arith.addi %mul3A_2997, %add3A_3033 : i32
      %swap3A_3035 = arith.index_cast %add3A_3034 : i32 to index
      %swap3A_3036 = tpu.vector_load %arg9[%swap3A_3035] {strides = array<i32>} : memref<50176xf32, #tpu.memory_space<vmem>>, vector<16xf32>,
      %swap3A_3037 = vector.shape_cast %swap3A_3036 : vector<16xf32> to vector<16xf32>
      %swap3A_3038 = vector.shape_cast %broadcast_in_dim3A_255 : vector<16xf32> to vector<16xf32>
      tpu.vector_store %arg9[%swap3A_3035], %swap3A_3038 {strides = array<i32>} : memref<50176xf32, #tpu.memory_space<vmem>>, vector<16xf32>,
      %add3A_3039 = arith.constant 112 : i32
      %add3A_3040 = arith.addi %mul3A_2997, %add3A_3039 : i32
      %swap3A_3041 = arith.index_cast %add3A_3040 : i32 to index
      %swap3A_3042 = tpu.vector_load %arg9[%swap3A_3041] {strides = array<i32>} : memref<50176xf32, #tpu.memory_space<vmem>>, vector<16xf32>,
      %swap3A_3043 = vector.shape_cast %swap3A_3042 : vector<16xf32> to vector<16xf32>
      %swap3A_3044 = vector.shape_cast %broadcast_in_dim3A_255 : vector<16xf32> to vector<16xf32>
      tpu.vector_store %arg9[%swap3A_3041], %swap3A_3044 {strides = array<i32>} : memref<50176xf32, #tpu.memory_space<vmem>>, vector<16xf32>,
    }
    %scan3A_260 = arith.constant 392 : i32
    %mul3A_261 = arith.constant 8028160 : i32
    %mul3A_262 = arith.muli %select_n3A, %mul3A_261 : i32
    %add3A_263 = arith.constant 11 : i32
    %add3A_264 = arith.addi %mul3A_36, %add3A_263 : i32
    %mul3A_265 = arith.constant 50176 : i32
    %mul3A_266 = arith.muli %add3A_264, %mul3A_265 : i32
    %add3A_267 = arith.addi %mul3A_262, %mul3A_266 : i32
    %multiple_of3A_268 = tpu.assume_multiple %add3A_267, 8 : i32
    %dma_start3A_269 = tpu.memref_slice %arg5[%multiple_of3A_268] : memref<64225280xf32, #tpu.memory_space<hbm>> -> memref<50176xf32, #tpu.memory_space<hbm>>
    %dma_start3A_270 = tpu.memref_slice %arg5[%multiple_of3A_268] : memref<64225280xf32, #tpu.memory_space<hbm>> -> memref<50176xf32, #tpu.memory_space<hbm>>
    tpu.enqueue_dma source(%arg9 : memref<50176xf32, #tpu.memory_space<vmem>>) target(%dma_start3A_270 : memref<50176xf32, #tpu.memory_space<hbm>>) target_semaphore(%arg12 : memref<!tpu.dma_semaphore, #tpu.memory_space<semaphore_mem>>)
    %dma_wait3A_271 = tpu.memref_slice %arg5[%multiple_of3A_248] : memref<64225280xf32, #tpu.memory_space<hbm>> -> memref<50176xf32, #tpu.memory_space<hbm>>
    %dma_wait3A_272 = tpu.memref_slice %arg5[%multiple_of3A_248] : memref<64225280xf32, #tpu.memory_space<hbm>> -> memref<50176xf32, #tpu.memory_space<hbm>>
    tpu.wait_dma2 semaphore(%arg12 : memref<!tpu.dma_semaphore, #tpu.memory_space<semaphore_mem>>) src(%arg8 : memref<50176xf32, #tpu.memory_space<vmem>>) dst(%dma_wait3A_272 : memref<50176xf32, #tpu.memory_space<hbm>>)
    %slice3A_273 = vector.extract_strided_slice %get3A_39 {offsets = [12], sizes = [1], strides = [1]} : vector<16xf32> to vector<1xf32>
    %squeeze3A_274 = vector.extract %slice3A_273[0] : f32 from vector<1xf32>
    %broadcast_in_dim3A_275 = vector.broadcast %squeeze3A_274 : f32 to vector<16xf32>
    %scan3A_276 = arith.constant 0 : i32
    %scan3A_277 = arith.constant 392 : i32
    %scan3A_278 = arith.addi %scan3A_276, %scan3A_277 : i32
    %scan3A_279 = arith.constant 1 : i32
    scf.for %scan3A_2995 = %scan3A_276 to %scan3A_278 step %scan3A_279  : i32 {
      %mul3A_2996 = arith.constant 128 : i32
      %mul3A_2997 = arith.muli %scan3A_2995, %mul3A_2996 : i32
      %add3A_2998 = arith.constant 0 : i32
      %add3A_2999 = arith.addi %mul3A_2997, %add3A_2998 : i32
      %swap3A = arith.index_cast %add3A_2999 : i32 to index
      %swap3A_3000 = tpu.vector_load %arg8[%swap3A] {strides = array<i32>} : memref<50176xf32, #tpu.memory_space<vmem>>, vector<16xf32>,
      %swap3A_3001 = vector.shape_cast %swap3A_3000 : vector<16xf32> to vector<16xf32>
      %swap3A_3002 = vector.shape_cast %broadcast_in_dim3A_275 : vector<16xf32> to vector<16xf32>
      tpu.vector_store %arg8[%swap3A], %swap3A_3002 {strides = array<i32>} : memref<50176xf32, #tpu.memory_space<vmem>>, vector<16xf32>,
      %add3A_3003 = arith.constant 16 : i32
      %add3A_3004 = arith.addi %mul3A_2997, %add3A_3003 : i32
      %swap3A_3005 = arith.index_cast %add3A_3004 : i32 to index
      %swap3A_3006 = tpu.vector_load %arg8[%swap3A_3005] {strides = array<i32>} : memref<50176xf32, #tpu.memory_space<vmem>>, vector<16xf32>,
      %swap3A_3007 = vector.shape_cast %swap3A_3006 : vector<16xf32> to vector<16xf32>
      %swap3A_3008 = vector.shape_cast %broadcast_in_dim3A_275 : vector<16xf32> to vector<16xf32>
      tpu.vector_store %arg8[%swap3A_3005], %swap3A_3008 {strides = array<i32>} : memref<50176xf32, #tpu.memory_space<vmem>>, vector<16xf32>,
      %add3A_3009 = arith.constant 32 : i32
      %add3A_3010 = arith.addi %mul3A_2997, %add3A_3009 : i32
      %swap3A_3011 = arith.index_cast %add3A_3010 : i32 to index
      %swap3A_3012 = tpu.vector_load %arg8[%swap3A_3011] {strides = array<i32>} : memref<50176xf32, #tpu.memory_space<vmem>>, vector<16xf32>,
      %swap3A_3013 = vector.shape_cast %swap3A_3012 : vector<16xf32> to vector<16xf32>
      %swap3A_3014 = vector.shape_cast %broadcast_in_dim3A_275 : vector<16xf32> to vector<16xf32>
      tpu.vector_store %arg8[%swap3A_3011], %swap3A_3014 {strides = array<i32>} : memref<50176xf32, #tpu.memory_space<vmem>>, vector<16xf32>,
      %add3A_3015 = arith.constant 48 : i32
      %add3A_3016 = arith.addi %mul3A_2997, %add3A_3015 : i32
      %swap3A_3017 = arith.index_cast %add3A_3016 : i32 to index
      %swap3A_3018 = tpu.vector_load %arg8[%swap3A_3017] {strides = array<i32>} : memref<50176xf32, #tpu.memory_space<vmem>>, vector<16xf32>,
      %swap3A_3019 = vector.shape_cast %swap3A_3018 : vector<16xf32> to vector<16xf32>
      %swap3A_3020 = vector.shape_cast %broadcast_in_dim3A_275 : vector<16xf32> to vector<16xf32>
      tpu.vector_store %arg8[%swap3A_3017], %swap3A_3020 {strides = array<i32>} : memref<50176xf32, #tpu.memory_space<vmem>>, vector<16xf32>,
      %add3A_3021 = arith.constant 64 : i32
      %add3A_3022 = arith.addi %mul3A_2997, %add3A_3021 : i32
      %swap3A_3023 = arith.index_cast %add3A_3022 : i32 to index
      %swap3A_3024 = tpu.vector_load %arg8[%swap3A_3023] {strides = array<i32>} : memref<50176xf32, #tpu.memory_space<vmem>>, vector<16xf32>,
      %swap3A_3025 = vector.shape_cast %swap3A_3024 : vector<16xf32> to vector<16xf32>
      %swap3A_3026 = vector.shape_cast %broadcast_in_dim3A_275 : vector<16xf32> to vector<16xf32>
      tpu.vector_store %arg8[%swap3A_3023], %swap3A_3026 {strides = array<i32>} : memref<50176xf32, #tpu.memory_space<vmem>>, vector<16xf32>,
      %add3A_3027 = arith.constant 80 : i32
      %add3A_3028 = arith.addi %mul3A_2997, %add3A_3027 : i32
      %swap3A_3029 = arith.index_cast %add3A_3028 : i32 to index
      %swap3A_3030 = tpu.vector_load %arg8[%swap3A_3029] {strides = array<i32>} : memref<50176xf32, #tpu.memory_space<vmem>>, vector<16xf32>,
      %swap3A_3031 = vector.shape_cast %swap3A_3030 : vector<16xf32> to vector<16xf32>
      %swap3A_3032 = vector.shape_cast %broadcast_in_dim3A_275 : vector<16xf32> to vector<16xf32>
      tpu.vector_store %arg8[%swap3A_3029], %swap3A_3032 {strides = array<i32>} : memref<50176xf32, #tpu.memory_space<vmem>>, vector<16xf32>,
      %add3A_3033 = arith.constant 96 : i32
      %add3A_3034 = arith.addi %mul3A_2997, %add3A_3033 : i32
      %swap3A_3035 = arith.index_cast %add3A_3034 : i32 to index
      %swap3A_3036 = tpu.vector_load %arg8[%swap3A_3035] {strides = array<i32>} : memref<50176xf32, #tpu.memory_space<vmem>>, vector<16xf32>,
      %swap3A_3037 = vector.shape_cast %swap3A_3036 : vector<16xf32> to vector<16xf32>
      %swap3A_3038 = vector.shape_cast %broadcast_in_dim3A_275 : vector<16xf32> to vector<16xf32>
      tpu.vector_store %arg8[%swap3A_3035], %swap3A_3038 {strides = array<i32>} : memref<50176xf32, #tpu.memory_space<vmem>>, vector<16xf32>,
      %add3A_3039 = arith.constant 112 : i32
      %add3A_3040 = arith.addi %mul3A_2997, %add3A_3039 : i32
      %swap3A_3041 = arith.index_cast %add3A_3040 : i32 to index
      %swap3A_3042 = tpu.vector_load %arg8[%swap3A_3041] {strides = array<i32>} : memref<50176xf32, #tpu.memory_space<vmem>>, vector<16xf32>,
      %swap3A_3043 = vector.shape_cast %swap3A_3042 : vector<16xf32> to vector<16xf32>
      %swap3A_3044 = vector.shape_cast %broadcast_in_dim3A_275 : vector<16xf32> to vector<16xf32>
      tpu.vector_store %arg8[%swap3A_3041], %swap3A_3044 {strides = array<i32>} : memref<50176xf32, #tpu.memory_space<vmem>>, vector<16xf32>,
    }
    %scan3A_280 = arith.constant 392 : i32
    %mul3A_281 = arith.constant 8028160 : i32
    %mul3A_282 = arith.muli %select_n3A, %mul3A_281 : i32
    %add3A_283 = arith.constant 12 : i32
    %add3A_284 = arith.addi %mul3A_36, %add3A_283 : i32
    %mul3A_285 = arith.constant 50176 : i32
    %mul3A_286 = arith.muli %add3A_284, %mul3A_285 : i32
    %add3A_287 = arith.addi %mul3A_282, %mul3A_286 : i32
    %multiple_of3A_288 = tpu.assume_multiple %add3A_287, 8 : i32
    %dma_start3A_289 = tpu.memref_slice %arg5[%multiple_of3A_288] : memref<64225280xf32, #tpu.memory_space<hbm>> -> memref<50176xf32, #tpu.memory_space<hbm>>
    %dma_start3A_290 = tpu.memref_slice %arg5[%multiple_of3A_288] : memref<64225280xf32, #tpu.memory_space<hbm>> -> memref<50176xf32, #tpu.memory_space<hbm>>
    tpu.enqueue_dma source(%arg8 : memref<50176xf32, #tpu.memory_space<vmem>>) target(%dma_start3A_290 : memref<50176xf32, #tpu.memory_space<hbm>>) target_semaphore(%arg12 : memref<!tpu.dma_semaphore, #tpu.memory_space<semaphore_mem>>)
    %dma_wait3A_291 = tpu.memref_slice %arg5[%multiple_of3A_268] : memref<64225280xf32, #tpu.memory_space<hbm>> -> memref<50176xf32, #tpu.memory_space<hbm>>
    %dma_wait3A_292 = tpu.memref_slice %arg5[%multiple_of3A_268] : memref<64225280xf32, #tpu.memory_space<hbm>> -> memref<50176xf32, #tpu.memory_space<hbm>>
    tpu.wait_dma2 semaphore(%arg12 : memref<!tpu.dma_semaphore, #tpu.memory_space<semaphore_mem>>) src(%arg9 : memref<50176xf32, #tpu.memory_space<vmem>>) dst(%dma_wait3A_292 : memref<50176xf32, #tpu.memory_space<hbm>>)
    %slice3A_293 = vector.extract_strided_slice %get3A_39 {offsets = [13], sizes = [1], strides = [1]} : vector<16xf32> to vector<1xf32>
    %squeeze3A_294 = vector.extract %slice3A_293[0] : f32 from vector<1xf32>
    %broadcast_in_dim3A_295 = vector.broadcast %squeeze3A_294 : f32 to vector<16xf32>
    %scan3A_296 = arith.constant 0 : i32
    %scan3A_297 = arith.constant 392 : i32
    %scan3A_298 = arith.addi %scan3A_296, %scan3A_297 : i32
    %scan3A_299 = arith.constant 1 : i32
    scf.for %scan3A_2995 = %scan3A_296 to %scan3A_298 step %scan3A_299  : i32 {
      %mul3A_2996 = arith.constant 128 : i32
      %mul3A_2997 = arith.muli %scan3A_2995, %mul3A_2996 : i32
      %add3A_2998 = arith.constant 0 : i32
      %add3A_2999 = arith.addi %mul3A_2997, %add3A_2998 : i32
      %swap3A = arith.index_cast %add3A_2999 : i32 to index
      %swap3A_3000 = tpu.vector_load %arg9[%swap3A] {strides = array<i32>} : memref<50176xf32, #tpu.memory_space<vmem>>, vector<16xf32>,
      %swap3A_3001 = vector.shape_cast %swap3A_3000 : vector<16xf32> to vector<16xf32>
      %swap3A_3002 = vector.shape_cast %broadcast_in_dim3A_295 : vector<16xf32> to vector<16xf32>
      tpu.vector_store %arg9[%swap3A], %swap3A_3002 {strides = array<i32>} : memref<50176xf32, #tpu.memory_space<vmem>>, vector<16xf32>,
      %add3A_3003 = arith.constant 16 : i32
      %add3A_3004 = arith.addi %mul3A_2997, %add3A_3003 : i32
      %swap3A_3005 = arith.index_cast %add3A_3004 : i32 to index
      %swap3A_3006 = tpu.vector_load %arg9[%swap3A_3005] {strides = array<i32>} : memref<50176xf32, #tpu.memory_space<vmem>>, vector<16xf32>,
      %swap3A_3007 = vector.shape_cast %swap3A_3006 : vector<16xf32> to vector<16xf32>
      %swap3A_3008 = vector.shape_cast %broadcast_in_dim3A_295 : vector<16xf32> to vector<16xf32>
      tpu.vector_store %arg9[%swap3A_3005], %swap3A_3008 {strides = array<i32>} : memref<50176xf32, #tpu.memory_space<vmem>>, vector<16xf32>,
      %add3A_3009 = arith.constant 32 : i32
      %add3A_3010 = arith.addi %mul3A_2997, %add3A_3009 : i32
      %swap3A_3011 = arith.index_cast %add3A_3010 : i32 to index
      %swap3A_3012 = tpu.vector_load %arg9[%swap3A_3011] {strides = array<i32>} : memref<50176xf32, #tpu.memory_space<vmem>>, vector<16xf32>,
      %swap3A_3013 = vector.shape_cast %swap3A_3012 : vector<16xf32> to vector<16xf32>
      %swap3A_3014 = vector.shape_cast %broadcast_in_dim3A_295 : vector<16xf32> to vector<16xf32>
      tpu.vector_store %arg9[%swap3A_3011], %swap3A_3014 {strides = array<i32>} : memref<50176xf32, #tpu.memory_space<vmem>>, vector<16xf32>,
      %add3A_3015 = arith.constant 48 : i32
      %add3A_3016 = arith.addi %mul3A_2997, %add3A_3015 : i32
      %swap3A_3017 = arith.index_cast %add3A_3016 : i32 to index
      %swap3A_3018 = tpu.vector_load %arg9[%swap3A_3017] {strides = array<i32>} : memref<50176xf32, #tpu.memory_space<vmem>>, vector<16xf32>,
      %swap3A_3019 = vector.shape_cast %swap3A_3018 : vector<16xf32> to vector<16xf32>
      %swap3A_3020 = vector.shape_cast %broadcast_in_dim3A_295 : vector<16xf32> to vector<16xf32>
      tpu.vector_store %arg9[%swap3A_3017], %swap3A_3020 {strides = array<i32>} : memref<50176xf32, #tpu.memory_space<vmem>>, vector<16xf32>,
      %add3A_3021 = arith.constant 64 : i32
      %add3A_3022 = arith.addi %mul3A_2997, %add3A_3021 : i32
      %swap3A_3023 = arith.index_cast %add3A_3022 : i32 to index
      %swap3A_3024 = tpu.vector_load %arg9[%swap3A_3023] {strides = array<i32>} : memref<50176xf32, #tpu.memory_space<vmem>>, vector<16xf32>,
      %swap3A_3025 = vector.shape_cast %swap3A_3024 : vector<16xf32> to vector<16xf32>
      %swap3A_3026 = vector.shape_cast %broadcast_in_dim3A_295 : vector<16xf32> to vector<16xf32>
      tpu.vector_store %arg9[%swap3A_3023], %swap3A_3026 {strides = array<i32>} : memref<50176xf32, #tpu.memory_space<vmem>>, vector<16xf32>,
      %add3A_3027 = arith.constant 80 : i32
      %add3A_3028 = arith.addi %mul3A_2997, %add3A_3027 : i32
      %swap3A_3029 = arith.index_cast %add3A_3028 : i32 to index
      %swap3A_3030 = tpu.vector_load %arg9[%swap3A_3029] {strides = array<i32>} : memref<50176xf32, #tpu.memory_space<vmem>>, vector<16xf32>,
      %swap3A_3031 = vector.shape_cast %swap3A_3030 : vector<16xf32> to vector<16xf32>
      %swap3A_3032 = vector.shape_cast %broadcast_in_dim3A_295 : vector<16xf32> to vector<16xf32>
      tpu.vector_store %arg9[%swap3A_3029], %swap3A_3032 {strides = array<i32>} : memref<50176xf32, #tpu.memory_space<vmem>>, vector<16xf32>,
      %add3A_3033 = arith.constant 96 : i32
      %add3A_3034 = arith.addi %mul3A_2997, %add3A_3033 : i32
      %swap3A_3035 = arith.index_cast %add3A_3034 : i32 to index
      %swap3A_3036 = tpu.vector_load %arg9[%swap3A_3035] {strides = array<i32>} : memref<50176xf32, #tpu.memory_space<vmem>>, vector<16xf32>,
      %swap3A_3037 = vector.shape_cast %swap3A_3036 : vector<16xf32> to vector<16xf32>
      %swap3A_3038 = vector.shape_cast %broadcast_in_dim3A_295 : vector<16xf32> to vector<16xf32>
      tpu.vector_store %arg9[%swap3A_3035], %swap3A_3038 {strides = array<i32>} : memref<50176xf32, #tpu.memory_space<vmem>>, vector<16xf32>,
      %add3A_3039 = arith.constant 112 : i32
      %add3A_3040 = arith.addi %mul3A_2997, %add3A_3039 : i32
      %swap3A_3041 = arith.index_cast %add3A_3040 : i32 to index
      %swap3A_3042 = tpu.vector_load %arg9[%swap3A_3041] {strides = array<i32>} : memref<50176xf32, #tpu.memory_space<vmem>>, vector<16xf32>,
      %swap3A_3043 = vector.shape_cast %swap3A_3042 : vector<16xf32> to vector<16xf32>
      %swap3A_3044 = vector.shape_cast %broadcast_in_dim3A_295 : vector<16xf32> to vector<16xf32>
      tpu.vector_store %arg9[%swap3A_3041], %swap3A_3044 {strides = array<i32>} : memref<50176xf32, #tpu.memory_space<vmem>>, vector<16xf32>,
    }
    %scan3A_300 = arith.constant 392 : i32
    %mul3A_301 = arith.constant 8028160 : i32
    %mul3A_302 = arith.muli %select_n3A, %mul3A_301 : i32
    %add3A_303 = arith.constant 13 : i32
    %add3A_304 = arith.addi %mul3A_36, %add3A_303 : i32
    %mul3A_305 = arith.constant 50176 : i32
    %mul3A_306 = arith.muli %add3A_304, %mul3A_305 : i32
    %add3A_307 = arith.addi %mul3A_302, %mul3A_306 : i32
    %multiple_of3A_308 = tpu.assume_multiple %add3A_307, 8 : i32
    %dma_start3A_309 = tpu.memref_slice %arg5[%multiple_of3A_308] : memref<64225280xf32, #tpu.memory_space<hbm>> -> memref<50176xf32, #tpu.memory_space<hbm>>
    %dma_start3A_310 = tpu.memref_slice %arg5[%multiple_of3A_308] : memref<64225280xf32, #tpu.memory_space<hbm>> -> memref<50176xf32, #tpu.memory_space<hbm>>
    tpu.enqueue_dma source(%arg9 : memref<50176xf32, #tpu.memory_space<vmem>>) target(%dma_start3A_310 : memref<50176xf32, #tpu.memory_space<hbm>>) target_semaphore(%arg12 : memref<!tpu.dma_semaphore, #tpu.memory_space<semaphore_mem>>)
    %dma_wait3A_311 = tpu.memref_slice %arg5[%multiple_of3A_288] : memref<64225280xf32, #tpu.memory_space<hbm>> -> memref<50176xf32, #tpu.memory_space<hbm>>
    %dma_wait3A_312 = tpu.memref_slice %arg5[%multiple_of3A_288] : memref<64225280xf32, #tpu.memory_space<hbm>> -> memref<50176xf32, #tpu.memory_space<hbm>>
    tpu.wait_dma2 semaphore(%arg12 : memref<!tpu.dma_semaphore, #tpu.memory_space<semaphore_mem>>) src(%arg8 : memref<50176xf32, #tpu.memory_space<vmem>>) dst(%dma_wait3A_312 : memref<50176xf32, #tpu.memory_space<hbm>>)
    %slice3A_313 = vector.extract_strided_slice %get3A_39 {offsets = [14], sizes = [1], strides = [1]} : vector<16xf32> to vector<1xf32>
    %squeeze3A_314 = vector.extract %slice3A_313[0] : f32 from vector<1xf32>
    %broadcast_in_dim3A_315 = vector.broadcast %squeeze3A_314 : f32 to vector<16xf32>
    %scan3A_316 = arith.constant 0 : i32
    %scan3A_317 = arith.constant 392 : i32
    %scan3A_318 = arith.addi %scan3A_316, %scan3A_317 : i32
    %scan3A_319 = arith.constant 1 : i32
    scf.for %scan3A_2995 = %scan3A_316 to %scan3A_318 step %scan3A_319  : i32 {
      %mul3A_2996 = arith.constant 128 : i32
      %mul3A_2997 = arith.muli %scan3A_2995, %mul3A_2996 : i32
      %add3A_2998 = arith.constant 0 : i32
      %add3A_2999 = arith.addi %mul3A_2997, %add3A_2998 : i32
      %swap3A = arith.index_cast %add3A_2999 : i32 to index
      %swap3A_3000 = tpu.vector_load %arg8[%swap3A] {strides = array<i32>} : memref<50176xf32, #tpu.memory_space<vmem>>, vector<16xf32>,
      %swap3A_3001 = vector.shape_cast %swap3A_3000 : vector<16xf32> to vector<16xf32>
      %swap3A_3002 = vector.shape_cast %broadcast_in_dim3A_315 : vector<16xf32> to vector<16xf32>
      tpu.vector_store %arg8[%swap3A], %swap3A_3002 {strides = array<i32>} : memref<50176xf32, #tpu.memory_space<vmem>>, vector<16xf32>,
      %add3A_3003 = arith.constant 16 : i32
      %add3A_3004 = arith.addi %mul3A_2997, %add3A_3003 : i32
      %swap3A_3005 = arith.index_cast %add3A_3004 : i32 to index
      %swap3A_3006 = tpu.vector_load %arg8[%swap3A_3005] {strides = array<i32>} : memref<50176xf32, #tpu.memory_space<vmem>>, vector<16xf32>,
      %swap3A_3007 = vector.shape_cast %swap3A_3006 : vector<16xf32> to vector<16xf32>
      %swap3A_3008 = vector.shape_cast %broadcast_in_dim3A_315 : vector<16xf32> to vector<16xf32>
      tpu.vector_store %arg8[%swap3A_3005], %swap3A_3008 {strides = array<i32>} : memref<50176xf32, #tpu.memory_space<vmem>>, vector<16xf32>,
      %add3A_3009 = arith.constant 32 : i32
      %add3A_3010 = arith.addi %mul3A_2997, %add3A_3009 : i32
      %swap3A_3011 = arith.index_cast %add3A_3010 : i32 to index
      %swap3A_3012 = tpu.vector_load %arg8[%swap3A_3011] {strides = array<i32>} : memref<50176xf32, #tpu.memory_space<vmem>>, vector<16xf32>,
      %swap3A_3013 = vector.shape_cast %swap3A_3012 : vector<16xf32> to vector<16xf32>
      %swap3A_3014 = vector.shape_cast %broadcast_in_dim3A_315 : vector<16xf32> to vector<16xf32>
      tpu.vector_store %arg8[%swap3A_3011], %swap3A_3014 {strides = array<i32>} : memref<50176xf32, #tpu.memory_space<vmem>>, vector<16xf32>,
      %add3A_3015 = arith.constant 48 : i32
      %add3A_3016 = arith.addi %mul3A_2997, %add3A_3015 : i32
      %swap3A_3017 = arith.index_cast %add3A_3016 : i32 to index
      %swap3A_3018 = tpu.vector_load %arg8[%swap3A_3017] {strides = array<i32>} : memref<50176xf32, #tpu.memory_space<vmem>>, vector<16xf32>,
      %swap3A_3019 = vector.shape_cast %swap3A_3018 : vector<16xf32> to vector<16xf32>
      %swap3A_3020 = vector.shape_cast %broadcast_in_dim3A_315 : vector<16xf32> to vector<16xf32>
      tpu.vector_store %arg8[%swap3A_3017], %swap3A_3020 {strides = array<i32>} : memref<50176xf32, #tpu.memory_space<vmem>>, vector<16xf32>,
      %add3A_3021 = arith.constant 64 : i32
      %add3A_3022 = arith.addi %mul3A_2997, %add3A_3021 : i32
      %swap3A_3023 = arith.index_cast %add3A_3022 : i32 to index
      %swap3A_3024 = tpu.vector_load %arg8[%swap3A_3023] {strides = array<i32>} : memref<50176xf32, #tpu.memory_space<vmem>>, vector<16xf32>,
      %swap3A_3025 = vector.shape_cast %swap3A_3024 : vector<16xf32> to vector<16xf32>
      %swap3A_3026 = vector.shape_cast %broadcast_in_dim3A_315 : vector<16xf32> to vector<16xf32>
      tpu.vector_store %arg8[%swap3A_3023], %swap3A_3026 {strides = array<i32>} : memref<50176xf32, #tpu.memory_space<vmem>>, vector<16xf32>,
      %add3A_3027 = arith.constant 80 : i32
      %add3A_3028 = arith.addi %mul3A_2997, %add3A_3027 : i32
      %swap3A_3029 = arith.index_cast %add3A_3028 : i32 to index
      %swap3A_3030 = tpu.vector_load %arg8[%swap3A_3029] {strides = array<i32>} : memref<50176xf32, #tpu.memory_space<vmem>>, vector<16xf32>,
      %swap3A_3031 = vector.shape_cast %swap3A_3030 : vector<16xf32> to vector<16xf32>
      %swap3A_3032 = vector.shape_cast %broadcast_in_dim3A_315 : vector<16xf32> to vector<16xf32>
      tpu.vector_store %arg8[%swap3A_3029], %swap3A_3032 {strides = array<i32>} : memref<50176xf32, #tpu.memory_space<vmem>>, vector<16xf32>,
      %add3A_3033 = arith.constant 96 : i32
      %add3A_3034 = arith.addi %mul3A_2997, %add3A_3033 : i32
      %swap3A_3035 = arith.index_cast %add3A_3034 : i32 to index
      %swap3A_3036 = tpu.vector_load %arg8[%swap3A_3035] {strides = array<i32>} : memref<50176xf32, #tpu.memory_space<vmem>>, vector<16xf32>,
      %swap3A_3037 = vector.shape_cast %swap3A_3036 : vector<16xf32> to vector<16xf32>
      %swap3A_3038 = vector.shape_cast %broadcast_in_dim3A_315 : vector<16xf32> to vector<16xf32>
      tpu.vector_store %arg8[%swap3A_3035], %swap3A_3038 {strides = array<i32>} : memref<50176xf32, #tpu.memory_space<vmem>>, vector<16xf32>,
      %add3A_3039 = arith.constant 112 : i32
      %add3A_3040 = arith.addi %mul3A_2997, %add3A_3039 : i32
      %swap3A_3041 = arith.index_cast %add3A_3040 : i32 to index
      %swap3A_3042 = tpu.vector_load %arg8[%swap3A_3041] {strides = array<i32>} : memref<50176xf32, #tpu.memory_space<vmem>>, vector<16xf32>,
      %swap3A_3043 = vector.shape_cast %swap3A_3042 : vector<16xf32> to vector<16xf32>
      %swap3A_3044 = vector.shape_cast %broadcast_in_dim3A_315 : vector<16xf32> to vector<16xf32>
      tpu.vector_store %arg8[%swap3A_3041], %swap3A_3044 {strides = array<i32>} : memref<50176xf32, #tpu.memory_space<vmem>>, vector<16xf32>,
    }
    %scan3A_320 = arith.constant 392 : i32
    %mul3A_321 = arith.constant 8028160 : i32
    %mul3A_322 = arith.muli %select_n3A, %mul3A_321 : i32
    %add3A_323 = arith.constant 14 : i32
    %add3A_324 = arith.addi %mul3A_36, %add3A_323 : i32
    %mul3A_325 = arith.constant 50176 : i32
    %mul3A_326 = arith.muli %add3A_324, %mul3A_325 : i32
    %add3A_327 = arith.addi %mul3A_322, %mul3A_326 : i32
    %multiple_of3A_328 = tpu.assume_multiple %add3A_327, 8 : i32
    %dma_start3A_329 = tpu.memref_slice %arg5[%multiple_of3A_328] : memref<64225280xf32, #tpu.memory_space<hbm>> -> memref<50176xf32, #tpu.memory_space<hbm>>
    %dma_start3A_330 = tpu.memref_slice %arg5[%multiple_of3A_328] : memref<64225280xf32, #tpu.memory_space<hbm>> -> memref<50176xf32, #tpu.memory_space<hbm>>
    tpu.enqueue_dma source(%arg8 : memref<50176xf32, #tpu.memory_space<vmem>>) target(%dma_start3A_330 : memref<50176xf32, #tpu.memory_space<hbm>>) target_semaphore(%arg12 : memref<!tpu.dma_semaphore, #tpu.memory_space<semaphore_mem>>)
    %dma_wait3A_331 = tpu.memref_slice %arg5[%multiple_of3A_308] : memref<64225280xf32, #tpu.memory_space<hbm>> -> memref<50176xf32, #tpu.memory_space<hbm>>
    %dma_wait3A_332 = tpu.memref_slice %arg5[%multiple_of3A_308] : memref<64225280xf32, #tpu.memory_space<hbm>> -> memref<50176xf32, #tpu.memory_space<hbm>>
    tpu.wait_dma2 semaphore(%arg12 : memref<!tpu.dma_semaphore, #tpu.memory_space<semaphore_mem>>) src(%arg9 : memref<50176xf32, #tpu.memory_space<vmem>>) dst(%dma_wait3A_332 : memref<50176xf32, #tpu.memory_space<hbm>>)
    %slice3A_333 = vector.extract_strided_slice %get3A_39 {offsets = [15], sizes = [1], strides = [1]} : vector<16xf32> to vector<1xf32>
    %squeeze3A_334 = vector.extract %slice3A_333[0] : f32 from vector<1xf32>
    %broadcast_in_dim3A_335 = vector.broadcast %squeeze3A_334 : f32 to vector<16xf32>
    %scan3A_336 = arith.constant 0 : i32
    %scan3A_337 = arith.constant 392 : i32
    %scan3A_338 = arith.addi %scan3A_336, %scan3A_337 : i32
    %scan3A_339 = arith.constant 1 : i32
    scf.for %scan3A_2995 = %scan3A_336 to %scan3A_338 step %scan3A_339  : i32 {
      %mul3A_2996 = arith.constant 128 : i32
      %mul3A_2997 = arith.muli %scan3A_2995, %mul3A_2996 : i32
      %add3A_2998 = arith.constant 0 : i32
      %add3A_2999 = arith.addi %mul3A_2997, %add3A_2998 : i32
      %swap3A = arith.index_cast %add3A_2999 : i32 to index
      %swap3A_3000 = tpu.vector_load %arg9[%swap3A] {strides = array<i32>} : memref<50176xf32, #tpu.memory_space<vmem>>, vector<16xf32>,
      %swap3A_3001 = vector.shape_cast %swap3A_3000 : vector<16xf32> to vector<16xf32>
      %swap3A_3002 = vector.shape_cast %broadcast_in_dim3A_335 : vector<16xf32> to vector<16xf32>
      tpu.vector_store %arg9[%swap3A], %swap3A_3002 {strides = array<i32>} : memref<50176xf32, #tpu.memory_space<vmem>>, vector<16xf32>,
      %add3A_3003 = arith.constant 16 : i32
      %add3A_3004 = arith.addi %mul3A_2997, %add3A_3003 : i32
      %swap3A_3005 = arith.index_cast %add3A_3004 : i32 to index
      %swap3A_3006 = tpu.vector_load %arg9[%swap3A_3005] {strides = array<i32>} : memref<50176xf32, #tpu.memory_space<vmem>>, vector<16xf32>,
      %swap3A_3007 = vector.shape_cast %swap3A_3006 : vector<16xf32> to vector<16xf32>
      %swap3A_3008 = vector.shape_cast %broadcast_in_dim3A_335 : vector<16xf32> to vector<16xf32>
      tpu.vector_store %arg9[%swap3A_3005], %swap3A_3008 {strides = array<i32>} : memref<50176xf32, #tpu.memory_space<vmem>>, vector<16xf32>,
      %add3A_3009 = arith.constant 32 : i32
      %add3A_3010 = arith.addi %mul3A_2997, %add3A_3009 : i32
      %swap3A_3011 = arith.index_cast %add3A_3010 : i32 to index
      %swap3A_3012 = tpu.vector_load %arg9[%swap3A_3011] {strides = array<i32>} : memref<50176xf32, #tpu.memory_space<vmem>>, vector<16xf32>,
      %swap3A_3013 = vector.shape_cast %swap3A_3012 : vector<16xf32> to vector<16xf32>
      %swap3A_3014 = vector.shape_cast %broadcast_in_dim3A_335 : vector<16xf32> to vector<16xf32>
      tpu.vector_store %arg9[%swap3A_3011], %swap3A_3014 {strides = array<i32>} : memref<50176xf32, #tpu.memory_space<vmem>>, vector<16xf32>,
      %add3A_3015 = arith.constant 48 : i32
      %add3A_3016 = arith.addi %mul3A_2997, %add3A_3015 : i32
      %swap3A_3017 = arith.index_cast %add3A_3016 : i32 to index
      %swap3A_3018 = tpu.vector_load %arg9[%swap3A_3017] {strides = array<i32>} : memref<50176xf32, #tpu.memory_space<vmem>>, vector<16xf32>,
      %swap3A_3019 = vector.shape_cast %swap3A_3018 : vector<16xf32> to vector<16xf32>
      %swap3A_3020 = vector.shape_cast %broadcast_in_dim3A_335 : vector<16xf32> to vector<16xf32>
      tpu.vector_store %arg9[%swap3A_3017], %swap3A_3020 {strides = array<i32>} : memref<50176xf32, #tpu.memory_space<vmem>>, vector<16xf32>,
      %add3A_3021 = arith.constant 64 : i32
      %add3A_3022 = arith.addi %mul3A_2997, %add3A_3021 : i32
      %swap3A_3023 = arith.index_cast %add3A_3022 : i32 to index
      %swap3A_3024 = tpu.vector_load %arg9[%swap3A_3023] {strides = array<i32>} : memref<50176xf32, #tpu.memory_space<vmem>>, vector<16xf32>,
      %swap3A_3025 = vector.shape_cast %swap3A_3024 : vector<16xf32> to vector<16xf32>
      %swap3A_3026 = vector.shape_cast %broadcast_in_dim3A_335 : vector<16xf32> to vector<16xf32>
      tpu.vector_store %arg9[%swap3A_3023], %swap3A_3026 {strides = array<i32>} : memref<50176xf32, #tpu.memory_space<vmem>>, vector<16xf32>,
      %add3A_3027 = arith.constant 80 : i32
      %add3A_3028 = arith.addi %mul3A_2997, %add3A_3027 : i32
      %swap3A_3029 = arith.index_cast %add3A_3028 : i32 to index
      %swap3A_3030 = tpu.vector_load %arg9[%swap3A_3029] {strides = array<i32>} : memref<50176xf32, #tpu.memory_space<vmem>>, vector<16xf32>,
      %swap3A_3031 = vector.shape_cast %swap3A_3030 : vector<16xf32> to vector<16xf32>
      %swap3A_3032 = vector.shape_cast %broadcast_in_dim3A_335 : vector<16xf32> to vector<16xf32>
      tpu.vector_store %arg9[%swap3A_3029], %swap3A_3032 {strides = array<i32>} : memref<50176xf32, #tpu.memory_space<vmem>>, vector<16xf32>,
      %add3A_3033 = arith.constant 96 : i32
      %add3A_3034 = arith.addi %mul3A_2997, %add3A_3033 : i32
      %swap3A_3035 = arith.index_cast %add3A_3034 : i32 to index
      %swap3A_3036 = tpu.vector_load %arg9[%swap3A_3035] {strides = array<i32>} : memref<50176xf32, #tpu.memory_space<vmem>>, vector<16xf32>,
      %swap3A_3037 = vector.shape_cast %swap3A_3036 : vector<16xf32> to vector<16xf32>
      %swap3A_3038 = vector.shape_cast %broadcast_in_dim3A_335 : vector<16xf32> to vector<16xf32>
      tpu.vector_store %arg9[%swap3A_3035], %swap3A_3038 {strides = array<i32>} : memref<50176xf32, #tpu.memory_space<vmem>>, vector<16xf32>,
      %add3A_3039 = arith.constant 112 : i32
      %add3A_3040 = arith.addi %mul3A_2997, %add3A_3039 : i32
      %swap3A_3041 = arith.index_cast %add3A_3040 : i32 to index
      %swap3A_3042 = tpu.vector_load %arg9[%swap3A_3041] {strides = array<i32>} : memref<50176xf32, #tpu.memory_space<vmem>>, vector<16xf32>,
      %swap3A_3043 = vector.shape_cast %swap3A_3042 : vector<16xf32> to vector<16xf32>
      %swap3A_3044 = vector.shape_cast %broadcast_in_dim3A_335 : vector<16xf32> to vector<16xf32>
      tpu.vector_store %arg9[%swap3A_3041], %swap3A_3044 {strides = array<i32>} : memref<50176xf32, #tpu.memory_space<vmem>>, vector<16xf32>,
    }
    %scan3A_340 = arith.constant 392 : i32
    %mul3A_341 = arith.constant 8028160 : i32
    %mul3A_342 = arith.muli %select_n3A, %mul3A_341 : i32
    %add3A_343 = arith.constant 15 : i32
    %add3A_344 = arith.addi %mul3A_36, %add3A_343 : i32
    %mul3A_345 = arith.constant 50176 : i32
    %mul3A_346 = arith.muli %add3A_344, %mul3A_345 : i32
    %add3A_347 = arith.addi %mul3A_342, %mul3A_346 : i32
    %multiple_of3A_348 = tpu.assume_multiple %add3A_347, 8 : i32
    %dma_start3A_349 = tpu.memref_slice %arg5[%multiple_of3A_348] : memref<64225280xf32, #tpu.memory_space<hbm>> -> memref<50176xf32, #tpu.memory_space<hbm>>
    %dma_start3A_350 = tpu.memref_slice %arg5[%multiple_of3A_348] : memref<64225280xf32, #tpu.memory_space<hbm>> -> memref<50176xf32, #tpu.memory_space<hbm>>
    tpu.enqueue_dma source(%arg9 : memref<50176xf32, #tpu.memory_space<vmem>>) target(%dma_start3A_350 : memref<50176xf32, #tpu.memory_space<hbm>>) target_semaphore(%arg12 : memref<!tpu.dma_semaphore, #tpu.memory_space<semaphore_mem>>)
    %dma_wait3A_351 = tpu.memref_slice %arg5[%multiple_of3A_328] : memref<64225280xf32, #tpu.memory_space<hbm>> -> memref<50176xf32, #tpu.memory_space<hbm>>
    %dma_wait3A_352 = tpu.memref_slice %arg5[%multiple_of3A_328] : memref<64225280xf32, #tpu.memory_space<hbm>> -> memref<50176xf32, #tpu.memory_space<hbm>>
    tpu.wait_dma2 semaphore(%arg12 : memref<!tpu.dma_semaphore, #tpu.memory_space<semaphore_mem>>) src(%arg8 : memref<50176xf32, #tpu.memory_space<vmem>>) dst(%dma_wait3A_352 : memref<50176xf32, #tpu.memory_space<hbm>>)
    %dma_wait3A_353 = tpu.memref_slice %arg5[%multiple_of3A_348] : memref<64225280xf32, #tpu.memory_space<hbm>> -> memref<50176xf32, #tpu.memory_space<hbm>>
    %dma_wait3A_354 = tpu.memref_slice %arg5[%multiple_of3A_348] : memref<64225280xf32, #tpu.memory_space<hbm>> -> memref<50176xf32, #tpu.memory_space<hbm>>
    tpu.wait_dma2 semaphore(%arg12 : memref<!tpu.dma_semaphore, #tpu.memory_space<semaphore_mem>>) src(%arg9 : memref<50176xf32, #tpu.memory_space<vmem>>) dst(%dma_wait3A_354 : memref<50176xf32, #tpu.memory_space<hbm>>)
    %mul3A_355 = arith.constant 24 : i32
    %mul3A_356 = arith.muli %add3A, %mul3A_355 : i32
    %add3A_357 = arith.constant 0 : i32
    %add3A_358 = arith.addi %mul3A_356, %add3A_357 : i32
    %jit3A_359 = arith.constant 96 : i32
    %div3A_360 = arith.divsi %add3A_358, %jit3A_359 : i32
    %sign3A_361 = arith.constant 0 : i32
    %sign3A_362 = arith.cmpi sgt, %add3A_358, %sign3A_361 : i32
    %sign3A_363 = arith.extui %sign3A_362 : i1 to i32
    %sign3A_364 = arith.constant 0 : i32
    %sign3A_365 = arith.cmpi slt, %add3A_358, %sign3A_364 : i32
    %sign3A_366 = arith.extui %sign3A_365 : i1 to i32
    %sign3A_367 = arith.subi %sign3A_363, %sign3A_366 : i32
    %sign3A_368 = arith.constant 0 : i32
    %sign3A_369 = arith.cmpi sgt, %jit3A_359, %sign3A_368 : i32
    %sign3A_370 = arith.extui %sign3A_369 : i1 to i32
    %sign3A_371 = arith.constant 0 : i32
    %sign3A_372 = arith.cmpi slt, %jit3A_359, %sign3A_371 : i32
    %sign3A_373 = arith.extui %sign3A_372 : i1 to i32
    %sign3A_374 = arith.subi %sign3A_370, %sign3A_373 : i32
    %ne3A_375 = arith.cmpi ne, %sign3A_367, %sign3A_374 : i32
    %rem3A_376 = arith.remsi %add3A_358, %jit3A_359 : i32
    %ne3A_377 = arith.constant 0 : i32
    %ne3A_378 = arith.cmpi ne, %rem3A_376, %ne3A_377 : i32
    %and3A_379 = arith.andi %ne3A_375, %ne3A_378 : i1
    %sub3A_380 = arith.constant 1 : i32
    %sub3A_381 = arith.subi %div3A_360, %sub3A_380 : i32
    %select_n3A_382 = arith.select %and3A_379, %sub3A_381, %div3A_360 : i32
    %jit3A_383 = arith.constant 96 : i32
    %eq3A_384 = arith.constant 0 : i32
    %eq3A_385 = arith.cmpi eq, %jit3A_383, %eq3A_384 : i32
    %jit3A_386 = arith.constant 1 : i32
    %select_n3A_387 = arith.select %eq3A_385, %jit3A_386, %jit3A_383 : i32
    %rem3A_388 = arith.remsi %add3A_358, %select_n3A_387 : i32
    %ne3A_389 = arith.constant 0 : i32
    %ne3A_390 = arith.cmpi ne, %rem3A_388, %ne3A_389 : i32
    %lt3A_391 = arith.constant 0 : i32
    %lt3A_392 = arith.cmpi slt, %rem3A_388, %lt3A_391 : i32
    %lt3A_393 = arith.constant 0 : i32
    %lt3A_394 = arith.cmpi slt, %select_n3A_387, %lt3A_393 : i32
    %ne3A_395 = arith.xori %lt3A_392, %lt3A_394 : i1
    %and3A_396 = arith.andi %ne3A_395, %ne3A_390 : i1
    %add3A_397 = arith.addi %rem3A_388, %select_n3A_387 : i32
    %select_n3A_398 = arith.select %and3A_396, %add3A_397, %rem3A_388 : i32
    %mul3A_399 = arith.constant 4816896 : i32
    %mul3A_400 = arith.muli %select_n3A_382, %mul3A_399 : i32
    %mul3A_401 = arith.constant 50176 : i32
    %mul3A_402 = arith.muli %select_n3A_398, %mul3A_401 : i32
    %add3A_403 = arith.addi %mul3A_400, %mul3A_402 : i32
    %multiple_of3A_404 = tpu.assume_multiple %add3A_403, 8 : i32
    %dma_start3A_405 = tpu.memref_slice %arg4[%multiple_of3A_404] : memref<38535168xf32, #tpu.memory_space<hbm>> -> memref<50176xf32, #tpu.memory_space<hbm>>
    %dma_start3A_406 = tpu.memref_slice %arg4[%multiple_of3A_404] : memref<38535168xf32, #tpu.memory_space<hbm>> -> memref<50176xf32, #tpu.memory_space<hbm>>
    tpu.enqueue_dma source(%dma_start3A_406 : memref<50176xf32, #tpu.memory_space<hbm>>) target(%arg8 : memref<50176xf32, #tpu.memory_space<vmem>>) target_semaphore(%arg11 : memref<!tpu.dma_semaphore, #tpu.memory_space<semaphore_mem>>)
    %dma_wait3A_407 = tpu.memref_slice %arg4[%multiple_of3A_404] : memref<38535168xf32, #tpu.memory_space<hbm>> -> memref<50176xf32, #tpu.memory_space<hbm>>
    %dma_wait3A_408 = tpu.memref_slice %arg4[%multiple_of3A_404] : memref<38535168xf32, #tpu.memory_space<hbm>> -> memref<50176xf32, #tpu.memory_space<hbm>>
    tpu.wait_dma2 semaphore(%arg11 : memref<!tpu.dma_semaphore, #tpu.memory_space<semaphore_mem>>) src(%dma_wait3A_408 : memref<50176xf32, #tpu.memory_space<hbm>>) dst(%arg8 : memref<50176xf32, #tpu.memory_space<vmem>>)
    %mul3A_409 = arith.constant 24 : i32
    %mul3A_410 = arith.muli %add3A, %mul3A_409 : i32
    %add3A_411 = arith.constant 1 : i32
    %add3A_412 = arith.addi %mul3A_410, %add3A_411 : i32
    %jit3A_413 = arith.constant 96 : i32
    %div3A_414 = arith.divsi %add3A_412, %jit3A_413 : i32
    %sign3A_415 = arith.constant 0 : i32
    %sign3A_416 = arith.cmpi sgt, %add3A_412, %sign3A_415 : i32
    %sign3A_417 = arith.extui %sign3A_416 : i1 to i32
    %sign3A_418 = arith.constant 0 : i32
    %sign3A_419 = arith.cmpi slt, %add3A_412, %sign3A_418 : i32
    %sign3A_420 = arith.extui %sign3A_419 : i1 to i32
    %sign3A_421 = arith.subi %sign3A_417, %sign3A_420 : i32
    %sign3A_422 = arith.constant 0 : i32
    %sign3A_423 = arith.cmpi sgt, %jit3A_413, %sign3A_422 : i32
    %sign3A_424 = arith.extui %sign3A_423 : i1 to i32
    %sign3A_425 = arith.constant 0 : i32
    %sign3A_426 = arith.cmpi slt, %jit3A_413, %sign3A_425 : i32
    %sign3A_427 = arith.extui %sign3A_426 : i1 to i32
    %sign3A_428 = arith.subi %sign3A_424, %sign3A_427 : i32
    %ne3A_429 = arith.cmpi ne, %sign3A_421, %sign3A_428 : i32
    %rem3A_430 = arith.remsi %add3A_412, %jit3A_413 : i32
    %ne3A_431 = arith.constant 0 : i32
    %ne3A_432 = arith.cmpi ne, %rem3A_430, %ne3A_431 : i32
    %and3A_433 = arith.andi %ne3A_429, %ne3A_432 : i1
    %sub3A_434 = arith.constant 1 : i32
    %sub3A_435 = arith.subi %div3A_414, %sub3A_434 : i32
    %select_n3A_436 = arith.select %and3A_433, %sub3A_435, %div3A_414 : i32
    %jit3A_437 = arith.constant 96 : i32
    %eq3A_438 = arith.constant 0 : i32
    %eq3A_439 = arith.cmpi eq, %jit3A_437, %eq3A_438 : i32
    %jit3A_440 = arith.constant 1 : i32
    %select_n3A_441 = arith.select %eq3A_439, %jit3A_440, %jit3A_437 : i32
    %rem3A_442 = arith.remsi %add3A_412, %select_n3A_441 : i32
    %ne3A_443 = arith.constant 0 : i32
    %ne3A_444 = arith.cmpi ne, %rem3A_442, %ne3A_443 : i32
    %lt3A_445 = arith.constant 0 : i32
    %lt3A_446 = arith.cmpi slt, %rem3A_442, %lt3A_445 : i32
    %lt3A_447 = arith.constant 0 : i32
    %lt3A_448 = arith.cmpi slt, %select_n3A_441, %lt3A_447 : i32
    %ne3A_449 = arith.xori %lt3A_446, %lt3A_448 : i1
    %and3A_450 = arith.andi %ne3A_449, %ne3A_444 : i1
    %add3A_451 = arith.addi %rem3A_442, %select_n3A_441 : i32
    %select_n3A_452 = arith.select %and3A_450, %add3A_451, %rem3A_442 : i32
    %mul3A_453 = arith.constant 4816896 : i32
    %mul3A_454 = arith.muli %select_n3A_436, %mul3A_453 : i32
    %mul3A_455 = arith.constant 50176 : i32
    %mul3A_456 = arith.muli %select_n3A_452, %mul3A_455 : i32
    %add3A_457 = arith.addi %mul3A_454, %mul3A_456 : i32
    %multiple_of3A_458 = tpu.assume_multiple %add3A_457, 8 : i32
    %dma_start3A_459 = tpu.memref_slice %arg4[%multiple_of3A_458] : memref<38535168xf32, #tpu.memory_space<hbm>> -> memref<50176xf32, #tpu.memory_space<hbm>>
    %dma_start3A_460 = tpu.memref_slice %arg4[%multiple_of3A_458] : memref<38535168xf32, #tpu.memory_space<hbm>> -> memref<50176xf32, #tpu.memory_space<hbm>>
    tpu.enqueue_dma source(%dma_start3A_460 : memref<50176xf32, #tpu.memory_space<hbm>>) target(%arg9 : memref<50176xf32, #tpu.memory_space<vmem>>) target_semaphore(%arg11 : memref<!tpu.dma_semaphore, #tpu.memory_space<semaphore_mem>>)
    %mul3A_461 = arith.constant 24 : i32
    %mul3A_462 = arith.muli %add3A, %mul3A_461 : i32
    %add3A_463 = arith.constant 0 : i32
    %add3A_464 = arith.addi %mul3A_462, %add3A_463 : i32
    %jit3A_465 = arith.constant 96 : i32
    %div3A_466 = arith.divsi %add3A_464, %jit3A_465 : i32
    %sign3A_467 = arith.constant 0 : i32
    %sign3A_468 = arith.cmpi sgt, %add3A_464, %sign3A_467 : i32
    %sign3A_469 = arith.extui %sign3A_468 : i1 to i32
    %sign3A_470 = arith.constant 0 : i32
    %sign3A_471 = arith.cmpi slt, %add3A_464, %sign3A_470 : i32
    %sign3A_472 = arith.extui %sign3A_471 : i1 to i32
    %sign3A_473 = arith.subi %sign3A_469, %sign3A_472 : i32
    %sign3A_474 = arith.constant 0 : i32
    %sign3A_475 = arith.cmpi sgt, %jit3A_465, %sign3A_474 : i32
    %sign3A_476 = arith.extui %sign3A_475 : i1 to i32
    %sign3A_477 = arith.constant 0 : i32
    %sign3A_478 = arith.cmpi slt, %jit3A_465, %sign3A_477 : i32
    %sign3A_479 = arith.extui %sign3A_478 : i1 to i32
    %sign3A_480 = arith.subi %sign3A_476, %sign3A_479 : i32
    %ne3A_481 = arith.cmpi ne, %sign3A_473, %sign3A_480 : i32
    %rem3A_482 = arith.remsi %add3A_464, %jit3A_465 : i32
    %ne3A_483 = arith.constant 0 : i32
    %ne3A_484 = arith.cmpi ne, %rem3A_482, %ne3A_483 : i32
    %and3A_485 = arith.andi %ne3A_481, %ne3A_484 : i1
    %sub3A_486 = arith.constant 1 : i32
    %sub3A_487 = arith.subi %div3A_466, %sub3A_486 : i32
    %select_n3A_488 = arith.select %and3A_485, %sub3A_487, %div3A_466 : i32
    %jit3A_489 = arith.constant 96 : i32
    %eq3A_490 = arith.constant 0 : i32
    %eq3A_491 = arith.cmpi eq, %jit3A_489, %eq3A_490 : i32
    %jit3A_492 = arith.constant 1 : i32
    %select_n3A_493 = arith.select %eq3A_491, %jit3A_492, %jit3A_489 : i32
    %rem3A_494 = arith.remsi %add3A_464, %select_n3A_493 : i32
    %ne3A_495 = arith.constant 0 : i32
    %ne3A_496 = arith.cmpi ne, %rem3A_494, %ne3A_495 : i32
    %lt3A_497 = arith.constant 0 : i32
    %lt3A_498 = arith.cmpi slt, %rem3A_494, %lt3A_497 : i32
    %lt3A_499 = arith.constant 0 : i32
    %lt3A_500 = arith.cmpi slt, %select_n3A_493, %lt3A_499 : i32
    %ne3A_501 = arith.xori %lt3A_498, %lt3A_500 : i1
    %and3A_502 = arith.andi %ne3A_501, %ne3A_496 : i1
    %add3A_503 = arith.addi %rem3A_494, %select_n3A_493 : i32
    %select_n3A_504 = arith.select %and3A_502, %add3A_503, %rem3A_494 : i32
    %mul3A_505 = arith.constant 8028160 : i32
    %mul3A_506 = arith.muli %select_n3A_488, %mul3A_505 : i32
    %add3A_507 = arith.constant 3211264 : i32
    %add3A_508 = arith.addi %mul3A_506, %add3A_507 : i32
    %mul3A_509 = arith.constant 50176 : i32
    %mul3A_510 = arith.muli %select_n3A_504, %mul3A_509 : i32
    %add3A_511 = arith.addi %add3A_508, %mul3A_510 : i32
    %multiple_of3A_512 = tpu.assume_multiple %add3A_511, 8 : i32
    %dma_start3A_513 = tpu.memref_slice %arg5[%multiple_of3A_512] : memref<64225280xf32, #tpu.memory_space<hbm>> -> memref<50176xf32, #tpu.memory_space<hbm>>
    %dma_start3A_514 = tpu.memref_slice %arg5[%multiple_of3A_512] : memref<64225280xf32, #tpu.memory_space<hbm>> -> memref<50176xf32, #tpu.memory_space<hbm>>
    tpu.enqueue_dma source(%arg8 : memref<50176xf32, #tpu.memory_space<vmem>>) target(%dma_start3A_514 : memref<50176xf32, #tpu.memory_space<hbm>>) target_semaphore(%arg12 : memref<!tpu.dma_semaphore, #tpu.memory_space<semaphore_mem>>)
    %dma_wait3A_515 = tpu.memref_slice %arg4[%multiple_of3A_458] : memref<38535168xf32, #tpu.memory_space<hbm>> -> memref<50176xf32, #tpu.memory_space<hbm>>
    %dma_wait3A_516 = tpu.memref_slice %arg4[%multiple_of3A_458] : memref<38535168xf32, #tpu.memory_space<hbm>> -> memref<50176xf32, #tpu.memory_space<hbm>>
    tpu.wait_dma2 semaphore(%arg11 : memref<!tpu.dma_semaphore, #tpu.memory_space<semaphore_mem>>) src(%dma_wait3A_516 : memref<50176xf32, #tpu.memory_space<hbm>>) dst(%arg9 : memref<50176xf32, #tpu.memory_space<vmem>>)
    %dma_wait3A_517 = tpu.memref_slice %arg5[%multiple_of3A_512] : memref<64225280xf32, #tpu.memory_space<hbm>> -> memref<50176xf32, #tpu.memory_space<hbm>>
    %dma_wait3A_518 = tpu.memref_slice %arg5[%multiple_of3A_512] : memref<64225280xf32, #tpu.memory_space<hbm>> -> memref<50176xf32, #tpu.memory_space<hbm>>
    tpu.wait_dma2 semaphore(%arg12 : memref<!tpu.dma_semaphore, #tpu.memory_space<semaphore_mem>>) src(%arg8 : memref<50176xf32, #tpu.memory_space<vmem>>) dst(%dma_wait3A_518 : memref<50176xf32, #tpu.memory_space<hbm>>)
    %mul3A_519 = arith.constant 24 : i32
    %mul3A_520 = arith.muli %add3A, %mul3A_519 : i32
    %add3A_521 = arith.constant 2 : i32
    %add3A_522 = arith.addi %mul3A_520, %add3A_521 : i32
    %jit3A_523 = arith.constant 96 : i32
    %div3A_524 = arith.divsi %add3A_522, %jit3A_523 : i32
    %sign3A_525 = arith.constant 0 : i32
    %sign3A_526 = arith.cmpi sgt, %add3A_522, %sign3A_525 : i32
    %sign3A_527 = arith.extui %sign3A_526 : i1 to i32
    %sign3A_528 = arith.constant 0 : i32
    %sign3A_529 = arith.cmpi slt, %add3A_522, %sign3A_528 : i32
    %sign3A_530 = arith.extui %sign3A_529 : i1 to i32
    %sign3A_531 = arith.subi %sign3A_527, %sign3A_530 : i32
    %sign3A_532 = arith.constant 0 : i32
    %sign3A_533 = arith.cmpi sgt, %jit3A_523, %sign3A_532 : i32
    %sign3A_534 = arith.extui %sign3A_533 : i1 to i32
    %sign3A_535 = arith.constant 0 : i32
    %sign3A_536 = arith.cmpi slt, %jit3A_523, %sign3A_535 : i32
    %sign3A_537 = arith.extui %sign3A_536 : i1 to i32
    %sign3A_538 = arith.subi %sign3A_534, %sign3A_537 : i32
    %ne3A_539 = arith.cmpi ne, %sign3A_531, %sign3A_538 : i32
    %rem3A_540 = arith.remsi %add3A_522, %jit3A_523 : i32
    %ne3A_541 = arith.constant 0 : i32
    %ne3A_542 = arith.cmpi ne, %rem3A_540, %ne3A_541 : i32
    %and3A_543 = arith.andi %ne3A_539, %ne3A_542 : i1
    %sub3A_544 = arith.constant 1 : i32
    %sub3A_545 = arith.subi %div3A_524, %sub3A_544 : i32
    %select_n3A_546 = arith.select %and3A_543, %sub3A_545, %div3A_524 : i32
    %jit3A_547 = arith.constant 96 : i32
    %eq3A_548 = arith.constant 0 : i32
    %eq3A_549 = arith.cmpi eq, %jit3A_547, %eq3A_548 : i32
    %jit3A_550 = arith.constant 1 : i32
    %select_n3A_551 = arith.select %eq3A_549, %jit3A_550, %jit3A_547 : i32
    %rem3A_552 = arith.remsi %add3A_522, %select_n3A_551 : i32
    %ne3A_553 = arith.constant 0 : i32
    %ne3A_554 = arith.cmpi ne, %rem3A_552, %ne3A_553 : i32
    %lt3A_555 = arith.constant 0 : i32
    %lt3A_556 = arith.cmpi slt, %rem3A_552, %lt3A_555 : i32
    %lt3A_557 = arith.constant 0 : i32
    %lt3A_558 = arith.cmpi slt, %select_n3A_551, %lt3A_557 : i32
    %ne3A_559 = arith.xori %lt3A_556, %lt3A_558 : i1
    %and3A_560 = arith.andi %ne3A_559, %ne3A_554 : i1
    %add3A_561 = arith.addi %rem3A_552, %select_n3A_551 : i32
    %select_n3A_562 = arith.select %and3A_560, %add3A_561, %rem3A_552 : i32
    %mul3A_563 = arith.constant 4816896 : i32
    %mul3A_564 = arith.muli %select_n3A_546, %mul3A_563 : i32
    %mul3A_565 = arith.constant 50176 : i32
    %mul3A_566 = arith.muli %select_n3A_562, %mul3A_565 : i32
    %add3A_567 = arith.addi %mul3A_564, %mul3A_566 : i32
    %multiple_of3A_568 = tpu.assume_multiple %add3A_567, 8 : i32
    %dma_start3A_569 = tpu.memref_slice %arg4[%multiple_of3A_568] : memref<38535168xf32, #tpu.memory_space<hbm>> -> memref<50176xf32, #tpu.memory_space<hbm>>
    %dma_start3A_570 = tpu.memref_slice %arg4[%multiple_of3A_568] : memref<38535168xf32, #tpu.memory_space<hbm>> -> memref<50176xf32, #tpu.memory_space<hbm>>
    tpu.enqueue_dma source(%dma_start3A_570 : memref<50176xf32, #tpu.memory_space<hbm>>) target(%arg8 : memref<50176xf32, #tpu.memory_space<vmem>>) target_semaphore(%arg11 : memref<!tpu.dma_semaphore, #tpu.memory_space<semaphore_mem>>)
    %mul3A_571 = arith.constant 24 : i32
    %mul3A_572 = arith.muli %add3A, %mul3A_571 : i32
    %add3A_573 = arith.constant 1 : i32
    %add3A_574 = arith.addi %mul3A_572, %add3A_573 : i32
    %jit3A_575 = arith.constant 96 : i32
    %div3A_576 = arith.divsi %add3A_574, %jit3A_575 : i32
    %sign3A_577 = arith.constant 0 : i32
    %sign3A_578 = arith.cmpi sgt, %add3A_574, %sign3A_577 : i32
    %sign3A_579 = arith.extui %sign3A_578 : i1 to i32
    %sign3A_580 = arith.constant 0 : i32
    %sign3A_581 = arith.cmpi slt, %add3A_574, %sign3A_580 : i32
    %sign3A_582 = arith.extui %sign3A_581 : i1 to i32
    %sign3A_583 = arith.subi %sign3A_579, %sign3A_582 : i32
    %sign3A_584 = arith.constant 0 : i32
    %sign3A_585 = arith.cmpi sgt, %jit3A_575, %sign3A_584 : i32
    %sign3A_586 = arith.extui %sign3A_585 : i1 to i32
    %sign3A_587 = arith.constant 0 : i32
    %sign3A_588 = arith.cmpi slt, %jit3A_575, %sign3A_587 : i32
    %sign3A_589 = arith.extui %sign3A_588 : i1 to i32
    %sign3A_590 = arith.subi %sign3A_586, %sign3A_589 : i32
    %ne3A_591 = arith.cmpi ne, %sign3A_583, %sign3A_590 : i32
    %rem3A_592 = arith.remsi %add3A_574, %jit3A_575 : i32
    %ne3A_593 = arith.constant 0 : i32
    %ne3A_594 = arith.cmpi ne, %rem3A_592, %ne3A_593 : i32
    %and3A_595 = arith.andi %ne3A_591, %ne3A_594 : i1
    %sub3A_596 = arith.constant 1 : i32
    %sub3A_597 = arith.subi %div3A_576, %sub3A_596 : i32
    %select_n3A_598 = arith.select %and3A_595, %sub3A_597, %div3A_576 : i32
    %jit3A_599 = arith.constant 96 : i32
    %eq3A_600 = arith.constant 0 : i32
    %eq3A_601 = arith.cmpi eq, %jit3A_599, %eq3A_600 : i32
    %jit3A_602 = arith.constant 1 : i32
    %select_n3A_603 = arith.select %eq3A_601, %jit3A_602, %jit3A_599 : i32
    %rem3A_604 = arith.remsi %add3A_574, %select_n3A_603 : i32
    %ne3A_605 = arith.constant 0 : i32
    %ne3A_606 = arith.cmpi ne, %rem3A_604, %ne3A_605 : i32
    %lt3A_607 = arith.constant 0 : i32
    %lt3A_608 = arith.cmpi slt, %rem3A_604, %lt3A_607 : i32
    %lt3A_609 = arith.constant 0 : i32
    %lt3A_610 = arith.cmpi slt, %select_n3A_603, %lt3A_609 : i32
    %ne3A_611 = arith.xori %lt3A_608, %lt3A_610 : i1
    %and3A_612 = arith.andi %ne3A_611, %ne3A_606 : i1
    %add3A_613 = arith.addi %rem3A_604, %select_n3A_603 : i32
    %select_n3A_614 = arith.select %and3A_612, %add3A_613, %rem3A_604 : i32
    %mul3A_615 = arith.constant 8028160 : i32
    %mul3A_616 = arith.muli %select_n3A_598, %mul3A_615 : i32
    %add3A_617 = arith.constant 3211264 : i32
    %add3A_618 = arith.addi %mul3A_616, %add3A_617 : i32
    %mul3A_619 = arith.constant 50176 : i32
    %mul3A_620 = arith.muli %select_n3A_614, %mul3A_619 : i32
    %add3A_621 = arith.addi %add3A_618, %mul3A_620 : i32
    %multiple_of3A_622 = tpu.assume_multiple %add3A_621, 8 : i32
    %dma_start3A_623 = tpu.memref_slice %arg5[%multiple_of3A_622] : memref<64225280xf32, #tpu.memory_space<hbm>> -> memref<50176xf32, #tpu.memory_space<hbm>>
    %dma_start3A_624 = tpu.memref_slice %arg5[%multiple_of3A_622] : memref<64225280xf32, #tpu.memory_space<hbm>> -> memref<50176xf32, #tpu.memory_space<hbm>>
    tpu.enqueue_dma source(%arg9 : memref<50176xf32, #tpu.memory_space<vmem>>) target(%dma_start3A_624 : memref<50176xf32, #tpu.memory_space<hbm>>) target_semaphore(%arg12 : memref<!tpu.dma_semaphore, #tpu.memory_space<semaphore_mem>>)
    %dma_wait3A_625 = tpu.memref_slice %arg4[%multiple_of3A_568] : memref<38535168xf32, #tpu.memory_space<hbm>> -> memref<50176xf32, #tpu.memory_space<hbm>>
    %dma_wait3A_626 = tpu.memref_slice %arg4[%multiple_of3A_568] : memref<38535168xf32, #tpu.memory_space<hbm>> -> memref<50176xf32, #tpu.memory_space<hbm>>
    tpu.wait_dma2 semaphore(%arg11 : memref<!tpu.dma_semaphore, #tpu.memory_space<semaphore_mem>>) src(%dma_wait3A_626 : memref<50176xf32, #tpu.memory_space<hbm>>) dst(%arg8 : memref<50176xf32, #tpu.memory_space<vmem>>)
    %dma_wait3A_627 = tpu.memref_slice %arg5[%multiple_of3A_622] : memref<64225280xf32, #tpu.memory_space<hbm>> -> memref<50176xf32, #tpu.memory_space<hbm>>
    %dma_wait3A_628 = tpu.memref_slice %arg5[%multiple_of3A_622] : memref<64225280xf32, #tpu.memory_space<hbm>> -> memref<50176xf32, #tpu.memory_space<hbm>>
    tpu.wait_dma2 semaphore(%arg12 : memref<!tpu.dma_semaphore, #tpu.memory_space<semaphore_mem>>) src(%arg9 : memref<50176xf32, #tpu.memory_space<vmem>>) dst(%dma_wait3A_628 : memref<50176xf32, #tpu.memory_space<hbm>>)
    %mul3A_629 = arith.constant 24 : i32
    %mul3A_630 = arith.muli %add3A, %mul3A_629 : i32
    %add3A_631 = arith.constant 3 : i32
    %add3A_632 = arith.addi %mul3A_630, %add3A_631 : i32
    %jit3A_633 = arith.constant 96 : i32
    %div3A_634 = arith.divsi %add3A_632, %jit3A_633 : i32
    %sign3A_635 = arith.constant 0 : i32
    %sign3A_636 = arith.cmpi sgt, %add3A_632, %sign3A_635 : i32
    %sign3A_637 = arith.extui %sign3A_636 : i1 to i32
    %sign3A_638 = arith.constant 0 : i32
    %sign3A_639 = arith.cmpi slt, %add3A_632, %sign3A_638 : i32
    %sign3A_640 = arith.extui %sign3A_639 : i1 to i32
    %sign3A_641 = arith.subi %sign3A_637, %sign3A_640 : i32
    %sign3A_642 = arith.constant 0 : i32
    %sign3A_643 = arith.cmpi sgt, %jit3A_633, %sign3A_642 : i32
    %sign3A_644 = arith.extui %sign3A_643 : i1 to i32
    %sign3A_645 = arith.constant 0 : i32
    %sign3A_646 = arith.cmpi slt, %jit3A_633, %sign3A_645 : i32
    %sign3A_647 = arith.extui %sign3A_646 : i1 to i32
    %sign3A_648 = arith.subi %sign3A_644, %sign3A_647 : i32
    %ne3A_649 = arith.cmpi ne, %sign3A_641, %sign3A_648 : i32
    %rem3A_650 = arith.remsi %add3A_632, %jit3A_633 : i32
    %ne3A_651 = arith.constant 0 : i32
    %ne3A_652 = arith.cmpi ne, %rem3A_650, %ne3A_651 : i32
    %and3A_653 = arith.andi %ne3A_649, %ne3A_652 : i1
    %sub3A_654 = arith.constant 1 : i32
    %sub3A_655 = arith.subi %div3A_634, %sub3A_654 : i32
    %select_n3A_656 = arith.select %and3A_653, %sub3A_655, %div3A_634 : i32
    %jit3A_657 = arith.constant 96 : i32
    %eq3A_658 = arith.constant 0 : i32
    %eq3A_659 = arith.cmpi eq, %jit3A_657, %eq3A_658 : i32
    %jit3A_660 = arith.constant 1 : i32
    %select_n3A_661 = arith.select %eq3A_659, %jit3A_660, %jit3A_657 : i32
    %rem3A_662 = arith.remsi %add3A_632, %select_n3A_661 : i32
    %ne3A_663 = arith.constant 0 : i32
    %ne3A_664 = arith.cmpi ne, %rem3A_662, %ne3A_663 : i32
    %lt3A_665 = arith.constant 0 : i32
    %lt3A_666 = arith.cmpi slt, %rem3A_662, %lt3A_665 : i32
    %lt3A_667 = arith.constant 0 : i32
    %lt3A_668 = arith.cmpi slt, %select_n3A_661, %lt3A_667 : i32
    %ne3A_669 = arith.xori %lt3A_666, %lt3A_668 : i1
    %and3A_670 = arith.andi %ne3A_669, %ne3A_664 : i1
    %add3A_671 = arith.addi %rem3A_662, %select_n3A_661 : i32
    %select_n3A_672 = arith.select %and3A_670, %add3A_671, %rem3A_662 : i32
    %mul3A_673 = arith.constant 4816896 : i32
    %mul3A_674 = arith.muli %select_n3A_656, %mul3A_673 : i32
    %mul3A_675 = arith.constant 50176 : i32
    %mul3A_676 = arith.muli %select_n3A_672, %mul3A_675 : i32
    %add3A_677 = arith.addi %mul3A_674, %mul3A_676 : i32
    %multiple_of3A_678 = tpu.assume_multiple %add3A_677, 8 : i32
    %dma_start3A_679 = tpu.memref_slice %arg4[%multiple_of3A_678] : memref<38535168xf32, #tpu.memory_space<hbm>> -> memref<50176xf32, #tpu.memory_space<hbm>>
    %dma_start3A_680 = tpu.memref_slice %arg4[%multiple_of3A_678] : memref<38535168xf32, #tpu.memory_space<hbm>> -> memref<50176xf32, #tpu.memory_space<hbm>>
    tpu.enqueue_dma source(%dma_start3A_680 : memref<50176xf32, #tpu.memory_space<hbm>>) target(%arg9 : memref<50176xf32, #tpu.memory_space<vmem>>) target_semaphore(%arg11 : memref<!tpu.dma_semaphore, #tpu.memory_space<semaphore_mem>>)
    %mul3A_681 = arith.constant 24 : i32
    %mul3A_682 = arith.muli %add3A, %mul3A_681 : i32
    %add3A_683 = arith.constant 2 : i32
    %add3A_684 = arith.addi %mul3A_682, %add3A_683 : i32
    %jit3A_685 = arith.constant 96 : i32
    %div3A_686 = arith.divsi %add3A_684, %jit3A_685 : i32
    %sign3A_687 = arith.constant 0 : i32
    %sign3A_688 = arith.cmpi sgt, %add3A_684, %sign3A_687 : i32
    %sign3A_689 = arith.extui %sign3A_688 : i1 to i32
    %sign3A_690 = arith.constant 0 : i32
    %sign3A_691 = arith.cmpi slt, %add3A_684, %sign3A_690 : i32
    %sign3A_692 = arith.extui %sign3A_691 : i1 to i32
    %sign3A_693 = arith.subi %sign3A_689, %sign3A_692 : i32
    %sign3A_694 = arith.constant 0 : i32
    %sign3A_695 = arith.cmpi sgt, %jit3A_685, %sign3A_694 : i32
    %sign3A_696 = arith.extui %sign3A_695 : i1 to i32
    %sign3A_697 = arith.constant 0 : i32
    %sign3A_698 = arith.cmpi slt, %jit3A_685, %sign3A_697 : i32
    %sign3A_699 = arith.extui %sign3A_698 : i1 to i32
    %sign3A_700 = arith.subi %sign3A_696, %sign3A_699 : i32
    %ne3A_701 = arith.cmpi ne, %sign3A_693, %sign3A_700 : i32
    %rem3A_702 = arith.remsi %add3A_684, %jit3A_685 : i32
    %ne3A_703 = arith.constant 0 : i32
    %ne3A_704 = arith.cmpi ne, %rem3A_702, %ne3A_703 : i32
    %and3A_705 = arith.andi %ne3A_701, %ne3A_704 : i1
    %sub3A_706 = arith.constant 1 : i32
    %sub3A_707 = arith.subi %div3A_686, %sub3A_706 : i32
    %select_n3A_708 = arith.select %and3A_705, %sub3A_707, %div3A_686 : i32
    %jit3A_709 = arith.constant 96 : i32
    %eq3A_710 = arith.constant 0 : i32
    %eq3A_711 = arith.cmpi eq, %jit3A_709, %eq3A_710 : i32
    %jit3A_712 = arith.constant 1 : i32
    %select_n3A_713 = arith.select %eq3A_711, %jit3A_712, %jit3A_709 : i32
    %rem3A_714 = arith.remsi %add3A_684, %select_n3A_713 : i32
    %ne3A_715 = arith.constant 0 : i32
    %ne3A_716 = arith.cmpi ne, %rem3A_714, %ne3A_715 : i32
    %lt3A_717 = arith.constant 0 : i32
    %lt3A_718 = arith.cmpi slt, %rem3A_714, %lt3A_717 : i32
    %lt3A_719 = arith.constant 0 : i32
    %lt3A_720 = arith.cmpi slt, %select_n3A_713, %lt3A_719 : i32
    %ne3A_721 = arith.xori %lt3A_718, %lt3A_720 : i1
    %and3A_722 = arith.andi %ne3A_721, %ne3A_716 : i1
    %add3A_723 = arith.addi %rem3A_714, %select_n3A_713 : i32
    %select_n3A_724 = arith.select %and3A_722, %add3A_723, %rem3A_714 : i32
    %mul3A_725 = arith.constant 8028160 : i32
    %mul3A_726 = arith.muli %select_n3A_708, %mul3A_725 : i32
    %add3A_727 = arith.constant 3211264 : i32
    %add3A_728 = arith.addi %mul3A_726, %add3A_727 : i32
    %mul3A_729 = arith.constant 50176 : i32
    %mul3A_730 = arith.muli %select_n3A_724, %mul3A_729 : i32
    %add3A_731 = arith.addi %add3A_728, %mul3A_730 : i32
    %multiple_of3A_732 = tpu.assume_multiple %add3A_731, 8 : i32
    %dma_start3A_733 = tpu.memref_slice %arg5[%multiple_of3A_732] : memref<64225280xf32, #tpu.memory_space<hbm>> -> memref<50176xf32, #tpu.memory_space<hbm>>
    %dma_start3A_734 = tpu.memref_slice %arg5[%multiple_of3A_732] : memref<64225280xf32, #tpu.memory_space<hbm>> -> memref<50176xf32, #tpu.memory_space<hbm>>
    tpu.enqueue_dma source(%arg8 : memref<50176xf32, #tpu.memory_space<vmem>>) target(%dma_start3A_734 : memref<50176xf32, #tpu.memory_space<hbm>>) target_semaphore(%arg12 : memref<!tpu.dma_semaphore, #tpu.memory_space<semaphore_mem>>)
    %dma_wait3A_735 = tpu.memref_slice %arg4[%multiple_of3A_678] : memref<38535168xf32, #tpu.memory_space<hbm>> -> memref<50176xf32, #tpu.memory_space<hbm>>
    %dma_wait3A_736 = tpu.memref_slice %arg4[%multiple_of3A_678] : memref<38535168xf32, #tpu.memory_space<hbm>> -> memref<50176xf32, #tpu.memory_space<hbm>>
    tpu.wait_dma2 semaphore(%arg11 : memref<!tpu.dma_semaphore, #tpu.memory_space<semaphore_mem>>) src(%dma_wait3A_736 : memref<50176xf32, #tpu.memory_space<hbm>>) dst(%arg9 : memref<50176xf32, #tpu.memory_space<vmem>>)
    %dma_wait3A_737 = tpu.memref_slice %arg5[%multiple_of3A_732] : memref<64225280xf32, #tpu.memory_space<hbm>> -> memref<50176xf32, #tpu.memory_space<hbm>>
    %dma_wait3A_738 = tpu.memref_slice %arg5[%multiple_of3A_732] : memref<64225280xf32, #tpu.memory_space<hbm>> -> memref<50176xf32, #tpu.memory_space<hbm>>
    tpu.wait_dma2 semaphore(%arg12 : memref<!tpu.dma_semaphore, #tpu.memory_space<semaphore_mem>>) src(%arg8 : memref<50176xf32, #tpu.memory_space<vmem>>) dst(%dma_wait3A_738 : memref<50176xf32, #tpu.memory_space<hbm>>)
    %mul3A_739 = arith.constant 24 : i32
    %mul3A_740 = arith.muli %add3A, %mul3A_739 : i32
    %add3A_741 = arith.constant 4 : i32
    %add3A_742 = arith.addi %mul3A_740, %add3A_741 : i32
    %jit3A_743 = arith.constant 96 : i32
    %div3A_744 = arith.divsi %add3A_742, %jit3A_743 : i32
    %sign3A_745 = arith.constant 0 : i32
    %sign3A_746 = arith.cmpi sgt, %add3A_742, %sign3A_745 : i32
    %sign3A_747 = arith.extui %sign3A_746 : i1 to i32
    %sign3A_748 = arith.constant 0 : i32
    %sign3A_749 = arith.cmpi slt, %add3A_742, %sign3A_748 : i32
    %sign3A_750 = arith.extui %sign3A_749 : i1 to i32
    %sign3A_751 = arith.subi %sign3A_747, %sign3A_750 : i32
    %sign3A_752 = arith.constant 0 : i32
    %sign3A_753 = arith.cmpi sgt, %jit3A_743, %sign3A_752 : i32
    %sign3A_754 = arith.extui %sign3A_753 : i1 to i32
    %sign3A_755 = arith.constant 0 : i32
    %sign3A_756 = arith.cmpi slt, %jit3A_743, %sign3A_755 : i32
    %sign3A_757 = arith.extui %sign3A_756 : i1 to i32
    %sign3A_758 = arith.subi %sign3A_754, %sign3A_757 : i32
    %ne3A_759 = arith.cmpi ne, %sign3A_751, %sign3A_758 : i32
    %rem3A_760 = arith.remsi %add3A_742, %jit3A_743 : i32
    %ne3A_761 = arith.constant 0 : i32
    %ne3A_762 = arith.cmpi ne, %rem3A_760, %ne3A_761 : i32
    %and3A_763 = arith.andi %ne3A_759, %ne3A_762 : i1
    %sub3A_764 = arith.constant 1 : i32
    %sub3A_765 = arith.subi %div3A_744, %sub3A_764 : i32
    %select_n3A_766 = arith.select %and3A_763, %sub3A_765, %div3A_744 : i32
    %jit3A_767 = arith.constant 96 : i32
    %eq3A_768 = arith.constant 0 : i32
    %eq3A_769 = arith.cmpi eq, %jit3A_767, %eq3A_768 : i32
    %jit3A_770 = arith.constant 1 : i32
    %select_n3A_771 = arith.select %eq3A_769, %jit3A_770, %jit3A_767 : i32
    %rem3A_772 = arith.remsi %add3A_742, %select_n3A_771 : i32
    %ne3A_773 = arith.constant 0 : i32
    %ne3A_774 = arith.cmpi ne, %rem3A_772, %ne3A_773 : i32
    %lt3A_775 = arith.constant 0 : i32
    %lt3A_776 = arith.cmpi slt, %rem3A_772, %lt3A_775 : i32
    %lt3A_777 = arith.constant 0 : i32
    %lt3A_778 = arith.cmpi slt, %select_n3A_771, %lt3A_777 : i32
    %ne3A_779 = arith.xori %lt3A_776, %lt3A_778 : i1
    %and3A_780 = arith.andi %ne3A_779, %ne3A_774 : i1
    %add3A_781 = arith.addi %rem3A_772, %select_n3A_771 : i32
    %select_n3A_782 = arith.select %and3A_780, %add3A_781, %rem3A_772 : i32
    %mul3A_783 = arith.constant 4816896 : i32
    %mul3A_784 = arith.muli %select_n3A_766, %mul3A_783 : i32
    %mul3A_785 = arith.constant 50176 : i32
    %mul3A_786 = arith.muli %select_n3A_782, %mul3A_785 : i32
    %add3A_787 = arith.addi %mul3A_784, %mul3A_786 : i32
    %multiple_of3A_788 = tpu.assume_multiple %add3A_787, 8 : i32
    %dma_start3A_789 = tpu.memref_slice %arg4[%multiple_of3A_788] : memref<38535168xf32, #tpu.memory_space<hbm>> -> memref<50176xf32, #tpu.memory_space<hbm>>
    %dma_start3A_790 = tpu.memref_slice %arg4[%multiple_of3A_788] : memref<38535168xf32, #tpu.memory_space<hbm>> -> memref<50176xf32, #tpu.memory_space<hbm>>
    tpu.enqueue_dma source(%dma_start3A_790 : memref<50176xf32, #tpu.memory_space<hbm>>) target(%arg8 : memref<50176xf32, #tpu.memory_space<vmem>>) target_semaphore(%arg11 : memref<!tpu.dma_semaphore, #tpu.memory_space<semaphore_mem>>)
    %mul3A_791 = arith.constant 24 : i32
    %mul3A_792 = arith.muli %add3A, %mul3A_791 : i32
    %add3A_793 = arith.constant 3 : i32
    %add3A_794 = arith.addi %mul3A_792, %add3A_793 : i32
    %jit3A_795 = arith.constant 96 : i32
    %div3A_796 = arith.divsi %add3A_794, %jit3A_795 : i32
    %sign3A_797 = arith.constant 0 : i32
    %sign3A_798 = arith.cmpi sgt, %add3A_794, %sign3A_797 : i32
    %sign3A_799 = arith.extui %sign3A_798 : i1 to i32
    %sign3A_800 = arith.constant 0 : i32
    %sign3A_801 = arith.cmpi slt, %add3A_794, %sign3A_800 : i32
    %sign3A_802 = arith.extui %sign3A_801 : i1 to i32
    %sign3A_803 = arith.subi %sign3A_799, %sign3A_802 : i32
    %sign3A_804 = arith.constant 0 : i32
    %sign3A_805 = arith.cmpi sgt, %jit3A_795, %sign3A_804 : i32
    %sign3A_806 = arith.extui %sign3A_805 : i1 to i32
    %sign3A_807 = arith.constant 0 : i32
    %sign3A_808 = arith.cmpi slt, %jit3A_795, %sign3A_807 : i32
    %sign3A_809 = arith.extui %sign3A_808 : i1 to i32
    %sign3A_810 = arith.subi %sign3A_806, %sign3A_809 : i32
    %ne3A_811 = arith.cmpi ne, %sign3A_803, %sign3A_810 : i32
    %rem3A_812 = arith.remsi %add3A_794, %jit3A_795 : i32
    %ne3A_813 = arith.constant 0 : i32
    %ne3A_814 = arith.cmpi ne, %rem3A_812, %ne3A_813 : i32
    %and3A_815 = arith.andi %ne3A_811, %ne3A_814 : i1
    %sub3A_816 = arith.constant 1 : i32
    %sub3A_817 = arith.subi %div3A_796, %sub3A_816 : i32
    %select_n3A_818 = arith.select %and3A_815, %sub3A_817, %div3A_796 : i32
    %jit3A_819 = arith.constant 96 : i32
    %eq3A_820 = arith.constant 0 : i32
    %eq3A_821 = arith.cmpi eq, %jit3A_819, %eq3A_820 : i32
    %jit3A_822 = arith.constant 1 : i32
    %select_n3A_823 = arith.select %eq3A_821, %jit3A_822, %jit3A_819 : i32
    %rem3A_824 = arith.remsi %add3A_794, %select_n3A_823 : i32
    %ne3A_825 = arith.constant 0 : i32
    %ne3A_826 = arith.cmpi ne, %rem3A_824, %ne3A_825 : i32
    %lt3A_827 = arith.constant 0 : i32
    %lt3A_828 = arith.cmpi slt, %rem3A_824, %lt3A_827 : i32
    %lt3A_829 = arith.constant 0 : i32
    %lt3A_830 = arith.cmpi slt, %select_n3A_823, %lt3A_829 : i32
    %ne3A_831 = arith.xori %lt3A_828, %lt3A_830 : i1
    %and3A_832 = arith.andi %ne3A_831, %ne3A_826 : i1
    %add3A_833 = arith.addi %rem3A_824, %select_n3A_823 : i32
    %select_n3A_834 = arith.select %and3A_832, %add3A_833, %rem3A_824 : i32
    %mul3A_835 = arith.constant 8028160 : i32
    %mul3A_836 = arith.muli %select_n3A_818, %mul3A_835 : i32
    %add3A_837 = arith.constant 3211264 : i32
    %add3A_838 = arith.addi %mul3A_836, %add3A_837 : i32
    %mul3A_839 = arith.constant 50176 : i32
    %mul3A_840 = arith.muli %select_n3A_834, %mul3A_839 : i32
    %add3A_841 = arith.addi %add3A_838, %mul3A_840 : i32
    %multiple_of3A_842 = tpu.assume_multiple %add3A_841, 8 : i32
    %dma_start3A_843 = tpu.memref_slice %arg5[%multiple_of3A_842] : memref<64225280xf32, #tpu.memory_space<hbm>> -> memref<50176xf32, #tpu.memory_space<hbm>>
    %dma_start3A_844 = tpu.memref_slice %arg5[%multiple_of3A_842] : memref<64225280xf32, #tpu.memory_space<hbm>> -> memref<50176xf32, #tpu.memory_space<hbm>>
    tpu.enqueue_dma source(%arg9 : memref<50176xf32, #tpu.memory_space<vmem>>) target(%dma_start3A_844 : memref<50176xf32, #tpu.memory_space<hbm>>) target_semaphore(%arg12 : memref<!tpu.dma_semaphore, #tpu.memory_space<semaphore_mem>>)
    %dma_wait3A_845 = tpu.memref_slice %arg4[%multiple_of3A_788] : memref<38535168xf32, #tpu.memory_space<hbm>> -> memref<50176xf32, #tpu.memory_space<hbm>>
    %dma_wait3A_846 = tpu.memref_slice %arg4[%multiple_of3A_788] : memref<38535168xf32, #tpu.memory_space<hbm>> -> memref<50176xf32, #tpu.memory_space<hbm>>
    tpu.wait_dma2 semaphore(%arg11 : memref<!tpu.dma_semaphore, #tpu.memory_space<semaphore_mem>>) src(%dma_wait3A_846 : memref<50176xf32, #tpu.memory_space<hbm>>) dst(%arg8 : memref<50176xf32, #tpu.memory_space<vmem>>)
    %dma_wait3A_847 = tpu.memref_slice %arg5[%multiple_of3A_842] : memref<64225280xf32, #tpu.memory_space<hbm>> -> memref<50176xf32, #tpu.memory_space<hbm>>
    %dma_wait3A_848 = tpu.memref_slice %arg5[%multiple_of3A_842] : memref<64225280xf32, #tpu.memory_space<hbm>> -> memref<50176xf32, #tpu.memory_space<hbm>>
    tpu.wait_dma2 semaphore(%arg12 : memref<!tpu.dma_semaphore, #tpu.memory_space<semaphore_mem>>) src(%arg9 : memref<50176xf32, #tpu.memory_space<vmem>>) dst(%dma_wait3A_848 : memref<50176xf32, #tpu.memory_space<hbm>>)
    %mul3A_849 = arith.constant 24 : i32
    %mul3A_850 = arith.muli %add3A, %mul3A_849 : i32
    %add3A_851 = arith.constant 5 : i32
    %add3A_852 = arith.addi %mul3A_850, %add3A_851 : i32
    %jit3A_853 = arith.constant 96 : i32
    %div3A_854 = arith.divsi %add3A_852, %jit3A_853 : i32
    %sign3A_855 = arith.constant 0 : i32
    %sign3A_856 = arith.cmpi sgt, %add3A_852, %sign3A_855 : i32
    %sign3A_857 = arith.extui %sign3A_856 : i1 to i32
    %sign3A_858 = arith.constant 0 : i32
    %sign3A_859 = arith.cmpi slt, %add3A_852, %sign3A_858 : i32
    %sign3A_860 = arith.extui %sign3A_859 : i1 to i32
    %sign3A_861 = arith.subi %sign3A_857, %sign3A_860 : i32
    %sign3A_862 = arith.constant 0 : i32
    %sign3A_863 = arith.cmpi sgt, %jit3A_853, %sign3A_862 : i32
    %sign3A_864 = arith.extui %sign3A_863 : i1 to i32
    %sign3A_865 = arith.constant 0 : i32
    %sign3A_866 = arith.cmpi slt, %jit3A_853, %sign3A_865 : i32
    %sign3A_867 = arith.extui %sign3A_866 : i1 to i32
    %sign3A_868 = arith.subi %sign3A_864, %sign3A_867 : i32
    %ne3A_869 = arith.cmpi ne, %sign3A_861, %sign3A_868 : i32
    %rem3A_870 = arith.remsi %add3A_852, %jit3A_853 : i32
    %ne3A_871 = arith.constant 0 : i32
    %ne3A_872 = arith.cmpi ne, %rem3A_870, %ne3A_871 : i32
    %and3A_873 = arith.andi %ne3A_869, %ne3A_872 : i1
    %sub3A_874 = arith.constant 1 : i32
    %sub3A_875 = arith.subi %div3A_854, %sub3A_874 : i32
    %select_n3A_876 = arith.select %and3A_873, %sub3A_875, %div3A_854 : i32
    %jit3A_877 = arith.constant 96 : i32
    %eq3A_878 = arith.constant 0 : i32
    %eq3A_879 = arith.cmpi eq, %jit3A_877, %eq3A_878 : i32
    %jit3A_880 = arith.constant 1 : i32
    %select_n3A_881 = arith.select %eq3A_879, %jit3A_880, %jit3A_877 : i32
    %rem3A_882 = arith.remsi %add3A_852, %select_n3A_881 : i32
    %ne3A_883 = arith.constant 0 : i32
    %ne3A_884 = arith.cmpi ne, %rem3A_882, %ne3A_883 : i32
    %lt3A_885 = arith.constant 0 : i32
    %lt3A_886 = arith.cmpi slt, %rem3A_882, %lt3A_885 : i32
    %lt3A_887 = arith.constant 0 : i32
    %lt3A_888 = arith.cmpi slt, %select_n3A_881, %lt3A_887 : i32
    %ne3A_889 = arith.xori %lt3A_886, %lt3A_888 : i1
    %and3A_890 = arith.andi %ne3A_889, %ne3A_884 : i1
    %add3A_891 = arith.addi %rem3A_882, %select_n3A_881 : i32
    %select_n3A_892 = arith.select %and3A_890, %add3A_891, %rem3A_882 : i32
    %mul3A_893 = arith.constant 4816896 : i32
    %mul3A_894 = arith.muli %select_n3A_876, %mul3A_893 : i32
    %mul3A_895 = arith.constant 50176 : i32
    %mul3A_896 = arith.muli %select_n3A_892, %mul3A_895 : i32
    %add3A_897 = arith.addi %mul3A_894, %mul3A_896 : i32
    %multiple_of3A_898 = tpu.assume_multiple %add3A_897, 8 : i32
    %dma_start3A_899 = tpu.memref_slice %arg4[%multiple_of3A_898] : memref<38535168xf32, #tpu.memory_space<hbm>> -> memref<50176xf32, #tpu.memory_space<hbm>>
    %dma_start3A_900 = tpu.memref_slice %arg4[%multiple_of3A_898] : memref<38535168xf32, #tpu.memory_space<hbm>> -> memref<50176xf32, #tpu.memory_space<hbm>>
    tpu.enqueue_dma source(%dma_start3A_900 : memref<50176xf32, #tpu.memory_space<hbm>>) target(%arg9 : memref<50176xf32, #tpu.memory_space<vmem>>) target_semaphore(%arg11 : memref<!tpu.dma_semaphore, #tpu.memory_space<semaphore_mem>>)
    %mul3A_901 = arith.constant 24 : i32
    %mul3A_902 = arith.muli %add3A, %mul3A_901 : i32
    %add3A_903 = arith.constant 4 : i32
    %add3A_904 = arith.addi %mul3A_902, %add3A_903 : i32
    %jit3A_905 = arith.constant 96 : i32
    %div3A_906 = arith.divsi %add3A_904, %jit3A_905 : i32
    %sign3A_907 = arith.constant 0 : i32
    %sign3A_908 = arith.cmpi sgt, %add3A_904, %sign3A_907 : i32
    %sign3A_909 = arith.extui %sign3A_908 : i1 to i32
    %sign3A_910 = arith.constant 0 : i32
    %sign3A_911 = arith.cmpi slt, %add3A_904, %sign3A_910 : i32
    %sign3A_912 = arith.extui %sign3A_911 : i1 to i32
    %sign3A_913 = arith.subi %sign3A_909, %sign3A_912 : i32
    %sign3A_914 = arith.constant 0 : i32
    %sign3A_915 = arith.cmpi sgt, %jit3A_905, %sign3A_914 : i32
    %sign3A_916 = arith.extui %sign3A_915 : i1 to i32
    %sign3A_917 = arith.constant 0 : i32
    %sign3A_918 = arith.cmpi slt, %jit3A_905, %sign3A_917 : i32
    %sign3A_919 = arith.extui %sign3A_918 : i1 to i32
    %sign3A_920 = arith.subi %sign3A_916, %sign3A_919 : i32
    %ne3A_921 = arith.cmpi ne, %sign3A_913, %sign3A_920 : i32
    %rem3A_922 = arith.remsi %add3A_904, %jit3A_905 : i32
    %ne3A_923 = arith.constant 0 : i32
    %ne3A_924 = arith.cmpi ne, %rem3A_922, %ne3A_923 : i32
    %and3A_925 = arith.andi %ne3A_921, %ne3A_924 : i1
    %sub3A_926 = arith.constant 1 : i32
    %sub3A_927 = arith.subi %div3A_906, %sub3A_926 : i32
    %select_n3A_928 = arith.select %and3A_925, %sub3A_927, %div3A_906 : i32
    %jit3A_929 = arith.constant 96 : i32
    %eq3A_930 = arith.constant 0 : i32
    %eq3A_931 = arith.cmpi eq, %jit3A_929, %eq3A_930 : i32
    %jit3A_932 = arith.constant 1 : i32
    %select_n3A_933 = arith.select %eq3A_931, %jit3A_932, %jit3A_929 : i32
    %rem3A_934 = arith.remsi %add3A_904, %select_n3A_933 : i32
    %ne3A_935 = arith.constant 0 : i32
    %ne3A_936 = arith.cmpi ne, %rem3A_934, %ne3A_935 : i32
    %lt3A_937 = arith.constant 0 : i32
    %lt3A_938 = arith.cmpi slt, %rem3A_934, %lt3A_937 : i32
    %lt3A_939 = arith.constant 0 : i32
    %lt3A_940 = arith.cmpi slt, %select_n3A_933, %lt3A_939 : i32
    %ne3A_941 = arith.xori %lt3A_938, %lt3A_940 : i1
    %and3A_942 = arith.andi %ne3A_941, %ne3A_936 : i1
    %add3A_943 = arith.addi %rem3A_934, %select_n3A_933 : i32
    %select_n3A_944 = arith.select %and3A_942, %add3A_943, %rem3A_934 : i32
    %mul3A_945 = arith.constant 8028160 : i32
    %mul3A_946 = arith.muli %select_n3A_928, %mul3A_945 : i32
    %add3A_947 = arith.constant 3211264 : i32
    %add3A_948 = arith.addi %mul3A_946, %add3A_947 : i32
    %mul3A_949 = arith.constant 50176 : i32
    %mul3A_950 = arith.muli %select_n3A_944, %mul3A_949 : i32
    %add3A_951 = arith.addi %add3A_948, %mul3A_950 : i32
    %multiple_of3A_952 = tpu.assume_multiple %add3A_951, 8 : i32
    %dma_start3A_953 = tpu.memref_slice %arg5[%multiple_of3A_952] : memref<64225280xf32, #tpu.memory_space<hbm>> -> memref<50176xf32, #tpu.memory_space<hbm>>
    %dma_start3A_954 = tpu.memref_slice %arg5[%multiple_of3A_952] : memref<64225280xf32, #tpu.memory_space<hbm>> -> memref<50176xf32, #tpu.memory_space<hbm>>
    tpu.enqueue_dma source(%arg8 : memref<50176xf32, #tpu.memory_space<vmem>>) target(%dma_start3A_954 : memref<50176xf32, #tpu.memory_space<hbm>>) target_semaphore(%arg12 : memref<!tpu.dma_semaphore, #tpu.memory_space<semaphore_mem>>)
    %dma_wait3A_955 = tpu.memref_slice %arg4[%multiple_of3A_898] : memref<38535168xf32, #tpu.memory_space<hbm>> -> memref<50176xf32, #tpu.memory_space<hbm>>
    %dma_wait3A_956 = tpu.memref_slice %arg4[%multiple_of3A_898] : memref<38535168xf32, #tpu.memory_space<hbm>> -> memref<50176xf32, #tpu.memory_space<hbm>>
    tpu.wait_dma2 semaphore(%arg11 : memref<!tpu.dma_semaphore, #tpu.memory_space<semaphore_mem>>) src(%dma_wait3A_956 : memref<50176xf32, #tpu.memory_space<hbm>>) dst(%arg9 : memref<50176xf32, #tpu.memory_space<vmem>>)
    %dma_wait3A_957 = tpu.memref_slice %arg5[%multiple_of3A_952] : memref<64225280xf32, #tpu.memory_space<hbm>> -> memref<50176xf32, #tpu.memory_space<hbm>>
    %dma_wait3A_958 = tpu.memref_slice %arg5[%multiple_of3A_952] : memref<64225280xf32, #tpu.memory_space<hbm>> -> memref<50176xf32, #tpu.memory_space<hbm>>
    tpu.wait_dma2 semaphore(%arg12 : memref<!tpu.dma_semaphore, #tpu.memory_space<semaphore_mem>>) src(%arg8 : memref<50176xf32, #tpu.memory_space<vmem>>) dst(%dma_wait3A_958 : memref<50176xf32, #tpu.memory_space<hbm>>)
    %mul3A_959 = arith.constant 24 : i32
    %mul3A_960 = arith.muli %add3A, %mul3A_959 : i32
    %add3A_961 = arith.constant 6 : i32
    %add3A_962 = arith.addi %mul3A_960, %add3A_961 : i32
    %jit3A_963 = arith.constant 96 : i32
    %div3A_964 = arith.divsi %add3A_962, %jit3A_963 : i32
    %sign3A_965 = arith.constant 0 : i32
    %sign3A_966 = arith.cmpi sgt, %add3A_962, %sign3A_965 : i32
    %sign3A_967 = arith.extui %sign3A_966 : i1 to i32
    %sign3A_968 = arith.constant 0 : i32
    %sign3A_969 = arith.cmpi slt, %add3A_962, %sign3A_968 : i32
    %sign3A_970 = arith.extui %sign3A_969 : i1 to i32
    %sign3A_971 = arith.subi %sign3A_967, %sign3A_970 : i32
    %sign3A_972 = arith.constant 0 : i32
    %sign3A_973 = arith.cmpi sgt, %jit3A_963, %sign3A_972 : i32
    %sign3A_974 = arith.extui %sign3A_973 : i1 to i32
    %sign3A_975 = arith.constant 0 : i32
    %sign3A_976 = arith.cmpi slt, %jit3A_963, %sign3A_975 : i32
    %sign3A_977 = arith.extui %sign3A_976 : i1 to i32
    %sign3A_978 = arith.subi %sign3A_974, %sign3A_977 : i32
    %ne3A_979 = arith.cmpi ne, %sign3A_971, %sign3A_978 : i32
    %rem3A_980 = arith.remsi %add3A_962, %jit3A_963 : i32
    %ne3A_981 = arith.constant 0 : i32
    %ne3A_982 = arith.cmpi ne, %rem3A_980, %ne3A_981 : i32
    %and3A_983 = arith.andi %ne3A_979, %ne3A_982 : i1
    %sub3A_984 = arith.constant 1 : i32
    %sub3A_985 = arith.subi %div3A_964, %sub3A_984 : i32
    %select_n3A_986 = arith.select %and3A_983, %sub3A_985, %div3A_964 : i32
    %jit3A_987 = arith.constant 96 : i32
    %eq3A_988 = arith.constant 0 : i32
    %eq3A_989 = arith.cmpi eq, %jit3A_987, %eq3A_988 : i32
    %jit3A_990 = arith.constant 1 : i32
    %select_n3A_991 = arith.select %eq3A_989, %jit3A_990, %jit3A_987 : i32
    %rem3A_992 = arith.remsi %add3A_962, %select_n3A_991 : i32
    %ne3A_993 = arith.constant 0 : i32
    %ne3A_994 = arith.cmpi ne, %rem3A_992, %ne3A_993 : i32
    %lt3A_995 = arith.constant 0 : i32
    %lt3A_996 = arith.cmpi slt, %rem3A_992, %lt3A_995 : i32
    %lt3A_997 = arith.constant 0 : i32
    %lt3A_998 = arith.cmpi slt, %select_n3A_991, %lt3A_997 : i32
    %ne3A_999 = arith.xori %lt3A_996, %lt3A_998 : i1
    %and3A_1000 = arith.andi %ne3A_999, %ne3A_994 : i1
    %add3A_1001 = arith.addi %rem3A_992, %select_n3A_991 : i32
    %select_n3A_1002 = arith.select %and3A_1000, %add3A_1001, %rem3A_992 : i32
    %mul3A_1003 = arith.constant 4816896 : i32
    %mul3A_1004 = arith.muli %select_n3A_986, %mul3A_1003 : i32
    %mul3A_1005 = arith.constant 50176 : i32
    %mul3A_1006 = arith.muli %select_n3A_1002, %mul3A_1005 : i32
    %add3A_1007 = arith.addi %mul3A_1004, %mul3A_1006 : i32
    %multiple_of3A_1008 = tpu.assume_multiple %add3A_1007, 8 : i32
    %dma_start3A_1009 = tpu.memref_slice %arg4[%multiple_of3A_1008] : memref<38535168xf32, #tpu.memory_space<hbm>> -> memref<50176xf32, #tpu.memory_space<hbm>>
    %dma_start3A_1010 = tpu.memref_slice %arg4[%multiple_of3A_1008] : memref<38535168xf32, #tpu.memory_space<hbm>> -> memref<50176xf32, #tpu.memory_space<hbm>>
    tpu.enqueue_dma source(%dma_start3A_1010 : memref<50176xf32, #tpu.memory_space<hbm>>) target(%arg8 : memref<50176xf32, #tpu.memory_space<vmem>>) target_semaphore(%arg11 : memref<!tpu.dma_semaphore, #tpu.memory_space<semaphore_mem>>)
    %mul3A_1011 = arith.constant 24 : i32
    %mul3A_1012 = arith.muli %add3A, %mul3A_1011 : i32
    %add3A_1013 = arith.constant 5 : i32
    %add3A_1014 = arith.addi %mul3A_1012, %add3A_1013 : i32
    %jit3A_1015 = arith.constant 96 : i32
    %div3A_1016 = arith.divsi %add3A_1014, %jit3A_1015 : i32
    %sign3A_1017 = arith.constant 0 : i32
    %sign3A_1018 = arith.cmpi sgt, %add3A_1014, %sign3A_1017 : i32
    %sign3A_1019 = arith.extui %sign3A_1018 : i1 to i32
    %sign3A_1020 = arith.constant 0 : i32
    %sign3A_1021 = arith.cmpi slt, %add3A_1014, %sign3A_1020 : i32
    %sign3A_1022 = arith.extui %sign3A_1021 : i1 to i32
    %sign3A_1023 = arith.subi %sign3A_1019, %sign3A_1022 : i32
    %sign3A_1024 = arith.constant 0 : i32
    %sign3A_1025 = arith.cmpi sgt, %jit3A_1015, %sign3A_1024 : i32
    %sign3A_1026 = arith.extui %sign3A_1025 : i1 to i32
    %sign3A_1027 = arith.constant 0 : i32
    %sign3A_1028 = arith.cmpi slt, %jit3A_1015, %sign3A_1027 : i32
    %sign3A_1029 = arith.extui %sign3A_1028 : i1 to i32
    %sign3A_1030 = arith.subi %sign3A_1026, %sign3A_1029 : i32
    %ne3A_1031 = arith.cmpi ne, %sign3A_1023, %sign3A_1030 : i32
    %rem3A_1032 = arith.remsi %add3A_1014, %jit3A_1015 : i32
    %ne3A_1033 = arith.constant 0 : i32
    %ne3A_1034 = arith.cmpi ne, %rem3A_1032, %ne3A_1033 : i32
    %and3A_1035 = arith.andi %ne3A_1031, %ne3A_1034 : i1
    %sub3A_1036 = arith.constant 1 : i32
    %sub3A_1037 = arith.subi %div3A_1016, %sub3A_1036 : i32
    %select_n3A_1038 = arith.select %and3A_1035, %sub3A_1037, %div3A_1016 : i32
    %jit3A_1039 = arith.constant 96 : i32
    %eq3A_1040 = arith.constant 0 : i32
    %eq3A_1041 = arith.cmpi eq, %jit3A_1039, %eq3A_1040 : i32
    %jit3A_1042 = arith.constant 1 : i32
    %select_n3A_1043 = arith.select %eq3A_1041, %jit3A_1042, %jit3A_1039 : i32
    %rem3A_1044 = arith.remsi %add3A_1014, %select_n3A_1043 : i32
    %ne3A_1045 = arith.constant 0 : i32
    %ne3A_1046 = arith.cmpi ne, %rem3A_1044, %ne3A_1045 : i32
    %lt3A_1047 = arith.constant 0 : i32
    %lt3A_1048 = arith.cmpi slt, %rem3A_1044, %lt3A_1047 : i32
    %lt3A_1049 = arith.constant 0 : i32
    %lt3A_1050 = arith.cmpi slt, %select_n3A_1043, %lt3A_1049 : i32
    %ne3A_1051 = arith.xori %lt3A_1048, %lt3A_1050 : i1
    %and3A_1052 = arith.andi %ne3A_1051, %ne3A_1046 : i1
    %add3A_1053 = arith.addi %rem3A_1044, %select_n3A_1043 : i32
    %select_n3A_1054 = arith.select %and3A_1052, %add3A_1053, %rem3A_1044 : i32
    %mul3A_1055 = arith.constant 8028160 : i32
    %mul3A_1056 = arith.muli %select_n3A_1038, %mul3A_1055 : i32
    %add3A_1057 = arith.constant 3211264 : i32
    %add3A_1058 = arith.addi %mul3A_1056, %add3A_1057 : i32
    %mul3A_1059 = arith.constant 50176 : i32
    %mul3A_1060 = arith.muli %select_n3A_1054, %mul3A_1059 : i32
    %add3A_1061 = arith.addi %add3A_1058, %mul3A_1060 : i32
    %multiple_of3A_1062 = tpu.assume_multiple %add3A_1061, 8 : i32
    %dma_start3A_1063 = tpu.memref_slice %arg5[%multiple_of3A_1062] : memref<64225280xf32, #tpu.memory_space<hbm>> -> memref<50176xf32, #tpu.memory_space<hbm>>
    %dma_start3A_1064 = tpu.memref_slice %arg5[%multiple_of3A_1062] : memref<64225280xf32, #tpu.memory_space<hbm>> -> memref<50176xf32, #tpu.memory_space<hbm>>
    tpu.enqueue_dma source(%arg9 : memref<50176xf32, #tpu.memory_space<vmem>>) target(%dma_start3A_1064 : memref<50176xf32, #tpu.memory_space<hbm>>) target_semaphore(%arg12 : memref<!tpu.dma_semaphore, #tpu.memory_space<semaphore_mem>>)
    %dma_wait3A_1065 = tpu.memref_slice %arg4[%multiple_of3A_1008] : memref<38535168xf32, #tpu.memory_space<hbm>> -> memref<50176xf32, #tpu.memory_space<hbm>>
    %dma_wait3A_1066 = tpu.memref_slice %arg4[%multiple_of3A_1008] : memref<38535168xf32, #tpu.memory_space<hbm>> -> memref<50176xf32, #tpu.memory_space<hbm>>
    tpu.wait_dma2 semaphore(%arg11 : memref<!tpu.dma_semaphore, #tpu.memory_space<semaphore_mem>>) src(%dma_wait3A_1066 : memref<50176xf32, #tpu.memory_space<hbm>>) dst(%arg8 : memref<50176xf32, #tpu.memory_space<vmem>>)
    %dma_wait3A_1067 = tpu.memref_slice %arg5[%multiple_of3A_1062] : memref<64225280xf32, #tpu.memory_space<hbm>> -> memref<50176xf32, #tpu.memory_space<hbm>>
    %dma_wait3A_1068 = tpu.memref_slice %arg5[%multiple_of3A_1062] : memref<64225280xf32, #tpu.memory_space<hbm>> -> memref<50176xf32, #tpu.memory_space<hbm>>
    tpu.wait_dma2 semaphore(%arg12 : memref<!tpu.dma_semaphore, #tpu.memory_space<semaphore_mem>>) src(%arg9 : memref<50176xf32, #tpu.memory_space<vmem>>) dst(%dma_wait3A_1068 : memref<50176xf32, #tpu.memory_space<hbm>>)
    %mul3A_1069 = arith.constant 24 : i32
    %mul3A_1070 = arith.muli %add3A, %mul3A_1069 : i32
    %add3A_1071 = arith.constant 7 : i32
    %add3A_1072 = arith.addi %mul3A_1070, %add3A_1071 : i32
    %jit3A_1073 = arith.constant 96 : i32
    %div3A_1074 = arith.divsi %add3A_1072, %jit3A_1073 : i32
    %sign3A_1075 = arith.constant 0 : i32
    %sign3A_1076 = arith.cmpi sgt, %add3A_1072, %sign3A_1075 : i32
    %sign3A_1077 = arith.extui %sign3A_1076 : i1 to i32
    %sign3A_1078 = arith.constant 0 : i32
    %sign3A_1079 = arith.cmpi slt, %add3A_1072, %sign3A_1078 : i32
    %sign3A_1080 = arith.extui %sign3A_1079 : i1 to i32
    %sign3A_1081 = arith.subi %sign3A_1077, %sign3A_1080 : i32
    %sign3A_1082 = arith.constant 0 : i32
    %sign3A_1083 = arith.cmpi sgt, %jit3A_1073, %sign3A_1082 : i32
    %sign3A_1084 = arith.extui %sign3A_1083 : i1 to i32
    %sign3A_1085 = arith.constant 0 : i32
    %sign3A_1086 = arith.cmpi slt, %jit3A_1073, %sign3A_1085 : i32
    %sign3A_1087 = arith.extui %sign3A_1086 : i1 to i32
    %sign3A_1088 = arith.subi %sign3A_1084, %sign3A_1087 : i32
    %ne3A_1089 = arith.cmpi ne, %sign3A_1081, %sign3A_1088 : i32
    %rem3A_1090 = arith.remsi %add3A_1072, %jit3A_1073 : i32
    %ne3A_1091 = arith.constant 0 : i32
    %ne3A_1092 = arith.cmpi ne, %rem3A_1090, %ne3A_1091 : i32
    %and3A_1093 = arith.andi %ne3A_1089, %ne3A_1092 : i1
    %sub3A_1094 = arith.constant 1 : i32
    %sub3A_1095 = arith.subi %div3A_1074, %sub3A_1094 : i32
    %select_n3A_1096 = arith.select %and3A_1093, %sub3A_1095, %div3A_1074 : i32
    %jit3A_1097 = arith.constant 96 : i32
    %eq3A_1098 = arith.constant 0 : i32
    %eq3A_1099 = arith.cmpi eq, %jit3A_1097, %eq3A_1098 : i32
    %jit3A_1100 = arith.constant 1 : i32
    %select_n3A_1101 = arith.select %eq3A_1099, %jit3A_1100, %jit3A_1097 : i32
    %rem3A_1102 = arith.remsi %add3A_1072, %select_n3A_1101 : i32
    %ne3A_1103 = arith.constant 0 : i32
    %ne3A_1104 = arith.cmpi ne, %rem3A_1102, %ne3A_1103 : i32
    %lt3A_1105 = arith.constant 0 : i32
    %lt3A_1106 = arith.cmpi slt, %rem3A_1102, %lt3A_1105 : i32
    %lt3A_1107 = arith.constant 0 : i32
    %lt3A_1108 = arith.cmpi slt, %select_n3A_1101, %lt3A_1107 : i32
    %ne3A_1109 = arith.xori %lt3A_1106, %lt3A_1108 : i1
    %and3A_1110 = arith.andi %ne3A_1109, %ne3A_1104 : i1
    %add3A_1111 = arith.addi %rem3A_1102, %select_n3A_1101 : i32
    %select_n3A_1112 = arith.select %and3A_1110, %add3A_1111, %rem3A_1102 : i32
    %mul3A_1113 = arith.constant 4816896 : i32
    %mul3A_1114 = arith.muli %select_n3A_1096, %mul3A_1113 : i32
    %mul3A_1115 = arith.constant 50176 : i32
    %mul3A_1116 = arith.muli %select_n3A_1112, %mul3A_1115 : i32
    %add3A_1117 = arith.addi %mul3A_1114, %mul3A_1116 : i32
    %multiple_of3A_1118 = tpu.assume_multiple %add3A_1117, 8 : i32
    %dma_start3A_1119 = tpu.memref_slice %arg4[%multiple_of3A_1118] : memref<38535168xf32, #tpu.memory_space<hbm>> -> memref<50176xf32, #tpu.memory_space<hbm>>
    %dma_start3A_1120 = tpu.memref_slice %arg4[%multiple_of3A_1118] : memref<38535168xf32, #tpu.memory_space<hbm>> -> memref<50176xf32, #tpu.memory_space<hbm>>
    tpu.enqueue_dma source(%dma_start3A_1120 : memref<50176xf32, #tpu.memory_space<hbm>>) target(%arg9 : memref<50176xf32, #tpu.memory_space<vmem>>) target_semaphore(%arg11 : memref<!tpu.dma_semaphore, #tpu.memory_space<semaphore_mem>>)
    %mul3A_1121 = arith.constant 24 : i32
    %mul3A_1122 = arith.muli %add3A, %mul3A_1121 : i32
    %add3A_1123 = arith.constant 6 : i32
    %add3A_1124 = arith.addi %mul3A_1122, %add3A_1123 : i32
    %jit3A_1125 = arith.constant 96 : i32
    %div3A_1126 = arith.divsi %add3A_1124, %jit3A_1125 : i32
    %sign3A_1127 = arith.constant 0 : i32
    %sign3A_1128 = arith.cmpi sgt, %add3A_1124, %sign3A_1127 : i32
    %sign3A_1129 = arith.extui %sign3A_1128 : i1 to i32
    %sign3A_1130 = arith.constant 0 : i32
    %sign3A_1131 = arith.cmpi slt, %add3A_1124, %sign3A_1130 : i32
    %sign3A_1132 = arith.extui %sign3A_1131 : i1 to i32
    %sign3A_1133 = arith.subi %sign3A_1129, %sign3A_1132 : i32
    %sign3A_1134 = arith.constant 0 : i32
    %sign3A_1135 = arith.cmpi sgt, %jit3A_1125, %sign3A_1134 : i32
    %sign3A_1136 = arith.extui %sign3A_1135 : i1 to i32
    %sign3A_1137 = arith.constant 0 : i32
    %sign3A_1138 = arith.cmpi slt, %jit3A_1125, %sign3A_1137 : i32
    %sign3A_1139 = arith.extui %sign3A_1138 : i1 to i32
    %sign3A_1140 = arith.subi %sign3A_1136, %sign3A_1139 : i32
    %ne3A_1141 = arith.cmpi ne, %sign3A_1133, %sign3A_1140 : i32
    %rem3A_1142 = arith.remsi %add3A_1124, %jit3A_1125 : i32
    %ne3A_1143 = arith.constant 0 : i32
    %ne3A_1144 = arith.cmpi ne, %rem3A_1142, %ne3A_1143 : i32
    %and3A_1145 = arith.andi %ne3A_1141, %ne3A_1144 : i1
    %sub3A_1146 = arith.constant 1 : i32
    %sub3A_1147 = arith.subi %div3A_1126, %sub3A_1146 : i32
    %select_n3A_1148 = arith.select %and3A_1145, %sub3A_1147, %div3A_1126 : i32
    %jit3A_1149 = arith.constant 96 : i32
    %eq3A_1150 = arith.constant 0 : i32
    %eq3A_1151 = arith.cmpi eq, %jit3A_1149, %eq3A_1150 : i32
    %jit3A_1152 = arith.constant 1 : i32
    %select_n3A_1153 = arith.select %eq3A_1151, %jit3A_1152, %jit3A_1149 : i32
    %rem3A_1154 = arith.remsi %add3A_1124, %select_n3A_1153 : i32
    %ne3A_1155 = arith.constant 0 : i32
    %ne3A_1156 = arith.cmpi ne, %rem3A_1154, %ne3A_1155 : i32
    %lt3A_1157 = arith.constant 0 : i32
    %lt3A_1158 = arith.cmpi slt, %rem3A_1154, %lt3A_1157 : i32
    %lt3A_1159 = arith.constant 0 : i32
    %lt3A_1160 = arith.cmpi slt, %select_n3A_1153, %lt3A_1159 : i32
    %ne3A_1161 = arith.xori %lt3A_1158, %lt3A_1160 : i1
    %and3A_1162 = arith.andi %ne3A_1161, %ne3A_1156 : i1
    %add3A_1163 = arith.addi %rem3A_1154, %select_n3A_1153 : i32
    %select_n3A_1164 = arith.select %and3A_1162, %add3A_1163, %rem3A_1154 : i32
    %mul3A_1165 = arith.constant 8028160 : i32
    %mul3A_1166 = arith.muli %select_n3A_1148, %mul3A_1165 : i32
    %add3A_1167 = arith.constant 3211264 : i32
    %add3A_1168 = arith.addi %mul3A_1166, %add3A_1167 : i32
    %mul3A_1169 = arith.constant 50176 : i32
    %mul3A_1170 = arith.muli %select_n3A_1164, %mul3A_1169 : i32
    %add3A_1171 = arith.addi %add3A_1168, %mul3A_1170 : i32
    %multiple_of3A_1172 = tpu.assume_multiple %add3A_1171, 8 : i32
    %dma_start3A_1173 = tpu.memref_slice %arg5[%multiple_of3A_1172] : memref<64225280xf32, #tpu.memory_space<hbm>> -> memref<50176xf32, #tpu.memory_space<hbm>>
    %dma_start3A_1174 = tpu.memref_slice %arg5[%multiple_of3A_1172] : memref<64225280xf32, #tpu.memory_space<hbm>> -> memref<50176xf32, #tpu.memory_space<hbm>>
    tpu.enqueue_dma source(%arg8 : memref<50176xf32, #tpu.memory_space<vmem>>) target(%dma_start3A_1174 : memref<50176xf32, #tpu.memory_space<hbm>>) target_semaphore(%arg12 : memref<!tpu.dma_semaphore, #tpu.memory_space<semaphore_mem>>)
    %dma_wait3A_1175 = tpu.memref_slice %arg4[%multiple_of3A_1118] : memref<38535168xf32, #tpu.memory_space<hbm>> -> memref<50176xf32, #tpu.memory_space<hbm>>
    %dma_wait3A_1176 = tpu.memref_slice %arg4[%multiple_of3A_1118] : memref<38535168xf32, #tpu.memory_space<hbm>> -> memref<50176xf32, #tpu.memory_space<hbm>>
    tpu.wait_dma2 semaphore(%arg11 : memref<!tpu.dma_semaphore, #tpu.memory_space<semaphore_mem>>) src(%dma_wait3A_1176 : memref<50176xf32, #tpu.memory_space<hbm>>) dst(%arg9 : memref<50176xf32, #tpu.memory_space<vmem>>)
    %dma_wait3A_1177 = tpu.memref_slice %arg5[%multiple_of3A_1172] : memref<64225280xf32, #tpu.memory_space<hbm>> -> memref<50176xf32, #tpu.memory_space<hbm>>
    %dma_wait3A_1178 = tpu.memref_slice %arg5[%multiple_of3A_1172] : memref<64225280xf32, #tpu.memory_space<hbm>> -> memref<50176xf32, #tpu.memory_space<hbm>>
    tpu.wait_dma2 semaphore(%arg12 : memref<!tpu.dma_semaphore, #tpu.memory_space<semaphore_mem>>) src(%arg8 : memref<50176xf32, #tpu.memory_space<vmem>>) dst(%dma_wait3A_1178 : memref<50176xf32, #tpu.memory_space<hbm>>)
    %mul3A_1179 = arith.constant 24 : i32
    %mul3A_1180 = arith.muli %add3A, %mul3A_1179 : i32
    %add3A_1181 = arith.constant 8 : i32
    %add3A_1182 = arith.addi %mul3A_1180, %add3A_1181 : i32
    %jit3A_1183 = arith.constant 96 : i32
    %div3A_1184 = arith.divsi %add3A_1182, %jit3A_1183 : i32
    %sign3A_1185 = arith.constant 0 : i32
    %sign3A_1186 = arith.cmpi sgt, %add3A_1182, %sign3A_1185 : i32
    %sign3A_1187 = arith.extui %sign3A_1186 : i1 to i32
    %sign3A_1188 = arith.constant 0 : i32
    %sign3A_1189 = arith.cmpi slt, %add3A_1182, %sign3A_1188 : i32
    %sign3A_1190 = arith.extui %sign3A_1189 : i1 to i32
    %sign3A_1191 = arith.subi %sign3A_1187, %sign3A_1190 : i32
    %sign3A_1192 = arith.constant 0 : i32
    %sign3A_1193 = arith.cmpi sgt, %jit3A_1183, %sign3A_1192 : i32
    %sign3A_1194 = arith.extui %sign3A_1193 : i1 to i32
    %sign3A_1195 = arith.constant 0 : i32
    %sign3A_1196 = arith.cmpi slt, %jit3A_1183, %sign3A_1195 : i32
    %sign3A_1197 = arith.extui %sign3A_1196 : i1 to i32
    %sign3A_1198 = arith.subi %sign3A_1194, %sign3A_1197 : i32
    %ne3A_1199 = arith.cmpi ne, %sign3A_1191, %sign3A_1198 : i32
    %rem3A_1200 = arith.remsi %add3A_1182, %jit3A_1183 : i32
    %ne3A_1201 = arith.constant 0 : i32
    %ne3A_1202 = arith.cmpi ne, %rem3A_1200, %ne3A_1201 : i32
    %and3A_1203 = arith.andi %ne3A_1199, %ne3A_1202 : i1
    %sub3A_1204 = arith.constant 1 : i32
    %sub3A_1205 = arith.subi %div3A_1184, %sub3A_1204 : i32
    %select_n3A_1206 = arith.select %and3A_1203, %sub3A_1205, %div3A_1184 : i32
    %jit3A_1207 = arith.constant 96 : i32
    %eq3A_1208 = arith.constant 0 : i32
    %eq3A_1209 = arith.cmpi eq, %jit3A_1207, %eq3A_1208 : i32
    %jit3A_1210 = arith.constant 1 : i32
    %select_n3A_1211 = arith.select %eq3A_1209, %jit3A_1210, %jit3A_1207 : i32
    %rem3A_1212 = arith.remsi %add3A_1182, %select_n3A_1211 : i32
    %ne3A_1213 = arith.constant 0 : i32
    %ne3A_1214 = arith.cmpi ne, %rem3A_1212, %ne3A_1213 : i32
    %lt3A_1215 = arith.constant 0 : i32
    %lt3A_1216 = arith.cmpi slt, %rem3A_1212, %lt3A_1215 : i32
    %lt3A_1217 = arith.constant 0 : i32
    %lt3A_1218 = arith.cmpi slt, %select_n3A_1211, %lt3A_1217 : i32
    %ne3A_1219 = arith.xori %lt3A_1216, %lt3A_1218 : i1
    %and3A_1220 = arith.andi %ne3A_1219, %ne3A_1214 : i1
    %add3A_1221 = arith.addi %rem3A_1212, %select_n3A_1211 : i32
    %select_n3A_1222 = arith.select %and3A_1220, %add3A_1221, %rem3A_1212 : i32
    %mul3A_1223 = arith.constant 4816896 : i32
    %mul3A_1224 = arith.muli %select_n3A_1206, %mul3A_1223 : i32
    %mul3A_1225 = arith.constant 50176 : i32
    %mul3A_1226 = arith.muli %select_n3A_1222, %mul3A_1225 : i32
    %add3A_1227 = arith.addi %mul3A_1224, %mul3A_1226 : i32
    %multiple_of3A_1228 = tpu.assume_multiple %add3A_1227, 8 : i32
    %dma_start3A_1229 = tpu.memref_slice %arg4[%multiple_of3A_1228] : memref<38535168xf32, #tpu.memory_space<hbm>> -> memref<50176xf32, #tpu.memory_space<hbm>>
    %dma_start3A_1230 = tpu.memref_slice %arg4[%multiple_of3A_1228] : memref<38535168xf32, #tpu.memory_space<hbm>> -> memref<50176xf32, #tpu.memory_space<hbm>>
    tpu.enqueue_dma source(%dma_start3A_1230 : memref<50176xf32, #tpu.memory_space<hbm>>) target(%arg8 : memref<50176xf32, #tpu.memory_space<vmem>>) target_semaphore(%arg11 : memref<!tpu.dma_semaphore, #tpu.memory_space<semaphore_mem>>)
    %mul3A_1231 = arith.constant 24 : i32
    %mul3A_1232 = arith.muli %add3A, %mul3A_1231 : i32
    %add3A_1233 = arith.constant 7 : i32
    %add3A_1234 = arith.addi %mul3A_1232, %add3A_1233 : i32
    %jit3A_1235 = arith.constant 96 : i32
    %div3A_1236 = arith.divsi %add3A_1234, %jit3A_1235 : i32
    %sign3A_1237 = arith.constant 0 : i32
    %sign3A_1238 = arith.cmpi sgt, %add3A_1234, %sign3A_1237 : i32
    %sign3A_1239 = arith.extui %sign3A_1238 : i1 to i32
    %sign3A_1240 = arith.constant 0 : i32
    %sign3A_1241 = arith.cmpi slt, %add3A_1234, %sign3A_1240 : i32
    %sign3A_1242 = arith.extui %sign3A_1241 : i1 to i32
    %sign3A_1243 = arith.subi %sign3A_1239, %sign3A_1242 : i32
    %sign3A_1244 = arith.constant 0 : i32
    %sign3A_1245 = arith.cmpi sgt, %jit3A_1235, %sign3A_1244 : i32
    %sign3A_1246 = arith.extui %sign3A_1245 : i1 to i32
    %sign3A_1247 = arith.constant 0 : i32
    %sign3A_1248 = arith.cmpi slt, %jit3A_1235, %sign3A_1247 : i32
    %sign3A_1249 = arith.extui %sign3A_1248 : i1 to i32
    %sign3A_1250 = arith.subi %sign3A_1246, %sign3A_1249 : i32
    %ne3A_1251 = arith.cmpi ne, %sign3A_1243, %sign3A_1250 : i32
    %rem3A_1252 = arith.remsi %add3A_1234, %jit3A_1235 : i32
    %ne3A_1253 = arith.constant 0 : i32
    %ne3A_1254 = arith.cmpi ne, %rem3A_1252, %ne3A_1253 : i32
    %and3A_1255 = arith.andi %ne3A_1251, %ne3A_1254 : i1
    %sub3A_1256 = arith.constant 1 : i32
    %sub3A_1257 = arith.subi %div3A_1236, %sub3A_1256 : i32
    %select_n3A_1258 = arith.select %and3A_1255, %sub3A_1257, %div3A_1236 : i32
    %jit3A_1259 = arith.constant 96 : i32
    %eq3A_1260 = arith.constant 0 : i32
    %eq3A_1261 = arith.cmpi eq, %jit3A_1259, %eq3A_1260 : i32
    %jit3A_1262 = arith.constant 1 : i32
    %select_n3A_1263 = arith.select %eq3A_1261, %jit3A_1262, %jit3A_1259 : i32
    %rem3A_1264 = arith.remsi %add3A_1234, %select_n3A_1263 : i32
    %ne3A_1265 = arith.constant 0 : i32
    %ne3A_1266 = arith.cmpi ne, %rem3A_1264, %ne3A_1265 : i32
    %lt3A_1267 = arith.constant 0 : i32
    %lt3A_1268 = arith.cmpi slt, %rem3A_1264, %lt3A_1267 : i32
    %lt3A_1269 = arith.constant 0 : i32
    %lt3A_1270 = arith.cmpi slt, %select_n3A_1263, %lt3A_1269 : i32
    %ne3A_1271 = arith.xori %lt3A_1268, %lt3A_1270 : i1
    %and3A_1272 = arith.andi %ne3A_1271, %ne3A_1266 : i1
    %add3A_1273 = arith.addi %rem3A_1264, %select_n3A_1263 : i32
    %select_n3A_1274 = arith.select %and3A_1272, %add3A_1273, %rem3A_1264 : i32
    %mul3A_1275 = arith.constant 8028160 : i32
    %mul3A_1276 = arith.muli %select_n3A_1258, %mul3A_1275 : i32
    %add3A_1277 = arith.constant 3211264 : i32
    %add3A_1278 = arith.addi %mul3A_1276, %add3A_1277 : i32
    %mul3A_1279 = arith.constant 50176 : i32
    %mul3A_1280 = arith.muli %select_n3A_1274, %mul3A_1279 : i32
    %add3A_1281 = arith.addi %add3A_1278, %mul3A_1280 : i32
    %multiple_of3A_1282 = tpu.assume_multiple %add3A_1281, 8 : i32
    %dma_start3A_1283 = tpu.memref_slice %arg5[%multiple_of3A_1282] : memref<64225280xf32, #tpu.memory_space<hbm>> -> memref<50176xf32, #tpu.memory_space<hbm>>
    %dma_start3A_1284 = tpu.memref_slice %arg5[%multiple_of3A_1282] : memref<64225280xf32, #tpu.memory_space<hbm>> -> memref<50176xf32, #tpu.memory_space<hbm>>
    tpu.enqueue_dma source(%arg9 : memref<50176xf32, #tpu.memory_space<vmem>>) target(%dma_start3A_1284 : memref<50176xf32, #tpu.memory_space<hbm>>) target_semaphore(%arg12 : memref<!tpu.dma_semaphore, #tpu.memory_space<semaphore_mem>>)
    %dma_wait3A_1285 = tpu.memref_slice %arg4[%multiple_of3A_1228] : memref<38535168xf32, #tpu.memory_space<hbm>> -> memref<50176xf32, #tpu.memory_space<hbm>>
    %dma_wait3A_1286 = tpu.memref_slice %arg4[%multiple_of3A_1228] : memref<38535168xf32, #tpu.memory_space<hbm>> -> memref<50176xf32, #tpu.memory_space<hbm>>
    tpu.wait_dma2 semaphore(%arg11 : memref<!tpu.dma_semaphore, #tpu.memory_space<semaphore_mem>>) src(%dma_wait3A_1286 : memref<50176xf32, #tpu.memory_space<hbm>>) dst(%arg8 : memref<50176xf32, #tpu.memory_space<vmem>>)
    %dma_wait3A_1287 = tpu.memref_slice %arg5[%multiple_of3A_1282] : memref<64225280xf32, #tpu.memory_space<hbm>> -> memref<50176xf32, #tpu.memory_space<hbm>>
    %dma_wait3A_1288 = tpu.memref_slice %arg5[%multiple_of3A_1282] : memref<64225280xf32, #tpu.memory_space<hbm>> -> memref<50176xf32, #tpu.memory_space<hbm>>
    tpu.wait_dma2 semaphore(%arg12 : memref<!tpu.dma_semaphore, #tpu.memory_space<semaphore_mem>>) src(%arg9 : memref<50176xf32, #tpu.memory_space<vmem>>) dst(%dma_wait3A_1288 : memref<50176xf32, #tpu.memory_space<hbm>>)
    %mul3A_1289 = arith.constant 24 : i32
    %mul3A_1290 = arith.muli %add3A, %mul3A_1289 : i32
    %add3A_1291 = arith.constant 9 : i32
    %add3A_1292 = arith.addi %mul3A_1290, %add3A_1291 : i32
    %jit3A_1293 = arith.constant 96 : i32
    %div3A_1294 = arith.divsi %add3A_1292, %jit3A_1293 : i32
    %sign3A_1295 = arith.constant 0 : i32
    %sign3A_1296 = arith.cmpi sgt, %add3A_1292, %sign3A_1295 : i32
    %sign3A_1297 = arith.extui %sign3A_1296 : i1 to i32
    %sign3A_1298 = arith.constant 0 : i32
    %sign3A_1299 = arith.cmpi slt, %add3A_1292, %sign3A_1298 : i32
    %sign3A_1300 = arith.extui %sign3A_1299 : i1 to i32
    %sign3A_1301 = arith.subi %sign3A_1297, %sign3A_1300 : i32
    %sign3A_1302 = arith.constant 0 : i32
    %sign3A_1303 = arith.cmpi sgt, %jit3A_1293, %sign3A_1302 : i32
    %sign3A_1304 = arith.extui %sign3A_1303 : i1 to i32
    %sign3A_1305 = arith.constant 0 : i32
    %sign3A_1306 = arith.cmpi slt, %jit3A_1293, %sign3A_1305 : i32
    %sign3A_1307 = arith.extui %sign3A_1306 : i1 to i32
    %sign3A_1308 = arith.subi %sign3A_1304, %sign3A_1307 : i32
    %ne3A_1309 = arith.cmpi ne, %sign3A_1301, %sign3A_1308 : i32
    %rem3A_1310 = arith.remsi %add3A_1292, %jit3A_1293 : i32
    %ne3A_1311 = arith.constant 0 : i32
    %ne3A_1312 = arith.cmpi ne, %rem3A_1310, %ne3A_1311 : i32
    %and3A_1313 = arith.andi %ne3A_1309, %ne3A_1312 : i1
    %sub3A_1314 = arith.constant 1 : i32
    %sub3A_1315 = arith.subi %div3A_1294, %sub3A_1314 : i32
    %select_n3A_1316 = arith.select %and3A_1313, %sub3A_1315, %div3A_1294 : i32
    %jit3A_1317 = arith.constant 96 : i32
    %eq3A_1318 = arith.constant 0 : i32
    %eq3A_1319 = arith.cmpi eq, %jit3A_1317, %eq3A_1318 : i32
    %jit3A_1320 = arith.constant 1 : i32
    %select_n3A_1321 = arith.select %eq3A_1319, %jit3A_1320, %jit3A_1317 : i32
    %rem3A_1322 = arith.remsi %add3A_1292, %select_n3A_1321 : i32
    %ne3A_1323 = arith.constant 0 : i32
    %ne3A_1324 = arith.cmpi ne, %rem3A_1322, %ne3A_1323 : i32
    %lt3A_1325 = arith.constant 0 : i32
    %lt3A_1326 = arith.cmpi slt, %rem3A_1322, %lt3A_1325 : i32
    %lt3A_1327 = arith.constant 0 : i32
    %lt3A_1328 = arith.cmpi slt, %select_n3A_1321, %lt3A_1327 : i32
    %ne3A_1329 = arith.xori %lt3A_1326, %lt3A_1328 : i1
    %and3A_1330 = arith.andi %ne3A_1329, %ne3A_1324 : i1
    %add3A_1331 = arith.addi %rem3A_1322, %select_n3A_1321 : i32
    %select_n3A_1332 = arith.select %and3A_1330, %add3A_1331, %rem3A_1322 : i32
    %mul3A_1333 = arith.constant 4816896 : i32
    %mul3A_1334 = arith.muli %select_n3A_1316, %mul3A_1333 : i32
    %mul3A_1335 = arith.constant 50176 : i32
    %mul3A_1336 = arith.muli %select_n3A_1332, %mul3A_1335 : i32
    %add3A_1337 = arith.addi %mul3A_1334, %mul3A_1336 : i32
    %multiple_of3A_1338 = tpu.assume_multiple %add3A_1337, 8 : i32
    %dma_start3A_1339 = tpu.memref_slice %arg4[%multiple_of3A_1338] : memref<38535168xf32, #tpu.memory_space<hbm>> -> memref<50176xf32, #tpu.memory_space<hbm>>
    %dma_start3A_1340 = tpu.memref_slice %arg4[%multiple_of3A_1338] : memref<38535168xf32, #tpu.memory_space<hbm>> -> memref<50176xf32, #tpu.memory_space<hbm>>
    tpu.enqueue_dma source(%dma_start3A_1340 : memref<50176xf32, #tpu.memory_space<hbm>>) target(%arg9 : memref<50176xf32, #tpu.memory_space<vmem>>) target_semaphore(%arg11 : memref<!tpu.dma_semaphore, #tpu.memory_space<semaphore_mem>>)
    %mul3A_1341 = arith.constant 24 : i32
    %mul3A_1342 = arith.muli %add3A, %mul3A_1341 : i32
    %add3A_1343 = arith.constant 8 : i32
    %add3A_1344 = arith.addi %mul3A_1342, %add3A_1343 : i32
    %jit3A_1345 = arith.constant 96 : i32
    %div3A_1346 = arith.divsi %add3A_1344, %jit3A_1345 : i32
    %sign3A_1347 = arith.constant 0 : i32
    %sign3A_1348 = arith.cmpi sgt, %add3A_1344, %sign3A_1347 : i32
    %sign3A_1349 = arith.extui %sign3A_1348 : i1 to i32
    %sign3A_1350 = arith.constant 0 : i32
    %sign3A_1351 = arith.cmpi slt, %add3A_1344, %sign3A_1350 : i32
    %sign3A_1352 = arith.extui %sign3A_1351 : i1 to i32
    %sign3A_1353 = arith.subi %sign3A_1349, %sign3A_1352 : i32
    %sign3A_1354 = arith.constant 0 : i32
    %sign3A_1355 = arith.cmpi sgt, %jit3A_1345, %sign3A_1354 : i32
    %sign3A_1356 = arith.extui %sign3A_1355 : i1 to i32
    %sign3A_1357 = arith.constant 0 : i32
    %sign3A_1358 = arith.cmpi slt, %jit3A_1345, %sign3A_1357 : i32
    %sign3A_1359 = arith.extui %sign3A_1358 : i1 to i32
    %sign3A_1360 = arith.subi %sign3A_1356, %sign3A_1359 : i32
    %ne3A_1361 = arith.cmpi ne, %sign3A_1353, %sign3A_1360 : i32
    %rem3A_1362 = arith.remsi %add3A_1344, %jit3A_1345 : i32
    %ne3A_1363 = arith.constant 0 : i32
    %ne3A_1364 = arith.cmpi ne, %rem3A_1362, %ne3A_1363 : i32
    %and3A_1365 = arith.andi %ne3A_1361, %ne3A_1364 : i1
    %sub3A_1366 = arith.constant 1 : i32
    %sub3A_1367 = arith.subi %div3A_1346, %sub3A_1366 : i32
    %select_n3A_1368 = arith.select %and3A_1365, %sub3A_1367, %div3A_1346 : i32
    %jit3A_1369 = arith.constant 96 : i32
    %eq3A_1370 = arith.constant 0 : i32
    %eq3A_1371 = arith.cmpi eq, %jit3A_1369, %eq3A_1370 : i32
    %jit3A_1372 = arith.constant 1 : i32
    %select_n3A_1373 = arith.select %eq3A_1371, %jit3A_1372, %jit3A_1369 : i32
    %rem3A_1374 = arith.remsi %add3A_1344, %select_n3A_1373 : i32
    %ne3A_1375 = arith.constant 0 : i32
    %ne3A_1376 = arith.cmpi ne, %rem3A_1374, %ne3A_1375 : i32
    %lt3A_1377 = arith.constant 0 : i32
    %lt3A_1378 = arith.cmpi slt, %rem3A_1374, %lt3A_1377 : i32
    %lt3A_1379 = arith.constant 0 : i32
    %lt3A_1380 = arith.cmpi slt, %select_n3A_1373, %lt3A_1379 : i32
    %ne3A_1381 = arith.xori %lt3A_1378, %lt3A_1380 : i1
    %and3A_1382 = arith.andi %ne3A_1381, %ne3A_1376 : i1
    %add3A_1383 = arith.addi %rem3A_1374, %select_n3A_1373 : i32
    %select_n3A_1384 = arith.select %and3A_1382, %add3A_1383, %rem3A_1374 : i32
    %mul3A_1385 = arith.constant 8028160 : i32
    %mul3A_1386 = arith.muli %select_n3A_1368, %mul3A_1385 : i32
    %add3A_1387 = arith.constant 3211264 : i32
    %add3A_1388 = arith.addi %mul3A_1386, %add3A_1387 : i32
    %mul3A_1389 = arith.constant 50176 : i32
    %mul3A_1390 = arith.muli %select_n3A_1384, %mul3A_1389 : i32
    %add3A_1391 = arith.addi %add3A_1388, %mul3A_1390 : i32
    %multiple_of3A_1392 = tpu.assume_multiple %add3A_1391, 8 : i32
    %dma_start3A_1393 = tpu.memref_slice %arg5[%multiple_of3A_1392] : memref<64225280xf32, #tpu.memory_space<hbm>> -> memref<50176xf32, #tpu.memory_space<hbm>>
    %dma_start3A_1394 = tpu.memref_slice %arg5[%multiple_of3A_1392] : memref<64225280xf32, #tpu.memory_space<hbm>> -> memref<50176xf32, #tpu.memory_space<hbm>>
    tpu.enqueue_dma source(%arg8 : memref<50176xf32, #tpu.memory_space<vmem>>) target(%dma_start3A_1394 : memref<50176xf32, #tpu.memory_space<hbm>>) target_semaphore(%arg12 : memref<!tpu.dma_semaphore, #tpu.memory_space<semaphore_mem>>)
    %dma_wait3A_1395 = tpu.memref_slice %arg4[%multiple_of3A_1338] : memref<38535168xf32, #tpu.memory_space<hbm>> -> memref<50176xf32, #tpu.memory_space<hbm>>
    %dma_wait3A_1396 = tpu.memref_slice %arg4[%multiple_of3A_1338] : memref<38535168xf32, #tpu.memory_space<hbm>> -> memref<50176xf32, #tpu.memory_space<hbm>>
    tpu.wait_dma2 semaphore(%arg11 : memref<!tpu.dma_semaphore, #tpu.memory_space<semaphore_mem>>) src(%dma_wait3A_1396 : memref<50176xf32, #tpu.memory_space<hbm>>) dst(%arg9 : memref<50176xf32, #tpu.memory_space<vmem>>)
    %dma_wait3A_1397 = tpu.memref_slice %arg5[%multiple_of3A_1392] : memref<64225280xf32, #tpu.memory_space<hbm>> -> memref<50176xf32, #tpu.memory_space<hbm>>
    %dma_wait3A_1398 = tpu.memref_slice %arg5[%multiple_of3A_1392] : memref<64225280xf32, #tpu.memory_space<hbm>> -> memref<50176xf32, #tpu.memory_space<hbm>>
    tpu.wait_dma2 semaphore(%arg12 : memref<!tpu.dma_semaphore, #tpu.memory_space<semaphore_mem>>) src(%arg8 : memref<50176xf32, #tpu.memory_space<vmem>>) dst(%dma_wait3A_1398 : memref<50176xf32, #tpu.memory_space<hbm>>)
    %mul3A_1399 = arith.constant 24 : i32
    %mul3A_1400 = arith.muli %add3A, %mul3A_1399 : i32
    %add3A_1401 = arith.constant 10 : i32
    %add3A_1402 = arith.addi %mul3A_1400, %add3A_1401 : i32
    %jit3A_1403 = arith.constant 96 : i32
    %div3A_1404 = arith.divsi %add3A_1402, %jit3A_1403 : i32
    %sign3A_1405 = arith.constant 0 : i32
    %sign3A_1406 = arith.cmpi sgt, %add3A_1402, %sign3A_1405 : i32
    %sign3A_1407 = arith.extui %sign3A_1406 : i1 to i32
    %sign3A_1408 = arith.constant 0 : i32
    %sign3A_1409 = arith.cmpi slt, %add3A_1402, %sign3A_1408 : i32
    %sign3A_1410 = arith.extui %sign3A_1409 : i1 to i32
    %sign3A_1411 = arith.subi %sign3A_1407, %sign3A_1410 : i32
    %sign3A_1412 = arith.constant 0 : i32
    %sign3A_1413 = arith.cmpi sgt, %jit3A_1403, %sign3A_1412 : i32
    %sign3A_1414 = arith.extui %sign3A_1413 : i1 to i32
    %sign3A_1415 = arith.constant 0 : i32
    %sign3A_1416 = arith.cmpi slt, %jit3A_1403, %sign3A_1415 : i32
    %sign3A_1417 = arith.extui %sign3A_1416 : i1 to i32
    %sign3A_1418 = arith.subi %sign3A_1414, %sign3A_1417 : i32
    %ne3A_1419 = arith.cmpi ne, %sign3A_1411, %sign3A_1418 : i32
    %rem3A_1420 = arith.remsi %add3A_1402, %jit3A_1403 : i32
    %ne3A_1421 = arith.constant 0 : i32
    %ne3A_1422 = arith.cmpi ne, %rem3A_1420, %ne3A_1421 : i32
    %and3A_1423 = arith.andi %ne3A_1419, %ne3A_1422 : i1
    %sub3A_1424 = arith.constant 1 : i32
    %sub3A_1425 = arith.subi %div3A_1404, %sub3A_1424 : i32
    %select_n3A_1426 = arith.select %and3A_1423, %sub3A_1425, %div3A_1404 : i32
    %jit3A_1427 = arith.constant 96 : i32
    %eq3A_1428 = arith.constant 0 : i32
    %eq3A_1429 = arith.cmpi eq, %jit3A_1427, %eq3A_1428 : i32
    %jit3A_1430 = arith.constant 1 : i32
    %select_n3A_1431 = arith.select %eq3A_1429, %jit3A_1430, %jit3A_1427 : i32
    %rem3A_1432 = arith.remsi %add3A_1402, %select_n3A_1431 : i32
    %ne3A_1433 = arith.constant 0 : i32
    %ne3A_1434 = arith.cmpi ne, %rem3A_1432, %ne3A_1433 : i32
    %lt3A_1435 = arith.constant 0 : i32
    %lt3A_1436 = arith.cmpi slt, %rem3A_1432, %lt3A_1435 : i32
    %lt3A_1437 = arith.constant 0 : i32
    %lt3A_1438 = arith.cmpi slt, %select_n3A_1431, %lt3A_1437 : i32
    %ne3A_1439 = arith.xori %lt3A_1436, %lt3A_1438 : i1
    %and3A_1440 = arith.andi %ne3A_1439, %ne3A_1434 : i1
    %add3A_1441 = arith.addi %rem3A_1432, %select_n3A_1431 : i32
    %select_n3A_1442 = arith.select %and3A_1440, %add3A_1441, %rem3A_1432 : i32
    %mul3A_1443 = arith.constant 4816896 : i32
    %mul3A_1444 = arith.muli %select_n3A_1426, %mul3A_1443 : i32
    %mul3A_1445 = arith.constant 50176 : i32
    %mul3A_1446 = arith.muli %select_n3A_1442, %mul3A_1445 : i32
    %add3A_1447 = arith.addi %mul3A_1444, %mul3A_1446 : i32
    %multiple_of3A_1448 = tpu.assume_multiple %add3A_1447, 8 : i32
    %dma_start3A_1449 = tpu.memref_slice %arg4[%multiple_of3A_1448] : memref<38535168xf32, #tpu.memory_space<hbm>> -> memref<50176xf32, #tpu.memory_space<hbm>>
    %dma_start3A_1450 = tpu.memref_slice %arg4[%multiple_of3A_1448] : memref<38535168xf32, #tpu.memory_space<hbm>> -> memref<50176xf32, #tpu.memory_space<hbm>>
    tpu.enqueue_dma source(%dma_start3A_1450 : memref<50176xf32, #tpu.memory_space<hbm>>) target(%arg8 : memref<50176xf32, #tpu.memory_space<vmem>>) target_semaphore(%arg11 : memref<!tpu.dma_semaphore, #tpu.memory_space<semaphore_mem>>)
    %mul3A_1451 = arith.constant 24 : i32
    %mul3A_1452 = arith.muli %add3A, %mul3A_1451 : i32
    %add3A_1453 = arith.constant 9 : i32
    %add3A_1454 = arith.addi %mul3A_1452, %add3A_1453 : i32
    %jit3A_1455 = arith.constant 96 : i32
    %div3A_1456 = arith.divsi %add3A_1454, %jit3A_1455 : i32
    %sign3A_1457 = arith.constant 0 : i32
    %sign3A_1458 = arith.cmpi sgt, %add3A_1454, %sign3A_1457 : i32
    %sign3A_1459 = arith.extui %sign3A_1458 : i1 to i32
    %sign3A_1460 = arith.constant 0 : i32
    %sign3A_1461 = arith.cmpi slt, %add3A_1454, %sign3A_1460 : i32
    %sign3A_1462 = arith.extui %sign3A_1461 : i1 to i32
    %sign3A_1463 = arith.subi %sign3A_1459, %sign3A_1462 : i32
    %sign3A_1464 = arith.constant 0 : i32
    %sign3A_1465 = arith.cmpi sgt, %jit3A_1455, %sign3A_1464 : i32
    %sign3A_1466 = arith.extui %sign3A_1465 : i1 to i32
    %sign3A_1467 = arith.constant 0 : i32
    %sign3A_1468 = arith.cmpi slt, %jit3A_1455, %sign3A_1467 : i32
    %sign3A_1469 = arith.extui %sign3A_1468 : i1 to i32
    %sign3A_1470 = arith.subi %sign3A_1466, %sign3A_1469 : i32
    %ne3A_1471 = arith.cmpi ne, %sign3A_1463, %sign3A_1470 : i32
    %rem3A_1472 = arith.remsi %add3A_1454, %jit3A_1455 : i32
    %ne3A_1473 = arith.constant 0 : i32
    %ne3A_1474 = arith.cmpi ne, %rem3A_1472, %ne3A_1473 : i32
    %and3A_1475 = arith.andi %ne3A_1471, %ne3A_1474 : i1
    %sub3A_1476 = arith.constant 1 : i32
    %sub3A_1477 = arith.subi %div3A_1456, %sub3A_1476 : i32
    %select_n3A_1478 = arith.select %and3A_1475, %sub3A_1477, %div3A_1456 : i32
    %jit3A_1479 = arith.constant 96 : i32
    %eq3A_1480 = arith.constant 0 : i32
    %eq3A_1481 = arith.cmpi eq, %jit3A_1479, %eq3A_1480 : i32
    %jit3A_1482 = arith.constant 1 : i32
    %select_n3A_1483 = arith.select %eq3A_1481, %jit3A_1482, %jit3A_1479 : i32
    %rem3A_1484 = arith.remsi %add3A_1454, %select_n3A_1483 : i32
    %ne3A_1485 = arith.constant 0 : i32
    %ne3A_1486 = arith.cmpi ne, %rem3A_1484, %ne3A_1485 : i32
    %lt3A_1487 = arith.constant 0 : i32
    %lt3A_1488 = arith.cmpi slt, %rem3A_1484, %lt3A_1487 : i32
    %lt3A_1489 = arith.constant 0 : i32
    %lt3A_1490 = arith.cmpi slt, %select_n3A_1483, %lt3A_1489 : i32
    %ne3A_1491 = arith.xori %lt3A_1488, %lt3A_1490 : i1
    %and3A_1492 = arith.andi %ne3A_1491, %ne3A_1486 : i1
    %add3A_1493 = arith.addi %rem3A_1484, %select_n3A_1483 : i32
    %select_n3A_1494 = arith.select %and3A_1492, %add3A_1493, %rem3A_1484 : i32
    %mul3A_1495 = arith.constant 8028160 : i32
    %mul3A_1496 = arith.muli %select_n3A_1478, %mul3A_1495 : i32
    %add3A_1497 = arith.constant 3211264 : i32
    %add3A_1498 = arith.addi %mul3A_1496, %add3A_1497 : i32
    %mul3A_1499 = arith.constant 50176 : i32
    %mul3A_1500 = arith.muli %select_n3A_1494, %mul3A_1499 : i32
    %add3A_1501 = arith.addi %add3A_1498, %mul3A_1500 : i32
    %multiple_of3A_1502 = tpu.assume_multiple %add3A_1501, 8 : i32
    %dma_start3A_1503 = tpu.memref_slice %arg5[%multiple_of3A_1502] : memref<64225280xf32, #tpu.memory_space<hbm>> -> memref<50176xf32, #tpu.memory_space<hbm>>
    %dma_start3A_1504 = tpu.memref_slice %arg5[%multiple_of3A_1502] : memref<64225280xf32, #tpu.memory_space<hbm>> -> memref<50176xf32, #tpu.memory_space<hbm>>
    tpu.enqueue_dma source(%arg9 : memref<50176xf32, #tpu.memory_space<vmem>>) target(%dma_start3A_1504 : memref<50176xf32, #tpu.memory_space<hbm>>) target_semaphore(%arg12 : memref<!tpu.dma_semaphore, #tpu.memory_space<semaphore_mem>>)
    %dma_wait3A_1505 = tpu.memref_slice %arg4[%multiple_of3A_1448] : memref<38535168xf32, #tpu.memory_space<hbm>> -> memref<50176xf32, #tpu.memory_space<hbm>>
    %dma_wait3A_1506 = tpu.memref_slice %arg4[%multiple_of3A_1448] : memref<38535168xf32, #tpu.memory_space<hbm>> -> memref<50176xf32, #tpu.memory_space<hbm>>
    tpu.wait_dma2 semaphore(%arg11 : memref<!tpu.dma_semaphore, #tpu.memory_space<semaphore_mem>>) src(%dma_wait3A_1506 : memref<50176xf32, #tpu.memory_space<hbm>>) dst(%arg8 : memref<50176xf32, #tpu.memory_space<vmem>>)
    %dma_wait3A_1507 = tpu.memref_slice %arg5[%multiple_of3A_1502] : memref<64225280xf32, #tpu.memory_space<hbm>> -> memref<50176xf32, #tpu.memory_space<hbm>>
    %dma_wait3A_1508 = tpu.memref_slice %arg5[%multiple_of3A_1502] : memref<64225280xf32, #tpu.memory_space<hbm>> -> memref<50176xf32, #tpu.memory_space<hbm>>
    tpu.wait_dma2 semaphore(%arg12 : memref<!tpu.dma_semaphore, #tpu.memory_space<semaphore_mem>>) src(%arg9 : memref<50176xf32, #tpu.memory_space<vmem>>) dst(%dma_wait3A_1508 : memref<50176xf32, #tpu.memory_space<hbm>>)
    %mul3A_1509 = arith.constant 24 : i32
    %mul3A_1510 = arith.muli %add3A, %mul3A_1509 : i32
    %add3A_1511 = arith.constant 11 : i32
    %add3A_1512 = arith.addi %mul3A_1510, %add3A_1511 : i32
    %jit3A_1513 = arith.constant 96 : i32
    %div3A_1514 = arith.divsi %add3A_1512, %jit3A_1513 : i32
    %sign3A_1515 = arith.constant 0 : i32
    %sign3A_1516 = arith.cmpi sgt, %add3A_1512, %sign3A_1515 : i32
    %sign3A_1517 = arith.extui %sign3A_1516 : i1 to i32
    %sign3A_1518 = arith.constant 0 : i32
    %sign3A_1519 = arith.cmpi slt, %add3A_1512, %sign3A_1518 : i32
    %sign3A_1520 = arith.extui %sign3A_1519 : i1 to i32
    %sign3A_1521 = arith.subi %sign3A_1517, %sign3A_1520 : i32
    %sign3A_1522 = arith.constant 0 : i32
    %sign3A_1523 = arith.cmpi sgt, %jit3A_1513, %sign3A_1522 : i32
    %sign3A_1524 = arith.extui %sign3A_1523 : i1 to i32
    %sign3A_1525 = arith.constant 0 : i32
    %sign3A_1526 = arith.cmpi slt, %jit3A_1513, %sign3A_1525 : i32
    %sign3A_1527 = arith.extui %sign3A_1526 : i1 to i32
    %sign3A_1528 = arith.subi %sign3A_1524, %sign3A_1527 : i32
    %ne3A_1529 = arith.cmpi ne, %sign3A_1521, %sign3A_1528 : i32
    %rem3A_1530 = arith.remsi %add3A_1512, %jit3A_1513 : i32
    %ne3A_1531 = arith.constant 0 : i32
    %ne3A_1532 = arith.cmpi ne, %rem3A_1530, %ne3A_1531 : i32
    %and3A_1533 = arith.andi %ne3A_1529, %ne3A_1532 : i1
    %sub3A_1534 = arith.constant 1 : i32
    %sub3A_1535 = arith.subi %div3A_1514, %sub3A_1534 : i32
    %select_n3A_1536 = arith.select %and3A_1533, %sub3A_1535, %div3A_1514 : i32
    %jit3A_1537 = arith.constant 96 : i32
    %eq3A_1538 = arith.constant 0 : i32
    %eq3A_1539 = arith.cmpi eq, %jit3A_1537, %eq3A_1538 : i32
    %jit3A_1540 = arith.constant 1 : i32
    %select_n3A_1541 = arith.select %eq3A_1539, %jit3A_1540, %jit3A_1537 : i32
    %rem3A_1542 = arith.remsi %add3A_1512, %select_n3A_1541 : i32
    %ne3A_1543 = arith.constant 0 : i32
    %ne3A_1544 = arith.cmpi ne, %rem3A_1542, %ne3A_1543 : i32
    %lt3A_1545 = arith.constant 0 : i32
    %lt3A_1546 = arith.cmpi slt, %rem3A_1542, %lt3A_1545 : i32
    %lt3A_1547 = arith.constant 0 : i32
    %lt3A_1548 = arith.cmpi slt, %select_n3A_1541, %lt3A_1547 : i32
    %ne3A_1549 = arith.xori %lt3A_1546, %lt3A_1548 : i1
    %and3A_1550 = arith.andi %ne3A_1549, %ne3A_1544 : i1
    %add3A_1551 = arith.addi %rem3A_1542, %select_n3A_1541 : i32
    %select_n3A_1552 = arith.select %and3A_1550, %add3A_1551, %rem3A_1542 : i32
    %mul3A_1553 = arith.constant 4816896 : i32
    %mul3A_1554 = arith.muli %select_n3A_1536, %mul3A_1553 : i32
    %mul3A_1555 = arith.constant 50176 : i32
    %mul3A_1556 = arith.muli %select_n3A_1552, %mul3A_1555 : i32
    %add3A_1557 = arith.addi %mul3A_1554, %mul3A_1556 : i32
    %multiple_of3A_1558 = tpu.assume_multiple %add3A_1557, 8 : i32
    %dma_start3A_1559 = tpu.memref_slice %arg4[%multiple_of3A_1558] : memref<38535168xf32, #tpu.memory_space<hbm>> -> memref<50176xf32, #tpu.memory_space<hbm>>
    %dma_start3A_1560 = tpu.memref_slice %arg4[%multiple_of3A_1558] : memref<38535168xf32, #tpu.memory_space<hbm>> -> memref<50176xf32, #tpu.memory_space<hbm>>
    tpu.enqueue_dma source(%dma_start3A_1560 : memref<50176xf32, #tpu.memory_space<hbm>>) target(%arg9 : memref<50176xf32, #tpu.memory_space<vmem>>) target_semaphore(%arg11 : memref<!tpu.dma_semaphore, #tpu.memory_space<semaphore_mem>>)
    %mul3A_1561 = arith.constant 24 : i32
    %mul3A_1562 = arith.muli %add3A, %mul3A_1561 : i32
    %add3A_1563 = arith.constant 10 : i32
    %add3A_1564 = arith.addi %mul3A_1562, %add3A_1563 : i32
    %jit3A_1565 = arith.constant 96 : i32
    %div3A_1566 = arith.divsi %add3A_1564, %jit3A_1565 : i32
    %sign3A_1567 = arith.constant 0 : i32
    %sign3A_1568 = arith.cmpi sgt, %add3A_1564, %sign3A_1567 : i32
    %sign3A_1569 = arith.extui %sign3A_1568 : i1 to i32
    %sign3A_1570 = arith.constant 0 : i32
    %sign3A_1571 = arith.cmpi slt, %add3A_1564, %sign3A_1570 : i32
    %sign3A_1572 = arith.extui %sign3A_1571 : i1 to i32
    %sign3A_1573 = arith.subi %sign3A_1569, %sign3A_1572 : i32
    %sign3A_1574 = arith.constant 0 : i32
    %sign3A_1575 = arith.cmpi sgt, %jit3A_1565, %sign3A_1574 : i32
    %sign3A_1576 = arith.extui %sign3A_1575 : i1 to i32
    %sign3A_1577 = arith.constant 0 : i32
    %sign3A_1578 = arith.cmpi slt, %jit3A_1565, %sign3A_1577 : i32
    %sign3A_1579 = arith.extui %sign3A_1578 : i1 to i32
    %sign3A_1580 = arith.subi %sign3A_1576, %sign3A_1579 : i32
    %ne3A_1581 = arith.cmpi ne, %sign3A_1573, %sign3A_1580 : i32
    %rem3A_1582 = arith.remsi %add3A_1564, %jit3A_1565 : i32
    %ne3A_1583 = arith.constant 0 : i32
    %ne3A_1584 = arith.cmpi ne, %rem3A_1582, %ne3A_1583 : i32
    %and3A_1585 = arith.andi %ne3A_1581, %ne3A_1584 : i1
    %sub3A_1586 = arith.constant 1 : i32
    %sub3A_1587 = arith.subi %div3A_1566, %sub3A_1586 : i32
    %select_n3A_1588 = arith.select %and3A_1585, %sub3A_1587, %div3A_1566 : i32
    %jit3A_1589 = arith.constant 96 : i32
    %eq3A_1590 = arith.constant 0 : i32
    %eq3A_1591 = arith.cmpi eq, %jit3A_1589, %eq3A_1590 : i32
    %jit3A_1592 = arith.constant 1 : i32
    %select_n3A_1593 = arith.select %eq3A_1591, %jit3A_1592, %jit3A_1589 : i32
    %rem3A_1594 = arith.remsi %add3A_1564, %select_n3A_1593 : i32
    %ne3A_1595 = arith.constant 0 : i32
    %ne3A_1596 = arith.cmpi ne, %rem3A_1594, %ne3A_1595 : i32
    %lt3A_1597 = arith.constant 0 : i32
    %lt3A_1598 = arith.cmpi slt, %rem3A_1594, %lt3A_1597 : i32
    %lt3A_1599 = arith.constant 0 : i32
    %lt3A_1600 = arith.cmpi slt, %select_n3A_1593, %lt3A_1599 : i32
    %ne3A_1601 = arith.xori %lt3A_1598, %lt3A_1600 : i1
    %and3A_1602 = arith.andi %ne3A_1601, %ne3A_1596 : i1
    %add3A_1603 = arith.addi %rem3A_1594, %select_n3A_1593 : i32
    %select_n3A_1604 = arith.select %and3A_1602, %add3A_1603, %rem3A_1594 : i32
    %mul3A_1605 = arith.constant 8028160 : i32
    %mul3A_1606 = arith.muli %select_n3A_1588, %mul3A_1605 : i32
    %add3A_1607 = arith.constant 3211264 : i32
    %add3A_1608 = arith.addi %mul3A_1606, %add3A_1607 : i32
    %mul3A_1609 = arith.constant 50176 : i32
    %mul3A_1610 = arith.muli %select_n3A_1604, %mul3A_1609 : i32
    %add3A_1611 = arith.addi %add3A_1608, %mul3A_1610 : i32
    %multiple_of3A_1612 = tpu.assume_multiple %add3A_1611, 8 : i32
    %dma_start3A_1613 = tpu.memref_slice %arg5[%multiple_of3A_1612] : memref<64225280xf32, #tpu.memory_space<hbm>> -> memref<50176xf32, #tpu.memory_space<hbm>>
    %dma_start3A_1614 = tpu.memref_slice %arg5[%multiple_of3A_1612] : memref<64225280xf32, #tpu.memory_space<hbm>> -> memref<50176xf32, #tpu.memory_space<hbm>>
    tpu.enqueue_dma source(%arg8 : memref<50176xf32, #tpu.memory_space<vmem>>) target(%dma_start3A_1614 : memref<50176xf32, #tpu.memory_space<hbm>>) target_semaphore(%arg12 : memref<!tpu.dma_semaphore, #tpu.memory_space<semaphore_mem>>)
    %dma_wait3A_1615 = tpu.memref_slice %arg4[%multiple_of3A_1558] : memref<38535168xf32, #tpu.memory_space<hbm>> -> memref<50176xf32, #tpu.memory_space<hbm>>
    %dma_wait3A_1616 = tpu.memref_slice %arg4[%multiple_of3A_1558] : memref<38535168xf32, #tpu.memory_space<hbm>> -> memref<50176xf32, #tpu.memory_space<hbm>>
    tpu.wait_dma2 semaphore(%arg11 : memref<!tpu.dma_semaphore, #tpu.memory_space<semaphore_mem>>) src(%dma_wait3A_1616 : memref<50176xf32, #tpu.memory_space<hbm>>) dst(%arg9 : memref<50176xf32, #tpu.memory_space<vmem>>)
    %dma_wait3A_1617 = tpu.memref_slice %arg5[%multiple_of3A_1612] : memref<64225280xf32, #tpu.memory_space<hbm>> -> memref<50176xf32, #tpu.memory_space<hbm>>
    %dma_wait3A_1618 = tpu.memref_slice %arg5[%multiple_of3A_1612] : memref<64225280xf32, #tpu.memory_space<hbm>> -> memref<50176xf32, #tpu.memory_space<hbm>>
    tpu.wait_dma2 semaphore(%arg12 : memref<!tpu.dma_semaphore, #tpu.memory_space<semaphore_mem>>) src(%arg8 : memref<50176xf32, #tpu.memory_space<vmem>>) dst(%dma_wait3A_1618 : memref<50176xf32, #tpu.memory_space<hbm>>)
    %mul3A_1619 = arith.constant 24 : i32
    %mul3A_1620 = arith.muli %add3A, %mul3A_1619 : i32
    %add3A_1621 = arith.constant 12 : i32
    %add3A_1622 = arith.addi %mul3A_1620, %add3A_1621 : i32
    %jit3A_1623 = arith.constant 96 : i32
    %div3A_1624 = arith.divsi %add3A_1622, %jit3A_1623 : i32
    %sign3A_1625 = arith.constant 0 : i32
    %sign3A_1626 = arith.cmpi sgt, %add3A_1622, %sign3A_1625 : i32
    %sign3A_1627 = arith.extui %sign3A_1626 : i1 to i32
    %sign3A_1628 = arith.constant 0 : i32
    %sign3A_1629 = arith.cmpi slt, %add3A_1622, %sign3A_1628 : i32
    %sign3A_1630 = arith.extui %sign3A_1629 : i1 to i32
    %sign3A_1631 = arith.subi %sign3A_1627, %sign3A_1630 : i32
    %sign3A_1632 = arith.constant 0 : i32
    %sign3A_1633 = arith.cmpi sgt, %jit3A_1623, %sign3A_1632 : i32
    %sign3A_1634 = arith.extui %sign3A_1633 : i1 to i32
    %sign3A_1635 = arith.constant 0 : i32
    %sign3A_1636 = arith.cmpi slt, %jit3A_1623, %sign3A_1635 : i32
    %sign3A_1637 = arith.extui %sign3A_1636 : i1 to i32
    %sign3A_1638 = arith.subi %sign3A_1634, %sign3A_1637 : i32
    %ne3A_1639 = arith.cmpi ne, %sign3A_1631, %sign3A_1638 : i32
    %rem3A_1640 = arith.remsi %add3A_1622, %jit3A_1623 : i32
    %ne3A_1641 = arith.constant 0 : i32
    %ne3A_1642 = arith.cmpi ne, %rem3A_1640, %ne3A_1641 : i32
    %and3A_1643 = arith.andi %ne3A_1639, %ne3A_1642 : i1
    %sub3A_1644 = arith.constant 1 : i32
    %sub3A_1645 = arith.subi %div3A_1624, %sub3A_1644 : i32
    %select_n3A_1646 = arith.select %and3A_1643, %sub3A_1645, %div3A_1624 : i32
    %jit3A_1647 = arith.constant 96 : i32
    %eq3A_1648 = arith.constant 0 : i32
    %eq3A_1649 = arith.cmpi eq, %jit3A_1647, %eq3A_1648 : i32
    %jit3A_1650 = arith.constant 1 : i32
    %select_n3A_1651 = arith.select %eq3A_1649, %jit3A_1650, %jit3A_1647 : i32
    %rem3A_1652 = arith.remsi %add3A_1622, %select_n3A_1651 : i32
    %ne3A_1653 = arith.constant 0 : i32
    %ne3A_1654 = arith.cmpi ne, %rem3A_1652, %ne3A_1653 : i32
    %lt3A_1655 = arith.constant 0 : i32
    %lt3A_1656 = arith.cmpi slt, %rem3A_1652, %lt3A_1655 : i32
    %lt3A_1657 = arith.constant 0 : i32
    %lt3A_1658 = arith.cmpi slt, %select_n3A_1651, %lt3A_1657 : i32
    %ne3A_1659 = arith.xori %lt3A_1656, %lt3A_1658 : i1
    %and3A_1660 = arith.andi %ne3A_1659, %ne3A_1654 : i1
    %add3A_1661 = arith.addi %rem3A_1652, %select_n3A_1651 : i32
    %select_n3A_1662 = arith.select %and3A_1660, %add3A_1661, %rem3A_1652 : i32
    %mul3A_1663 = arith.constant 4816896 : i32
    %mul3A_1664 = arith.muli %select_n3A_1646, %mul3A_1663 : i32
    %mul3A_1665 = arith.constant 50176 : i32
    %mul3A_1666 = arith.muli %select_n3A_1662, %mul3A_1665 : i32
    %add3A_1667 = arith.addi %mul3A_1664, %mul3A_1666 : i32
    %multiple_of3A_1668 = tpu.assume_multiple %add3A_1667, 8 : i32
    %dma_start3A_1669 = tpu.memref_slice %arg4[%multiple_of3A_1668] : memref<38535168xf32, #tpu.memory_space<hbm>> -> memref<50176xf32, #tpu.memory_space<hbm>>
    %dma_start3A_1670 = tpu.memref_slice %arg4[%multiple_of3A_1668] : memref<38535168xf32, #tpu.memory_space<hbm>> -> memref<50176xf32, #tpu.memory_space<hbm>>
    tpu.enqueue_dma source(%dma_start3A_1670 : memref<50176xf32, #tpu.memory_space<hbm>>) target(%arg8 : memref<50176xf32, #tpu.memory_space<vmem>>) target_semaphore(%arg11 : memref<!tpu.dma_semaphore, #tpu.memory_space<semaphore_mem>>)
    %mul3A_1671 = arith.constant 24 : i32
    %mul3A_1672 = arith.muli %add3A, %mul3A_1671 : i32
    %add3A_1673 = arith.constant 11 : i32
    %add3A_1674 = arith.addi %mul3A_1672, %add3A_1673 : i32
    %jit3A_1675 = arith.constant 96 : i32
    %div3A_1676 = arith.divsi %add3A_1674, %jit3A_1675 : i32
    %sign3A_1677 = arith.constant 0 : i32
    %sign3A_1678 = arith.cmpi sgt, %add3A_1674, %sign3A_1677 : i32
    %sign3A_1679 = arith.extui %sign3A_1678 : i1 to i32
    %sign3A_1680 = arith.constant 0 : i32
    %sign3A_1681 = arith.cmpi slt, %add3A_1674, %sign3A_1680 : i32
    %sign3A_1682 = arith.extui %sign3A_1681 : i1 to i32
    %sign3A_1683 = arith.subi %sign3A_1679, %sign3A_1682 : i32
    %sign3A_1684 = arith.constant 0 : i32
    %sign3A_1685 = arith.cmpi sgt, %jit3A_1675, %sign3A_1684 : i32
    %sign3A_1686 = arith.extui %sign3A_1685 : i1 to i32
    %sign3A_1687 = arith.constant 0 : i32
    %sign3A_1688 = arith.cmpi slt, %jit3A_1675, %sign3A_1687 : i32
    %sign3A_1689 = arith.extui %sign3A_1688 : i1 to i32
    %sign3A_1690 = arith.subi %sign3A_1686, %sign3A_1689 : i32
    %ne3A_1691 = arith.cmpi ne, %sign3A_1683, %sign3A_1690 : i32
    %rem3A_1692 = arith.remsi %add3A_1674, %jit3A_1675 : i32
    %ne3A_1693 = arith.constant 0 : i32
    %ne3A_1694 = arith.cmpi ne, %rem3A_1692, %ne3A_1693 : i32
    %and3A_1695 = arith.andi %ne3A_1691, %ne3A_1694 : i1
    %sub3A_1696 = arith.constant 1 : i32
    %sub3A_1697 = arith.subi %div3A_1676, %sub3A_1696 : i32
    %select_n3A_1698 = arith.select %and3A_1695, %sub3A_1697, %div3A_1676 : i32
    %jit3A_1699 = arith.constant 96 : i32
    %eq3A_1700 = arith.constant 0 : i32
    %eq3A_1701 = arith.cmpi eq, %jit3A_1699, %eq3A_1700 : i32
    %jit3A_1702 = arith.constant 1 : i32
    %select_n3A_1703 = arith.select %eq3A_1701, %jit3A_1702, %jit3A_1699 : i32
    %rem3A_1704 = arith.remsi %add3A_1674, %select_n3A_1703 : i32
    %ne3A_1705 = arith.constant 0 : i32
    %ne3A_1706 = arith.cmpi ne, %rem3A_1704, %ne3A_1705 : i32
    %lt3A_1707 = arith.constant 0 : i32
    %lt3A_1708 = arith.cmpi slt, %rem3A_1704, %lt3A_1707 : i32
    %lt3A_1709 = arith.constant 0 : i32
    %lt3A_1710 = arith.cmpi slt, %select_n3A_1703, %lt3A_1709 : i32
    %ne3A_1711 = arith.xori %lt3A_1708, %lt3A_1710 : i1
    %and3A_1712 = arith.andi %ne3A_1711, %ne3A_1706 : i1
    %add3A_1713 = arith.addi %rem3A_1704, %select_n3A_1703 : i32
    %select_n3A_1714 = arith.select %and3A_1712, %add3A_1713, %rem3A_1704 : i32
    %mul3A_1715 = arith.constant 8028160 : i32
    %mul3A_1716 = arith.muli %select_n3A_1698, %mul3A_1715 : i32
    %add3A_1717 = arith.constant 3211264 : i32
    %add3A_1718 = arith.addi %mul3A_1716, %add3A_1717 : i32
    %mul3A_1719 = arith.constant 50176 : i32
    %mul3A_1720 = arith.muli %select_n3A_1714, %mul3A_1719 : i32
    %add3A_1721 = arith.addi %add3A_1718, %mul3A_1720 : i32
    %multiple_of3A_1722 = tpu.assume_multiple %add3A_1721, 8 : i32
    %dma_start3A_1723 = tpu.memref_slice %arg5[%multiple_of3A_1722] : memref<64225280xf32, #tpu.memory_space<hbm>> -> memref<50176xf32, #tpu.memory_space<hbm>>
    %dma_start3A_1724 = tpu.memref_slice %arg5[%multiple_of3A_1722] : memref<64225280xf32, #tpu.memory_space<hbm>> -> memref<50176xf32, #tpu.memory_space<hbm>>
    tpu.enqueue_dma source(%arg9 : memref<50176xf32, #tpu.memory_space<vmem>>) target(%dma_start3A_1724 : memref<50176xf32, #tpu.memory_space<hbm>>) target_semaphore(%arg12 : memref<!tpu.dma_semaphore, #tpu.memory_space<semaphore_mem>>)
    %dma_wait3A_1725 = tpu.memref_slice %arg4[%multiple_of3A_1668] : memref<38535168xf32, #tpu.memory_space<hbm>> -> memref<50176xf32, #tpu.memory_space<hbm>>
    %dma_wait3A_1726 = tpu.memref_slice %arg4[%multiple_of3A_1668] : memref<38535168xf32, #tpu.memory_space<hbm>> -> memref<50176xf32, #tpu.memory_space<hbm>>
    tpu.wait_dma2 semaphore(%arg11 : memref<!tpu.dma_semaphore, #tpu.memory_space<semaphore_mem>>) src(%dma_wait3A_1726 : memref<50176xf32, #tpu.memory_space<hbm>>) dst(%arg8 : memref<50176xf32, #tpu.memory_space<vmem>>)
    %dma_wait3A_1727 = tpu.memref_slice %arg5[%multiple_of3A_1722] : memref<64225280xf32, #tpu.memory_space<hbm>> -> memref<50176xf32, #tpu.memory_space<hbm>>
    %dma_wait3A_1728 = tpu.memref_slice %arg5[%multiple_of3A_1722] : memref<64225280xf32, #tpu.memory_space<hbm>> -> memref<50176xf32, #tpu.memory_space<hbm>>
    tpu.wait_dma2 semaphore(%arg12 : memref<!tpu.dma_semaphore, #tpu.memory_space<semaphore_mem>>) src(%arg9 : memref<50176xf32, #tpu.memory_space<vmem>>) dst(%dma_wait3A_1728 : memref<50176xf32, #tpu.memory_space<hbm>>)
    %mul3A_1729 = arith.constant 24 : i32
    %mul3A_1730 = arith.muli %add3A, %mul3A_1729 : i32
    %add3A_1731 = arith.constant 13 : i32
    %add3A_1732 = arith.addi %mul3A_1730, %add3A_1731 : i32
    %jit3A_1733 = arith.constant 96 : i32
    %div3A_1734 = arith.divsi %add3A_1732, %jit3A_1733 : i32
    %sign3A_1735 = arith.constant 0 : i32
    %sign3A_1736 = arith.cmpi sgt, %add3A_1732, %sign3A_1735 : i32
    %sign3A_1737 = arith.extui %sign3A_1736 : i1 to i32
    %sign3A_1738 = arith.constant 0 : i32
    %sign3A_1739 = arith.cmpi slt, %add3A_1732, %sign3A_1738 : i32
    %sign3A_1740 = arith.extui %sign3A_1739 : i1 to i32
    %sign3A_1741 = arith.subi %sign3A_1737, %sign3A_1740 : i32
    %sign3A_1742 = arith.constant 0 : i32
    %sign3A_1743 = arith.cmpi sgt, %jit3A_1733, %sign3A_1742 : i32
    %sign3A_1744 = arith.extui %sign3A_1743 : i1 to i32
    %sign3A_1745 = arith.constant 0 : i32
    %sign3A_1746 = arith.cmpi slt, %jit3A_1733, %sign3A_1745 : i32
    %sign3A_1747 = arith.extui %sign3A_1746 : i1 to i32
    %sign3A_1748 = arith.subi %sign3A_1744, %sign3A_1747 : i32
    %ne3A_1749 = arith.cmpi ne, %sign3A_1741, %sign3A_1748 : i32
    %rem3A_1750 = arith.remsi %add3A_1732, %jit3A_1733 : i32
    %ne3A_1751 = arith.constant 0 : i32
    %ne3A_1752 = arith.cmpi ne, %rem3A_1750, %ne3A_1751 : i32
    %and3A_1753 = arith.andi %ne3A_1749, %ne3A_1752 : i1
    %sub3A_1754 = arith.constant 1 : i32
    %sub3A_1755 = arith.subi %div3A_1734, %sub3A_1754 : i32
    %select_n3A_1756 = arith.select %and3A_1753, %sub3A_1755, %div3A_1734 : i32
    %jit3A_1757 = arith.constant 96 : i32
    %eq3A_1758 = arith.constant 0 : i32
    %eq3A_1759 = arith.cmpi eq, %jit3A_1757, %eq3A_1758 : i32
    %jit3A_1760 = arith.constant 1 : i32
    %select_n3A_1761 = arith.select %eq3A_1759, %jit3A_1760, %jit3A_1757 : i32
    %rem3A_1762 = arith.remsi %add3A_1732, %select_n3A_1761 : i32
    %ne3A_1763 = arith.constant 0 : i32
    %ne3A_1764 = arith.cmpi ne, %rem3A_1762, %ne3A_1763 : i32
    %lt3A_1765 = arith.constant 0 : i32
    %lt3A_1766 = arith.cmpi slt, %rem3A_1762, %lt3A_1765 : i32
    %lt3A_1767 = arith.constant 0 : i32
    %lt3A_1768 = arith.cmpi slt, %select_n3A_1761, %lt3A_1767 : i32
    %ne3A_1769 = arith.xori %lt3A_1766, %lt3A_1768 : i1
    %and3A_1770 = arith.andi %ne3A_1769, %ne3A_1764 : i1
    %add3A_1771 = arith.addi %rem3A_1762, %select_n3A_1761 : i32
    %select_n3A_1772 = arith.select %and3A_1770, %add3A_1771, %rem3A_1762 : i32
    %mul3A_1773 = arith.constant 4816896 : i32
    %mul3A_1774 = arith.muli %select_n3A_1756, %mul3A_1773 : i32
    %mul3A_1775 = arith.constant 50176 : i32
    %mul3A_1776 = arith.muli %select_n3A_1772, %mul3A_1775 : i32
    %add3A_1777 = arith.addi %mul3A_1774, %mul3A_1776 : i32
    %multiple_of3A_1778 = tpu.assume_multiple %add3A_1777, 8 : i32
    %dma_start3A_1779 = tpu.memref_slice %arg4[%multiple_of3A_1778] : memref<38535168xf32, #tpu.memory_space<hbm>> -> memref<50176xf32, #tpu.memory_space<hbm>>
    %dma_start3A_1780 = tpu.memref_slice %arg4[%multiple_of3A_1778] : memref<38535168xf32, #tpu.memory_space<hbm>> -> memref<50176xf32, #tpu.memory_space<hbm>>
    tpu.enqueue_dma source(%dma_start3A_1780 : memref<50176xf32, #tpu.memory_space<hbm>>) target(%arg9 : memref<50176xf32, #tpu.memory_space<vmem>>) target_semaphore(%arg11 : memref<!tpu.dma_semaphore, #tpu.memory_space<semaphore_mem>>)
    %mul3A_1781 = arith.constant 24 : i32
    %mul3A_1782 = arith.muli %add3A, %mul3A_1781 : i32
    %add3A_1783 = arith.constant 12 : i32
    %add3A_1784 = arith.addi %mul3A_1782, %add3A_1783 : i32
    %jit3A_1785 = arith.constant 96 : i32
    %div3A_1786 = arith.divsi %add3A_1784, %jit3A_1785 : i32
    %sign3A_1787 = arith.constant 0 : i32
    %sign3A_1788 = arith.cmpi sgt, %add3A_1784, %sign3A_1787 : i32
    %sign3A_1789 = arith.extui %sign3A_1788 : i1 to i32
    %sign3A_1790 = arith.constant 0 : i32
    %sign3A_1791 = arith.cmpi slt, %add3A_1784, %sign3A_1790 : i32
    %sign3A_1792 = arith.extui %sign3A_1791 : i1 to i32
    %sign3A_1793 = arith.subi %sign3A_1789, %sign3A_1792 : i32
    %sign3A_1794 = arith.constant 0 : i32
    %sign3A_1795 = arith.cmpi sgt, %jit3A_1785, %sign3A_1794 : i32
    %sign3A_1796 = arith.extui %sign3A_1795 : i1 to i32
    %sign3A_1797 = arith.constant 0 : i32
    %sign3A_1798 = arith.cmpi slt, %jit3A_1785, %sign3A_1797 : i32
    %sign3A_1799 = arith.extui %sign3A_1798 : i1 to i32
    %sign3A_1800 = arith.subi %sign3A_1796, %sign3A_1799 : i32
    %ne3A_1801 = arith.cmpi ne, %sign3A_1793, %sign3A_1800 : i32
    %rem3A_1802 = arith.remsi %add3A_1784, %jit3A_1785 : i32
    %ne3A_1803 = arith.constant 0 : i32
    %ne3A_1804 = arith.cmpi ne, %rem3A_1802, %ne3A_1803 : i32
    %and3A_1805 = arith.andi %ne3A_1801, %ne3A_1804 : i1
    %sub3A_1806 = arith.constant 1 : i32
    %sub3A_1807 = arith.subi %div3A_1786, %sub3A_1806 : i32
    %select_n3A_1808 = arith.select %and3A_1805, %sub3A_1807, %div3A_1786 : i32
    %jit3A_1809 = arith.constant 96 : i32
    %eq3A_1810 = arith.constant 0 : i32
    %eq3A_1811 = arith.cmpi eq, %jit3A_1809, %eq3A_1810 : i32
    %jit3A_1812 = arith.constant 1 : i32
    %select_n3A_1813 = arith.select %eq3A_1811, %jit3A_1812, %jit3A_1809 : i32
    %rem3A_1814 = arith.remsi %add3A_1784, %select_n3A_1813 : i32
    %ne3A_1815 = arith.constant 0 : i32
    %ne3A_1816 = arith.cmpi ne, %rem3A_1814, %ne3A_1815 : i32
    %lt3A_1817 = arith.constant 0 : i32
    %lt3A_1818 = arith.cmpi slt, %rem3A_1814, %lt3A_1817 : i32
    %lt3A_1819 = arith.constant 0 : i32
    %lt3A_1820 = arith.cmpi slt, %select_n3A_1813, %lt3A_1819 : i32
    %ne3A_1821 = arith.xori %lt3A_1818, %lt3A_1820 : i1
    %and3A_1822 = arith.andi %ne3A_1821, %ne3A_1816 : i1
    %add3A_1823 = arith.addi %rem3A_1814, %select_n3A_1813 : i32
    %select_n3A_1824 = arith.select %and3A_1822, %add3A_1823, %rem3A_1814 : i32
    %mul3A_1825 = arith.constant 8028160 : i32
    %mul3A_1826 = arith.muli %select_n3A_1808, %mul3A_1825 : i32
    %add3A_1827 = arith.constant 3211264 : i32
    %add3A_1828 = arith.addi %mul3A_1826, %add3A_1827 : i32
    %mul3A_1829 = arith.constant 50176 : i32
    %mul3A_1830 = arith.muli %select_n3A_1824, %mul3A_1829 : i32
    %add3A_1831 = arith.addi %add3A_1828, %mul3A_1830 : i32
    %multiple_of3A_1832 = tpu.assume_multiple %add3A_1831, 8 : i32
    %dma_start3A_1833 = tpu.memref_slice %arg5[%multiple_of3A_1832] : memref<64225280xf32, #tpu.memory_space<hbm>> -> memref<50176xf32, #tpu.memory_space<hbm>>
    %dma_start3A_1834 = tpu.memref_slice %arg5[%multiple_of3A_1832] : memref<64225280xf32, #tpu.memory_space<hbm>> -> memref<50176xf32, #tpu.memory_space<hbm>>
    tpu.enqueue_dma source(%arg8 : memref<50176xf32, #tpu.memory_space<vmem>>) target(%dma_start3A_1834 : memref<50176xf32, #tpu.memory_space<hbm>>) target_semaphore(%arg12 : memref<!tpu.dma_semaphore, #tpu.memory_space<semaphore_mem>>)
    %dma_wait3A_1835 = tpu.memref_slice %arg4[%multiple_of3A_1778] : memref<38535168xf32, #tpu.memory_space<hbm>> -> memref<50176xf32, #tpu.memory_space<hbm>>
    %dma_wait3A_1836 = tpu.memref_slice %arg4[%multiple_of3A_1778] : memref<38535168xf32, #tpu.memory_space<hbm>> -> memref<50176xf32, #tpu.memory_space<hbm>>
    tpu.wait_dma2 semaphore(%arg11 : memref<!tpu.dma_semaphore, #tpu.memory_space<semaphore_mem>>) src(%dma_wait3A_1836 : memref<50176xf32, #tpu.memory_space<hbm>>) dst(%arg9 : memref<50176xf32, #tpu.memory_space<vmem>>)
    %dma_wait3A_1837 = tpu.memref_slice %arg5[%multiple_of3A_1832] : memref<64225280xf32, #tpu.memory_space<hbm>> -> memref<50176xf32, #tpu.memory_space<hbm>>
    %dma_wait3A_1838 = tpu.memref_slice %arg5[%multiple_of3A_1832] : memref<64225280xf32, #tpu.memory_space<hbm>> -> memref<50176xf32, #tpu.memory_space<hbm>>
    tpu.wait_dma2 semaphore(%arg12 : memref<!tpu.dma_semaphore, #tpu.memory_space<semaphore_mem>>) src(%arg8 : memref<50176xf32, #tpu.memory_space<vmem>>) dst(%dma_wait3A_1838 : memref<50176xf32, #tpu.memory_space<hbm>>)
    %mul3A_1839 = arith.constant 24 : i32
    %mul3A_1840 = arith.muli %add3A, %mul3A_1839 : i32
    %add3A_1841 = arith.constant 14 : i32
    %add3A_1842 = arith.addi %mul3A_1840, %add3A_1841 : i32
    %jit3A_1843 = arith.constant 96 : i32
    %div3A_1844 = arith.divsi %add3A_1842, %jit3A_1843 : i32
    %sign3A_1845 = arith.constant 0 : i32
    %sign3A_1846 = arith.cmpi sgt, %add3A_1842, %sign3A_1845 : i32
    %sign3A_1847 = arith.extui %sign3A_1846 : i1 to i32
    %sign3A_1848 = arith.constant 0 : i32
    %sign3A_1849 = arith.cmpi slt, %add3A_1842, %sign3A_1848 : i32
    %sign3A_1850 = arith.extui %sign3A_1849 : i1 to i32
    %sign3A_1851 = arith.subi %sign3A_1847, %sign3A_1850 : i32
    %sign3A_1852 = arith.constant 0 : i32
    %sign3A_1853 = arith.cmpi sgt, %jit3A_1843, %sign3A_1852 : i32
    %sign3A_1854 = arith.extui %sign3A_1853 : i1 to i32
    %sign3A_1855 = arith.constant 0 : i32
    %sign3A_1856 = arith.cmpi slt, %jit3A_1843, %sign3A_1855 : i32
    %sign3A_1857 = arith.extui %sign3A_1856 : i1 to i32
    %sign3A_1858 = arith.subi %sign3A_1854, %sign3A_1857 : i32
    %ne3A_1859 = arith.cmpi ne, %sign3A_1851, %sign3A_1858 : i32
    %rem3A_1860 = arith.remsi %add3A_1842, %jit3A_1843 : i32
    %ne3A_1861 = arith.constant 0 : i32
    %ne3A_1862 = arith.cmpi ne, %rem3A_1860, %ne3A_1861 : i32
    %and3A_1863 = arith.andi %ne3A_1859, %ne3A_1862 : i1
    %sub3A_1864 = arith.constant 1 : i32
    %sub3A_1865 = arith.subi %div3A_1844, %sub3A_1864 : i32
    %select_n3A_1866 = arith.select %and3A_1863, %sub3A_1865, %div3A_1844 : i32
    %jit3A_1867 = arith.constant 96 : i32
    %eq3A_1868 = arith.constant 0 : i32
    %eq3A_1869 = arith.cmpi eq, %jit3A_1867, %eq3A_1868 : i32
    %jit3A_1870 = arith.constant 1 : i32
    %select_n3A_1871 = arith.select %eq3A_1869, %jit3A_1870, %jit3A_1867 : i32
    %rem3A_1872 = arith.remsi %add3A_1842, %select_n3A_1871 : i32
    %ne3A_1873 = arith.constant 0 : i32
    %ne3A_1874 = arith.cmpi ne, %rem3A_1872, %ne3A_1873 : i32
    %lt3A_1875 = arith.constant 0 : i32
    %lt3A_1876 = arith.cmpi slt, %rem3A_1872, %lt3A_1875 : i32
    %lt3A_1877 = arith.constant 0 : i32
    %lt3A_1878 = arith.cmpi slt, %select_n3A_1871, %lt3A_1877 : i32
    %ne3A_1879 = arith.xori %lt3A_1876, %lt3A_1878 : i1
    %and3A_1880 = arith.andi %ne3A_1879, %ne3A_1874 : i1
    %add3A_1881 = arith.addi %rem3A_1872, %select_n3A_1871 : i32
    %select_n3A_1882 = arith.select %and3A_1880, %add3A_1881, %rem3A_1872 : i32
    %mul3A_1883 = arith.constant 4816896 : i32
    %mul3A_1884 = arith.muli %select_n3A_1866, %mul3A_1883 : i32
    %mul3A_1885 = arith.constant 50176 : i32
    %mul3A_1886 = arith.muli %select_n3A_1882, %mul3A_1885 : i32
    %add3A_1887 = arith.addi %mul3A_1884, %mul3A_1886 : i32
    %multiple_of3A_1888 = tpu.assume_multiple %add3A_1887, 8 : i32
    %dma_start3A_1889 = tpu.memref_slice %arg4[%multiple_of3A_1888] : memref<38535168xf32, #tpu.memory_space<hbm>> -> memref<50176xf32, #tpu.memory_space<hbm>>
    %dma_start3A_1890 = tpu.memref_slice %arg4[%multiple_of3A_1888] : memref<38535168xf32, #tpu.memory_space<hbm>> -> memref<50176xf32, #tpu.memory_space<hbm>>
    tpu.enqueue_dma source(%dma_start3A_1890 : memref<50176xf32, #tpu.memory_space<hbm>>) target(%arg8 : memref<50176xf32, #tpu.memory_space<vmem>>) target_semaphore(%arg11 : memref<!tpu.dma_semaphore, #tpu.memory_space<semaphore_mem>>)
    %mul3A_1891 = arith.constant 24 : i32
    %mul3A_1892 = arith.muli %add3A, %mul3A_1891 : i32
    %add3A_1893 = arith.constant 13 : i32
    %add3A_1894 = arith.addi %mul3A_1892, %add3A_1893 : i32
    %jit3A_1895 = arith.constant 96 : i32
    %div3A_1896 = arith.divsi %add3A_1894, %jit3A_1895 : i32
    %sign3A_1897 = arith.constant 0 : i32
    %sign3A_1898 = arith.cmpi sgt, %add3A_1894, %sign3A_1897 : i32
    %sign3A_1899 = arith.extui %sign3A_1898 : i1 to i32
    %sign3A_1900 = arith.constant 0 : i32
    %sign3A_1901 = arith.cmpi slt, %add3A_1894, %sign3A_1900 : i32
    %sign3A_1902 = arith.extui %sign3A_1901 : i1 to i32
    %sign3A_1903 = arith.subi %sign3A_1899, %sign3A_1902 : i32
    %sign3A_1904 = arith.constant 0 : i32
    %sign3A_1905 = arith.cmpi sgt, %jit3A_1895, %sign3A_1904 : i32
    %sign3A_1906 = arith.extui %sign3A_1905 : i1 to i32
    %sign3A_1907 = arith.constant 0 : i32
    %sign3A_1908 = arith.cmpi slt, %jit3A_1895, %sign3A_1907 : i32
    %sign3A_1909 = arith.extui %sign3A_1908 : i1 to i32
    %sign3A_1910 = arith.subi %sign3A_1906, %sign3A_1909 : i32
    %ne3A_1911 = arith.cmpi ne, %sign3A_1903, %sign3A_1910 : i32
    %rem3A_1912 = arith.remsi %add3A_1894, %jit3A_1895 : i32
    %ne3A_1913 = arith.constant 0 : i32
    %ne3A_1914 = arith.cmpi ne, %rem3A_1912, %ne3A_1913 : i32
    %and3A_1915 = arith.andi %ne3A_1911, %ne3A_1914 : i1
    %sub3A_1916 = arith.constant 1 : i32
    %sub3A_1917 = arith.subi %div3A_1896, %sub3A_1916 : i32
    %select_n3A_1918 = arith.select %and3A_1915, %sub3A_1917, %div3A_1896 : i32
    %jit3A_1919 = arith.constant 96 : i32
    %eq3A_1920 = arith.constant 0 : i32
    %eq3A_1921 = arith.cmpi eq, %jit3A_1919, %eq3A_1920 : i32
    %jit3A_1922 = arith.constant 1 : i32
    %select_n3A_1923 = arith.select %eq3A_1921, %jit3A_1922, %jit3A_1919 : i32
    %rem3A_1924 = arith.remsi %add3A_1894, %select_n3A_1923 : i32
    %ne3A_1925 = arith.constant 0 : i32
    %ne3A_1926 = arith.cmpi ne, %rem3A_1924, %ne3A_1925 : i32
    %lt3A_1927 = arith.constant 0 : i32
    %lt3A_1928 = arith.cmpi slt, %rem3A_1924, %lt3A_1927 : i32
    %lt3A_1929 = arith.constant 0 : i32
    %lt3A_1930 = arith.cmpi slt, %select_n3A_1923, %lt3A_1929 : i32
    %ne3A_1931 = arith.xori %lt3A_1928, %lt3A_1930 : i1
    %and3A_1932 = arith.andi %ne3A_1931, %ne3A_1926 : i1
    %add3A_1933 = arith.addi %rem3A_1924, %select_n3A_1923 : i32
    %select_n3A_1934 = arith.select %and3A_1932, %add3A_1933, %rem3A_1924 : i32
    %mul3A_1935 = arith.constant 8028160 : i32
    %mul3A_1936 = arith.muli %select_n3A_1918, %mul3A_1935 : i32
    %add3A_1937 = arith.constant 3211264 : i32
    %add3A_1938 = arith.addi %mul3A_1936, %add3A_1937 : i32
    %mul3A_1939 = arith.constant 50176 : i32
    %mul3A_1940 = arith.muli %select_n3A_1934, %mul3A_1939 : i32
    %add3A_1941 = arith.addi %add3A_1938, %mul3A_1940 : i32
    %multiple_of3A_1942 = tpu.assume_multiple %add3A_1941, 8 : i32
    %dma_start3A_1943 = tpu.memref_slice %arg5[%multiple_of3A_1942] : memref<64225280xf32, #tpu.memory_space<hbm>> -> memref<50176xf32, #tpu.memory_space<hbm>>
    %dma_start3A_1944 = tpu.memref_slice %arg5[%multiple_of3A_1942] : memref<64225280xf32, #tpu.memory_space<hbm>> -> memref<50176xf32, #tpu.memory_space<hbm>>
    tpu.enqueue_dma source(%arg9 : memref<50176xf32, #tpu.memory_space<vmem>>) target(%dma_start3A_1944 : memref<50176xf32, #tpu.memory_space<hbm>>) target_semaphore(%arg12 : memref<!tpu.dma_semaphore, #tpu.memory_space<semaphore_mem>>)
    %dma_wait3A_1945 = tpu.memref_slice %arg4[%multiple_of3A_1888] : memref<38535168xf32, #tpu.memory_space<hbm>> -> memref<50176xf32, #tpu.memory_space<hbm>>
    %dma_wait3A_1946 = tpu.memref_slice %arg4[%multiple_of3A_1888] : memref<38535168xf32, #tpu.memory_space<hbm>> -> memref<50176xf32, #tpu.memory_space<hbm>>
    tpu.wait_dma2 semaphore(%arg11 : memref<!tpu.dma_semaphore, #tpu.memory_space<semaphore_mem>>) src(%dma_wait3A_1946 : memref<50176xf32, #tpu.memory_space<hbm>>) dst(%arg8 : memref<50176xf32, #tpu.memory_space<vmem>>)
    %dma_wait3A_1947 = tpu.memref_slice %arg5[%multiple_of3A_1942] : memref<64225280xf32, #tpu.memory_space<hbm>> -> memref<50176xf32, #tpu.memory_space<hbm>>
    %dma_wait3A_1948 = tpu.memref_slice %arg5[%multiple_of3A_1942] : memref<64225280xf32, #tpu.memory_space<hbm>> -> memref<50176xf32, #tpu.memory_space<hbm>>
    tpu.wait_dma2 semaphore(%arg12 : memref<!tpu.dma_semaphore, #tpu.memory_space<semaphore_mem>>) src(%arg9 : memref<50176xf32, #tpu.memory_space<vmem>>) dst(%dma_wait3A_1948 : memref<50176xf32, #tpu.memory_space<hbm>>)
    %mul3A_1949 = arith.constant 24 : i32
    %mul3A_1950 = arith.muli %add3A, %mul3A_1949 : i32
    %add3A_1951 = arith.constant 15 : i32
    %add3A_1952 = arith.addi %mul3A_1950, %add3A_1951 : i32
    %jit3A_1953 = arith.constant 96 : i32
    %div3A_1954 = arith.divsi %add3A_1952, %jit3A_1953 : i32
    %sign3A_1955 = arith.constant 0 : i32
    %sign3A_1956 = arith.cmpi sgt, %add3A_1952, %sign3A_1955 : i32
    %sign3A_1957 = arith.extui %sign3A_1956 : i1 to i32
    %sign3A_1958 = arith.constant 0 : i32
    %sign3A_1959 = arith.cmpi slt, %add3A_1952, %sign3A_1958 : i32
    %sign3A_1960 = arith.extui %sign3A_1959 : i1 to i32
    %sign3A_1961 = arith.subi %sign3A_1957, %sign3A_1960 : i32
    %sign3A_1962 = arith.constant 0 : i32
    %sign3A_1963 = arith.cmpi sgt, %jit3A_1953, %sign3A_1962 : i32
    %sign3A_1964 = arith.extui %sign3A_1963 : i1 to i32
    %sign3A_1965 = arith.constant 0 : i32
    %sign3A_1966 = arith.cmpi slt, %jit3A_1953, %sign3A_1965 : i32
    %sign3A_1967 = arith.extui %sign3A_1966 : i1 to i32
    %sign3A_1968 = arith.subi %sign3A_1964, %sign3A_1967 : i32
    %ne3A_1969 = arith.cmpi ne, %sign3A_1961, %sign3A_1968 : i32
    %rem3A_1970 = arith.remsi %add3A_1952, %jit3A_1953 : i32
    %ne3A_1971 = arith.constant 0 : i32
    %ne3A_1972 = arith.cmpi ne, %rem3A_1970, %ne3A_1971 : i32
    %and3A_1973 = arith.andi %ne3A_1969, %ne3A_1972 : i1
    %sub3A_1974 = arith.constant 1 : i32
    %sub3A_1975 = arith.subi %div3A_1954, %sub3A_1974 : i32
    %select_n3A_1976 = arith.select %and3A_1973, %sub3A_1975, %div3A_1954 : i32
    %jit3A_1977 = arith.constant 96 : i32
    %eq3A_1978 = arith.constant 0 : i32
    %eq3A_1979 = arith.cmpi eq, %jit3A_1977, %eq3A_1978 : i32
    %jit3A_1980 = arith.constant 1 : i32
    %select_n3A_1981 = arith.select %eq3A_1979, %jit3A_1980, %jit3A_1977 : i32
    %rem3A_1982 = arith.remsi %add3A_1952, %select_n3A_1981 : i32
    %ne3A_1983 = arith.constant 0 : i32
    %ne3A_1984 = arith.cmpi ne, %rem3A_1982, %ne3A_1983 : i32
    %lt3A_1985 = arith.constant 0 : i32
    %lt3A_1986 = arith.cmpi slt, %rem3A_1982, %lt3A_1985 : i32
    %lt3A_1987 = arith.constant 0 : i32
    %lt3A_1988 = arith.cmpi slt, %select_n3A_1981, %lt3A_1987 : i32
    %ne3A_1989 = arith.xori %lt3A_1986, %lt3A_1988 : i1
    %and3A_1990 = arith.andi %ne3A_1989, %ne3A_1984 : i1
    %add3A_1991 = arith.addi %rem3A_1982, %select_n3A_1981 : i32
    %select_n3A_1992 = arith.select %and3A_1990, %add3A_1991, %rem3A_1982 : i32
    %mul3A_1993 = arith.constant 4816896 : i32
    %mul3A_1994 = arith.muli %select_n3A_1976, %mul3A_1993 : i32
    %mul3A_1995 = arith.constant 50176 : i32
    %mul3A_1996 = arith.muli %select_n3A_1992, %mul3A_1995 : i32
    %add3A_1997 = arith.addi %mul3A_1994, %mul3A_1996 : i32
    %multiple_of3A_1998 = tpu.assume_multiple %add3A_1997, 8 : i32
    %dma_start3A_1999 = tpu.memref_slice %arg4[%multiple_of3A_1998] : memref<38535168xf32, #tpu.memory_space<hbm>> -> memref<50176xf32, #tpu.memory_space<hbm>>
    %dma_start3A_2000 = tpu.memref_slice %arg4[%multiple_of3A_1998] : memref<38535168xf32, #tpu.memory_space<hbm>> -> memref<50176xf32, #tpu.memory_space<hbm>>
    tpu.enqueue_dma source(%dma_start3A_2000 : memref<50176xf32, #tpu.memory_space<hbm>>) target(%arg9 : memref<50176xf32, #tpu.memory_space<vmem>>) target_semaphore(%arg11 : memref<!tpu.dma_semaphore, #tpu.memory_space<semaphore_mem>>)
    %mul3A_2001 = arith.constant 24 : i32
    %mul3A_2002 = arith.muli %add3A, %mul3A_2001 : i32
    %add3A_2003 = arith.constant 14 : i32
    %add3A_2004 = arith.addi %mul3A_2002, %add3A_2003 : i32
    %jit3A_2005 = arith.constant 96 : i32
    %div3A_2006 = arith.divsi %add3A_2004, %jit3A_2005 : i32
    %sign3A_2007 = arith.constant 0 : i32
    %sign3A_2008 = arith.cmpi sgt, %add3A_2004, %sign3A_2007 : i32
    %sign3A_2009 = arith.extui %sign3A_2008 : i1 to i32
    %sign3A_2010 = arith.constant 0 : i32
    %sign3A_2011 = arith.cmpi slt, %add3A_2004, %sign3A_2010 : i32
    %sign3A_2012 = arith.extui %sign3A_2011 : i1 to i32
    %sign3A_2013 = arith.subi %sign3A_2009, %sign3A_2012 : i32
    %sign3A_2014 = arith.constant 0 : i32
    %sign3A_2015 = arith.cmpi sgt, %jit3A_2005, %sign3A_2014 : i32
    %sign3A_2016 = arith.extui %sign3A_2015 : i1 to i32
    %sign3A_2017 = arith.constant 0 : i32
    %sign3A_2018 = arith.cmpi slt, %jit3A_2005, %sign3A_2017 : i32
    %sign3A_2019 = arith.extui %sign3A_2018 : i1 to i32
    %sign3A_2020 = arith.subi %sign3A_2016, %sign3A_2019 : i32
    %ne3A_2021 = arith.cmpi ne, %sign3A_2013, %sign3A_2020 : i32
    %rem3A_2022 = arith.remsi %add3A_2004, %jit3A_2005 : i32
    %ne3A_2023 = arith.constant 0 : i32
    %ne3A_2024 = arith.cmpi ne, %rem3A_2022, %ne3A_2023 : i32
    %and3A_2025 = arith.andi %ne3A_2021, %ne3A_2024 : i1
    %sub3A_2026 = arith.constant 1 : i32
    %sub3A_2027 = arith.subi %div3A_2006, %sub3A_2026 : i32
    %select_n3A_2028 = arith.select %and3A_2025, %sub3A_2027, %div3A_2006 : i32
    %jit3A_2029 = arith.constant 96 : i32
    %eq3A_2030 = arith.constant 0 : i32
    %eq3A_2031 = arith.cmpi eq, %jit3A_2029, %eq3A_2030 : i32
    %jit3A_2032 = arith.constant 1 : i32
    %select_n3A_2033 = arith.select %eq3A_2031, %jit3A_2032, %jit3A_2029 : i32
    %rem3A_2034 = arith.remsi %add3A_2004, %select_n3A_2033 : i32
    %ne3A_2035 = arith.constant 0 : i32
    %ne3A_2036 = arith.cmpi ne, %rem3A_2034, %ne3A_2035 : i32
    %lt3A_2037 = arith.constant 0 : i32
    %lt3A_2038 = arith.cmpi slt, %rem3A_2034, %lt3A_2037 : i32
    %lt3A_2039 = arith.constant 0 : i32
    %lt3A_2040 = arith.cmpi slt, %select_n3A_2033, %lt3A_2039 : i32
    %ne3A_2041 = arith.xori %lt3A_2038, %lt3A_2040 : i1
    %and3A_2042 = arith.andi %ne3A_2041, %ne3A_2036 : i1
    %add3A_2043 = arith.addi %rem3A_2034, %select_n3A_2033 : i32
    %select_n3A_2044 = arith.select %and3A_2042, %add3A_2043, %rem3A_2034 : i32
    %mul3A_2045 = arith.constant 8028160 : i32
    %mul3A_2046 = arith.muli %select_n3A_2028, %mul3A_2045 : i32
    %add3A_2047 = arith.constant 3211264 : i32
    %add3A_2048 = arith.addi %mul3A_2046, %add3A_2047 : i32
    %mul3A_2049 = arith.constant 50176 : i32
    %mul3A_2050 = arith.muli %select_n3A_2044, %mul3A_2049 : i32
    %add3A_2051 = arith.addi %add3A_2048, %mul3A_2050 : i32
    %multiple_of3A_2052 = tpu.assume_multiple %add3A_2051, 8 : i32
    %dma_start3A_2053 = tpu.memref_slice %arg5[%multiple_of3A_2052] : memref<64225280xf32, #tpu.memory_space<hbm>> -> memref<50176xf32, #tpu.memory_space<hbm>>
    %dma_start3A_2054 = tpu.memref_slice %arg5[%multiple_of3A_2052] : memref<64225280xf32, #tpu.memory_space<hbm>> -> memref<50176xf32, #tpu.memory_space<hbm>>
    tpu.enqueue_dma source(%arg8 : memref<50176xf32, #tpu.memory_space<vmem>>) target(%dma_start3A_2054 : memref<50176xf32, #tpu.memory_space<hbm>>) target_semaphore(%arg12 : memref<!tpu.dma_semaphore, #tpu.memory_space<semaphore_mem>>)
    %dma_wait3A_2055 = tpu.memref_slice %arg4[%multiple_of3A_1998] : memref<38535168xf32, #tpu.memory_space<hbm>> -> memref<50176xf32, #tpu.memory_space<hbm>>
    %dma_wait3A_2056 = tpu.memref_slice %arg4[%multiple_of3A_1998] : memref<38535168xf32, #tpu.memory_space<hbm>> -> memref<50176xf32, #tpu.memory_space<hbm>>
    tpu.wait_dma2 semaphore(%arg11 : memref<!tpu.dma_semaphore, #tpu.memory_space<semaphore_mem>>) src(%dma_wait3A_2056 : memref<50176xf32, #tpu.memory_space<hbm>>) dst(%arg9 : memref<50176xf32, #tpu.memory_space<vmem>>)
    %dma_wait3A_2057 = tpu.memref_slice %arg5[%multiple_of3A_2052] : memref<64225280xf32, #tpu.memory_space<hbm>> -> memref<50176xf32, #tpu.memory_space<hbm>>
    %dma_wait3A_2058 = tpu.memref_slice %arg5[%multiple_of3A_2052] : memref<64225280xf32, #tpu.memory_space<hbm>> -> memref<50176xf32, #tpu.memory_space<hbm>>
    tpu.wait_dma2 semaphore(%arg12 : memref<!tpu.dma_semaphore, #tpu.memory_space<semaphore_mem>>) src(%arg8 : memref<50176xf32, #tpu.memory_space<vmem>>) dst(%dma_wait3A_2058 : memref<50176xf32, #tpu.memory_space<hbm>>)
    %mul3A_2059 = arith.constant 24 : i32
    %mul3A_2060 = arith.muli %add3A, %mul3A_2059 : i32
    %add3A_2061 = arith.constant 16 : i32
    %add3A_2062 = arith.addi %mul3A_2060, %add3A_2061 : i32
    %jit3A_2063 = arith.constant 96 : i32
    %div3A_2064 = arith.divsi %add3A_2062, %jit3A_2063 : i32
    %sign3A_2065 = arith.constant 0 : i32
    %sign3A_2066 = arith.cmpi sgt, %add3A_2062, %sign3A_2065 : i32
    %sign3A_2067 = arith.extui %sign3A_2066 : i1 to i32
    %sign3A_2068 = arith.constant 0 : i32
    %sign3A_2069 = arith.cmpi slt, %add3A_2062, %sign3A_2068 : i32
    %sign3A_2070 = arith.extui %sign3A_2069 : i1 to i32
    %sign3A_2071 = arith.subi %sign3A_2067, %sign3A_2070 : i32
    %sign3A_2072 = arith.constant 0 : i32
    %sign3A_2073 = arith.cmpi sgt, %jit3A_2063, %sign3A_2072 : i32
    %sign3A_2074 = arith.extui %sign3A_2073 : i1 to i32
    %sign3A_2075 = arith.constant 0 : i32
    %sign3A_2076 = arith.cmpi slt, %jit3A_2063, %sign3A_2075 : i32
    %sign3A_2077 = arith.extui %sign3A_2076 : i1 to i32
    %sign3A_2078 = arith.subi %sign3A_2074, %sign3A_2077 : i32
    %ne3A_2079 = arith.cmpi ne, %sign3A_2071, %sign3A_2078 : i32
    %rem3A_2080 = arith.remsi %add3A_2062, %jit3A_2063 : i32
    %ne3A_2081 = arith.constant 0 : i32
    %ne3A_2082 = arith.cmpi ne, %rem3A_2080, %ne3A_2081 : i32
    %and3A_2083 = arith.andi %ne3A_2079, %ne3A_2082 : i1
    %sub3A_2084 = arith.constant 1 : i32
    %sub3A_2085 = arith.subi %div3A_2064, %sub3A_2084 : i32
    %select_n3A_2086 = arith.select %and3A_2083, %sub3A_2085, %div3A_2064 : i32
    %jit3A_2087 = arith.constant 96 : i32
    %eq3A_2088 = arith.constant 0 : i32
    %eq3A_2089 = arith.cmpi eq, %jit3A_2087, %eq3A_2088 : i32
    %jit3A_2090 = arith.constant 1 : i32
    %select_n3A_2091 = arith.select %eq3A_2089, %jit3A_2090, %jit3A_2087 : i32
    %rem3A_2092 = arith.remsi %add3A_2062, %select_n3A_2091 : i32
    %ne3A_2093 = arith.constant 0 : i32
    %ne3A_2094 = arith.cmpi ne, %rem3A_2092, %ne3A_2093 : i32
    %lt3A_2095 = arith.constant 0 : i32
    %lt3A_2096 = arith.cmpi slt, %rem3A_2092, %lt3A_2095 : i32
    %lt3A_2097 = arith.constant 0 : i32
    %lt3A_2098 = arith.cmpi slt, %select_n3A_2091, %lt3A_2097 : i32
    %ne3A_2099 = arith.xori %lt3A_2096, %lt3A_2098 : i1
    %and3A_2100 = arith.andi %ne3A_2099, %ne3A_2094 : i1
    %add3A_2101 = arith.addi %rem3A_2092, %select_n3A_2091 : i32
    %select_n3A_2102 = arith.select %and3A_2100, %add3A_2101, %rem3A_2092 : i32
    %mul3A_2103 = arith.constant 4816896 : i32
    %mul3A_2104 = arith.muli %select_n3A_2086, %mul3A_2103 : i32
    %mul3A_2105 = arith.constant 50176 : i32
    %mul3A_2106 = arith.muli %select_n3A_2102, %mul3A_2105 : i32
    %add3A_2107 = arith.addi %mul3A_2104, %mul3A_2106 : i32
    %multiple_of3A_2108 = tpu.assume_multiple %add3A_2107, 8 : i32
    %dma_start3A_2109 = tpu.memref_slice %arg4[%multiple_of3A_2108] : memref<38535168xf32, #tpu.memory_space<hbm>> -> memref<50176xf32, #tpu.memory_space<hbm>>
    %dma_start3A_2110 = tpu.memref_slice %arg4[%multiple_of3A_2108] : memref<38535168xf32, #tpu.memory_space<hbm>> -> memref<50176xf32, #tpu.memory_space<hbm>>
    tpu.enqueue_dma source(%dma_start3A_2110 : memref<50176xf32, #tpu.memory_space<hbm>>) target(%arg8 : memref<50176xf32, #tpu.memory_space<vmem>>) target_semaphore(%arg11 : memref<!tpu.dma_semaphore, #tpu.memory_space<semaphore_mem>>)
    %mul3A_2111 = arith.constant 24 : i32
    %mul3A_2112 = arith.muli %add3A, %mul3A_2111 : i32
    %add3A_2113 = arith.constant 15 : i32
    %add3A_2114 = arith.addi %mul3A_2112, %add3A_2113 : i32
    %jit3A_2115 = arith.constant 96 : i32
    %div3A_2116 = arith.divsi %add3A_2114, %jit3A_2115 : i32
    %sign3A_2117 = arith.constant 0 : i32
    %sign3A_2118 = arith.cmpi sgt, %add3A_2114, %sign3A_2117 : i32
    %sign3A_2119 = arith.extui %sign3A_2118 : i1 to i32
    %sign3A_2120 = arith.constant 0 : i32
    %sign3A_2121 = arith.cmpi slt, %add3A_2114, %sign3A_2120 : i32
    %sign3A_2122 = arith.extui %sign3A_2121 : i1 to i32
    %sign3A_2123 = arith.subi %sign3A_2119, %sign3A_2122 : i32
    %sign3A_2124 = arith.constant 0 : i32
    %sign3A_2125 = arith.cmpi sgt, %jit3A_2115, %sign3A_2124 : i32
    %sign3A_2126 = arith.extui %sign3A_2125 : i1 to i32
    %sign3A_2127 = arith.constant 0 : i32
    %sign3A_2128 = arith.cmpi slt, %jit3A_2115, %sign3A_2127 : i32
    %sign3A_2129 = arith.extui %sign3A_2128 : i1 to i32
    %sign3A_2130 = arith.subi %sign3A_2126, %sign3A_2129 : i32
    %ne3A_2131 = arith.cmpi ne, %sign3A_2123, %sign3A_2130 : i32
    %rem3A_2132 = arith.remsi %add3A_2114, %jit3A_2115 : i32
    %ne3A_2133 = arith.constant 0 : i32
    %ne3A_2134 = arith.cmpi ne, %rem3A_2132, %ne3A_2133 : i32
    %and3A_2135 = arith.andi %ne3A_2131, %ne3A_2134 : i1
    %sub3A_2136 = arith.constant 1 : i32
    %sub3A_2137 = arith.subi %div3A_2116, %sub3A_2136 : i32
    %select_n3A_2138 = arith.select %and3A_2135, %sub3A_2137, %div3A_2116 : i32
    %jit3A_2139 = arith.constant 96 : i32
    %eq3A_2140 = arith.constant 0 : i32
    %eq3A_2141 = arith.cmpi eq, %jit3A_2139, %eq3A_2140 : i32
    %jit3A_2142 = arith.constant 1 : i32
    %select_n3A_2143 = arith.select %eq3A_2141, %jit3A_2142, %jit3A_2139 : i32
    %rem3A_2144 = arith.remsi %add3A_2114, %select_n3A_2143 : i32
    %ne3A_2145 = arith.constant 0 : i32
    %ne3A_2146 = arith.cmpi ne, %rem3A_2144, %ne3A_2145 : i32
    %lt3A_2147 = arith.constant 0 : i32
    %lt3A_2148 = arith.cmpi slt, %rem3A_2144, %lt3A_2147 : i32
    %lt3A_2149 = arith.constant 0 : i32
    %lt3A_2150 = arith.cmpi slt, %select_n3A_2143, %lt3A_2149 : i32
    %ne3A_2151 = arith.xori %lt3A_2148, %lt3A_2150 : i1
    %and3A_2152 = arith.andi %ne3A_2151, %ne3A_2146 : i1
    %add3A_2153 = arith.addi %rem3A_2144, %select_n3A_2143 : i32
    %select_n3A_2154 = arith.select %and3A_2152, %add3A_2153, %rem3A_2144 : i32
    %mul3A_2155 = arith.constant 8028160 : i32
    %mul3A_2156 = arith.muli %select_n3A_2138, %mul3A_2155 : i32
    %add3A_2157 = arith.constant 3211264 : i32
    %add3A_2158 = arith.addi %mul3A_2156, %add3A_2157 : i32
    %mul3A_2159 = arith.constant 50176 : i32
    %mul3A_2160 = arith.muli %select_n3A_2154, %mul3A_2159 : i32
    %add3A_2161 = arith.addi %add3A_2158, %mul3A_2160 : i32
    %multiple_of3A_2162 = tpu.assume_multiple %add3A_2161, 8 : i32
    %dma_start3A_2163 = tpu.memref_slice %arg5[%multiple_of3A_2162] : memref<64225280xf32, #tpu.memory_space<hbm>> -> memref<50176xf32, #tpu.memory_space<hbm>>
    %dma_start3A_2164 = tpu.memref_slice %arg5[%multiple_of3A_2162] : memref<64225280xf32, #tpu.memory_space<hbm>> -> memref<50176xf32, #tpu.memory_space<hbm>>
    tpu.enqueue_dma source(%arg9 : memref<50176xf32, #tpu.memory_space<vmem>>) target(%dma_start3A_2164 : memref<50176xf32, #tpu.memory_space<hbm>>) target_semaphore(%arg12 : memref<!tpu.dma_semaphore, #tpu.memory_space<semaphore_mem>>)
    %dma_wait3A_2165 = tpu.memref_slice %arg4[%multiple_of3A_2108] : memref<38535168xf32, #tpu.memory_space<hbm>> -> memref<50176xf32, #tpu.memory_space<hbm>>
    %dma_wait3A_2166 = tpu.memref_slice %arg4[%multiple_of3A_2108] : memref<38535168xf32, #tpu.memory_space<hbm>> -> memref<50176xf32, #tpu.memory_space<hbm>>
    tpu.wait_dma2 semaphore(%arg11 : memref<!tpu.dma_semaphore, #tpu.memory_space<semaphore_mem>>) src(%dma_wait3A_2166 : memref<50176xf32, #tpu.memory_space<hbm>>) dst(%arg8 : memref<50176xf32, #tpu.memory_space<vmem>>)
    %dma_wait3A_2167 = tpu.memref_slice %arg5[%multiple_of3A_2162] : memref<64225280xf32, #tpu.memory_space<hbm>> -> memref<50176xf32, #tpu.memory_space<hbm>>
    %dma_wait3A_2168 = tpu.memref_slice %arg5[%multiple_of3A_2162] : memref<64225280xf32, #tpu.memory_space<hbm>> -> memref<50176xf32, #tpu.memory_space<hbm>>
    tpu.wait_dma2 semaphore(%arg12 : memref<!tpu.dma_semaphore, #tpu.memory_space<semaphore_mem>>) src(%arg9 : memref<50176xf32, #tpu.memory_space<vmem>>) dst(%dma_wait3A_2168 : memref<50176xf32, #tpu.memory_space<hbm>>)
    %mul3A_2169 = arith.constant 24 : i32
    %mul3A_2170 = arith.muli %add3A, %mul3A_2169 : i32
    %add3A_2171 = arith.constant 17 : i32
    %add3A_2172 = arith.addi %mul3A_2170, %add3A_2171 : i32
    %jit3A_2173 = arith.constant 96 : i32
    %div3A_2174 = arith.divsi %add3A_2172, %jit3A_2173 : i32
    %sign3A_2175 = arith.constant 0 : i32
    %sign3A_2176 = arith.cmpi sgt, %add3A_2172, %sign3A_2175 : i32
    %sign3A_2177 = arith.extui %sign3A_2176 : i1 to i32
    %sign3A_2178 = arith.constant 0 : i32
    %sign3A_2179 = arith.cmpi slt, %add3A_2172, %sign3A_2178 : i32
    %sign3A_2180 = arith.extui %sign3A_2179 : i1 to i32
    %sign3A_2181 = arith.subi %sign3A_2177, %sign3A_2180 : i32
    %sign3A_2182 = arith.constant 0 : i32
    %sign3A_2183 = arith.cmpi sgt, %jit3A_2173, %sign3A_2182 : i32
    %sign3A_2184 = arith.extui %sign3A_2183 : i1 to i32
    %sign3A_2185 = arith.constant 0 : i32
    %sign3A_2186 = arith.cmpi slt, %jit3A_2173, %sign3A_2185 : i32
    %sign3A_2187 = arith.extui %sign3A_2186 : i1 to i32
    %sign3A_2188 = arith.subi %sign3A_2184, %sign3A_2187 : i32
    %ne3A_2189 = arith.cmpi ne, %sign3A_2181, %sign3A_2188 : i32
    %rem3A_2190 = arith.remsi %add3A_2172, %jit3A_2173 : i32
    %ne3A_2191 = arith.constant 0 : i32
    %ne3A_2192 = arith.cmpi ne, %rem3A_2190, %ne3A_2191 : i32
    %and3A_2193 = arith.andi %ne3A_2189, %ne3A_2192 : i1
    %sub3A_2194 = arith.constant 1 : i32
    %sub3A_2195 = arith.subi %div3A_2174, %sub3A_2194 : i32
    %select_n3A_2196 = arith.select %and3A_2193, %sub3A_2195, %div3A_2174 : i32
    %jit3A_2197 = arith.constant 96 : i32
    %eq3A_2198 = arith.constant 0 : i32
    %eq3A_2199 = arith.cmpi eq, %jit3A_2197, %eq3A_2198 : i32
    %jit3A_2200 = arith.constant 1 : i32
    %select_n3A_2201 = arith.select %eq3A_2199, %jit3A_2200, %jit3A_2197 : i32
    %rem3A_2202 = arith.remsi %add3A_2172, %select_n3A_2201 : i32
    %ne3A_2203 = arith.constant 0 : i32
    %ne3A_2204 = arith.cmpi ne, %rem3A_2202, %ne3A_2203 : i32
    %lt3A_2205 = arith.constant 0 : i32
    %lt3A_2206 = arith.cmpi slt, %rem3A_2202, %lt3A_2205 : i32
    %lt3A_2207 = arith.constant 0 : i32
    %lt3A_2208 = arith.cmpi slt, %select_n3A_2201, %lt3A_2207 : i32
    %ne3A_2209 = arith.xori %lt3A_2206, %lt3A_2208 : i1
    %and3A_2210 = arith.andi %ne3A_2209, %ne3A_2204 : i1
    %add3A_2211 = arith.addi %rem3A_2202, %select_n3A_2201 : i32
    %select_n3A_2212 = arith.select %and3A_2210, %add3A_2211, %rem3A_2202 : i32
    %mul3A_2213 = arith.constant 4816896 : i32
    %mul3A_2214 = arith.muli %select_n3A_2196, %mul3A_2213 : i32
    %mul3A_2215 = arith.constant 50176 : i32
    %mul3A_2216 = arith.muli %select_n3A_2212, %mul3A_2215 : i32
    %add3A_2217 = arith.addi %mul3A_2214, %mul3A_2216 : i32
    %multiple_of3A_2218 = tpu.assume_multiple %add3A_2217, 8 : i32
    %dma_start3A_2219 = tpu.memref_slice %arg4[%multiple_of3A_2218] : memref<38535168xf32, #tpu.memory_space<hbm>> -> memref<50176xf32, #tpu.memory_space<hbm>>
    %dma_start3A_2220 = tpu.memref_slice %arg4[%multiple_of3A_2218] : memref<38535168xf32, #tpu.memory_space<hbm>> -> memref<50176xf32, #tpu.memory_space<hbm>>
    tpu.enqueue_dma source(%dma_start3A_2220 : memref<50176xf32, #tpu.memory_space<hbm>>) target(%arg9 : memref<50176xf32, #tpu.memory_space<vmem>>) target_semaphore(%arg11 : memref<!tpu.dma_semaphore, #tpu.memory_space<semaphore_mem>>)
    %mul3A_2221 = arith.constant 24 : i32
    %mul3A_2222 = arith.muli %add3A, %mul3A_2221 : i32
    %add3A_2223 = arith.constant 16 : i32
    %add3A_2224 = arith.addi %mul3A_2222, %add3A_2223 : i32
    %jit3A_2225 = arith.constant 96 : i32
    %div3A_2226 = arith.divsi %add3A_2224, %jit3A_2225 : i32
    %sign3A_2227 = arith.constant 0 : i32
    %sign3A_2228 = arith.cmpi sgt, %add3A_2224, %sign3A_2227 : i32
    %sign3A_2229 = arith.extui %sign3A_2228 : i1 to i32
    %sign3A_2230 = arith.constant 0 : i32
    %sign3A_2231 = arith.cmpi slt, %add3A_2224, %sign3A_2230 : i32
    %sign3A_2232 = arith.extui %sign3A_2231 : i1 to i32
    %sign3A_2233 = arith.subi %sign3A_2229, %sign3A_2232 : i32
    %sign3A_2234 = arith.constant 0 : i32
    %sign3A_2235 = arith.cmpi sgt, %jit3A_2225, %sign3A_2234 : i32
    %sign3A_2236 = arith.extui %sign3A_2235 : i1 to i32
    %sign3A_2237 = arith.constant 0 : i32
    %sign3A_2238 = arith.cmpi slt, %jit3A_2225, %sign3A_2237 : i32
    %sign3A_2239 = arith.extui %sign3A_2238 : i1 to i32
    %sign3A_2240 = arith.subi %sign3A_2236, %sign3A_2239 : i32
    %ne3A_2241 = arith.cmpi ne, %sign3A_2233, %sign3A_2240 : i32
    %rem3A_2242 = arith.remsi %add3A_2224, %jit3A_2225 : i32
    %ne3A_2243 = arith.constant 0 : i32
    %ne3A_2244 = arith.cmpi ne, %rem3A_2242, %ne3A_2243 : i32
    %and3A_2245 = arith.andi %ne3A_2241, %ne3A_2244 : i1
    %sub3A_2246 = arith.constant 1 : i32
    %sub3A_2247 = arith.subi %div3A_2226, %sub3A_2246 : i32
    %select_n3A_2248 = arith.select %and3A_2245, %sub3A_2247, %div3A_2226 : i32
    %jit3A_2249 = arith.constant 96 : i32
    %eq3A_2250 = arith.constant 0 : i32
    %eq3A_2251 = arith.cmpi eq, %jit3A_2249, %eq3A_2250 : i32
    %jit3A_2252 = arith.constant 1 : i32
    %select_n3A_2253 = arith.select %eq3A_2251, %jit3A_2252, %jit3A_2249 : i32
    %rem3A_2254 = arith.remsi %add3A_2224, %select_n3A_2253 : i32
    %ne3A_2255 = arith.constant 0 : i32
    %ne3A_2256 = arith.cmpi ne, %rem3A_2254, %ne3A_2255 : i32
    %lt3A_2257 = arith.constant 0 : i32
    %lt3A_2258 = arith.cmpi slt, %rem3A_2254, %lt3A_2257 : i32
    %lt3A_2259 = arith.constant 0 : i32
    %lt3A_2260 = arith.cmpi slt, %select_n3A_2253, %lt3A_2259 : i32
    %ne3A_2261 = arith.xori %lt3A_2258, %lt3A_2260 : i1
    %and3A_2262 = arith.andi %ne3A_2261, %ne3A_2256 : i1
    %add3A_2263 = arith.addi %rem3A_2254, %select_n3A_2253 : i32
    %select_n3A_2264 = arith.select %and3A_2262, %add3A_2263, %rem3A_2254 : i32
    %mul3A_2265 = arith.constant 8028160 : i32
    %mul3A_2266 = arith.muli %select_n3A_2248, %mul3A_2265 : i32
    %add3A_2267 = arith.constant 3211264 : i32
    %add3A_2268 = arith.addi %mul3A_2266, %add3A_2267 : i32
    %mul3A_2269 = arith.constant 50176 : i32
    %mul3A_2270 = arith.muli %select_n3A_2264, %mul3A_2269 : i32
    %add3A_2271 = arith.addi %add3A_2268, %mul3A_2270 : i32
    %multiple_of3A_2272 = tpu.assume_multiple %add3A_2271, 8 : i32
    %dma_start3A_2273 = tpu.memref_slice %arg5[%multiple_of3A_2272] : memref<64225280xf32, #tpu.memory_space<hbm>> -> memref<50176xf32, #tpu.memory_space<hbm>>
    %dma_start3A_2274 = tpu.memref_slice %arg5[%multiple_of3A_2272] : memref<64225280xf32, #tpu.memory_space<hbm>> -> memref<50176xf32, #tpu.memory_space<hbm>>
    tpu.enqueue_dma source(%arg8 : memref<50176xf32, #tpu.memory_space<vmem>>) target(%dma_start3A_2274 : memref<50176xf32, #tpu.memory_space<hbm>>) target_semaphore(%arg12 : memref<!tpu.dma_semaphore, #tpu.memory_space<semaphore_mem>>)
    %dma_wait3A_2275 = tpu.memref_slice %arg4[%multiple_of3A_2218] : memref<38535168xf32, #tpu.memory_space<hbm>> -> memref<50176xf32, #tpu.memory_space<hbm>>
    %dma_wait3A_2276 = tpu.memref_slice %arg4[%multiple_of3A_2218] : memref<38535168xf32, #tpu.memory_space<hbm>> -> memref<50176xf32, #tpu.memory_space<hbm>>
    tpu.wait_dma2 semaphore(%arg11 : memref<!tpu.dma_semaphore, #tpu.memory_space<semaphore_mem>>) src(%dma_wait3A_2276 : memref<50176xf32, #tpu.memory_space<hbm>>) dst(%arg9 : memref<50176xf32, #tpu.memory_space<vmem>>)
    %dma_wait3A_2277 = tpu.memref_slice %arg5[%multiple_of3A_2272] : memref<64225280xf32, #tpu.memory_space<hbm>> -> memref<50176xf32, #tpu.memory_space<hbm>>
    %dma_wait3A_2278 = tpu.memref_slice %arg5[%multiple_of3A_2272] : memref<64225280xf32, #tpu.memory_space<hbm>> -> memref<50176xf32, #tpu.memory_space<hbm>>
    tpu.wait_dma2 semaphore(%arg12 : memref<!tpu.dma_semaphore, #tpu.memory_space<semaphore_mem>>) src(%arg8 : memref<50176xf32, #tpu.memory_space<vmem>>) dst(%dma_wait3A_2278 : memref<50176xf32, #tpu.memory_space<hbm>>)
    %mul3A_2279 = arith.constant 24 : i32
    %mul3A_2280 = arith.muli %add3A, %mul3A_2279 : i32
    %add3A_2281 = arith.constant 18 : i32
    %add3A_2282 = arith.addi %mul3A_2280, %add3A_2281 : i32
    %jit3A_2283 = arith.constant 96 : i32
    %div3A_2284 = arith.divsi %add3A_2282, %jit3A_2283 : i32
    %sign3A_2285 = arith.constant 0 : i32
    %sign3A_2286 = arith.cmpi sgt, %add3A_2282, %sign3A_2285 : i32
    %sign3A_2287 = arith.extui %sign3A_2286 : i1 to i32
    %sign3A_2288 = arith.constant 0 : i32
    %sign3A_2289 = arith.cmpi slt, %add3A_2282, %sign3A_2288 : i32
    %sign3A_2290 = arith.extui %sign3A_2289 : i1 to i32
    %sign3A_2291 = arith.subi %sign3A_2287, %sign3A_2290 : i32
    %sign3A_2292 = arith.constant 0 : i32
    %sign3A_2293 = arith.cmpi sgt, %jit3A_2283, %sign3A_2292 : i32
    %sign3A_2294 = arith.extui %sign3A_2293 : i1 to i32
    %sign3A_2295 = arith.constant 0 : i32
    %sign3A_2296 = arith.cmpi slt, %jit3A_2283, %sign3A_2295 : i32
    %sign3A_2297 = arith.extui %sign3A_2296 : i1 to i32
    %sign3A_2298 = arith.subi %sign3A_2294, %sign3A_2297 : i32
    %ne3A_2299 = arith.cmpi ne, %sign3A_2291, %sign3A_2298 : i32
    %rem3A_2300 = arith.remsi %add3A_2282, %jit3A_2283 : i32
    %ne3A_2301 = arith.constant 0 : i32
    %ne3A_2302 = arith.cmpi ne, %rem3A_2300, %ne3A_2301 : i32
    %and3A_2303 = arith.andi %ne3A_2299, %ne3A_2302 : i1
    %sub3A_2304 = arith.constant 1 : i32
    %sub3A_2305 = arith.subi %div3A_2284, %sub3A_2304 : i32
    %select_n3A_2306 = arith.select %and3A_2303, %sub3A_2305, %div3A_2284 : i32
    %jit3A_2307 = arith.constant 96 : i32
    %eq3A_2308 = arith.constant 0 : i32
    %eq3A_2309 = arith.cmpi eq, %jit3A_2307, %eq3A_2308 : i32
    %jit3A_2310 = arith.constant 1 : i32
    %select_n3A_2311 = arith.select %eq3A_2309, %jit3A_2310, %jit3A_2307 : i32
    %rem3A_2312 = arith.remsi %add3A_2282, %select_n3A_2311 : i32
    %ne3A_2313 = arith.constant 0 : i32
    %ne3A_2314 = arith.cmpi ne, %rem3A_2312, %ne3A_2313 : i32
    %lt3A_2315 = arith.constant 0 : i32
    %lt3A_2316 = arith.cmpi slt, %rem3A_2312, %lt3A_2315 : i32
    %lt3A_2317 = arith.constant 0 : i32
    %lt3A_2318 = arith.cmpi slt, %select_n3A_2311, %lt3A_2317 : i32
    %ne3A_2319 = arith.xori %lt3A_2316, %lt3A_2318 : i1
    %and3A_2320 = arith.andi %ne3A_2319, %ne3A_2314 : i1
    %add3A_2321 = arith.addi %rem3A_2312, %select_n3A_2311 : i32
    %select_n3A_2322 = arith.select %and3A_2320, %add3A_2321, %rem3A_2312 : i32
    %mul3A_2323 = arith.constant 4816896 : i32
    %mul3A_2324 = arith.muli %select_n3A_2306, %mul3A_2323 : i32
    %mul3A_2325 = arith.constant 50176 : i32
    %mul3A_2326 = arith.muli %select_n3A_2322, %mul3A_2325 : i32
    %add3A_2327 = arith.addi %mul3A_2324, %mul3A_2326 : i32
    %multiple_of3A_2328 = tpu.assume_multiple %add3A_2327, 8 : i32
    %dma_start3A_2329 = tpu.memref_slice %arg4[%multiple_of3A_2328] : memref<38535168xf32, #tpu.memory_space<hbm>> -> memref<50176xf32, #tpu.memory_space<hbm>>
    %dma_start3A_2330 = tpu.memref_slice %arg4[%multiple_of3A_2328] : memref<38535168xf32, #tpu.memory_space<hbm>> -> memref<50176xf32, #tpu.memory_space<hbm>>
    tpu.enqueue_dma source(%dma_start3A_2330 : memref<50176xf32, #tpu.memory_space<hbm>>) target(%arg8 : memref<50176xf32, #tpu.memory_space<vmem>>) target_semaphore(%arg11 : memref<!tpu.dma_semaphore, #tpu.memory_space<semaphore_mem>>)
    %mul3A_2331 = arith.constant 24 : i32
    %mul3A_2332 = arith.muli %add3A, %mul3A_2331 : i32
    %add3A_2333 = arith.constant 17 : i32
    %add3A_2334 = arith.addi %mul3A_2332, %add3A_2333 : i32
    %jit3A_2335 = arith.constant 96 : i32
    %div3A_2336 = arith.divsi %add3A_2334, %jit3A_2335 : i32
    %sign3A_2337 = arith.constant 0 : i32
    %sign3A_2338 = arith.cmpi sgt, %add3A_2334, %sign3A_2337 : i32
    %sign3A_2339 = arith.extui %sign3A_2338 : i1 to i32
    %sign3A_2340 = arith.constant 0 : i32
    %sign3A_2341 = arith.cmpi slt, %add3A_2334, %sign3A_2340 : i32
    %sign3A_2342 = arith.extui %sign3A_2341 : i1 to i32
    %sign3A_2343 = arith.subi %sign3A_2339, %sign3A_2342 : i32
    %sign3A_2344 = arith.constant 0 : i32
    %sign3A_2345 = arith.cmpi sgt, %jit3A_2335, %sign3A_2344 : i32
    %sign3A_2346 = arith.extui %sign3A_2345 : i1 to i32
    %sign3A_2347 = arith.constant 0 : i32
    %sign3A_2348 = arith.cmpi slt, %jit3A_2335, %sign3A_2347 : i32
    %sign3A_2349 = arith.extui %sign3A_2348 : i1 to i32
    %sign3A_2350 = arith.subi %sign3A_2346, %sign3A_2349 : i32
    %ne3A_2351 = arith.cmpi ne, %sign3A_2343, %sign3A_2350 : i32
    %rem3A_2352 = arith.remsi %add3A_2334, %jit3A_2335 : i32
    %ne3A_2353 = arith.constant 0 : i32
    %ne3A_2354 = arith.cmpi ne, %rem3A_2352, %ne3A_2353 : i32
    %and3A_2355 = arith.andi %ne3A_2351, %ne3A_2354 : i1
    %sub3A_2356 = arith.constant 1 : i32
    %sub3A_2357 = arith.subi %div3A_2336, %sub3A_2356 : i32
    %select_n3A_2358 = arith.select %and3A_2355, %sub3A_2357, %div3A_2336 : i32
    %jit3A_2359 = arith.constant 96 : i32
    %eq3A_2360 = arith.constant 0 : i32
    %eq3A_2361 = arith.cmpi eq, %jit3A_2359, %eq3A_2360 : i32
    %jit3A_2362 = arith.constant 1 : i32
    %select_n3A_2363 = arith.select %eq3A_2361, %jit3A_2362, %jit3A_2359 : i32
    %rem3A_2364 = arith.remsi %add3A_2334, %select_n3A_2363 : i32
    %ne3A_2365 = arith.constant 0 : i32
    %ne3A_2366 = arith.cmpi ne, %rem3A_2364, %ne3A_2365 : i32
    %lt3A_2367 = arith.constant 0 : i32
    %lt3A_2368 = arith.cmpi slt, %rem3A_2364, %lt3A_2367 : i32
    %lt3A_2369 = arith.constant 0 : i32
    %lt3A_2370 = arith.cmpi slt, %select_n3A_2363, %lt3A_2369 : i32
    %ne3A_2371 = arith.xori %lt3A_2368, %lt3A_2370 : i1
    %and3A_2372 = arith.andi %ne3A_2371, %ne3A_2366 : i1
    %add3A_2373 = arith.addi %rem3A_2364, %select_n3A_2363 : i32
    %select_n3A_2374 = arith.select %and3A_2372, %add3A_2373, %rem3A_2364 : i32
    %mul3A_2375 = arith.constant 8028160 : i32
    %mul3A_2376 = arith.muli %select_n3A_2358, %mul3A_2375 : i32
    %add3A_2377 = arith.constant 3211264 : i32
    %add3A_2378 = arith.addi %mul3A_2376, %add3A_2377 : i32
    %mul3A_2379 = arith.constant 50176 : i32
    %mul3A_2380 = arith.muli %select_n3A_2374, %mul3A_2379 : i32
    %add3A_2381 = arith.addi %add3A_2378, %mul3A_2380 : i32
    %multiple_of3A_2382 = tpu.assume_multiple %add3A_2381, 8 : i32
    %dma_start3A_2383 = tpu.memref_slice %arg5[%multiple_of3A_2382] : memref<64225280xf32, #tpu.memory_space<hbm>> -> memref<50176xf32, #tpu.memory_space<hbm>>
    %dma_start3A_2384 = tpu.memref_slice %arg5[%multiple_of3A_2382] : memref<64225280xf32, #tpu.memory_space<hbm>> -> memref<50176xf32, #tpu.memory_space<hbm>>
    tpu.enqueue_dma source(%arg9 : memref<50176xf32, #tpu.memory_space<vmem>>) target(%dma_start3A_2384 : memref<50176xf32, #tpu.memory_space<hbm>>) target_semaphore(%arg12 : memref<!tpu.dma_semaphore, #tpu.memory_space<semaphore_mem>>)
    %dma_wait3A_2385 = tpu.memref_slice %arg4[%multiple_of3A_2328] : memref<38535168xf32, #tpu.memory_space<hbm>> -> memref<50176xf32, #tpu.memory_space<hbm>>
    %dma_wait3A_2386 = tpu.memref_slice %arg4[%multiple_of3A_2328] : memref<38535168xf32, #tpu.memory_space<hbm>> -> memref<50176xf32, #tpu.memory_space<hbm>>
    tpu.wait_dma2 semaphore(%arg11 : memref<!tpu.dma_semaphore, #tpu.memory_space<semaphore_mem>>) src(%dma_wait3A_2386 : memref<50176xf32, #tpu.memory_space<hbm>>) dst(%arg8 : memref<50176xf32, #tpu.memory_space<vmem>>)
    %dma_wait3A_2387 = tpu.memref_slice %arg5[%multiple_of3A_2382] : memref<64225280xf32, #tpu.memory_space<hbm>> -> memref<50176xf32, #tpu.memory_space<hbm>>
    %dma_wait3A_2388 = tpu.memref_slice %arg5[%multiple_of3A_2382] : memref<64225280xf32, #tpu.memory_space<hbm>> -> memref<50176xf32, #tpu.memory_space<hbm>>
    tpu.wait_dma2 semaphore(%arg12 : memref<!tpu.dma_semaphore, #tpu.memory_space<semaphore_mem>>) src(%arg9 : memref<50176xf32, #tpu.memory_space<vmem>>) dst(%dma_wait3A_2388 : memref<50176xf32, #tpu.memory_space<hbm>>)
    %mul3A_2389 = arith.constant 24 : i32
    %mul3A_2390 = arith.muli %add3A, %mul3A_2389 : i32
    %add3A_2391 = arith.constant 19 : i32
    %add3A_2392 = arith.addi %mul3A_2390, %add3A_2391 : i32
    %jit3A_2393 = arith.constant 96 : i32
    %div3A_2394 = arith.divsi %add3A_2392, %jit3A_2393 : i32
    %sign3A_2395 = arith.constant 0 : i32
    %sign3A_2396 = arith.cmpi sgt, %add3A_2392, %sign3A_2395 : i32
    %sign3A_2397 = arith.extui %sign3A_2396 : i1 to i32
    %sign3A_2398 = arith.constant 0 : i32
    %sign3A_2399 = arith.cmpi slt, %add3A_2392, %sign3A_2398 : i32
    %sign3A_2400 = arith.extui %sign3A_2399 : i1 to i32
    %sign3A_2401 = arith.subi %sign3A_2397, %sign3A_2400 : i32
    %sign3A_2402 = arith.constant 0 : i32
    %sign3A_2403 = arith.cmpi sgt, %jit3A_2393, %sign3A_2402 : i32
    %sign3A_2404 = arith.extui %sign3A_2403 : i1 to i32
    %sign3A_2405 = arith.constant 0 : i32
    %sign3A_2406 = arith.cmpi slt, %jit3A_2393, %sign3A_2405 : i32
    %sign3A_2407 = arith.extui %sign3A_2406 : i1 to i32
    %sign3A_2408 = arith.subi %sign3A_2404, %sign3A_2407 : i32
    %ne3A_2409 = arith.cmpi ne, %sign3A_2401, %sign3A_2408 : i32
    %rem3A_2410 = arith.remsi %add3A_2392, %jit3A_2393 : i32
    %ne3A_2411 = arith.constant 0 : i32
    %ne3A_2412 = arith.cmpi ne, %rem3A_2410, %ne3A_2411 : i32
    %and3A_2413 = arith.andi %ne3A_2409, %ne3A_2412 : i1
    %sub3A_2414 = arith.constant 1 : i32
    %sub3A_2415 = arith.subi %div3A_2394, %sub3A_2414 : i32
    %select_n3A_2416 = arith.select %and3A_2413, %sub3A_2415, %div3A_2394 : i32
    %jit3A_2417 = arith.constant 96 : i32
    %eq3A_2418 = arith.constant 0 : i32
    %eq3A_2419 = arith.cmpi eq, %jit3A_2417, %eq3A_2418 : i32
    %jit3A_2420 = arith.constant 1 : i32
    %select_n3A_2421 = arith.select %eq3A_2419, %jit3A_2420, %jit3A_2417 : i32
    %rem3A_2422 = arith.remsi %add3A_2392, %select_n3A_2421 : i32
    %ne3A_2423 = arith.constant 0 : i32
    %ne3A_2424 = arith.cmpi ne, %rem3A_2422, %ne3A_2423 : i32
    %lt3A_2425 = arith.constant 0 : i32
    %lt3A_2426 = arith.cmpi slt, %rem3A_2422, %lt3A_2425 : i32
    %lt3A_2427 = arith.constant 0 : i32
    %lt3A_2428 = arith.cmpi slt, %select_n3A_2421, %lt3A_2427 : i32
    %ne3A_2429 = arith.xori %lt3A_2426, %lt3A_2428 : i1
    %and3A_2430 = arith.andi %ne3A_2429, %ne3A_2424 : i1
    %add3A_2431 = arith.addi %rem3A_2422, %select_n3A_2421 : i32
    %select_n3A_2432 = arith.select %and3A_2430, %add3A_2431, %rem3A_2422 : i32
    %mul3A_2433 = arith.constant 4816896 : i32
    %mul3A_2434 = arith.muli %select_n3A_2416, %mul3A_2433 : i32
    %mul3A_2435 = arith.constant 50176 : i32
    %mul3A_2436 = arith.muli %select_n3A_2432, %mul3A_2435 : i32
    %add3A_2437 = arith.addi %mul3A_2434, %mul3A_2436 : i32
    %multiple_of3A_2438 = tpu.assume_multiple %add3A_2437, 8 : i32
    %dma_start3A_2439 = tpu.memref_slice %arg4[%multiple_of3A_2438] : memref<38535168xf32, #tpu.memory_space<hbm>> -> memref<50176xf32, #tpu.memory_space<hbm>>
    %dma_start3A_2440 = tpu.memref_slice %arg4[%multiple_of3A_2438] : memref<38535168xf32, #tpu.memory_space<hbm>> -> memref<50176xf32, #tpu.memory_space<hbm>>
    tpu.enqueue_dma source(%dma_start3A_2440 : memref<50176xf32, #tpu.memory_space<hbm>>) target(%arg9 : memref<50176xf32, #tpu.memory_space<vmem>>) target_semaphore(%arg11 : memref<!tpu.dma_semaphore, #tpu.memory_space<semaphore_mem>>)
    %mul3A_2441 = arith.constant 24 : i32
    %mul3A_2442 = arith.muli %add3A, %mul3A_2441 : i32
    %add3A_2443 = arith.constant 18 : i32
    %add3A_2444 = arith.addi %mul3A_2442, %add3A_2443 : i32
    %jit3A_2445 = arith.constant 96 : i32
    %div3A_2446 = arith.divsi %add3A_2444, %jit3A_2445 : i32
    %sign3A_2447 = arith.constant 0 : i32
    %sign3A_2448 = arith.cmpi sgt, %add3A_2444, %sign3A_2447 : i32
    %sign3A_2449 = arith.extui %sign3A_2448 : i1 to i32
    %sign3A_2450 = arith.constant 0 : i32
    %sign3A_2451 = arith.cmpi slt, %add3A_2444, %sign3A_2450 : i32
    %sign3A_2452 = arith.extui %sign3A_2451 : i1 to i32
    %sign3A_2453 = arith.subi %sign3A_2449, %sign3A_2452 : i32
    %sign3A_2454 = arith.constant 0 : i32
    %sign3A_2455 = arith.cmpi sgt, %jit3A_2445, %sign3A_2454 : i32
    %sign3A_2456 = arith.extui %sign3A_2455 : i1 to i32
    %sign3A_2457 = arith.constant 0 : i32
    %sign3A_2458 = arith.cmpi slt, %jit3A_2445, %sign3A_2457 : i32
    %sign3A_2459 = arith.extui %sign3A_2458 : i1 to i32
    %sign3A_2460 = arith.subi %sign3A_2456, %sign3A_2459 : i32
    %ne3A_2461 = arith.cmpi ne, %sign3A_2453, %sign3A_2460 : i32
    %rem3A_2462 = arith.remsi %add3A_2444, %jit3A_2445 : i32
    %ne3A_2463 = arith.constant 0 : i32
    %ne3A_2464 = arith.cmpi ne, %rem3A_2462, %ne3A_2463 : i32
    %and3A_2465 = arith.andi %ne3A_2461, %ne3A_2464 : i1
    %sub3A_2466 = arith.constant 1 : i32
    %sub3A_2467 = arith.subi %div3A_2446, %sub3A_2466 : i32
    %select_n3A_2468 = arith.select %and3A_2465, %sub3A_2467, %div3A_2446 : i32
    %jit3A_2469 = arith.constant 96 : i32
    %eq3A_2470 = arith.constant 0 : i32
    %eq3A_2471 = arith.cmpi eq, %jit3A_2469, %eq3A_2470 : i32
    %jit3A_2472 = arith.constant 1 : i32
    %select_n3A_2473 = arith.select %eq3A_2471, %jit3A_2472, %jit3A_2469 : i32
    %rem3A_2474 = arith.remsi %add3A_2444, %select_n3A_2473 : i32
    %ne3A_2475 = arith.constant 0 : i32
    %ne3A_2476 = arith.cmpi ne, %rem3A_2474, %ne3A_2475 : i32
    %lt3A_2477 = arith.constant 0 : i32
    %lt3A_2478 = arith.cmpi slt, %rem3A_2474, %lt3A_2477 : i32
    %lt3A_2479 = arith.constant 0 : i32
    %lt3A_2480 = arith.cmpi slt, %select_n3A_2473, %lt3A_2479 : i32
    %ne3A_2481 = arith.xori %lt3A_2478, %lt3A_2480 : i1
    %and3A_2482 = arith.andi %ne3A_2481, %ne3A_2476 : i1
    %add3A_2483 = arith.addi %rem3A_2474, %select_n3A_2473 : i32
    %select_n3A_2484 = arith.select %and3A_2482, %add3A_2483, %rem3A_2474 : i32
    %mul3A_2485 = arith.constant 8028160 : i32
    %mul3A_2486 = arith.muli %select_n3A_2468, %mul3A_2485 : i32
    %add3A_2487 = arith.constant 3211264 : i32
    %add3A_2488 = arith.addi %mul3A_2486, %add3A_2487 : i32
    %mul3A_2489 = arith.constant 50176 : i32
    %mul3A_2490 = arith.muli %select_n3A_2484, %mul3A_2489 : i32
    %add3A_2491 = arith.addi %add3A_2488, %mul3A_2490 : i32
    %multiple_of3A_2492 = tpu.assume_multiple %add3A_2491, 8 : i32
    %dma_start3A_2493 = tpu.memref_slice %arg5[%multiple_of3A_2492] : memref<64225280xf32, #tpu.memory_space<hbm>> -> memref<50176xf32, #tpu.memory_space<hbm>>
    %dma_start3A_2494 = tpu.memref_slice %arg5[%multiple_of3A_2492] : memref<64225280xf32, #tpu.memory_space<hbm>> -> memref<50176xf32, #tpu.memory_space<hbm>>
    tpu.enqueue_dma source(%arg8 : memref<50176xf32, #tpu.memory_space<vmem>>) target(%dma_start3A_2494 : memref<50176xf32, #tpu.memory_space<hbm>>) target_semaphore(%arg12 : memref<!tpu.dma_semaphore, #tpu.memory_space<semaphore_mem>>)
    %dma_wait3A_2495 = tpu.memref_slice %arg4[%multiple_of3A_2438] : memref<38535168xf32, #tpu.memory_space<hbm>> -> memref<50176xf32, #tpu.memory_space<hbm>>
    %dma_wait3A_2496 = tpu.memref_slice %arg4[%multiple_of3A_2438] : memref<38535168xf32, #tpu.memory_space<hbm>> -> memref<50176xf32, #tpu.memory_space<hbm>>
    tpu.wait_dma2 semaphore(%arg11 : memref<!tpu.dma_semaphore, #tpu.memory_space<semaphore_mem>>) src(%dma_wait3A_2496 : memref<50176xf32, #tpu.memory_space<hbm>>) dst(%arg9 : memref<50176xf32, #tpu.memory_space<vmem>>)
    %dma_wait3A_2497 = tpu.memref_slice %arg5[%multiple_of3A_2492] : memref<64225280xf32, #tpu.memory_space<hbm>> -> memref<50176xf32, #tpu.memory_space<hbm>>
    %dma_wait3A_2498 = tpu.memref_slice %arg5[%multiple_of3A_2492] : memref<64225280xf32, #tpu.memory_space<hbm>> -> memref<50176xf32, #tpu.memory_space<hbm>>
    tpu.wait_dma2 semaphore(%arg12 : memref<!tpu.dma_semaphore, #tpu.memory_space<semaphore_mem>>) src(%arg8 : memref<50176xf32, #tpu.memory_space<vmem>>) dst(%dma_wait3A_2498 : memref<50176xf32, #tpu.memory_space<hbm>>)
    %mul3A_2499 = arith.constant 24 : i32
    %mul3A_2500 = arith.muli %add3A, %mul3A_2499 : i32
    %add3A_2501 = arith.constant 20 : i32
    %add3A_2502 = arith.addi %mul3A_2500, %add3A_2501 : i32
    %jit3A_2503 = arith.constant 96 : i32
    %div3A_2504 = arith.divsi %add3A_2502, %jit3A_2503 : i32
    %sign3A_2505 = arith.constant 0 : i32
    %sign3A_2506 = arith.cmpi sgt, %add3A_2502, %sign3A_2505 : i32
    %sign3A_2507 = arith.extui %sign3A_2506 : i1 to i32
    %sign3A_2508 = arith.constant 0 : i32
    %sign3A_2509 = arith.cmpi slt, %add3A_2502, %sign3A_2508 : i32
    %sign3A_2510 = arith.extui %sign3A_2509 : i1 to i32
    %sign3A_2511 = arith.subi %sign3A_2507, %sign3A_2510 : i32
    %sign3A_2512 = arith.constant 0 : i32
    %sign3A_2513 = arith.cmpi sgt, %jit3A_2503, %sign3A_2512 : i32
    %sign3A_2514 = arith.extui %sign3A_2513 : i1 to i32
    %sign3A_2515 = arith.constant 0 : i32
    %sign3A_2516 = arith.cmpi slt, %jit3A_2503, %sign3A_2515 : i32
    %sign3A_2517 = arith.extui %sign3A_2516 : i1 to i32
    %sign3A_2518 = arith.subi %sign3A_2514, %sign3A_2517 : i32
    %ne3A_2519 = arith.cmpi ne, %sign3A_2511, %sign3A_2518 : i32
    %rem3A_2520 = arith.remsi %add3A_2502, %jit3A_2503 : i32
    %ne3A_2521 = arith.constant 0 : i32
    %ne3A_2522 = arith.cmpi ne, %rem3A_2520, %ne3A_2521 : i32
    %and3A_2523 = arith.andi %ne3A_2519, %ne3A_2522 : i1
    %sub3A_2524 = arith.constant 1 : i32
    %sub3A_2525 = arith.subi %div3A_2504, %sub3A_2524 : i32
    %select_n3A_2526 = arith.select %and3A_2523, %sub3A_2525, %div3A_2504 : i32
    %jit3A_2527 = arith.constant 96 : i32
    %eq3A_2528 = arith.constant 0 : i32
    %eq3A_2529 = arith.cmpi eq, %jit3A_2527, %eq3A_2528 : i32
    %jit3A_2530 = arith.constant 1 : i32
    %select_n3A_2531 = arith.select %eq3A_2529, %jit3A_2530, %jit3A_2527 : i32
    %rem3A_2532 = arith.remsi %add3A_2502, %select_n3A_2531 : i32
    %ne3A_2533 = arith.constant 0 : i32
    %ne3A_2534 = arith.cmpi ne, %rem3A_2532, %ne3A_2533 : i32
    %lt3A_2535 = arith.constant 0 : i32
    %lt3A_2536 = arith.cmpi slt, %rem3A_2532, %lt3A_2535 : i32
    %lt3A_2537 = arith.constant 0 : i32
    %lt3A_2538 = arith.cmpi slt, %select_n3A_2531, %lt3A_2537 : i32
    %ne3A_2539 = arith.xori %lt3A_2536, %lt3A_2538 : i1
    %and3A_2540 = arith.andi %ne3A_2539, %ne3A_2534 : i1
    %add3A_2541 = arith.addi %rem3A_2532, %select_n3A_2531 : i32
    %select_n3A_2542 = arith.select %and3A_2540, %add3A_2541, %rem3A_2532 : i32
    %mul3A_2543 = arith.constant 4816896 : i32
    %mul3A_2544 = arith.muli %select_n3A_2526, %mul3A_2543 : i32
    %mul3A_2545 = arith.constant 50176 : i32
    %mul3A_2546 = arith.muli %select_n3A_2542, %mul3A_2545 : i32
    %add3A_2547 = arith.addi %mul3A_2544, %mul3A_2546 : i32
    %multiple_of3A_2548 = tpu.assume_multiple %add3A_2547, 8 : i32
    %dma_start3A_2549 = tpu.memref_slice %arg4[%multiple_of3A_2548] : memref<38535168xf32, #tpu.memory_space<hbm>> -> memref<50176xf32, #tpu.memory_space<hbm>>
    %dma_start3A_2550 = tpu.memref_slice %arg4[%multiple_of3A_2548] : memref<38535168xf32, #tpu.memory_space<hbm>> -> memref<50176xf32, #tpu.memory_space<hbm>>
    tpu.enqueue_dma source(%dma_start3A_2550 : memref<50176xf32, #tpu.memory_space<hbm>>) target(%arg8 : memref<50176xf32, #tpu.memory_space<vmem>>) target_semaphore(%arg11 : memref<!tpu.dma_semaphore, #tpu.memory_space<semaphore_mem>>)
    %mul3A_2551 = arith.constant 24 : i32
    %mul3A_2552 = arith.muli %add3A, %mul3A_2551 : i32
    %add3A_2553 = arith.constant 19 : i32
    %add3A_2554 = arith.addi %mul3A_2552, %add3A_2553 : i32
    %jit3A_2555 = arith.constant 96 : i32
    %div3A_2556 = arith.divsi %add3A_2554, %jit3A_2555 : i32
    %sign3A_2557 = arith.constant 0 : i32
    %sign3A_2558 = arith.cmpi sgt, %add3A_2554, %sign3A_2557 : i32
    %sign3A_2559 = arith.extui %sign3A_2558 : i1 to i32
    %sign3A_2560 = arith.constant 0 : i32
    %sign3A_2561 = arith.cmpi slt, %add3A_2554, %sign3A_2560 : i32
    %sign3A_2562 = arith.extui %sign3A_2561 : i1 to i32
    %sign3A_2563 = arith.subi %sign3A_2559, %sign3A_2562 : i32
    %sign3A_2564 = arith.constant 0 : i32
    %sign3A_2565 = arith.cmpi sgt, %jit3A_2555, %sign3A_2564 : i32
    %sign3A_2566 = arith.extui %sign3A_2565 : i1 to i32
    %sign3A_2567 = arith.constant 0 : i32
    %sign3A_2568 = arith.cmpi slt, %jit3A_2555, %sign3A_2567 : i32
    %sign3A_2569 = arith.extui %sign3A_2568 : i1 to i32
    %sign3A_2570 = arith.subi %sign3A_2566, %sign3A_2569 : i32
    %ne3A_2571 = arith.cmpi ne, %sign3A_2563, %sign3A_2570 : i32
    %rem3A_2572 = arith.remsi %add3A_2554, %jit3A_2555 : i32
    %ne3A_2573 = arith.constant 0 : i32
    %ne3A_2574 = arith.cmpi ne, %rem3A_2572, %ne3A_2573 : i32
    %and3A_2575 = arith.andi %ne3A_2571, %ne3A_2574 : i1
    %sub3A_2576 = arith.constant 1 : i32
    %sub3A_2577 = arith.subi %div3A_2556, %sub3A_2576 : i32
    %select_n3A_2578 = arith.select %and3A_2575, %sub3A_2577, %div3A_2556 : i32
    %jit3A_2579 = arith.constant 96 : i32
    %eq3A_2580 = arith.constant 0 : i32
    %eq3A_2581 = arith.cmpi eq, %jit3A_2579, %eq3A_2580 : i32
    %jit3A_2582 = arith.constant 1 : i32
    %select_n3A_2583 = arith.select %eq3A_2581, %jit3A_2582, %jit3A_2579 : i32
    %rem3A_2584 = arith.remsi %add3A_2554, %select_n3A_2583 : i32
    %ne3A_2585 = arith.constant 0 : i32
    %ne3A_2586 = arith.cmpi ne, %rem3A_2584, %ne3A_2585 : i32
    %lt3A_2587 = arith.constant 0 : i32
    %lt3A_2588 = arith.cmpi slt, %rem3A_2584, %lt3A_2587 : i32
    %lt3A_2589 = arith.constant 0 : i32
    %lt3A_2590 = arith.cmpi slt, %select_n3A_2583, %lt3A_2589 : i32
    %ne3A_2591 = arith.xori %lt3A_2588, %lt3A_2590 : i1
    %and3A_2592 = arith.andi %ne3A_2591, %ne3A_2586 : i1
    %add3A_2593 = arith.addi %rem3A_2584, %select_n3A_2583 : i32
    %select_n3A_2594 = arith.select %and3A_2592, %add3A_2593, %rem3A_2584 : i32
    %mul3A_2595 = arith.constant 8028160 : i32
    %mul3A_2596 = arith.muli %select_n3A_2578, %mul3A_2595 : i32
    %add3A_2597 = arith.constant 3211264 : i32
    %add3A_2598 = arith.addi %mul3A_2596, %add3A_2597 : i32
    %mul3A_2599 = arith.constant 50176 : i32
    %mul3A_2600 = arith.muli %select_n3A_2594, %mul3A_2599 : i32
    %add3A_2601 = arith.addi %add3A_2598, %mul3A_2600 : i32
    %multiple_of3A_2602 = tpu.assume_multiple %add3A_2601, 8 : i32
    %dma_start3A_2603 = tpu.memref_slice %arg5[%multiple_of3A_2602] : memref<64225280xf32, #tpu.memory_space<hbm>> -> memref<50176xf32, #tpu.memory_space<hbm>>
    %dma_start3A_2604 = tpu.memref_slice %arg5[%multiple_of3A_2602] : memref<64225280xf32, #tpu.memory_space<hbm>> -> memref<50176xf32, #tpu.memory_space<hbm>>
    tpu.enqueue_dma source(%arg9 : memref<50176xf32, #tpu.memory_space<vmem>>) target(%dma_start3A_2604 : memref<50176xf32, #tpu.memory_space<hbm>>) target_semaphore(%arg12 : memref<!tpu.dma_semaphore, #tpu.memory_space<semaphore_mem>>)
    %dma_wait3A_2605 = tpu.memref_slice %arg4[%multiple_of3A_2548] : memref<38535168xf32, #tpu.memory_space<hbm>> -> memref<50176xf32, #tpu.memory_space<hbm>>
    %dma_wait3A_2606 = tpu.memref_slice %arg4[%multiple_of3A_2548] : memref<38535168xf32, #tpu.memory_space<hbm>> -> memref<50176xf32, #tpu.memory_space<hbm>>
    tpu.wait_dma2 semaphore(%arg11 : memref<!tpu.dma_semaphore, #tpu.memory_space<semaphore_mem>>) src(%dma_wait3A_2606 : memref<50176xf32, #tpu.memory_space<hbm>>) dst(%arg8 : memref<50176xf32, #tpu.memory_space<vmem>>)
    %dma_wait3A_2607 = tpu.memref_slice %arg5[%multiple_of3A_2602] : memref<64225280xf32, #tpu.memory_space<hbm>> -> memref<50176xf32, #tpu.memory_space<hbm>>
    %dma_wait3A_2608 = tpu.memref_slice %arg5[%multiple_of3A_2602] : memref<64225280xf32, #tpu.memory_space<hbm>> -> memref<50176xf32, #tpu.memory_space<hbm>>
    tpu.wait_dma2 semaphore(%arg12 : memref<!tpu.dma_semaphore, #tpu.memory_space<semaphore_mem>>) src(%arg9 : memref<50176xf32, #tpu.memory_space<vmem>>) dst(%dma_wait3A_2608 : memref<50176xf32, #tpu.memory_space<hbm>>)
    %mul3A_2609 = arith.constant 24 : i32
    %mul3A_2610 = arith.muli %add3A, %mul3A_2609 : i32
    %add3A_2611 = arith.constant 21 : i32
    %add3A_2612 = arith.addi %mul3A_2610, %add3A_2611 : i32
    %jit3A_2613 = arith.constant 96 : i32
    %div3A_2614 = arith.divsi %add3A_2612, %jit3A_2613 : i32
    %sign3A_2615 = arith.constant 0 : i32
    %sign3A_2616 = arith.cmpi sgt, %add3A_2612, %sign3A_2615 : i32
    %sign3A_2617 = arith.extui %sign3A_2616 : i1 to i32
    %sign3A_2618 = arith.constant 0 : i32
    %sign3A_2619 = arith.cmpi slt, %add3A_2612, %sign3A_2618 : i32
    %sign3A_2620 = arith.extui %sign3A_2619 : i1 to i32
    %sign3A_2621 = arith.subi %sign3A_2617, %sign3A_2620 : i32
    %sign3A_2622 = arith.constant 0 : i32
    %sign3A_2623 = arith.cmpi sgt, %jit3A_2613, %sign3A_2622 : i32
    %sign3A_2624 = arith.extui %sign3A_2623 : i1 to i32
    %sign3A_2625 = arith.constant 0 : i32
    %sign3A_2626 = arith.cmpi slt, %jit3A_2613, %sign3A_2625 : i32
    %sign3A_2627 = arith.extui %sign3A_2626 : i1 to i32
    %sign3A_2628 = arith.subi %sign3A_2624, %sign3A_2627 : i32
    %ne3A_2629 = arith.cmpi ne, %sign3A_2621, %sign3A_2628 : i32
    %rem3A_2630 = arith.remsi %add3A_2612, %jit3A_2613 : i32
    %ne3A_2631 = arith.constant 0 : i32
    %ne3A_2632 = arith.cmpi ne, %rem3A_2630, %ne3A_2631 : i32
    %and3A_2633 = arith.andi %ne3A_2629, %ne3A_2632 : i1
    %sub3A_2634 = arith.constant 1 : i32
    %sub3A_2635 = arith.subi %div3A_2614, %sub3A_2634 : i32
    %select_n3A_2636 = arith.select %and3A_2633, %sub3A_2635, %div3A_2614 : i32
    %jit3A_2637 = arith.constant 96 : i32
    %eq3A_2638 = arith.constant 0 : i32
    %eq3A_2639 = arith.cmpi eq, %jit3A_2637, %eq3A_2638 : i32
    %jit3A_2640 = arith.constant 1 : i32
    %select_n3A_2641 = arith.select %eq3A_2639, %jit3A_2640, %jit3A_2637 : i32
    %rem3A_2642 = arith.remsi %add3A_2612, %select_n3A_2641 : i32
    %ne3A_2643 = arith.constant 0 : i32
    %ne3A_2644 = arith.cmpi ne, %rem3A_2642, %ne3A_2643 : i32
    %lt3A_2645 = arith.constant 0 : i32
    %lt3A_2646 = arith.cmpi slt, %rem3A_2642, %lt3A_2645 : i32
    %lt3A_2647 = arith.constant 0 : i32
    %lt3A_2648 = arith.cmpi slt, %select_n3A_2641, %lt3A_2647 : i32
    %ne3A_2649 = arith.xori %lt3A_2646, %lt3A_2648 : i1
    %and3A_2650 = arith.andi %ne3A_2649, %ne3A_2644 : i1
    %add3A_2651 = arith.addi %rem3A_2642, %select_n3A_2641 : i32
    %select_n3A_2652 = arith.select %and3A_2650, %add3A_2651, %rem3A_2642 : i32
    %mul3A_2653 = arith.constant 4816896 : i32
    %mul3A_2654 = arith.muli %select_n3A_2636, %mul3A_2653 : i32
    %mul3A_2655 = arith.constant 50176 : i32
    %mul3A_2656 = arith.muli %select_n3A_2652, %mul3A_2655 : i32
    %add3A_2657 = arith.addi %mul3A_2654, %mul3A_2656 : i32
    %multiple_of3A_2658 = tpu.assume_multiple %add3A_2657, 8 : i32
    %dma_start3A_2659 = tpu.memref_slice %arg4[%multiple_of3A_2658] : memref<38535168xf32, #tpu.memory_space<hbm>> -> memref<50176xf32, #tpu.memory_space<hbm>>
    %dma_start3A_2660 = tpu.memref_slice %arg4[%multiple_of3A_2658] : memref<38535168xf32, #tpu.memory_space<hbm>> -> memref<50176xf32, #tpu.memory_space<hbm>>
    tpu.enqueue_dma source(%dma_start3A_2660 : memref<50176xf32, #tpu.memory_space<hbm>>) target(%arg9 : memref<50176xf32, #tpu.memory_space<vmem>>) target_semaphore(%arg11 : memref<!tpu.dma_semaphore, #tpu.memory_space<semaphore_mem>>)
    %mul3A_2661 = arith.constant 24 : i32
    %mul3A_2662 = arith.muli %add3A, %mul3A_2661 : i32
    %add3A_2663 = arith.constant 20 : i32
    %add3A_2664 = arith.addi %mul3A_2662, %add3A_2663 : i32
    %jit3A_2665 = arith.constant 96 : i32
    %div3A_2666 = arith.divsi %add3A_2664, %jit3A_2665 : i32
    %sign3A_2667 = arith.constant 0 : i32
    %sign3A_2668 = arith.cmpi sgt, %add3A_2664, %sign3A_2667 : i32
    %sign3A_2669 = arith.extui %sign3A_2668 : i1 to i32
    %sign3A_2670 = arith.constant 0 : i32
    %sign3A_2671 = arith.cmpi slt, %add3A_2664, %sign3A_2670 : i32
    %sign3A_2672 = arith.extui %sign3A_2671 : i1 to i32
    %sign3A_2673 = arith.subi %sign3A_2669, %sign3A_2672 : i32
    %sign3A_2674 = arith.constant 0 : i32
    %sign3A_2675 = arith.cmpi sgt, %jit3A_2665, %sign3A_2674 : i32
    %sign3A_2676 = arith.extui %sign3A_2675 : i1 to i32
    %sign3A_2677 = arith.constant 0 : i32
    %sign3A_2678 = arith.cmpi slt, %jit3A_2665, %sign3A_2677 : i32
    %sign3A_2679 = arith.extui %sign3A_2678 : i1 to i32
    %sign3A_2680 = arith.subi %sign3A_2676, %sign3A_2679 : i32
    %ne3A_2681 = arith.cmpi ne, %sign3A_2673, %sign3A_2680 : i32
    %rem3A_2682 = arith.remsi %add3A_2664, %jit3A_2665 : i32
    %ne3A_2683 = arith.constant 0 : i32
    %ne3A_2684 = arith.cmpi ne, %rem3A_2682, %ne3A_2683 : i32
    %and3A_2685 = arith.andi %ne3A_2681, %ne3A_2684 : i1
    %sub3A_2686 = arith.constant 1 : i32
    %sub3A_2687 = arith.subi %div3A_2666, %sub3A_2686 : i32
    %select_n3A_2688 = arith.select %and3A_2685, %sub3A_2687, %div3A_2666 : i32
    %jit3A_2689 = arith.constant 96 : i32
    %eq3A_2690 = arith.constant 0 : i32
    %eq3A_2691 = arith.cmpi eq, %jit3A_2689, %eq3A_2690 : i32
    %jit3A_2692 = arith.constant 1 : i32
    %select_n3A_2693 = arith.select %eq3A_2691, %jit3A_2692, %jit3A_2689 : i32
    %rem3A_2694 = arith.remsi %add3A_2664, %select_n3A_2693 : i32
    %ne3A_2695 = arith.constant 0 : i32
    %ne3A_2696 = arith.cmpi ne, %rem3A_2694, %ne3A_2695 : i32
    %lt3A_2697 = arith.constant 0 : i32
    %lt3A_2698 = arith.cmpi slt, %rem3A_2694, %lt3A_2697 : i32
    %lt3A_2699 = arith.constant 0 : i32
    %lt3A_2700 = arith.cmpi slt, %select_n3A_2693, %lt3A_2699 : i32
    %ne3A_2701 = arith.xori %lt3A_2698, %lt3A_2700 : i1
    %and3A_2702 = arith.andi %ne3A_2701, %ne3A_2696 : i1
    %add3A_2703 = arith.addi %rem3A_2694, %select_n3A_2693 : i32
    %select_n3A_2704 = arith.select %and3A_2702, %add3A_2703, %rem3A_2694 : i32
    %mul3A_2705 = arith.constant 8028160 : i32
    %mul3A_2706 = arith.muli %select_n3A_2688, %mul3A_2705 : i32
    %add3A_2707 = arith.constant 3211264 : i32
    %add3A_2708 = arith.addi %mul3A_2706, %add3A_2707 : i32
    %mul3A_2709 = arith.constant 50176 : i32
    %mul3A_2710 = arith.muli %select_n3A_2704, %mul3A_2709 : i32
    %add3A_2711 = arith.addi %add3A_2708, %mul3A_2710 : i32
    %multiple_of3A_2712 = tpu.assume_multiple %add3A_2711, 8 : i32
    %dma_start3A_2713 = tpu.memref_slice %arg5[%multiple_of3A_2712] : memref<64225280xf32, #tpu.memory_space<hbm>> -> memref<50176xf32, #tpu.memory_space<hbm>>
    %dma_start3A_2714 = tpu.memref_slice %arg5[%multiple_of3A_2712] : memref<64225280xf32, #tpu.memory_space<hbm>> -> memref<50176xf32, #tpu.memory_space<hbm>>
    tpu.enqueue_dma source(%arg8 : memref<50176xf32, #tpu.memory_space<vmem>>) target(%dma_start3A_2714 : memref<50176xf32, #tpu.memory_space<hbm>>) target_semaphore(%arg12 : memref<!tpu.dma_semaphore, #tpu.memory_space<semaphore_mem>>)
    %dma_wait3A_2715 = tpu.memref_slice %arg4[%multiple_of3A_2658] : memref<38535168xf32, #tpu.memory_space<hbm>> -> memref<50176xf32, #tpu.memory_space<hbm>>
    %dma_wait3A_2716 = tpu.memref_slice %arg4[%multiple_of3A_2658] : memref<38535168xf32, #tpu.memory_space<hbm>> -> memref<50176xf32, #tpu.memory_space<hbm>>
    tpu.wait_dma2 semaphore(%arg11 : memref<!tpu.dma_semaphore, #tpu.memory_space<semaphore_mem>>) src(%dma_wait3A_2716 : memref<50176xf32, #tpu.memory_space<hbm>>) dst(%arg9 : memref<50176xf32, #tpu.memory_space<vmem>>)
    %dma_wait3A_2717 = tpu.memref_slice %arg5[%multiple_of3A_2712] : memref<64225280xf32, #tpu.memory_space<hbm>> -> memref<50176xf32, #tpu.memory_space<hbm>>
    %dma_wait3A_2718 = tpu.memref_slice %arg5[%multiple_of3A_2712] : memref<64225280xf32, #tpu.memory_space<hbm>> -> memref<50176xf32, #tpu.memory_space<hbm>>
    tpu.wait_dma2 semaphore(%arg12 : memref<!tpu.dma_semaphore, #tpu.memory_space<semaphore_mem>>) src(%arg8 : memref<50176xf32, #tpu.memory_space<vmem>>) dst(%dma_wait3A_2718 : memref<50176xf32, #tpu.memory_space<hbm>>)
    %mul3A_2719 = arith.constant 24 : i32
    %mul3A_2720 = arith.muli %add3A, %mul3A_2719 : i32
    %add3A_2721 = arith.constant 22 : i32
    %add3A_2722 = arith.addi %mul3A_2720, %add3A_2721 : i32
    %jit3A_2723 = arith.constant 96 : i32
    %div3A_2724 = arith.divsi %add3A_2722, %jit3A_2723 : i32
    %sign3A_2725 = arith.constant 0 : i32
    %sign3A_2726 = arith.cmpi sgt, %add3A_2722, %sign3A_2725 : i32
    %sign3A_2727 = arith.extui %sign3A_2726 : i1 to i32
    %sign3A_2728 = arith.constant 0 : i32
    %sign3A_2729 = arith.cmpi slt, %add3A_2722, %sign3A_2728 : i32
    %sign3A_2730 = arith.extui %sign3A_2729 : i1 to i32
    %sign3A_2731 = arith.subi %sign3A_2727, %sign3A_2730 : i32
    %sign3A_2732 = arith.constant 0 : i32
    %sign3A_2733 = arith.cmpi sgt, %jit3A_2723, %sign3A_2732 : i32
    %sign3A_2734 = arith.extui %sign3A_2733 : i1 to i32
    %sign3A_2735 = arith.constant 0 : i32
    %sign3A_2736 = arith.cmpi slt, %jit3A_2723, %sign3A_2735 : i32
    %sign3A_2737 = arith.extui %sign3A_2736 : i1 to i32
    %sign3A_2738 = arith.subi %sign3A_2734, %sign3A_2737 : i32
    %ne3A_2739 = arith.cmpi ne, %sign3A_2731, %sign3A_2738 : i32
    %rem3A_2740 = arith.remsi %add3A_2722, %jit3A_2723 : i32
    %ne3A_2741 = arith.constant 0 : i32
    %ne3A_2742 = arith.cmpi ne, %rem3A_2740, %ne3A_2741 : i32
    %and3A_2743 = arith.andi %ne3A_2739, %ne3A_2742 : i1
    %sub3A_2744 = arith.constant 1 : i32
    %sub3A_2745 = arith.subi %div3A_2724, %sub3A_2744 : i32
    %select_n3A_2746 = arith.select %and3A_2743, %sub3A_2745, %div3A_2724 : i32
    %jit3A_2747 = arith.constant 96 : i32
    %eq3A_2748 = arith.constant 0 : i32
    %eq3A_2749 = arith.cmpi eq, %jit3A_2747, %eq3A_2748 : i32
    %jit3A_2750 = arith.constant 1 : i32
    %select_n3A_2751 = arith.select %eq3A_2749, %jit3A_2750, %jit3A_2747 : i32
    %rem3A_2752 = arith.remsi %add3A_2722, %select_n3A_2751 : i32
    %ne3A_2753 = arith.constant 0 : i32
    %ne3A_2754 = arith.cmpi ne, %rem3A_2752, %ne3A_2753 : i32
    %lt3A_2755 = arith.constant 0 : i32
    %lt3A_2756 = arith.cmpi slt, %rem3A_2752, %lt3A_2755 : i32
    %lt3A_2757 = arith.constant 0 : i32
    %lt3A_2758 = arith.cmpi slt, %select_n3A_2751, %lt3A_2757 : i32
    %ne3A_2759 = arith.xori %lt3A_2756, %lt3A_2758 : i1
    %and3A_2760 = arith.andi %ne3A_2759, %ne3A_2754 : i1
    %add3A_2761 = arith.addi %rem3A_2752, %select_n3A_2751 : i32
    %select_n3A_2762 = arith.select %and3A_2760, %add3A_2761, %rem3A_2752 : i32
    %mul3A_2763 = arith.constant 4816896 : i32
    %mul3A_2764 = arith.muli %select_n3A_2746, %mul3A_2763 : i32
    %mul3A_2765 = arith.constant 50176 : i32
    %mul3A_2766 = arith.muli %select_n3A_2762, %mul3A_2765 : i32
    %add3A_2767 = arith.addi %mul3A_2764, %mul3A_2766 : i32
    %multiple_of3A_2768 = tpu.assume_multiple %add3A_2767, 8 : i32
    %dma_start3A_2769 = tpu.memref_slice %arg4[%multiple_of3A_2768] : memref<38535168xf32, #tpu.memory_space<hbm>> -> memref<50176xf32, #tpu.memory_space<hbm>>
    %dma_start3A_2770 = tpu.memref_slice %arg4[%multiple_of3A_2768] : memref<38535168xf32, #tpu.memory_space<hbm>> -> memref<50176xf32, #tpu.memory_space<hbm>>
    tpu.enqueue_dma source(%dma_start3A_2770 : memref<50176xf32, #tpu.memory_space<hbm>>) target(%arg8 : memref<50176xf32, #tpu.memory_space<vmem>>) target_semaphore(%arg11 : memref<!tpu.dma_semaphore, #tpu.memory_space<semaphore_mem>>)
    %mul3A_2771 = arith.constant 24 : i32
    %mul3A_2772 = arith.muli %add3A, %mul3A_2771 : i32
    %add3A_2773 = arith.constant 21 : i32
    %add3A_2774 = arith.addi %mul3A_2772, %add3A_2773 : i32
    %jit3A_2775 = arith.constant 96 : i32
    %div3A_2776 = arith.divsi %add3A_2774, %jit3A_2775 : i32
    %sign3A_2777 = arith.constant 0 : i32
    %sign3A_2778 = arith.cmpi sgt, %add3A_2774, %sign3A_2777 : i32
    %sign3A_2779 = arith.extui %sign3A_2778 : i1 to i32
    %sign3A_2780 = arith.constant 0 : i32
    %sign3A_2781 = arith.cmpi slt, %add3A_2774, %sign3A_2780 : i32
    %sign3A_2782 = arith.extui %sign3A_2781 : i1 to i32
    %sign3A_2783 = arith.subi %sign3A_2779, %sign3A_2782 : i32
    %sign3A_2784 = arith.constant 0 : i32
    %sign3A_2785 = arith.cmpi sgt, %jit3A_2775, %sign3A_2784 : i32
    %sign3A_2786 = arith.extui %sign3A_2785 : i1 to i32
    %sign3A_2787 = arith.constant 0 : i32
    %sign3A_2788 = arith.cmpi slt, %jit3A_2775, %sign3A_2787 : i32
    %sign3A_2789 = arith.extui %sign3A_2788 : i1 to i32
    %sign3A_2790 = arith.subi %sign3A_2786, %sign3A_2789 : i32
    %ne3A_2791 = arith.cmpi ne, %sign3A_2783, %sign3A_2790 : i32
    %rem3A_2792 = arith.remsi %add3A_2774, %jit3A_2775 : i32
    %ne3A_2793 = arith.constant 0 : i32
    %ne3A_2794 = arith.cmpi ne, %rem3A_2792, %ne3A_2793 : i32
    %and3A_2795 = arith.andi %ne3A_2791, %ne3A_2794 : i1
    %sub3A_2796 = arith.constant 1 : i32
    %sub3A_2797 = arith.subi %div3A_2776, %sub3A_2796 : i32
    %select_n3A_2798 = arith.select %and3A_2795, %sub3A_2797, %div3A_2776 : i32
    %jit3A_2799 = arith.constant 96 : i32
    %eq3A_2800 = arith.constant 0 : i32
    %eq3A_2801 = arith.cmpi eq, %jit3A_2799, %eq3A_2800 : i32
    %jit3A_2802 = arith.constant 1 : i32
    %select_n3A_2803 = arith.select %eq3A_2801, %jit3A_2802, %jit3A_2799 : i32
    %rem3A_2804 = arith.remsi %add3A_2774, %select_n3A_2803 : i32
    %ne3A_2805 = arith.constant 0 : i32
    %ne3A_2806 = arith.cmpi ne, %rem3A_2804, %ne3A_2805 : i32
    %lt3A_2807 = arith.constant 0 : i32
    %lt3A_2808 = arith.cmpi slt, %rem3A_2804, %lt3A_2807 : i32
    %lt3A_2809 = arith.constant 0 : i32
    %lt3A_2810 = arith.cmpi slt, %select_n3A_2803, %lt3A_2809 : i32
    %ne3A_2811 = arith.xori %lt3A_2808, %lt3A_2810 : i1
    %and3A_2812 = arith.andi %ne3A_2811, %ne3A_2806 : i1
    %add3A_2813 = arith.addi %rem3A_2804, %select_n3A_2803 : i32
    %select_n3A_2814 = arith.select %and3A_2812, %add3A_2813, %rem3A_2804 : i32
    %mul3A_2815 = arith.constant 8028160 : i32
    %mul3A_2816 = arith.muli %select_n3A_2798, %mul3A_2815 : i32
    %add3A_2817 = arith.constant 3211264 : i32
    %add3A_2818 = arith.addi %mul3A_2816, %add3A_2817 : i32
    %mul3A_2819 = arith.constant 50176 : i32
    %mul3A_2820 = arith.muli %select_n3A_2814, %mul3A_2819 : i32
    %add3A_2821 = arith.addi %add3A_2818, %mul3A_2820 : i32
    %multiple_of3A_2822 = tpu.assume_multiple %add3A_2821, 8 : i32
    %dma_start3A_2823 = tpu.memref_slice %arg5[%multiple_of3A_2822] : memref<64225280xf32, #tpu.memory_space<hbm>> -> memref<50176xf32, #tpu.memory_space<hbm>>
    %dma_start3A_2824 = tpu.memref_slice %arg5[%multiple_of3A_2822] : memref<64225280xf32, #tpu.memory_space<hbm>> -> memref<50176xf32, #tpu.memory_space<hbm>>
    tpu.enqueue_dma source(%arg9 : memref<50176xf32, #tpu.memory_space<vmem>>) target(%dma_start3A_2824 : memref<50176xf32, #tpu.memory_space<hbm>>) target_semaphore(%arg12 : memref<!tpu.dma_semaphore, #tpu.memory_space<semaphore_mem>>)
    %dma_wait3A_2825 = tpu.memref_slice %arg4[%multiple_of3A_2768] : memref<38535168xf32, #tpu.memory_space<hbm>> -> memref<50176xf32, #tpu.memory_space<hbm>>
    %dma_wait3A_2826 = tpu.memref_slice %arg4[%multiple_of3A_2768] : memref<38535168xf32, #tpu.memory_space<hbm>> -> memref<50176xf32, #tpu.memory_space<hbm>>
    tpu.wait_dma2 semaphore(%arg11 : memref<!tpu.dma_semaphore, #tpu.memory_space<semaphore_mem>>) src(%dma_wait3A_2826 : memref<50176xf32, #tpu.memory_space<hbm>>) dst(%arg8 : memref<50176xf32, #tpu.memory_space<vmem>>)
    %dma_wait3A_2827 = tpu.memref_slice %arg5[%multiple_of3A_2822] : memref<64225280xf32, #tpu.memory_space<hbm>> -> memref<50176xf32, #tpu.memory_space<hbm>>
    %dma_wait3A_2828 = tpu.memref_slice %arg5[%multiple_of3A_2822] : memref<64225280xf32, #tpu.memory_space<hbm>> -> memref<50176xf32, #tpu.memory_space<hbm>>
    tpu.wait_dma2 semaphore(%arg12 : memref<!tpu.dma_semaphore, #tpu.memory_space<semaphore_mem>>) src(%arg9 : memref<50176xf32, #tpu.memory_space<vmem>>) dst(%dma_wait3A_2828 : memref<50176xf32, #tpu.memory_space<hbm>>)
    %mul3A_2829 = arith.constant 24 : i32
    %mul3A_2830 = arith.muli %add3A, %mul3A_2829 : i32
    %add3A_2831 = arith.constant 23 : i32
    %add3A_2832 = arith.addi %mul3A_2830, %add3A_2831 : i32
    %jit3A_2833 = arith.constant 96 : i32
    %div3A_2834 = arith.divsi %add3A_2832, %jit3A_2833 : i32
    %sign3A_2835 = arith.constant 0 : i32
    %sign3A_2836 = arith.cmpi sgt, %add3A_2832, %sign3A_2835 : i32
    %sign3A_2837 = arith.extui %sign3A_2836 : i1 to i32
    %sign3A_2838 = arith.constant 0 : i32
    %sign3A_2839 = arith.cmpi slt, %add3A_2832, %sign3A_2838 : i32
    %sign3A_2840 = arith.extui %sign3A_2839 : i1 to i32
    %sign3A_2841 = arith.subi %sign3A_2837, %sign3A_2840 : i32
    %sign3A_2842 = arith.constant 0 : i32
    %sign3A_2843 = arith.cmpi sgt, %jit3A_2833, %sign3A_2842 : i32
    %sign3A_2844 = arith.extui %sign3A_2843 : i1 to i32
    %sign3A_2845 = arith.constant 0 : i32
    %sign3A_2846 = arith.cmpi slt, %jit3A_2833, %sign3A_2845 : i32
    %sign3A_2847 = arith.extui %sign3A_2846 : i1 to i32
    %sign3A_2848 = arith.subi %sign3A_2844, %sign3A_2847 : i32
    %ne3A_2849 = arith.cmpi ne, %sign3A_2841, %sign3A_2848 : i32
    %rem3A_2850 = arith.remsi %add3A_2832, %jit3A_2833 : i32
    %ne3A_2851 = arith.constant 0 : i32
    %ne3A_2852 = arith.cmpi ne, %rem3A_2850, %ne3A_2851 : i32
    %and3A_2853 = arith.andi %ne3A_2849, %ne3A_2852 : i1
    %sub3A_2854 = arith.constant 1 : i32
    %sub3A_2855 = arith.subi %div3A_2834, %sub3A_2854 : i32
    %select_n3A_2856 = arith.select %and3A_2853, %sub3A_2855, %div3A_2834 : i32
    %jit3A_2857 = arith.constant 96 : i32
    %eq3A_2858 = arith.constant 0 : i32
    %eq3A_2859 = arith.cmpi eq, %jit3A_2857, %eq3A_2858 : i32
    %jit3A_2860 = arith.constant 1 : i32
    %select_n3A_2861 = arith.select %eq3A_2859, %jit3A_2860, %jit3A_2857 : i32
    %rem3A_2862 = arith.remsi %add3A_2832, %select_n3A_2861 : i32
    %ne3A_2863 = arith.constant 0 : i32
    %ne3A_2864 = arith.cmpi ne, %rem3A_2862, %ne3A_2863 : i32
    %lt3A_2865 = arith.constant 0 : i32
    %lt3A_2866 = arith.cmpi slt, %rem3A_2862, %lt3A_2865 : i32
    %lt3A_2867 = arith.constant 0 : i32
    %lt3A_2868 = arith.cmpi slt, %select_n3A_2861, %lt3A_2867 : i32
    %ne3A_2869 = arith.xori %lt3A_2866, %lt3A_2868 : i1
    %and3A_2870 = arith.andi %ne3A_2869, %ne3A_2864 : i1
    %add3A_2871 = arith.addi %rem3A_2862, %select_n3A_2861 : i32
    %select_n3A_2872 = arith.select %and3A_2870, %add3A_2871, %rem3A_2862 : i32
    %mul3A_2873 = arith.constant 4816896 : i32
    %mul3A_2874 = arith.muli %select_n3A_2856, %mul3A_2873 : i32
    %mul3A_2875 = arith.constant 50176 : i32
    %mul3A_2876 = arith.muli %select_n3A_2872, %mul3A_2875 : i32
    %add3A_2877 = arith.addi %mul3A_2874, %mul3A_2876 : i32
    %multiple_of3A_2878 = tpu.assume_multiple %add3A_2877, 8 : i32
    %dma_start3A_2879 = tpu.memref_slice %arg4[%multiple_of3A_2878] : memref<38535168xf32, #tpu.memory_space<hbm>> -> memref<50176xf32, #tpu.memory_space<hbm>>
    %dma_start3A_2880 = tpu.memref_slice %arg4[%multiple_of3A_2878] : memref<38535168xf32, #tpu.memory_space<hbm>> -> memref<50176xf32, #tpu.memory_space<hbm>>
    tpu.enqueue_dma source(%dma_start3A_2880 : memref<50176xf32, #tpu.memory_space<hbm>>) target(%arg9 : memref<50176xf32, #tpu.memory_space<vmem>>) target_semaphore(%arg11 : memref<!tpu.dma_semaphore, #tpu.memory_space<semaphore_mem>>)
    %mul3A_2881 = arith.constant 24 : i32
    %mul3A_2882 = arith.muli %add3A, %mul3A_2881 : i32
    %add3A_2883 = arith.constant 22 : i32
    %add3A_2884 = arith.addi %mul3A_2882, %add3A_2883 : i32
    %jit3A_2885 = arith.constant 96 : i32
    %div3A_2886 = arith.divsi %add3A_2884, %jit3A_2885 : i32
    %sign3A_2887 = arith.constant 0 : i32
    %sign3A_2888 = arith.cmpi sgt, %add3A_2884, %sign3A_2887 : i32
    %sign3A_2889 = arith.extui %sign3A_2888 : i1 to i32
    %sign3A_2890 = arith.constant 0 : i32
    %sign3A_2891 = arith.cmpi slt, %add3A_2884, %sign3A_2890 : i32
    %sign3A_2892 = arith.extui %sign3A_2891 : i1 to i32
    %sign3A_2893 = arith.subi %sign3A_2889, %sign3A_2892 : i32
    %sign3A_2894 = arith.constant 0 : i32
    %sign3A_2895 = arith.cmpi sgt, %jit3A_2885, %sign3A_2894 : i32
    %sign3A_2896 = arith.extui %sign3A_2895 : i1 to i32
    %sign3A_2897 = arith.constant 0 : i32
    %sign3A_2898 = arith.cmpi slt, %jit3A_2885, %sign3A_2897 : i32
    %sign3A_2899 = arith.extui %sign3A_2898 : i1 to i32
    %sign3A_2900 = arith.subi %sign3A_2896, %sign3A_2899 : i32
    %ne3A_2901 = arith.cmpi ne, %sign3A_2893, %sign3A_2900 : i32
    %rem3A_2902 = arith.remsi %add3A_2884, %jit3A_2885 : i32
    %ne3A_2903 = arith.constant 0 : i32
    %ne3A_2904 = arith.cmpi ne, %rem3A_2902, %ne3A_2903 : i32
    %and3A_2905 = arith.andi %ne3A_2901, %ne3A_2904 : i1
    %sub3A_2906 = arith.constant 1 : i32
    %sub3A_2907 = arith.subi %div3A_2886, %sub3A_2906 : i32
    %select_n3A_2908 = arith.select %and3A_2905, %sub3A_2907, %div3A_2886 : i32
    %jit3A_2909 = arith.constant 96 : i32
    %eq3A_2910 = arith.constant 0 : i32
    %eq3A_2911 = arith.cmpi eq, %jit3A_2909, %eq3A_2910 : i32
    %jit3A_2912 = arith.constant 1 : i32
    %select_n3A_2913 = arith.select %eq3A_2911, %jit3A_2912, %jit3A_2909 : i32
    %rem3A_2914 = arith.remsi %add3A_2884, %select_n3A_2913 : i32
    %ne3A_2915 = arith.constant 0 : i32
    %ne3A_2916 = arith.cmpi ne, %rem3A_2914, %ne3A_2915 : i32
    %lt3A_2917 = arith.constant 0 : i32
    %lt3A_2918 = arith.cmpi slt, %rem3A_2914, %lt3A_2917 : i32
    %lt3A_2919 = arith.constant 0 : i32
    %lt3A_2920 = arith.cmpi slt, %select_n3A_2913, %lt3A_2919 : i32
    %ne3A_2921 = arith.xori %lt3A_2918, %lt3A_2920 : i1
    %and3A_2922 = arith.andi %ne3A_2921, %ne3A_2916 : i1
    %add3A_2923 = arith.addi %rem3A_2914, %select_n3A_2913 : i32
    %select_n3A_2924 = arith.select %and3A_2922, %add3A_2923, %rem3A_2914 : i32
    %mul3A_2925 = arith.constant 8028160 : i32
    %mul3A_2926 = arith.muli %select_n3A_2908, %mul3A_2925 : i32
    %add3A_2927 = arith.constant 3211264 : i32
    %add3A_2928 = arith.addi %mul3A_2926, %add3A_2927 : i32
    %mul3A_2929 = arith.constant 50176 : i32
    %mul3A_2930 = arith.muli %select_n3A_2924, %mul3A_2929 : i32
    %add3A_2931 = arith.addi %add3A_2928, %mul3A_2930 : i32
    %multiple_of3A_2932 = tpu.assume_multiple %add3A_2931, 8 : i32
    %dma_start3A_2933 = tpu.memref_slice %arg5[%multiple_of3A_2932] : memref<64225280xf32, #tpu.memory_space<hbm>> -> memref<50176xf32, #tpu.memory_space<hbm>>
    %dma_start3A_2934 = tpu.memref_slice %arg5[%multiple_of3A_2932] : memref<64225280xf32, #tpu.memory_space<hbm>> -> memref<50176xf32, #tpu.memory_space<hbm>>
    tpu.enqueue_dma source(%arg8 : memref<50176xf32, #tpu.memory_space<vmem>>) target(%dma_start3A_2934 : memref<50176xf32, #tpu.memory_space<hbm>>) target_semaphore(%arg12 : memref<!tpu.dma_semaphore, #tpu.memory_space<semaphore_mem>>)
    %dma_wait3A_2935 = tpu.memref_slice %arg4[%multiple_of3A_2878] : memref<38535168xf32, #tpu.memory_space<hbm>> -> memref<50176xf32, #tpu.memory_space<hbm>>
    %dma_wait3A_2936 = tpu.memref_slice %arg4[%multiple_of3A_2878] : memref<38535168xf32, #tpu.memory_space<hbm>> -> memref<50176xf32, #tpu.memory_space<hbm>>
    tpu.wait_dma2 semaphore(%arg11 : memref<!tpu.dma_semaphore, #tpu.memory_space<semaphore_mem>>) src(%dma_wait3A_2936 : memref<50176xf32, #tpu.memory_space<hbm>>) dst(%arg9 : memref<50176xf32, #tpu.memory_space<vmem>>)
    %dma_wait3A_2937 = tpu.memref_slice %arg5[%multiple_of3A_2932] : memref<64225280xf32, #tpu.memory_space<hbm>> -> memref<50176xf32, #tpu.memory_space<hbm>>
    %dma_wait3A_2938 = tpu.memref_slice %arg5[%multiple_of3A_2932] : memref<64225280xf32, #tpu.memory_space<hbm>> -> memref<50176xf32, #tpu.memory_space<hbm>>
    tpu.wait_dma2 semaphore(%arg12 : memref<!tpu.dma_semaphore, #tpu.memory_space<semaphore_mem>>) src(%arg8 : memref<50176xf32, #tpu.memory_space<vmem>>) dst(%dma_wait3A_2938 : memref<50176xf32, #tpu.memory_space<hbm>>)
    %mul3A_2939 = arith.constant 24 : i32
    %mul3A_2940 = arith.muli %add3A, %mul3A_2939 : i32
    %add3A_2941 = arith.constant 23 : i32
    %add3A_2942 = arith.addi %mul3A_2940, %add3A_2941 : i32
    %jit3A_2943 = arith.constant 96 : i32
    %div3A_2944 = arith.divsi %add3A_2942, %jit3A_2943 : i32
    %sign3A_2945 = arith.constant 0 : i32
    %sign3A_2946 = arith.cmpi sgt, %add3A_2942, %sign3A_2945 : i32
    %sign3A_2947 = arith.extui %sign3A_2946 : i1 to i32
    %sign3A_2948 = arith.constant 0 : i32
    %sign3A_2949 = arith.cmpi slt, %add3A_2942, %sign3A_2948 : i32
    %sign3A_2950 = arith.extui %sign3A_2949 : i1 to i32
    %sign3A_2951 = arith.subi %sign3A_2947, %sign3A_2950 : i32
    %sign3A_2952 = arith.constant 0 : i32
    %sign3A_2953 = arith.cmpi sgt, %jit3A_2943, %sign3A_2952 : i32
    %sign3A_2954 = arith.extui %sign3A_2953 : i1 to i32
    %sign3A_2955 = arith.constant 0 : i32
    %sign3A_2956 = arith.cmpi slt, %jit3A_2943, %sign3A_2955 : i32
    %sign3A_2957 = arith.extui %sign3A_2956 : i1 to i32
    %sign3A_2958 = arith.subi %sign3A_2954, %sign3A_2957 : i32
    %ne3A_2959 = arith.cmpi ne, %sign3A_2951, %sign3A_2958 : i32
    %rem3A_2960 = arith.remsi %add3A_2942, %jit3A_2943 : i32
    %ne3A_2961 = arith.constant 0 : i32
    %ne3A_2962 = arith.cmpi ne, %rem3A_2960, %ne3A_2961 : i32
    %and3A_2963 = arith.andi %ne3A_2959, %ne3A_2962 : i1
    %sub3A_2964 = arith.constant 1 : i32
    %sub3A_2965 = arith.subi %div3A_2944, %sub3A_2964 : i32
    %select_n3A_2966 = arith.select %and3A_2963, %sub3A_2965, %div3A_2944 : i32
    %jit3A_2967 = arith.constant 96 : i32
    %eq3A_2968 = arith.constant 0 : i32
    %eq3A_2969 = arith.cmpi eq, %jit3A_2967, %eq3A_2968 : i32
    %jit3A_2970 = arith.constant 1 : i32
    %select_n3A_2971 = arith.select %eq3A_2969, %jit3A_2970, %jit3A_2967 : i32
    %rem3A_2972 = arith.remsi %add3A_2942, %select_n3A_2971 : i32
    %ne3A_2973 = arith.constant 0 : i32
    %ne3A_2974 = arith.cmpi ne, %rem3A_2972, %ne3A_2973 : i32
    %lt3A_2975 = arith.constant 0 : i32
    %lt3A_2976 = arith.cmpi slt, %rem3A_2972, %lt3A_2975 : i32
    %lt3A_2977 = arith.constant 0 : i32
    %lt3A_2978 = arith.cmpi slt, %select_n3A_2971, %lt3A_2977 : i32
    %ne3A_2979 = arith.xori %lt3A_2976, %lt3A_2978 : i1
    %and3A_2980 = arith.andi %ne3A_2979, %ne3A_2974 : i1
    %add3A_2981 = arith.addi %rem3A_2972, %select_n3A_2971 : i32
    %select_n3A_2982 = arith.select %and3A_2980, %add3A_2981, %rem3A_2972 : i32
    %mul3A_2983 = arith.constant 8028160 : i32
    %mul3A_2984 = arith.muli %select_n3A_2966, %mul3A_2983 : i32
    %add3A_2985 = arith.constant 3211264 : i32
    %add3A_2986 = arith.addi %mul3A_2984, %add3A_2985 : i32
    %mul3A_2987 = arith.constant 50176 : i32
    %mul3A_2988 = arith.muli %select_n3A_2982, %mul3A_2987 : i32
    %add3A_2989 = arith.addi %add3A_2986, %mul3A_2988 : i32
    %multiple_of3A_2990 = tpu.assume_multiple %add3A_2989, 8 : i32
    %dma_start3A_2991 = tpu.memref_slice %arg5[%multiple_of3A_2990] : memref<64225280xf32, #tpu.memory_space<hbm>> -> memref<50176xf32, #tpu.memory_space<hbm>>
    %dma_start3A_2992 = tpu.memref_slice %arg5[%multiple_of3A_2990] : memref<64225280xf32, #tpu.memory_space<hbm>> -> memref<50176xf32, #tpu.memory_space<hbm>>
    tpu.enqueue_dma source(%arg9 : memref<50176xf32, #tpu.memory_space<vmem>>) target(%dma_start3A_2992 : memref<50176xf32, #tpu.memory_space<hbm>>) target_semaphore(%arg12 : memref<!tpu.dma_semaphore, #tpu.memory_space<semaphore_mem>>)
    %dma_wait3A_2993 = tpu.memref_slice %arg5[%multiple_of3A_2990] : memref<64225280xf32, #tpu.memory_space<hbm>> -> memref<50176xf32, #tpu.memory_space<hbm>>
    %dma_wait3A_2994 = tpu.memref_slice %arg5[%multiple_of3A_2990] : memref<64225280xf32, #tpu.memory_space<hbm>> -> memref<50176xf32, #tpu.memory_space<hbm>>
    tpu.wait_dma2 semaphore(%arg12 : memref<!tpu.dma_semaphore, #tpu.memory_space<semaphore_mem>>) src(%arg9 : memref<50176xf32, #tpu.memory_space<vmem>>) dst(%dma_wait3A_2994 : memref<50176xf32, #tpu.memory_space<hbm>>)
    return
  }
}

</mosaic_0001>

<sc_bundles>
// kernel: kernel.3.cloned.1.call-start
scs
__scs_entry_jumppad:
0x0: {  	(pc) =	sbr.rel $0x88, $3  }
0x1: {  	(tag) =	ssettag $0x0;
	lr =	simm.s32 $0x1  }
0x2: {  	[smem:$0x3F9E] =	sst lr;
	_ =	strace $0xD0000000  }
0x3: {  	_ = 	snop  }
0x4: {  	_ = 	snop  }
0x5: {  	_ = 	snop  }
0x6: {  	_ = 	snop  }
0x7: {  	_ = 	snop  }
__scs_overlays_trampoline_lowered:
0x8: {  	[smem:$0x3FAD] =	sst s0  }
0x9: {  	[smem:$0x3FAE] =	sst s1  }
0xa: {  	[smem:$0x3FAF] =	sst s2  }
0xb: {  	[smem:$0x3FB0] =	sst s3  }
0xc: {  	[smem:$0x3FB1] =	sst s4  }
0xd: {  	[smem:$0x3FB2] =	sst s5  }
0xe: {  	[smem:$0x3FB3] =	sst s6  }
0xf: {  	[smem:$0x3FB4] =	sst s7  }
0x10: {  	[smem:$0x3FB5] =	sst s8  }
0x11: {  	[smem:$0x3FB6] =	sst s9;
	s0 =	simm.s32 @!p0 $0x0  }
0x12: {  	s1 =	sld [smem:$0x3F9C];
	s0 =	simm.s32 @p0 $0x1  }
0x13: {  	[smem:$0x3FB7] =	sst s0;
	s0 =	simm.s32 @!p1 $0x0  }
0x14: {  	s2 =	sld [smem:$0x3F9B];
	s0 =	simm.s32 @p1 $0x1  }
0x15: {  	[smem:$0x3FB8] =	sst s0;
	s0 =	simm.s32 @!p2 $0x0  }
0x16: {  	s3 =	sld [smem:$0x3FDB];
	s0 =	simm.s32 @p2 $0x1  }
0x17: {  	s4 =	simm.s32 $0x1BF5;
	[smem:$0x3FBA] =	sst s0  }
0x18: {  	s0 =	sld [smem:$0x3F9D];
	_ =	swait.ge [sflag:s4], $0x0  }
0x19: {  	s7 =	sld [smem:$0x3F9E]  }
0x1a: {  	s8 =	sadd.s32 $0xFFFFE003, lr  }
0x1b: {  	s9 =	sadd.s32 $0xFFFFFEF7, lr;
	s5 =	simm.s32 $0xFFFFFFFF;
	p2 =	slt.u32 s8, $0xFFFFF086  }
0x1c: {  	p1 =	slt.u32 s9, $0xF7A;
	s5 =	simm.s32 @!p2 $0x0  }
0x1d: {  	s5 =	simm.s32 @p1 $0x1;
	p0 =	seq.s32 s7, s2  }
0x1e: {  	s7 =	smul.u32 @!p0 $0xF7A, s2;
	p2 =	seq.s32 @!p0 s5, $0x0  }
0x1f: {  	s9 =	smul.u32 $0xF7A, s1;
	s8 =	simm.s32 @!p0 $0x1BF5;
	p2 =	por !p2, p0  }
0x20: {  	[sflag:s8] =	ssyncset.s32 @!p0 $0xFFFFF086;
	s6 =	sadd.s32 @!p0 s3, s7;
	s7 =	simm.s32 @!p0 $0x108  }
0x21: {  	s3 =	sadd.s32 s3, s9;
	s6 =	sadd.s32 @!p0 $0x88, s6;
	s7 =	simm.s32 @p2 $0x1082  }
0x22: {  	[simem:s7], [sflag:s8] =	dma.local @!p0 [hbm:s6], $0xF7A  }
0x23: {  	s9 =	sor.u32 $0xD0000000, s2;
	s6 =	simm.s32 $0x108;
	_ =	swait.ge @!p0 [sflag:s8], $0x0  }
0x24: {  	s3 =	sadd.s32 $0x88, s3;
	s6 =	simm.s32 @!p1 $0x1082;
	[sflag:s4] =	ssyncset.s32 $0xFFFFF086  }
0x25: {  	[simem:s6], [sflag:s4] =	dma.local [hbm:s3], $0xF7A  }
0x26: {  	[smem:$0x3F9E] =	sst s1;
	(tag) =	ssettag s2;
	_ =	strace s9  }
0x27: {  	s1 =	sld [smem:$0x3FAE]  }
0x28: {  	s2 =	sld [smem:$0x3FAF]  }
0x29: {  	s4 =	sld [smem:$0x3FB1]  }
0x2a: {  	p0 =	seq.s32 s5, $0x0;
	s5 =	sld [smem:$0x3FB2]  }
0x2b: {  	s6 =	sld [smem:$0x3FB3]  }
0x2c: {  	s7 =	sld [smem:$0x3FB4]  }
0x2d: {  	s3 =	simm.s32 $0x108;
	s8 =	sld [smem:$0x3FB5]  }
0x2e: {  	s3 =	simm.s32 @!p0 $0x1082;
	s9 =	sld [smem:$0x3FB6]  }
0x2f: {  	lr =	sadd.s32 s0, s3;
	s0 =	sld [smem:$0x3FAD]  }
0x30: {  	s3 =	sld [smem:$0x3FB0]  }
0x31: {  	[smem:$0x3FB9] =	sst s10  }
0x32: {  	s10 =	sld [smem:$0x3FB7];
	_ =	sdelay $0x3  }
0x33: {  	p0 =	seq.s32 s10, $0x1;
	s10 =	sld [smem:$0x3FB9];
	_ =	sdelay $0x3  }
0x34: {  	[smem:$0x3FB9] =	sst s10  }
0x35: {  	s10 =	sld [smem:$0x3FB8];
	_ =	sdelay $0x3  }
0x36: {  	p1 =	seq.s32 s10, $0x1;
	s10 =	sld [smem:$0x3FB9];
	_ =	sdelay $0x3  }
0x37: {  	[smem:$0x3FB9] =	sst s10  }
0x38: {  	s10 =	sld [smem:$0x3FBA]  }
0x39: {  	_ = 	snop;
	(pc) =	sbr.ind lr, $3  }
0x3a: {  	_ = 	snop  }
0x3b: {  	_ = 	snop  }
0x3c: {  	p2 =	seq.s32 s10, $0x1;
	s10 =	sld [smem:$0x3FB9]  }
0x3d: {  	_ =	shalt  }
0x3e: {  	_ =	shalt  }
0x3f: {  	_ =	shalt  }
0x40: {  	_ =	shalt  }
0x41: {  	_ =	shalt  }
0x42: {  	_ =	shalt  }
0x43: {  	_ =	shalt  }
0x44: {  	_ =	shalt  }
0x45: {  	_ =	shalt  }
0x46: {  	_ =	shalt  }
0x47: {  	_ =	shalt  }
0x48: {  	_ =	shalt  }
0x49: {  	_ =	shalt  }
0x4a: {  	_ =	shalt  }
0x4b: {  	_ =	shalt  }
0x4c: {  	_ =	shalt  }
0x4d: {  	_ =	shalt  }
0x4e: {  	_ =	shalt  }
0x4f: {  	_ =	shalt  }
0x50: {  	_ =	shalt  }
0x51: {  	_ =	shalt  }
0x52: {  	_ =	shalt  }
0x53: {  	_ =	shalt  }
0x54: {  	_ =	shalt  }
0x55: {  	_ =	shalt  }
0x56: {  	_ =	shalt  }
0x57: {  	_ =	shalt  }
0x58: {  	_ =	shalt  }
0x59: {  	_ =	shalt  }
0x5a: {  	_ =	shalt  }
0x5b: {  	_ =	shalt  }
0x5c: {  	_ =	shalt  }
0x5d: {  	_ =	shalt  }
0x5e: {  	_ =	shalt  }
0x5f: {  	_ =	shalt  }
0x60: {  	_ =	shalt  }
0x61: {  	_ =	shalt  }
0x62: {  	_ =	shalt  }
0x63: {  	_ =	shalt  }
0x64: {  	_ =	shalt  }
0x65: {  	_ =	shalt  }
0x66: {  	_ =	shalt  }
0x67: {  	_ =	shalt  }
0x68: {  	_ =	shalt  }
0x69: {  	_ =	shalt  }
0x6a: {  	_ =	shalt  }
0x6b: {  	_ =	shalt  }
0x6c: {  	_ =	shalt  }
0x6d: {  	_ =	shalt  }
0x6e: {  	_ =	shalt  }
0x6f: {  	_ =	shalt  }
0x70: {  	_ =	shalt  }
0x71: {  	_ =	shalt  }
0x72: {  	_ =	shalt  }
0x73: {  	_ =	shalt  }
0x74: {  	_ =	shalt  }
0x75: {  	_ =	shalt  }
0x76: {  	_ =	shalt  }
0x77: {  	_ =	shalt  }
0x78: {  	_ =	shalt  }
0x79: {  	_ =	shalt  }
0x7a: {  	_ =	shalt  }
0x7b: {  	_ =	shalt  }
0x7c: {  	_ =	shalt  }
0x7d: {  	_ =	shalt  }
0x7e: {  	_ =	shalt  }
0x7f: {  	_ =	shalt  }
0x80: {  	_ =	shalt  }
0x81: {  	_ =	shalt  }
0x82: {  	_ =	shalt  }
0x83: {  	_ =	shalt  }
0x84: {  	_ =	shalt  }
0x85: {  	_ =	shalt  }
0x86: {  	_ =	shalt  }
0x87: {  	_ =	shalt  }
.Lfunc_end0:
.L_simem_size_0:
called_computation_lowered:
.L_overlay_start_0:
0x88: {  	s2 =	sld [smem:$0x3FD9]  }
0x89: {  	s3 =	sld [smem:$0x3FFE];
	_ =	sdelay $0x1  }
0x8a: {  	s1 =	srdreg.scid  }
0x8b: {  	s0 =	sand.u32 $0x1, s1  }
0x8c: {  	s17 =	sshll.u32 s0, $0xA;
	s2 =	sadd.s32 s3, s2  }
0x8d: {  	s2 =	sadd.s32 s2, s17  }
0x8e: {  	[smem:$0x3FC5] =	sst s2  }
0x8f: {  	_ = 	snop  }
0x90: {  	s2 =	sld [smem:$0x3FD0];
	(tm) =	ssettm $0x1  }
0x91: {  	s18 =	sld [smem:$0x3FFB];
	_ =	sdelay $0x3  }
0x92: {  	_ =	strace s18  }
0x93: {  	s3 =	sld [smem:$0x3FFC];
	_ =	sdelay $0x3  }
0x94: {  	_ =	strace s3  }
0x95: {  	s3 =	sld [smem:$0x3FFD];
	_ =	sdelay $0x3  }
0x96: {  	_ =	strace s3  }
0x97: {  	_ =	strace $0x8FFFFFFF  }
0x98: {  	s19 =	sld [smem:$0x3FDB];
	_ =	sdelay $0x1  }
0x99: {  	s4 =	simm.s32 $_scs_section_size  }
0x9a: {  	s5 =	simm.s32 $_size__tile_overlayer_lowered;
	s6 =	simm.s32 $_tile_overlayer_lowered  }
0x9b: {  	s22 =	simm.s32 $0x1BFF;
	s21 =	sshll.u32 s6, $0x1;
	s3 =	sadd.s32 s4, s19  }
0x9c: {  	s7 =	simm.s32 $0x0;
	s20 =	sshll.u32 s5, $0x1;
	s5 =	sadd.s32 s21, s3  }
0x9d: {  	[timem:s7], [sflag:s22] =	dma.local [hbm:s5], s20  }
0x9e: {  	_ =	swait.ge [sflag:s22], s20  }
0x9f: {  	s4 =	ssub.s32 $0x0, s20;
	[sflag:s22] =	ssyncset.done $0x0  }
0xa0: {  	[sflag:s22] =	ssyncadd.s32 s4;
	_ =	sdelay $0x1  }
0xa1: {  	s23 =	simm.s32 $0x1B8B  }
0xa2: {  	_ =	swait.ge [sflag:s23], $0x1  }
0xa3: {  	[sflag:s23] =	ssyncset.done $0x0  }
0xa4: {  	s25 =	simm.s32 $0x1B8E;
	s24 =	sld [smem:$0x3FFE];
	[sflag:s23] =	ssyncadd.s32 $0xFFFFFFFF  }
0xa5: {  	s26 =	simm.s32 $execute0_lowered;
	[smem:$0x3FD2] =	sst s25  }
0xa6: {  	s5 =	sshll.u32 s26, $0x1;
	_ =	strace $0x80000046;
	[dreg:$0x1] =	wrdreg $0xFFFFFFFF  }
0xa7: {  	s28 =	simm.s32 $_size_execute0_lowered;
	s3 =	sadd.s32 s3, s5;
	[dreg:$0x0] =	wrdreg $0x0  }
0xa8: {  	s5 =	sshll.u32 s28, $0x1;
	[dreg:$0x2] =	wrdreg s3  }
0xa9: {  	[dreg:$0x3] =	wrdreg s5  }
0xaa: {  	[dreg:$0x4] =	wrdreg $0xC0  }
0xab: {  	_ =	task [dreg:s7], $0x5FFFF  }
0xac: {  	[dreg:$0x1] =	wrdreg $0xFFFFFFFF  }
0xad: {  	[dreg:$0x0] =	wrdreg $0x60  }
0xae: {  	[dreg:$0x2] =	wrdreg s24  }
0xaf: {  	[dreg:$0x3] =	wrdreg s2  }
0xb0: {  	[dreg:$0x4] =	wrdreg $0x9  }
0xb1: {  	_ =	task.clear_ibuf [dreg:s7], $0x5FFFF;
	_ =	strace $0x90000046  }
0xb2: {  	s29 =	simm.s32 $0x9;
	_ =	strace $0x80000048  }
0xb3: {  	_ =	swait.ge [sflag:s29], $0x1  }
0xb4: {  	[sflag:s29] =	ssyncadd.s32 $0xFFFFFFFF  }
0xb5: {  	_ =	strace $0x90000048  }
0xb6: {  	_ =	sfence  }
0xb7: {  	s30 =	sld [smem:$0x0];
	_ =	sdelay $0x2  }
0xb8: {  	s31 =	sshll.u32 s1, $0xD;
	s1 =	sshrl.u32 s1, $0x2  }
0xb9: {  	s3 =	sand.u32 $0x4000, s31;
	s1 =	sadd.s32 s1, s30  }
0xba: {  	s0 =	sor.u32 s3, s0;
	s1 =	sshll.u32 s1, $0x11  }
0xbb: {  	s0 =	sor.u32 s1, s0  }
0xbc: {  	s0 =	sadd.s32 $0x8F2B, s0  }
0xbd: {  	[sflag:s0] =	ssyncadd.remote.s32 $0x1  }
0xbe: {  	_ =	sfence.sel $0xFFFF  }
0xbf: {  	[dreg:$0x0] =	wrdreg $0xFFFFFFFF;
	(pc) =	sbr.abs _section_cstart, $3  }
0xc0: {  	[dreg:$0x1] =	wrdreg $0xFFFFFFFF  }
0xc1: {  	_ =	task.clear_ibuf [dreg:s7], $0x2FFFF;
	_ =	strace $0x9FFFFFFF  }
0xc2: {  	(tm) =	ssettm $0x7FFFFFFF  }
0xc3: {  	_ =	shalt  }
tec
execute0_lowered:
.L_overlay_start_1:
0x0: {  	(tag) =	ssettag $0x1  }
0x1: {  	s0 =	srdreg.scid;
	s29 =	stileid.u32  }
0x2: {  	s0 =	sand.u32 $0x1, s0;
	s1 =	sshll.u32 s29, $0x1  }
0x3: {  	s2 =	sor.u32 s0, s1  }
0x4: {  	s3 =	smul.u32 $0x18, s2  }
0x5: {  	s20 =	smul.u32 $0x4008, s2;
	s2 =	sand.u32 $0x3, s2  }
0x6: {  	[smem:$0x7EC] =	sst s2;
	s2 =	smul.u32 $0xC4000, s2;
	s12 =	sor.u32 $0x1, s3  }
0x7: {  	s5 =	sshrl.u32 s20, $0x10;
	s6 =	smul.u32 $0x2AB, s12  }
0x8: {  	s8 =	sor.u32 $0x2, s3;
	s5 =	smul.u32 $0x60, s5  }
0x9: {  	s13 =	sor.u32 $0x3, s3;
	s9 =	smul.u32 $0x2AB, s8  }
0xa: {  	s17 =	sor.u32 $0x4, s3;
	s15 =	smul.u32 $0x2AB, s13  }
0xb: {  	s18 =	smul.u32 $0x2AB, s17;
	s6 =	sshrl.u32 s6, $0x10  }
0xc: {  	s5 =	ssub.s32 s3, s5;
	s14 =	sshrl.u32 s9, $0x10;
	s7 =	smul.u32 $0x60, s6  }
0xd: {  	s5 =	sand.u32 $0xFFF8, s5;
	s10 =	smul.u32 $0x60, s14  }
0xe: {  	s19 =	sshrl.u32 s18, $0x10;
	s24 =	smul.u32 $0xC400, s5  }
0xf: {  	s14 =	sor.u32 $0x7, s3;
	s5 =	smul.u32 $0x60, s19  }
0x10: {  	s11 =	sor.u32 $0x5, s3;
	s26 =	smul.u32 $0x2AB, s14;
	s1 =	ssub.s32 s12, s7  }
0x11: {  	s12 =	smul.u32 $0x2AB, s11;
	s1 =	sand.u32 $0xFFF9, s1  }
0x12: {  	s16 =	sshrl.u32 s15, $0x10;
	s8 =	ssub.s32 s8, s10;
	s7 =	smul.u32 $0xC400, s1  }
0x13: {  	s15 =	sadd.s32 $0x1803, s20;
	s8 =	sand.u32 $0xFFFA, s8;
	s1 =	smul.u32 $0x60, s16  }
0x14: {  	s5 =	ssub.s32 s17, s5;
	s17 =	sshrl.u32 s15, $0x10;
	s31 =	smul.u32 $0xC400, s8  }
0x15: {  	s22 =	sor.u32 $0x6, s3;
	s15 =	smul.u32 $0x60, s17;
	s1 =	ssub.s32 s13, s1  }
0x16: {  	s13 =	smul.u32 $0x2AB, s22;
	s1 =	sand.u32 $0xFFFB, s1  }
0x17: {  	s21 =	sshrl.u32 s12, $0x10;
	s23 =	smul.u32 $0xC400, s1  }
0x18: {  	s5 =	sand.u32 $0xFFFC, s5;
	s1 =	smul.u32 $0x60, s21  }
0x19: {  	s6 =	sadd.s32 $0x1558, s20;
	s10 =	smul.u32 $0xC400, s5;
	s25 =	sshrl.u32 s13, $0x10  }
0x1a: {  	s13 =	smul.u32 $0x60, s25;
	s1 =	ssub.s32 s11, s1;
	s11 =	sshrl.u32 s6, $0x10  }
0x1b: {  	s8 =	smul.u32 $0x60, s11  }
0x1c: {  	s18 =	smul.u32 $0x498000, s11  }
0x1d: {  	s1 =	sand.u32 $0xFFFD, s1;
	s12 =	ssub.s32 s22, s13;
	s22 =	smul.u32 $0x498000, s17  }
0x1e: {  	s5 =	sshrl.u32 s26, $0x10;
	s4 =	smul.u32 $0xC400, s1  }
0x1f: {  	s1 =	smul.u32 $0x60, s5  }
0x20: {  	s25 =	smul.u32 $0x7A8000, s11  }
0x21: {  	s12 =	sand.u32 $0xFFFE, s12;
	s13 =	ssub.s32 s3, s8;
	s1 =	ssub.s32 s14, s1  }
0x22: {  	s9 =	smul.u32 $0xC400, s12;
	s13 =	sadd.s32 $0x8, s13;
	s1 =	sand.u32 $0xFFFF, s1  }
0x23: {  	s16 =	sadd.s32 $0x1AAE, s20;
	s14 =	sand.u32 $0xFFF8, s13;
	s21 =	smul.u32 $0xC400, s1  }
0x24: {  	s15 =	ssub.s32 s3, s15;
	s13 =	sshrl.u32 s16, $0x10;
	s12 =	smul.u32 $0xC400, s14  }
0x25: {  	s1 =	sadd.s32 $0x9, s15;
	s16 =	smul.u32 $0x60, s13  }
0x26: {  	s15 =	smul.u32 $0x7A8000, s17;
	s1 =	sand.u32 $0xFFF9, s1  }
0x27: {  	s19 =	sadd.s32 $0x1D59, s20;
	[smem:$0x7C8] =	sst s18;
	s26 =	smul.u32 $0xC400, s1  }
0x28: {  	[smem:$0x7CA] =	sst s22;
	s1 =	sshrl.u32 s19, $0x10;
	s19 =	smul.u32 $0x498000, s13  }
0x29: {  	s14 =	sadd.s32 $0x2004, s20;
	s16 =	ssub.s32 s3, s16;
	s18 =	smul.u32 $0x60, s1  }
0x2a: {  	s22 =	sshrl.u32 s14, $0x10;
	s16 =	sadd.s32 $0xA, s16;
	s14 =	smul.u32 $0x498000, s1  }
0x2b: {  	[smem:$0x7C9] =	sst s25;
	s1 =	smul.u32 $0x7A8000, s1;
	s6 =	sand.u32 $0xFFFA, s16  }
0x2c: {  	[smem:$0x7CB] =	sst s15;
	s25 =	smul.u32 $0xC400, s6  }
0x2d: {  	s16 =	sadd.s32 $0x22AF, s20;
	s8 =	ssub.s32 s3, s18;
	s18 =	smul.u32 $0x60, s22  }
0x2e: {  	[smem:$0x7CC] =	sst s19;
	s28 =	sshrl.u32 s16, $0x10;
	s6 =	smul.u32 $0x7A8000, s13  }
0x2f: {  	[smem:$0x7CE] =	sst s14;
	s16 =	sshrl.u32 s29, $0x1;
	s29 =	smul.u32 $0x498000, s22  }
0x30: {  	[smem:$0x7CF] =	sst s1;
	s19 =	smul.u32 $0x60, s28  }
0x31: {  	s14 =	sadd.s32 $0x255A, s20;
	s11 =	sadd.s32 $0xB, s8;
	s1 =	smul.u32 $0x7A8000, s16  }
0x32: {  	[smem:$0x7EB] =	sst s16;
	s30 =	smul.u32 $0x498000, s28;
	s11 =	sand.u32 $0xFFFB, s11  }
0x33: {  	s18 =	ssub.s32 s3, s18;
	s17 =	smul.u32 $0xC400, s11;
	s11 =	ssub.s32 s3, s19  }
0x34: {  	[smem:$0x7CD] =	sst s6;
	s6 =	ssub.s32 $0x2, s0;
	s13 =	sadd.s32 $0xD, s11  }
0x35: {  	s0 =	smul.u32 $0x498000, s16;
	s18 =	sadd.s32 $0xC, s18;
	s15 =	sand.u32 $0xFFFD, s13  }
0x36: {  	s2 =	sadd.s32 s1, s2;
	s19 =	smul.u32 $0xC400, s15;
	s15 =	sshrl.u32 s6, $0x1  }
0x37: {  	s8 =	sand.u32 $0xFFFC, s18;
	[smem:$0x7DB] =	sst s2;
	s16 =	ssub.s32 s6, s15  }
0x38: {  	s6 =	smul.u32 $0x7A8000, s22;
	s15 =	sadd.s32 s0, s24;
	[smem:$0x7FD] =	sst s16  }
0x39: {  	s1 =	sadd.s32 $0x310000, s1;
	s18 =	smul.u32 $0xC400, s8;
	[smem:$0x7D1] =	sst s15  }
0x3a: {  	s8 =	sshrl.u32 s14, $0x10;
	s16 =	sadd.s32 s1, s24;
	[smem:$0x7D0] =	sst s6  }
0x3b: {  	s5 =	smul.u32 $0x60, s8;
	s24 =	sadd.s32 s0, s7;
	[smem:$0x7DC] =	sst s16  }
0x3c: {  	s14 =	sadd.s32 $0x2805, s20;
	s7 =	sadd.s32 s1, s7;
	[smem:$0x7D2] =	sst s24  }
0x3d: {  	s13 =	ssub.s32 s3, s5;
	s15 =	sadd.s32 s1, s31;
	[smem:$0x7DD] =	sst s7  }
0x3e: {  	s2 =	sadd.s32 $0xE, s13;
	s13 =	sadd.s32 s0, s31;
	[smem:$0x7DE] =	sst s15  }
0x3f: {  	s6 =	sshrl.u32 s14, $0x10;
	s16 =	sadd.s32 s0, s23;
	[smem:$0x7D3] =	sst s13  }
0x40: {  	s31 =	smul.u32 $0x7A8000, s28;
	s15 =	sadd.s32 s1, s10;
	[smem:$0x7D4] =	sst s16  }
0x41: {  	s28 =	smul.u32 $0x7A8000, s8;
	s2 =	sand.u32 $0xFFFE, s2;
	[smem:$0x7E0] =	sst s15  }
0x42: {  	s22 =	smul.u32 $0x60, s6;
	s13 =	sadd.s32 s0, s10;
	s10 =	sld [smem:$0x7C8]  }
0x43: {  	s14 =	smul.u32 $0xC400, s2;
	[smem:$0x7D5] =	sst s13;
	s13 =	sadd.s32 s0, s9  }
0x44: {  	s11 =	ssub.s32 s3, s22;
	s22 =	sadd.s32 $0x2AB0, s20;
	[smem:$0x7D7] =	sst s13  }
0x45: {  	s13 =	sld [smem:$0x7C9];
	s2 =	sadd.s32 $0xF, s11;
	s11 =	sadd.s32 s1, s23  }
0x46: {  	s23 =	sadd.s32 s0, s4;
	s4 =	sadd.s32 s1, s4;
	[smem:$0x7DF] =	sst s11  }
0x47: {  	s0 =	sadd.s32 s0, s21;
	s2 =	sand.u32 $0xFFFF, s2;
	[smem:$0x7D6] =	sst s23  }
0x48: {  	[smem:$0x7E1] =	sst s4;
	s24 =	smul.u32 $0xC400, s2;
	s2 =	sshrl.u32 s22, $0x10  }
0x49: {  	[smem:$0x7D8] =	sst s0;
	s0 =	sadd.s32 s12, s10;
	s16 =	smul.u32 $0x60, s2  }
0x4a: {  	s7 =	sadd.s32 $0x2D5B, s20;
	s22 =	smul.u32 $0x498000, s8;
	[smem:$0x7D9] =	sst s0  }
0x4b: {  	s0 =	sadd.s32 s12, s13;
	s12 =	smul.u32 $0x498000, s2;
	s5 =	ssub.s32 s3, s16  }
0x4c: {  	s13 =	smul.u32 $0x7A8000, s2;
	s11 =	sadd.s32 $0x10, s5;
	s5 =	sshrl.u32 s7, $0x10  }
0x4d: {  	s23 =	sadd.s32 s1, s9;
	s15 =	sand.u32 $0xFFF8, s11;
	s16 =	smul.u32 $0x60, s5  }
0x4e: {  	s1 =	sadd.s32 s1, s21;
	s7 =	sadd.s32 $0x3006, s20;
	s9 =	smul.u32 $0xC400, s15  }
0x4f: {  	[smem:$0x7E3] =	sst s23;
	s23 =	sshrl.u32 s7, $0x10;
	s15 =	smul.u32 $0x7A8000, s6  }
0x50: {  	s29 =	sadd.s32 s18, s29;
	[smem:$0x7E5] =	sst s1;
	s11 =	smul.u32 $0x60, s23  }
0x51: {  	[smem:$0x7E6] =	sst s0;
	s4 =	ssub.s32 s3, s16;
	s16 =	smul.u32 $0x498000, s6  }
0x52: {  	s6 =	sadd.s32 $0x32B1, s20;
	s1 =	sadd.s32 $0x11, s4;
	s4 =	sld [smem:$0x7CA]  }
0x53: {  	s7 =	sld [smem:$0x7CB];
	s21 =	ssub.s32 s3, s11;
	s6 =	sshrl.u32 s6, $0x10  }
0x54: {  	s1 =	sand.u32 $0xFFF9, s1;
	s21 =	sadd.s32 $0x12, s21;
	s11 =	smul.u32 $0x60, s6  }
0x55: {  	s8 =	smul.u32 $0xC400, s1;
	s10 =	sand.u32 $0xFFFA, s21;
	s0 =	sadd.s32 s26, s4  }
0x56: {  	s1 =	ssub.s32 s3, s11;
	s11 =	smul.u32 $0x7A8000, s5;
	[smem:$0x7DA] =	sst s0  }
0x57: {  	s0 =	sadd.s32 s26, s7;
	s26 =	sld [smem:$0x7CD];
	s7 =	smul.u32 $0xC400, s10  }
0x58: {  	s30 =	sadd.s32 s19, s30;
	s10 =	smul.u32 $0x498000, s5;
	s5 =	sld [smem:$0x7CE]  }
0x59: {  	s19 =	sadd.s32 s19, s31;
	s28 =	sadd.s32 s14, s28;
	s31 =	smul.u32 $0x498000, s6  }
0x5a: {  	s6 =	smul.u32 $0x7A8000, s6;
	s21 =	sld [smem:$0x7CC];
	s4 =	sadd.s32 $0x355C, s20  }
0x5b: {  	s2 =	sadd.s32 s25, s26;
	s26 =	sadd.s32 s17, s5;
	s5 =	sld [smem:$0x7CF]  }
0x5c: {  	s1 =	sadd.s32 $0x13, s1;
	s4 =	sshrl.u32 s4, $0x10;
	[smem:$0x7E8] =	sst s0  }
0x5d: {  	s21 =	sadd.s32 s25, s21;
	s1 =	sand.u32 $0xFFFB, s1;
	s25 =	smul.u32 $0x60, s4  }
0x5e: {  	s1 =	smul.u32 $0xC400, s1;
	[smem:$0x7E9] =	sst s2;
	s0 =	sadd.s32 s17, s5  }
0x5f: {  	s2 =	ssub.s32 s3, s25;
	s17 =	sadd.s32 $0x3807, s20;
	[smem:$0x7EA] =	sst s0  }
0x60: {  	s5 =	smul.u32 $0x498000, s23;
	s0 =	sshrl.u32 s17, $0x10;
	s17 =	sld [smem:$0x7D0]  }
0x61: {  	s12 =	sadd.s32 s9, s12;
	s2 =	sadd.s32 $0x14, s2;
	s25 =	smul.u32 $0x60, s0  }
0x62: {  	s16 =	sadd.s32 s24, s16;
	s23 =	smul.u32 $0x7A8000, s23;
	s2 =	sand.u32 $0xFFFC, s2  }
0x63: {  	s2 =	smul.u32 $0xC400, s2;
	s18 =	sadd.s32 s18, s17;
	s25 =	ssub.s32 s3, s25  }
0x64: {  	s17 =	sadd.s32 s14, s22;
	s14 =	sadd.s32 s24, s15;
	s15 =	smul.u32 $0x498000, s4  }
0x65: {  	s22 =	sadd.s32 s9, s13;
	s9 =	sadd.s32 s8, s10;
	s10 =	smul.u32 $0x7A8000, s4  }
0x66: {  	s24 =	sadd.s32 s8, s11;
	s8 =	smul.u32 $0x498000, s0;
	s11 =	sadd.s32 $0x17, s3  }
0x67: {  	s13 =	sadd.s32 s7, s5;
	s0 =	smul.u32 $0x7A8000, s0;
	s25 =	sadd.s32 $0x15, s25  }
0x68: {  	s5 =	sadd.s32 $0x3AB2, s20;
	s20 =	smul.u32 $0x2AB, s11;
	s25 =	sand.u32 $0xFFFD, s25  }
0x69: {  	s4 =	sadd.s32 s7, s23;
	s7 =	sshrl.u32 s5, $0x10;
	s25 =	smul.u32 $0xC400, s25  }
0x6a: {  	s6 =	sadd.s32 s1, s6;
	s5 =	sshrl.u32 s20, $0x10;
	s20 =	smul.u32 $0x60, s7  }
0x6b: {  	s23 =	sadd.s32 s1, s31;
	s1 =	sadd.s32 s2, s15;
	s15 =	smul.u32 $0x60, s5  }
0x6c: {  	s2 =	sadd.s32 s2, s10;
	s10 =	ssub.s32 s3, s20;
	s20 =	sld [smem:$0x7D2]  }
0x6d: {  	s3 =	sadd.s32 s25, s0;
	s0 =	ssub.s32 s11, s15;
	s15 =	sld [smem:$0x7D1]  }
0x6e: {  	s8 =	sadd.s32 s25, s8;
	s25 =	sld [smem:$0x7D3];
	_ =	sdelay $0x1  }
0x6f: {  	s11 =	sshrl.u32 s15, $0x3  }
0x70: {  	s15 =	sshrl.u32 s20, $0x3;
	s20 =	sshrl.u32 s25, $0x3;
	s25 =	rddreg [dreg:$0x1]  }
0x71: {  	s15 =	sadd.s32 s25, s15  }
0x72: {  	s20 =	sadd.s32 s25, s20;
	[dreg:$0x4] =	wrdreg s15  }
0x73: {  	[dreg:$0x5] =	wrdreg s20  }
0x74: {  	s15 =	sld [smem:$0x7D4]  }
0x75: {  	s20 =	sld [smem:$0x7D5]  }
0x76: {  	s11 =	sadd.s32 s25, s11  }
0x77: {  	[dreg:$0x3] =	wrdreg s11  }
0x78: {  	s11 =	sshrl.u32 s15, $0x3;
	s15 =	sshrl.u32 s20, $0x3;
	s20 =	sld [smem:$0x7D6]  }
0x79: {  	_ = 	snop  }
0x7a: {  	s15 =	sadd.s32 s25, s15  }
0x7b: {  	[dreg:$0x7] =	wrdreg s15;
	s20 =	sshrl.u32 s20, $0x3  }
0x7c: {  	s15 =	sld [smem:$0x7D7];
	s20 =	sadd.s32 s25, s20  }
0x7d: {  	s12 =	sshrl.u32 s12, $0x3;
	[dreg:$0x8] =	wrdreg s20  }
0x7e: {  	s12 =	sadd.s32 s25, s12;
	s20 =	sld [smem:$0x7D8]  }
0x7f: {  	s9 =	sshrl.u32 s9, $0x3;
	[dreg:$0x13] =	wrdreg s12;
	s11 =	sadd.s32 s25, s11  }
0x80: {  	s9 =	sadd.s32 s25, s9;
	[dreg:$0x6] =	wrdreg s11  }
0x81: {  	s11 =	sshrl.u32 s15, $0x3;
	s15 =	sshrl.u32 s20, $0x3;
	s20 =	sld [smem:$0x7D9]  }
0x82: {  	[dreg:$0x14] =	wrdreg s9;
	s11 =	sadd.s32 s25, s11  }
0x83: {  	[dreg:$0x9] =	wrdreg s11;
	s15 =	sadd.s32 s25, s15  }
0x84: {  	[dreg:$0xa] =	wrdreg s15;
	s20 =	sshrl.u32 s20, $0x3  }
0x85: {  	s21 =	sshrl.u32 s21, $0x3;
	s15 =	sadd.s32 s25, s20;
	s20 =	sld [smem:$0x7DA]  }
0x86: {  	[dreg:$0xb] =	wrdreg s15;
	s15 =	sadd.s32 s25, s21  }
0x87: {  	s26 =	sshrl.u32 s26, $0x3;
	s13 =	sshrl.u32 s13, $0x3;
	[dreg:$0xd] =	wrdreg s15  }
0x88: {  	s17 =	sshrl.u32 s17, $0x3;
	s15 =	sadd.s32 s25, s13;
	s13 =	sld [smem:$0x7DB]  }
0x89: {  	s10 =	sadd.s32 $0x16, s10;
	s12 =	smul.u32 $0x7A8000, s7;
	[dreg:$0x15] =	wrdreg s15  }
0x8a: {  	s11 =	sshrl.u32 s20, $0x3;
	s20 =	sadd.s32 s25, s26;
	s15 =	sld [smem:$0x7DC]  }
0x8b: {  	s26 =	sshrl.u32 s30, $0x3;
	s11 =	sadd.s32 s25, s11;
	[dreg:$0xe] =	wrdreg s20  }
0x8c: {  	s21 =	sshrl.u32 s29, $0x3;
	s20 =	sadd.s32 s25, s26;
	[dreg:$0xc] =	wrdreg s11  }
0x8d: {  	s11 =	sadd.s32 s25, s21;
	[dreg:$0x10] =	wrdreg s20;
	s21 =	sadd.s32 s25, s17  }
0x8e: {  	s17 =	smul.u32 $0x498000, s7;
	s7 =	sshrl.u32 s13, $0x3;
	s13 =	sld [smem:$0x7E8]  }
0x8f: {  	s10 =	sand.u32 $0xFFFE, s10;
	s26 =	sshrl.u32 s16, $0x3;
	[dreg:$0xf] =	wrdreg s11  }
0x90: {  	s0 =	sand.u32 $0xFFFF, s0;
	[dreg:$0x11] =	wrdreg s21;
	s11 =	sadd.s32 s25, s26  }
0x91: {  	s10 =	smul.u32 $0xC400, s10;
	s16 =	sshrl.u32 s23, $0x3;
	[dreg:$0x12] =	wrdreg s11  }
0x92: {  	s11 =	smul.u32 $0xC400, s0;
	s0 =	sadd.s32 s25, s16;
	s16 =	sld [smem:$0x7DD]  }
0x93: {  	s23 =	sshrl.u32 s8, $0x3;
	s26 =	sadd.s32 s10, s17;
	s17 =	sld [smem:$0x7DE]  }
0x94: {  	s20 =	sshrl.u32 s1, $0x3;
	s21 =	smul.u32 $0x498000, s5;
	[dreg:$0x16] =	wrdreg s0  }
0x95: {  	s0 =	sadd.s32 s25, s20;
	s8 =	sshrl.u32 s26, $0x3;
	s26 =	sld [smem:$0x7E1]  }
0x96: {  	[dreg:$0x17] =	wrdreg s0  }
0x97: {  	s5 =	smul.u32 $0x7A8000, s5;
	s1 =	sadd.s32 s11, s21;
	s21 =	sld [smem:$0x7DF]  }
0x98: {  	s0 =	sadd.s32 s25, s23;
	s23 =	sld [smem:$0x7E0]  }
0x99: {  	s5 =	sadd.s32 s11, s5;
	s11 =	sld [smem:$0x7E5]  }
0x9a: {  	s6 =	sshrl.u32 s6, $0x3;
	[dreg:$0x18] =	wrdreg s0  }
0x9b: {  	s9 =	sshrl.u32 s1, $0x3;
	s1 =	sadd.s32 s10, s12;
	s10 =	sld [smem:$0x7E3]  }
0x9c: {  	s14 =	sshrl.u32 s14, $0x3;
	s0 =	sadd.s32 s25, s8;
	s12 =	sld [smem:$0x7E6]  }
0x9d: {  	s4 =	sshrl.u32 s4, $0x3;
	[dreg:$0x19] =	wrdreg s0;
	s0 =	sadd.s32 s25, s9  }
0x9e: {  	s2 =	sshrl.u32 s2, $0x3;
	s3 =	sshrl.u32 s3, $0x3;
	[dreg:$0x1a] =	wrdreg s0  }
0x9f: {  	s9 =	sshrl.u32 s17, $0x3;
	s17 =	sshrl.u32 s18, $0x3;
	s0 =	rddreg [dreg:$0x0]  }
0xa0: {  	s18 =	sshrl.u32 s19, $0x3;
	s19 =	sshrl.u32 s28, $0x3;
	s8 =	sadd.s32 $0x1000, s0  }
0xa1: {  	s1 =	sshrl.u32 s1, $0x3;
	s25 =	sadd.s32 s8, s7;
	s7 =	sshrl.u32 s15, $0x3  }
0xa2: {  	s20 =	sadd.s32 s8, s9;
	s9 =	sshrl.u32 s26, $0x3;
	s15 =	sld [smem:$0x7E9]  }
0xa3: {  	s14 =	sadd.s32 s8, s14;
	s4 =	sadd.s32 s8, s4;
	s6 =	sadd.s32 s8, s6  }
0xa4: {  	s2 =	sadd.s32 s8, s2;
	s7 =	sadd.s32 s8, s7;
	[dreg:$0x1d] =	wrdreg s20  }
0xa5: {  	s1 =	sadd.s32 s8, s1;
	s9 =	sadd.s32 s8, s9;
	[dreg:$0x1b] =	wrdreg s7  }
0xa6: {  	s20 =	sshrl.u32 s22, $0x3;
	s7 =	sshrl.u32 s16, $0x3;
	[smem:$0x7E2] =	sst s9  }
0xa7: {  	s22 =	sshrl.u32 s5, $0x3;
	s16 =	sld [smem:$0x7EA];
	s7 =	sadd.s32 s8, s7  }
0xa8: {  	s9 =	sshrl.u32 s12, $0x3;
	[dreg:$0x1c] =	wrdreg s7;
	s7 =	sshrl.u32 s21, $0x3  }
0xa9: {  	s21 =	sshrl.u32 s24, $0x3;
	s24 =	sld [smem:$0x7EC];
	s7 =	sadd.s32 s8, s7  }
0xaa: {  	s12 =	sadd.s32 s8, s17;
	[dreg:$0x1e] =	wrdreg s7;
	s7 =	sshrl.u32 s23, $0x3  }
0xab: {  	s5 =	sadd.s32 s8, s22;
	s23 =	sld [smem:$0x7EB];
	s7 =	sadd.s32 s8, s7  }
0xac: {  	s17 =	sadd.s32 s8, s21;
	[dreg:$0x1f] =	wrdreg s7;
	s7 =	sshrl.u32 s10, $0x3  }
0xad: {  	s10 =	sshrl.u32 s15, $0x3;
	s15 =	sadd.s32 s8, s19;
	s7 =	sadd.s32 s8, s7  }
0xae: {  	s19 =	sshll.u32 s24, $0x6;
	[smem:$0x7E4] =	sst s7;
	s7 =	sshrl.u32 s11, $0x3  }
0xaf: {  	s10 =	sadd.s32 s8, s10;
	s11 =	sshrl.u32 s16, $0x3;
	s7 =	sadd.s32 s8, s7  }
0xb0: {  	s16 =	sadd.s32 s8, s20;
	s11 =	sadd.s32 s8, s11;
	[smem:$0x7E7] =	sst s7  }
0xb1: {  	s7 =	sadd.s32 s8, s9;
	s9 =	sshrl.u32 s13, $0x3;
	s13 =	sadd.s32 s8, s18  }
0xb2: {  	s18 =	sadd.s32 s8, s3;
	s9 =	sadd.s32 s8, s9;
	s8 =	sshll.u32 s23, $0x7  }
0xb3: {  	s19 =	sshrl.u32 s19, $0x2;
	s3 =	simm.s32 $0x0;
	s8 =	sadd.s32 $0x80, s8  }
0xb4: {  	[smem:$0x7FF] =	sst s3;
	s8 =	sadd.s32 s19, s8  }
0xb5: {  	s26 =	sadd.s32 $0x600, s0;
	[smem:$0x7ED] =	sst s8  }
0xb6: {  	s0 =	sadd.s32 $0x800, s0;
	_ =	strace $0x80000047;
	[smem:$0x7EE] =	sst s26  }
0xb7: {  	s8 =	sadd.s32 $0x62000, s7;
	[smem:$0x7EF] =	sst s0  }
0xb8: {  	s9 =	sadd.s32 $0x62000, s9;
	[smem:$0x7F0] =	sst s8  }
0xb9: {  	s10 =	sadd.s32 $0x62000, s10;
	[smem:$0x7F1] =	sst s9  }
0xba: {  	s11 =	sadd.s32 $0x62000, s11;
	[smem:$0x7F2] =	sst s10  }
0xbb: {  	s12 =	sadd.s32 $0x62000, s12;
	[smem:$0x7F3] =	sst s11  }
0xbc: {  	s28 =	sadd.s32 $0x4980, s25;
	s13 =	sadd.s32 $0x62000, s13;
	[smem:$0x7F4] =	sst s12  }
0xbd: {  	s29 =	sadd.s32 $0x6200, s25;
	s15 =	sadd.s32 $0x62000, s15;
	[smem:$0x7F5] =	sst s13  }
0xbe: {  	s30 =	sadd.s32 $0x7A80, s25;
	s19 =	sadd.s32 $0x62000, s14;
	[smem:$0x7F6] =	sst s15  }
0xbf: {  	s31 =	sadd.s32 $0x9300, s25;
	s20 =	sadd.s32 $0x62000, s16;
	[smem:$0x7F7] =	sst s19  }
0xc0: {  	s22 =	sadd.s32 $0x62000, s4;
	s21 =	sadd.s32 $0x62000, s17;
	[smem:$0x7F8] =	sst s20  }
0xc1: {  	s4 =	sadd.s32 $0xF500, s25;
	s24 =	sadd.s32 $0x62000, s2;
	[smem:$0x7F9] =	sst s21  }
0xc2: {  	s2 =	sadd.s32 $0xDC80, s25;
	s23 =	sadd.s32 $0x62000, s6;
	[smem:$0x7FA] =	sst s22  }
0xc3: {  	s16 =	simm.s32 $0x0;
	s6 =	sadd.s32 $0x12600, s25;
	[smem:$0x7FB] =	sst s23  }
0xc4: {  	s14 =	simm.s32 $0x3;
	s7 =	sadd.s32 $0x13E80, s25;
	[smem:$0x7FC] =	sst s24  }
0xc5: {  	s20 =	sadd.s32 $0x62000, s18;
	s21 =	sadd.s32 $0x62000, s1;
	s22 =	sadd.s32 $0x62000, s5  }
0xc6: {  	s24 =	sadd.s32 $0x1880, s25;
	s0 =	sadd.s32 $0xAB80, s25;
	s1 =	sadd.s32 $0xC400, s25  }
0xc7: {  	s5 =	sadd.s32 $0x10D80, s25;
	s8 =	sadd.s32 $0x15700, s25;
	s26 =	sld [smem:$0x7FD]  }
0xc8: {  	s9 =	sadd.s32 $0x16F80, s25;
	s10 =	simm.s32 $0x4;
	s11 =	simm.s32 $0x1  }
0xc9: {  	s12 =	simm.s32 $0x880;
	s13 =	simm.s32 $0xCC80;
	s15 =	simm.s32 $0x2  }
0xca: {  	s19 =	simm.s32 $0x80;
	s23 =	smax.u32 s26, $0x1;
	s26 =	sadd.s32 $0x3100, s25  }
.LBB2_1:
0xcb: {  	s17 =	sld [smem:$0x7EE];
	_ =	sdelay $0x2  }
0xcc: {  	[tilespmem:s3], [sflag:$0x4] =	stream.linear.gather [hbm4b:s17+s3], $0x80, $0x38;
	[tilespmem:$0x19080] =	vst v63  }
0xcd: {  	_ =	swait.ge [sflag:s10], $0x80  }
0xce: {  	s17 =	sld [smem:$0x7EF]  }
0xcf: {  	[sflag:s10] =	ssyncset.done $0x0  }
0xd0: {  	s18 =	simm.s32 $0x10;
	[sflag:s10] =	ssyncadd.s32 $0xFFFFFF80  }
0xd1: {  	[tilespmem:s19], [sflag:$0x1] =	stream.indirect.gather [hbm4b:s17+s18], $0x80, s3, s18, $0xb8;
	[tilespmem:$0x19080] =	vst v63  }
0xd2: {  	_ =	swait.ge [sflag:s11], $0x800  }
0xd3: {  	s18 =	sld [smem:$0x7ED]  }
0xd4: {  	[sflag:s11] =	ssyncset.done $0x0  }
0xd5: {  	[sflag:s11] =	ssyncadd.s32 $0xFFFFF800  }
0xd6: {  	v0 =	vld [tilespmem:s18+$0x0];
	_ =	sdelay $0x4  }
0xd7: {  	v1 =	vbroadcast v0, $0x0  }
0xd8: {  	s17 =	simm.s32 $0x0;
	s18 =	simm.s32 $0x200  }
.LBB2_2:
0xd9: {  	p0 =	sne.s32 s18, $0x30E00;
	[tilespmem:s17+$0x8F0] =	vst v1  }
0xda: {  	[tilespmem:s17+$0x880] =	vst v1  }
0xdb: {  	[tilespmem:s17+$0x890] =	vst v1  }
.Ltmp0:
0xdc: {  	[tilespmem:s17+$0x8A0] =	vst v1;
	(pc) =	sbr.rel @p0 .LBB2_2-.Ltmp0, $4  }
0xdd: {  	[tilespmem:s17+$0x8B0] =	vst v1  }
0xde: {  	[tilespmem:s17+$0x8C0] =	vst v1  }
0xdf: {  	[tilespmem:s17+$0x8D0] =	vst v1  }
0xe0: {  	[tilespmem:s17+$0x8E0] =	vst v1;
	s17 =	sshra.s32 s18, $0x2;
	s18 =	sadd.s32 $0x200, s18  }
0xe1: {  	[tilespmem:s17+$0x8F0] =	vst v1  }
0xe2: {  	[tilespmem:s17+$0x880] =	vst v1  }
0xe3: {  	[tilespmem:s17+$0x890] =	vst v1  }
0xe4: {  	[tilespmem:s17+$0x8A0] =	vst v1  }
0xe5: {  	[tilespmem:s17+$0x8B0] =	vst v1  }
0xe6: {  	[tilespmem:s17+$0x8C0] =	vst v1  }
0xe7: {  	[tilespmem:s17+$0x8D0] =	vst v1  }
0xe8: {  	[tilespmem:s17+$0x8E0] =	vst v1;
	s18 =	simm.s32 $0x0  }
0xe9: {  	v1 =	vbroadcast v0, $0x1;
	[hbm4b:s25+s18] =	stream.linear.scatter [tilespmem:s12], [sflag:$0x3], $0xC400, $0x38;
	[tilespmem:$0x19080] =	vst v63  }
0xea: {  	s17 =	simm.s32 $0x0;
	s18 =	simm.s32 $0x200  }
.LBB2_4:
0xeb: {  	p0 =	sne.s32 s18, $0x30E00;
	[tilespmem:s17+$0xCCF0] =	vst v1  }
0xec: {  	[tilespmem:s17+$0xCC80] =	vst v1  }
0xed: {  	[tilespmem:s17+$0xCC90] =	vst v1  }
.Ltmp1:
0xee: {  	[tilespmem:s17+$0xCCA0] =	vst v1;
	(pc) =	sbr.rel @p0 .LBB2_4-.Ltmp1, $4  }
0xef: {  	[tilespmem:s17+$0xCCB0] =	vst v1  }
0xf0: {  	[tilespmem:s17+$0xCCC0] =	vst v1  }
0xf1: {  	[tilespmem:s17+$0xCCD0] =	vst v1  }
0xf2: {  	[tilespmem:s17+$0xCCE0] =	vst v1;
	s17 =	sshra.s32 s18, $0x2;
	s18 =	sadd.s32 $0x200, s18  }
0xf3: {  	[tilespmem:s17+$0xCCF0] =	vst v1  }
0xf4: {  	[tilespmem:s17+$0xCC80] =	vst v1  }
0xf5: {  	[tilespmem:s17+$0xCC90] =	vst v1  }
0xf6: {  	[tilespmem:s17+$0xCCA0] =	vst v1  }
0xf7: {  	[tilespmem:s17+$0xCCB0] =	vst v1  }
0xf8: {  	[tilespmem:s17+$0xCCC0] =	vst v1  }
0xf9: {  	[tilespmem:s17+$0xCCD0] =	vst v1  }
0xfa: {  	[tilespmem:s17+$0xCCE0] =	vst v1;
	s18 =	simm.s32 $0x0  }
0xfb: {  	[hbm4b:s24+s18] =	stream.linear.scatter [tilespmem:s13], [sflag:$0x3], $0xC400, $0x38;
	[tilespmem:$0x19080] =	vst v63  }
0xfc: {  	_ =	swait.ge [sflag:s14], $0xC400  }
0xfd: {  	v1 =	vbroadcast v0, $0x2;
	[sflag:s14] =	ssyncset.done $0x0  }
0xfe: {  	s17 =	simm.s32 $0x0;
	s18 =	simm.s32 $0x200;
	[sflag:s14] =	ssyncadd.s32 $0xFFFF3C00  }
.LBB2_6:
0xff: {  	p0 =	sne.s32 s18, $0x30E00;
	[tilespmem:s17+$0x8F0] =	vst v1  }
0x100: {  	[tilespmem:s17+$0x880] =	vst v1  }
0x101: {  	[tilespmem:s17+$0x890] =	vst v1  }
.Ltmp2:
0x102: {  	[tilespmem:s17+$0x8A0] =	vst v1;
	(pc) =	sbr.rel @p0 .LBB2_6-.Ltmp2, $4  }
0x103: {  	[tilespmem:s17+$0x8B0] =	vst v1  }
0x104: {  	[tilespmem:s17+$0x8C0] =	vst v1  }
0x105: {  	[tilespmem:s17+$0x8D0] =	vst v1  }
0x106: {  	[tilespmem:s17+$0x8E0] =	vst v1;
	s17 =	sshra.s32 s18, $0x2;
	s18 =	sadd.s32 $0x200, s18  }
0x107: {  	[tilespmem:s17+$0x8F0] =	vst v1  }
0x108: {  	[tilespmem:s17+$0x880] =	vst v1  }
0x109: {  	[tilespmem:s17+$0x890] =	vst v1  }
0x10a: {  	[tilespmem:s17+$0x8A0] =	vst v1  }
0x10b: {  	[tilespmem:s17+$0x8B0] =	vst v1  }
0x10c: {  	[tilespmem:s17+$0x8C0] =	vst v1  }
0x10d: {  	[tilespmem:s17+$0x8D0] =	vst v1  }
0x10e: {  	[tilespmem:s17+$0x8E0] =	vst v1;
	s18 =	simm.s32 $0x0  }
0x10f: {  	[hbm4b:s26+s18] =	stream.linear.scatter [tilespmem:s12], [sflag:$0x3], $0xC400, $0x38;
	[tilespmem:$0x19080] =	vst v63  }
0x110: {  	_ =	swait.ge [sflag:s14], $0xC400  }
0x111: {  	v1 =	vbroadcast v0, $0x3;
	[sflag:s14] =	ssyncset.done $0x0  }
0x112: {  	s17 =	simm.s32 $0x0;
	s18 =	simm.s32 $0x200;
	[sflag:s14] =	ssyncadd.s32 $0xFFFF3C00  }
.LBB2_8:
0x113: {  	p0 =	sne.s32 s18, $0x30E00;
	[tilespmem:s17+$0xCCF0] =	vst v1  }
0x114: {  	[tilespmem:s17+$0xCC80] =	vst v1  }
0x115: {  	[tilespmem:s17+$0xCC90] =	vst v1  }
.Ltmp3:
0x116: {  	[tilespmem:s17+$0xCCA0] =	vst v1;
	(pc) =	sbr.rel @p0 .LBB2_8-.Ltmp3, $4  }
0x117: {  	[tilespmem:s17+$0xCCB0] =	vst v1  }
0x118: {  	[tilespmem:s17+$0xCCC0] =	vst v1  }
0x119: {  	[tilespmem:s17+$0xCCD0] =	vst v1  }
0x11a: {  	[tilespmem:s17+$0xCCE0] =	vst v1;
	s17 =	sshra.s32 s18, $0x2;
	s18 =	sadd.s32 $0x200, s18  }
0x11b: {  	[tilespmem:s17+$0xCCF0] =	vst v1  }
0x11c: {  	[tilespmem:s17+$0xCC80] =	vst v1  }
0x11d: {  	[tilespmem:s17+$0xCC90] =	vst v1  }
0x11e: {  	[tilespmem:s17+$0xCCA0] =	vst v1  }
0x11f: {  	[tilespmem:s17+$0xCCB0] =	vst v1  }
0x120: {  	[tilespmem:s17+$0xCCC0] =	vst v1  }
0x121: {  	[tilespmem:s17+$0xCCD0] =	vst v1  }
0x122: {  	[tilespmem:s17+$0xCCE0] =	vst v1;
	s18 =	simm.s32 $0x0  }
0x123: {  	[hbm4b:s28+s18] =	stream.linear.scatter [tilespmem:s13], [sflag:$0x3], $0xC400, $0x38;
	[tilespmem:$0x19080] =	vst v63  }
0x124: {  	_ =	swait.ge [sflag:s14], $0xC400  }
0x125: {  	v1 =	vbroadcast v0, $0x4;
	[sflag:s14] =	ssyncset.done $0x0  }
0x126: {  	s17 =	simm.s32 $0x0;
	s18 =	simm.s32 $0x200;
	[sflag:s14] =	ssyncadd.s32 $0xFFFF3C00  }
.LBB2_10:
0x127: {  	p0 =	sne.s32 s18, $0x30E00;
	[tilespmem:s17+$0x8F0] =	vst v1  }
0x128: {  	[tilespmem:s17+$0x880] =	vst v1  }
0x129: {  	[tilespmem:s17+$0x890] =	vst v1  }
.Ltmp4:
0x12a: {  	[tilespmem:s17+$0x8A0] =	vst v1;
	(pc) =	sbr.rel @p0 .LBB2_10-.Ltmp4, $4  }
0x12b: {  	[tilespmem:s17+$0x8B0] =	vst v1  }
0x12c: {  	[tilespmem:s17+$0x8C0] =	vst v1  }
0x12d: {  	[tilespmem:s17+$0x8D0] =	vst v1  }
0x12e: {  	[tilespmem:s17+$0x8E0] =	vst v1;
	s17 =	sshra.s32 s18, $0x2;
	s18 =	sadd.s32 $0x200, s18  }
0x12f: {  	[tilespmem:s17+$0x8F0] =	vst v1  }
0x130: {  	[tilespmem:s17+$0x880] =	vst v1  }
0x131: {  	[tilespmem:s17+$0x890] =	vst v1  }
0x132: {  	[tilespmem:s17+$0x8A0] =	vst v1  }
0x133: {  	[tilespmem:s17+$0x8B0] =	vst v1  }
0x134: {  	[tilespmem:s17+$0x8C0] =	vst v1  }
0x135: {  	[tilespmem:s17+$0x8D0] =	vst v1  }
0x136: {  	[tilespmem:s17+$0x8E0] =	vst v1;
	s18 =	simm.s32 $0x0  }
0x137: {  	[hbm4b:s29+s18] =	stream.linear.scatter [tilespmem:s12], [sflag:$0x3], $0xC400, $0x38;
	[tilespmem:$0x19080] =	vst v63  }
0x138: {  	_ =	swait.ge [sflag:s14], $0xC400  }
0x139: {  	v1 =	vbroadcast v0, $0x5;
	[sflag:s14] =	ssyncset.done $0x0  }
0x13a: {  	s17 =	simm.s32 $0x0;
	s18 =	simm.s32 $0x200;
	[sflag:s14] =	ssyncadd.s32 $0xFFFF3C00  }
.LBB2_12:
0x13b: {  	p0 =	sne.s32 s18, $0x30E00;
	[tilespmem:s17+$0xCCF0] =	vst v1  }
0x13c: {  	[tilespmem:s17+$0xCC80] =	vst v1  }
0x13d: {  	[tilespmem:s17+$0xCC90] =	vst v1  }
.Ltmp5:
0x13e: {  	[tilespmem:s17+$0xCCA0] =	vst v1;
	(pc) =	sbr.rel @p0 .LBB2_12-.Ltmp5, $4  }
0x13f: {  	[tilespmem:s17+$0xCCB0] =	vst v1  }
0x140: {  	[tilespmem:s17+$0xCCC0] =	vst v1  }
0x141: {  	[tilespmem:s17+$0xCCD0] =	vst v1  }
0x142: {  	[tilespmem:s17+$0xCCE0] =	vst v1;
	s17 =	sshra.s32 s18, $0x2;
	s18 =	sadd.s32 $0x200, s18  }
0x143: {  	[tilespmem:s17+$0xCCF0] =	vst v1  }
0x144: {  	[tilespmem:s17+$0xCC80] =	vst v1  }
0x145: {  	[tilespmem:s17+$0xCC90] =	vst v1  }
0x146: {  	[tilespmem:s17+$0xCCA0] =	vst v1  }
0x147: {  	[tilespmem:s17+$0xCCB0] =	vst v1  }
0x148: {  	[tilespmem:s17+$0xCCC0] =	vst v1  }
0x149: {  	[tilespmem:s17+$0xCCD0] =	vst v1  }
0x14a: {  	[tilespmem:s17+$0xCCE0] =	vst v1;
	s18 =	simm.s32 $0x0  }
0x14b: {  	[hbm4b:s30+s18] =	stream.linear.scatter [tilespmem:s13], [sflag:$0x3], $0xC400, $0x38;
	[tilespmem:$0x19080] =	vst v63  }
0x14c: {  	_ =	swait.ge [sflag:s14], $0xC400  }
0x14d: {  	v1 =	vbroadcast v0, $0x6;
	[sflag:s14] =	ssyncset.done $0x0  }
0x14e: {  	s17 =	simm.s32 $0x0;
	s18 =	simm.s32 $0x200;
	[sflag:s14] =	ssyncadd.s32 $0xFFFF3C00  }
.LBB2_14:
0x14f: {  	p0 =	sne.s32 s18, $0x30E00;
	[tilespmem:s17+$0x8F0] =	vst v1  }
0x150: {  	[tilespmem:s17+$0x880] =	vst v1  }
0x151: {  	[tilespmem:s17+$0x890] =	vst v1  }
.Ltmp6:
0x152: {  	[tilespmem:s17+$0x8A0] =	vst v1;
	(pc) =	sbr.rel @p0 .LBB2_14-.Ltmp6, $4  }
0x153: {  	[tilespmem:s17+$0x8B0] =	vst v1  }
0x154: {  	[tilespmem:s17+$0x8C0] =	vst v1  }
0x155: {  	[tilespmem:s17+$0x8D0] =	vst v1  }
0x156: {  	[tilespmem:s17+$0x8E0] =	vst v1;
	s17 =	sshra.s32 s18, $0x2;
	s18 =	sadd.s32 $0x200, s18  }
0x157: {  	[tilespmem:s17+$0x8F0] =	vst v1  }
0x158: {  	[tilespmem:s17+$0x880] =	vst v1  }
0x159: {  	[tilespmem:s17+$0x890] =	vst v1  }
0x15a: {  	[tilespmem:s17+$0x8A0] =	vst v1  }
0x15b: {  	[tilespmem:s17+$0x8B0] =	vst v1  }
0x15c: {  	[tilespmem:s17+$0x8C0] =	vst v1  }
0x15d: {  	[tilespmem:s17+$0x8D0] =	vst v1  }
0x15e: {  	[tilespmem:s17+$0x8E0] =	vst v1;
	s18 =	simm.s32 $0x0  }
0x15f: {  	[hbm4b:s31+s18] =	stream.linear.scatter [tilespmem:s12], [sflag:$0x3], $0xC400, $0x38;
	[tilespmem:$0x19080] =	vst v63  }
0x160: {  	_ =	swait.ge [sflag:s14], $0xC400  }
0x161: {  	v1 =	vbroadcast v0, $0x7;
	[sflag:s14] =	ssyncset.done $0x0  }
0x162: {  	s17 =	simm.s32 $0x0;
	s18 =	simm.s32 $0x200;
	[sflag:s14] =	ssyncadd.s32 $0xFFFF3C00  }
.LBB2_16:
0x163: {  	p0 =	sne.s32 s18, $0x30E00;
	[tilespmem:s17+$0xCCF0] =	vst v1  }
0x164: {  	[tilespmem:s17+$0xCC80] =	vst v1  }
0x165: {  	[tilespmem:s17+$0xCC90] =	vst v1  }
.Ltmp7:
0x166: {  	[tilespmem:s17+$0xCCA0] =	vst v1;
	(pc) =	sbr.rel @p0 .LBB2_16-.Ltmp7, $4  }
0x167: {  	[tilespmem:s17+$0xCCB0] =	vst v1  }
0x168: {  	[tilespmem:s17+$0xCCC0] =	vst v1  }
0x169: {  	[tilespmem:s17+$0xCCD0] =	vst v1  }
0x16a: {  	[tilespmem:s17+$0xCCE0] =	vst v1;
	s17 =	sshra.s32 s18, $0x2;
	s18 =	sadd.s32 $0x200, s18  }
0x16b: {  	[tilespmem:s17+$0xCCF0] =	vst v1  }
0x16c: {  	[tilespmem:s17+$0xCC80] =	vst v1  }
0x16d: {  	[tilespmem:s17+$0xCC90] =	vst v1  }
0x16e: {  	[tilespmem:s17+$0xCCA0] =	vst v1  }
0x16f: {  	[tilespmem:s17+$0xCCB0] =	vst v1  }
0x170: {  	[tilespmem:s17+$0xCCC0] =	vst v1  }
0x171: {  	[tilespmem:s17+$0xCCD0] =	vst v1  }
0x172: {  	[tilespmem:s17+$0xCCE0] =	vst v1;
	s18 =	simm.s32 $0x0  }
0x173: {  	[hbm4b:s0+s18] =	stream.linear.scatter [tilespmem:s13], [sflag:$0x3], $0xC400, $0x38;
	[tilespmem:$0x19080] =	vst v63  }
0x174: {  	_ =	swait.ge [sflag:s14], $0xC400  }
0x175: {  	v1 =	vbroadcast v0, $0x8;
	[sflag:s14] =	ssyncset.done $0x0  }
0x176: {  	s17 =	simm.s32 $0x0;
	s18 =	simm.s32 $0x200;
	[sflag:s14] =	ssyncadd.s32 $0xFFFF3C00  }
.LBB2_18:
0x177: {  	p0 =	sne.s32 s18, $0x30E00;
	[tilespmem:s17+$0x8F0] =	vst v1  }
0x178: {  	[tilespmem:s17+$0x880] =	vst v1  }
0x179: {  	[tilespmem:s17+$0x890] =	vst v1  }
.Ltmp8:
0x17a: {  	[tilespmem:s17+$0x8A0] =	vst v1;
	(pc) =	sbr.rel @p0 .LBB2_18-.Ltmp8, $4  }
0x17b: {  	[tilespmem:s17+$0x8B0] =	vst v1  }
0x17c: {  	[tilespmem:s17+$0x8C0] =	vst v1  }
0x17d: {  	[tilespmem:s17+$0x8D0] =	vst v1  }
0x17e: {  	[tilespmem:s17+$0x8E0] =	vst v1;
	s17 =	sshra.s32 s18, $0x2;
	s18 =	sadd.s32 $0x200, s18  }
0x17f: {  	[tilespmem:s17+$0x8F0] =	vst v1  }
0x180: {  	[tilespmem:s17+$0x880] =	vst v1  }
0x181: {  	[tilespmem:s17+$0x890] =	vst v1  }
0x182: {  	[tilespmem:s17+$0x8A0] =	vst v1  }
0x183: {  	[tilespmem:s17+$0x8B0] =	vst v1  }
0x184: {  	[tilespmem:s17+$0x8C0] =	vst v1  }
0x185: {  	[tilespmem:s17+$0x8D0] =	vst v1  }
0x186: {  	[tilespmem:s17+$0x8E0] =	vst v1;
	s18 =	simm.s32 $0x0  }
0x187: {  	[hbm4b:s1+s18] =	stream.linear.scatter [tilespmem:s12], [sflag:$0x3], $0xC400, $0x38;
	[tilespmem:$0x19080] =	vst v63  }
0x188: {  	_ =	swait.ge [sflag:s14], $0xC400  }
0x189: {  	v1 =	vbroadcast v0, $0x9;
	[sflag:s14] =	ssyncset.done $0x0  }
0x18a: {  	s17 =	simm.s32 $0x0;
	s18 =	simm.s32 $0x200;
	[sflag:s14] =	ssyncadd.s32 $0xFFFF3C00  }
.LBB2_20:
0x18b: {  	p0 =	sne.s32 s18, $0x30E00;
	[tilespmem:s17+$0xCCF0] =	vst v1  }
0x18c: {  	[tilespmem:s17+$0xCC80] =	vst v1  }
0x18d: {  	[tilespmem:s17+$0xCC90] =	vst v1  }
.Ltmp9:
0x18e: {  	[tilespmem:s17+$0xCCA0] =	vst v1;
	(pc) =	sbr.rel @p0 .LBB2_20-.Ltmp9, $4  }
0x18f: {  	[tilespmem:s17+$0xCCB0] =	vst v1  }
0x190: {  	[tilespmem:s17+$0xCCC0] =	vst v1  }
0x191: {  	[tilespmem:s17+$0xCCD0] =	vst v1  }
0x192: {  	[tilespmem:s17+$0xCCE0] =	vst v1;
	s17 =	sshra.s32 s18, $0x2;
	s18 =	sadd.s32 $0x200, s18  }
0x193: {  	[tilespmem:s17+$0xCCF0] =	vst v1  }
0x194: {  	[tilespmem:s17+$0xCC80] =	vst v1  }
0x195: {  	[tilespmem:s17+$0xCC90] =	vst v1  }
0x196: {  	[tilespmem:s17+$0xCCA0] =	vst v1  }
0x197: {  	[tilespmem:s17+$0xCCB0] =	vst v1  }
0x198: {  	[tilespmem:s17+$0xCCC0] =	vst v1  }
0x199: {  	[tilespmem:s17+$0xCCD0] =	vst v1  }
0x19a: {  	[tilespmem:s17+$0xCCE0] =	vst v1;
	s18 =	simm.s32 $0x0  }
0x19b: {  	[hbm4b:s2+s18] =	stream.linear.scatter [tilespmem:s13], [sflag:$0x3], $0xC400, $0x38;
	[tilespmem:$0x19080] =	vst v63  }
0x19c: {  	_ =	swait.ge [sflag:s14], $0xC400  }
0x19d: {  	v1 =	vbroadcast v0, $0xA;
	[sflag:s14] =	ssyncset.done $0x0  }
0x19e: {  	s17 =	simm.s32 $0x0;
	s18 =	simm.s32 $0x200;
	[sflag:s14] =	ssyncadd.s32 $0xFFFF3C00  }
.LBB2_22:
0x19f: {  	p0 =	sne.s32 s18, $0x30E00;
	[tilespmem:s17+$0x8F0] =	vst v1  }
0x1a0: {  	[tilespmem:s17+$0x880] =	vst v1  }
0x1a1: {  	[tilespmem:s17+$0x890] =	vst v1  }
.Ltmp10:
0x1a2: {  	[tilespmem:s17+$0x8A0] =	vst v1;
	(pc) =	sbr.rel @p0 .LBB2_22-.Ltmp10, $4  }
0x1a3: {  	[tilespmem:s17+$0x8B0] =	vst v1  }
0x1a4: {  	[tilespmem:s17+$0x8C0] =	vst v1  }
0x1a5: {  	[tilespmem:s17+$0x8D0] =	vst v1  }
0x1a6: {  	[tilespmem:s17+$0x8E0] =	vst v1;
	s17 =	sshra.s32 s18, $0x2;
	s18 =	sadd.s32 $0x200, s18  }
0x1a7: {  	[tilespmem:s17+$0x8F0] =	vst v1  }
0x1a8: {  	[tilespmem:s17+$0x880] =	vst v1  }
0x1a9: {  	[tilespmem:s17+$0x890] =	vst v1  }
0x1aa: {  	[tilespmem:s17+$0x8A0] =	vst v1  }
0x1ab: {  	[tilespmem:s17+$0x8B0] =	vst v1  }
0x1ac: {  	[tilespmem:s17+$0x8C0] =	vst v1  }
0x1ad: {  	[tilespmem:s17+$0x8D0] =	vst v1  }
0x1ae: {  	[tilespmem:s17+$0x8E0] =	vst v1;
	s18 =	simm.s32 $0x0  }
0x1af: {  	[hbm4b:s4+s18] =	stream.linear.scatter [tilespmem:s12], [sflag:$0x3], $0xC400, $0x38;
	[tilespmem:$0x19080] =	vst v63  }
0x1b0: {  	_ =	swait.ge [sflag:s14], $0xC400  }
0x1b1: {  	v1 =	vbroadcast v0, $0xB;
	[sflag:s14] =	ssyncset.done $0x0  }
0x1b2: {  	s17 =	simm.s32 $0x0;
	s18 =	simm.s32 $0x200;
	[sflag:s14] =	ssyncadd.s32 $0xFFFF3C00  }
.LBB2_24:
0x1b3: {  	p0 =	sne.s32 s18, $0x30E00;
	[tilespmem:s17+$0xCCF0] =	vst v1  }
0x1b4: {  	[tilespmem:s17+$0xCC80] =	vst v1  }
0x1b5: {  	[tilespmem:s17+$0xCC90] =	vst v1  }
.Ltmp11:
0x1b6: {  	[tilespmem:s17+$0xCCA0] =	vst v1;
	(pc) =	sbr.rel @p0 .LBB2_24-.Ltmp11, $4  }
0x1b7: {  	[tilespmem:s17+$0xCCB0] =	vst v1  }
0x1b8: {  	[tilespmem:s17+$0xCCC0] =	vst v1  }
0x1b9: {  	[tilespmem:s17+$0xCCD0] =	vst v1  }
0x1ba: {  	[tilespmem:s17+$0xCCE0] =	vst v1;
	s17 =	sshra.s32 s18, $0x2;
	s18 =	sadd.s32 $0x200, s18  }
0x1bb: {  	[tilespmem:s17+$0xCCF0] =	vst v1  }
0x1bc: {  	[tilespmem:s17+$0xCC80] =	vst v1  }
0x1bd: {  	[tilespmem:s17+$0xCC90] =	vst v1  }
0x1be: {  	[tilespmem:s17+$0xCCA0] =	vst v1  }
0x1bf: {  	[tilespmem:s17+$0xCCB0] =	vst v1  }
0x1c0: {  	[tilespmem:s17+$0xCCC0] =	vst v1  }
0x1c1: {  	[tilespmem:s17+$0xCCD0] =	vst v1  }
0x1c2: {  	[tilespmem:s17+$0xCCE0] =	vst v1;
	s18 =	simm.s32 $0x0  }
0x1c3: {  	[hbm4b:s5+s18] =	stream.linear.scatter [tilespmem:s13], [sflag:$0x3], $0xC400, $0x38;
	[tilespmem:$0x19080] =	vst v63  }
0x1c4: {  	_ =	swait.ge [sflag:s14], $0xC400  }
0x1c5: {  	v1 =	vbroadcast v0, $0xC;
	[sflag:s14] =	ssyncset.done $0x0  }
0x1c6: {  	s17 =	simm.s32 $0x0;
	s18 =	simm.s32 $0x200;
	[sflag:s14] =	ssyncadd.s32 $0xFFFF3C00  }
.LBB2_26:
0x1c7: {  	p0 =	sne.s32 s18, $0x30E00;
	[tilespmem:s17+$0x8F0] =	vst v1  }
0x1c8: {  	[tilespmem:s17+$0x880] =	vst v1  }
0x1c9: {  	[tilespmem:s17+$0x890] =	vst v1  }
.Ltmp12:
0x1ca: {  	[tilespmem:s17+$0x8A0] =	vst v1;
	(pc) =	sbr.rel @p0 .LBB2_26-.Ltmp12, $4  }
0x1cb: {  	[tilespmem:s17+$0x8B0] =	vst v1  }
0x1cc: {  	[tilespmem:s17+$0x8C0] =	vst v1  }
0x1cd: {  	[tilespmem:s17+$0x8D0] =	vst v1  }
0x1ce: {  	[tilespmem:s17+$0x8E0] =	vst v1;
	s17 =	sshra.s32 s18, $0x2;
	s18 =	sadd.s32 $0x200, s18  }
0x1cf: {  	[tilespmem:s17+$0x8F0] =	vst v1  }
0x1d0: {  	[tilespmem:s17+$0x880] =	vst v1  }
0x1d1: {  	[tilespmem:s17+$0x890] =	vst v1  }
0x1d2: {  	[tilespmem:s17+$0x8A0] =	vst v1  }
0x1d3: {  	[tilespmem:s17+$0x8B0] =	vst v1  }
0x1d4: {  	[tilespmem:s17+$0x8C0] =	vst v1  }
0x1d5: {  	[tilespmem:s17+$0x8D0] =	vst v1  }
0x1d6: {  	[tilespmem:s17+$0x8E0] =	vst v1;
	s18 =	simm.s32 $0x0  }
0x1d7: {  	[hbm4b:s6+s18] =	stream.linear.scatter [tilespmem:s12], [sflag:$0x3], $0xC400, $0x38;
	[tilespmem:$0x19080] =	vst v63  }
0x1d8: {  	_ =	swait.ge [sflag:s14], $0xC400  }
0x1d9: {  	v1 =	vbroadcast v0, $0xD;
	[sflag:s14] =	ssyncset.done $0x0  }
0x1da: {  	s17 =	simm.s32 $0x0;
	s18 =	simm.s32 $0x200;
	[sflag:s14] =	ssyncadd.s32 $0xFFFF3C00  }
.LBB2_28:
0x1db: {  	p0 =	sne.s32 s18, $0x30E00;
	[tilespmem:s17+$0xCCF0] =	vst v1  }
0x1dc: {  	[tilespmem:s17+$0xCC80] =	vst v1  }
0x1dd: {  	[tilespmem:s17+$0xCC90] =	vst v1  }
.Ltmp13:
0x1de: {  	[tilespmem:s17+$0xCCA0] =	vst v1;
	(pc) =	sbr.rel @p0 .LBB2_28-.Ltmp13, $4  }
0x1df: {  	[tilespmem:s17+$0xCCB0] =	vst v1  }
0x1e0: {  	[tilespmem:s17+$0xCCC0] =	vst v1  }
0x1e1: {  	[tilespmem:s17+$0xCCD0] =	vst v1  }
0x1e2: {  	[tilespmem:s17+$0xCCE0] =	vst v1;
	s17 =	sshra.s32 s18, $0x2;
	s18 =	sadd.s32 $0x200, s18  }
0x1e3: {  	[tilespmem:s17+$0xCCF0] =	vst v1  }
0x1e4: {  	[tilespmem:s17+$0xCC80] =	vst v1  }
0x1e5: {  	[tilespmem:s17+$0xCC90] =	vst v1  }
0x1e6: {  	[tilespmem:s17+$0xCCA0] =	vst v1  }
0x1e7: {  	[tilespmem:s17+$0xCCB0] =	vst v1  }
0x1e8: {  	[tilespmem:s17+$0xCCC0] =	vst v1  }
0x1e9: {  	[tilespmem:s17+$0xCCD0] =	vst v1  }
0x1ea: {  	[tilespmem:s17+$0xCCE0] =	vst v1;
	s18 =	simm.s32 $0x0  }
0x1eb: {  	[hbm4b:s7+s18] =	stream.linear.scatter [tilespmem:s13], [sflag:$0x3], $0xC400, $0x38;
	[tilespmem:$0x19080] =	vst v63  }
0x1ec: {  	_ =	swait.ge [sflag:s14], $0xC400  }
0x1ed: {  	v1 =	vbroadcast v0, $0xE;
	[sflag:s14] =	ssyncset.done $0x0  }
0x1ee: {  	s17 =	simm.s32 $0x0;
	s18 =	simm.s32 $0x200;
	[sflag:s14] =	ssyncadd.s32 $0xFFFF3C00  }
.LBB2_30:
0x1ef: {  	p0 =	sne.s32 s18, $0x30E00;
	[tilespmem:s17+$0x8F0] =	vst v1  }
0x1f0: {  	[tilespmem:s17+$0x880] =	vst v1  }
0x1f1: {  	[tilespmem:s17+$0x890] =	vst v1  }
.Ltmp14:
0x1f2: {  	[tilespmem:s17+$0x8A0] =	vst v1;
	(pc) =	sbr.rel @p0 .LBB2_30-.Ltmp14, $4  }
0x1f3: {  	[tilespmem:s17+$0x8B0] =	vst v1  }
0x1f4: {  	[tilespmem:s17+$0x8C0] =	vst v1  }
0x1f5: {  	[tilespmem:s17+$0x8D0] =	vst v1  }
0x1f6: {  	[tilespmem:s17+$0x8E0] =	vst v1;
	s17 =	sshra.s32 s18, $0x2;
	s18 =	sadd.s32 $0x200, s18  }
0x1f7: {  	[tilespmem:s17+$0x8F0] =	vst v1  }
0x1f8: {  	[tilespmem:s17+$0x880] =	vst v1  }
0x1f9: {  	[tilespmem:s17+$0x890] =	vst v1  }
0x1fa: {  	[tilespmem:s17+$0x8A0] =	vst v1  }
0x1fb: {  	[tilespmem:s17+$0x8B0] =	vst v1  }
0x1fc: {  	[tilespmem:s17+$0x8C0] =	vst v1  }
0x1fd: {  	[tilespmem:s17+$0x8D0] =	vst v1  }
0x1fe: {  	[tilespmem:s17+$0x8E0] =	vst v1;
	s18 =	simm.s32 $0x0  }
0x1ff: {  	[hbm4b:s8+s18] =	stream.linear.scatter [tilespmem:s12], [sflag:$0x3], $0xC400, $0x38;
	[tilespmem:$0x19080] =	vst v63  }
0x200: {  	_ =	swait.ge [sflag:s14], $0xC400  }
0x201: {  	v0 =	vbroadcast v0, $0xF;
	[sflag:s14] =	ssyncset.done $0x0  }
0x202: {  	s17 =	simm.s32 $0x0;
	s18 =	simm.s32 $0x200;
	[sflag:s14] =	ssyncadd.s32 $0xFFFF3C00  }
.LBB2_32:
0x203: {  	p0 =	sne.s32 s18, $0x30E00;
	[tilespmem:s17+$0xCCF0] =	vst v0  }
0x204: {  	[tilespmem:s17+$0xCC80] =	vst v0  }
0x205: {  	[tilespmem:s17+$0xCC90] =	vst v0  }
.Ltmp15:
0x206: {  	[tilespmem:s17+$0xCCA0] =	vst v0;
	(pc) =	sbr.rel @p0 .LBB2_32-.Ltmp15, $4  }
0x207: {  	[tilespmem:s17+$0xCCB0] =	vst v0  }
0x208: {  	[tilespmem:s17+$0xCCC0] =	vst v0  }
0x209: {  	[tilespmem:s17+$0xCCD0] =	vst v0  }
0x20a: {  	[tilespmem:s17+$0xCCE0] =	vst v0;
	s17 =	sshra.s32 s18, $0x2;
	s18 =	sadd.s32 $0x200, s18  }
0x20b: {  	[tilespmem:s17+$0xCCF0] =	vst v0  }
0x20c: {  	[tilespmem:s17+$0xCC80] =	vst v0  }
0x20d: {  	[tilespmem:s17+$0xCC90] =	vst v0  }
0x20e: {  	[tilespmem:s17+$0xCCA0] =	vst v0  }
0x20f: {  	[tilespmem:s17+$0xCCB0] =	vst v0  }
0x210: {  	[tilespmem:s17+$0xCCC0] =	vst v0  }
0x211: {  	[tilespmem:s17+$0xCCD0] =	vst v0  }
0x212: {  	[tilespmem:s17+$0xCCE0] =	vst v0  }
0x213: {  	[hbm4b:s9+s3] =	stream.linear.scatter [tilespmem:s13], [sflag:$0x3], $0xC400, $0x38;
	[tilespmem:$0x19080] =	vst v63  }
0x214: {  	_ =	swait.ge [sflag:s14], $0xC400  }
0x215: {  	[sflag:s14] =	ssyncset.done $0x0  }
0x216: {  	[sflag:s14] =	ssyncadd.s32 $0xFFFF3C00  }
0x217: {  	_ =	swait.ge [sflag:s14], $0xC400  }
0x218: {  	[sflag:s14] =	ssyncset.done $0x0  }
0x219: {  	s18 =	rddreg [dreg:$0x3];
	[sflag:s14] =	ssyncadd.s32 $0xFFFF3C00  }
0x21a: {  	[tilespmem:s12], [sflag:$0x2] =	stream.linear.gather [hbm4b:s18+s3], $0xC400, $0x38;
	[tilespmem:$0x19080] =	vst v63  }
0x21b: {  	_ =	swait.ge [sflag:s15], $0xC400  }
0x21c: {  	[sflag:s15] =	ssyncset.done $0x0  }
0x21d: {  	s18 =	rddreg [dreg:$0x4];
	[sflag:s15] =	ssyncadd.s32 $0xFFFF3C00  }
0x21e: {  	[tilespmem:s13], [sflag:$0x2] =	stream.linear.gather [hbm4b:s18+s3], $0xC400, $0x38;
	[tilespmem:$0x19080] =	vst v63  }
0x21f: {  	s18 =	rddreg [dreg:$0x1b]  }
0x220: {  	[hbm4b:s18+s3] =	stream.linear.scatter [tilespmem:s12], [sflag:$0x3], $0xC400, $0x38;
	[tilespmem:$0x19080] =	vst v63  }
0x221: {  	_ =	swait.ge [sflag:s15], $0xC400  }
0x222: {  	[sflag:s15] =	ssyncset.done $0x0  }
0x223: {  	[sflag:s15] =	ssyncadd.s32 $0xFFFF3C00  }
0x224: {  	_ =	swait.ge [sflag:s14], $0xC400  }
0x225: {  	[sflag:s14] =	ssyncset.done $0x0  }
0x226: {  	s18 =	rddreg [dreg:$0x5];
	[sflag:s14] =	ssyncadd.s32 $0xFFFF3C00  }
0x227: {  	[tilespmem:s12], [sflag:$0x2] =	stream.linear.gather [hbm4b:s18+s3], $0xC400, $0x38;
	[tilespmem:$0x19080] =	vst v63  }
0x228: {  	s18 =	rddreg [dreg:$0x1c]  }
0x229: {  	[hbm4b:s18+s3] =	stream.linear.scatter [tilespmem:s13], [sflag:$0x3], $0xC400, $0x38;
	[tilespmem:$0x19080] =	vst v63  }
0x22a: {  	_ =	swait.ge [sflag:s15], $0xC400  }
0x22b: {  	[sflag:s15] =	ssyncset.done $0x0  }
0x22c: {  	[sflag:s15] =	ssyncadd.s32 $0xFFFF3C00  }
0x22d: {  	_ =	swait.ge [sflag:s14], $0xC400  }
0x22e: {  	[sflag:s14] =	ssyncset.done $0x0  }
0x22f: {  	s18 =	rddreg [dreg:$0x6];
	[sflag:s14] =	ssyncadd.s32 $0xFFFF3C00  }
0x230: {  	[tilespmem:s13], [sflag:$0x2] =	stream.linear.gather [hbm4b:s18+s3], $0xC400, $0x38;
	[tilespmem:$0x19080] =	vst v63  }
0x231: {  	s18 =	rddreg [dreg:$0x1d]  }
0x232: {  	[hbm4b:s18+s3] =	stream.linear.scatter [tilespmem:s12], [sflag:$0x3], $0xC400, $0x38;
	[tilespmem:$0x19080] =	vst v63  }
0x233: {  	_ =	swait.ge [sflag:s15], $0xC400  }
0x234: {  	[sflag:s15] =	ssyncset.done $0x0  }
0x235: {  	[sflag:s15] =	ssyncadd.s32 $0xFFFF3C00  }
0x236: {  	_ =	swait.ge [sflag:s14], $0xC400  }
0x237: {  	[sflag:s14] =	ssyncset.done $0x0  }
0x238: {  	s18 =	rddreg [dreg:$0x7];
	[sflag:s14] =	ssyncadd.s32 $0xFFFF3C00  }
0x239: {  	[tilespmem:s12], [sflag:$0x2] =	stream.linear.gather [hbm4b:s18+s3], $0xC400, $0x38;
	[tilespmem:$0x19080] =	vst v63  }
0x23a: {  	s18 =	rddreg [dreg:$0x1e]  }
0x23b: {  	[hbm4b:s18+s3] =	stream.linear.scatter [tilespmem:s13], [sflag:$0x3], $0xC400, $0x38;
	[tilespmem:$0x19080] =	vst v63  }
0x23c: {  	_ =	swait.ge [sflag:s15], $0xC400  }
0x23d: {  	[sflag:s15] =	ssyncset.done $0x0  }
0x23e: {  	[sflag:s15] =	ssyncadd.s32 $0xFFFF3C00  }
0x23f: {  	_ =	swait.ge [sflag:s14], $0xC400  }
0x240: {  	[sflag:s14] =	ssyncset.done $0x0  }
0x241: {  	s18 =	rddreg [dreg:$0x8];
	[sflag:s14] =	ssyncadd.s32 $0xFFFF3C00  }
0x242: {  	[tilespmem:s13], [sflag:$0x2] =	stream.linear.gather [hbm4b:s18+s3], $0xC400, $0x38;
	[tilespmem:$0x19080] =	vst v63  }
0x243: {  	s18 =	rddreg [dreg:$0x1f]  }
0x244: {  	[hbm4b:s18+s3] =	stream.linear.scatter [tilespmem:s12], [sflag:$0x3], $0xC400, $0x38;
	[tilespmem:$0x19080] =	vst v63  }
0x245: {  	_ =	swait.ge [sflag:s15], $0xC400  }
0x246: {  	[sflag:s15] =	ssyncset.done $0x0  }
0x247: {  	[sflag:s15] =	ssyncadd.s32 $0xFFFF3C00  }
0x248: {  	_ =	swait.ge [sflag:s14], $0xC400  }
0x249: {  	[sflag:s14] =	ssyncset.done $0x0  }
0x24a: {  	s18 =	rddreg [dreg:$0x9];
	[sflag:s14] =	ssyncadd.s32 $0xFFFF3C00  }
0x24b: {  	[tilespmem:s12], [sflag:$0x2] =	stream.linear.gather [hbm4b:s18+s3], $0xC400, $0x38;
	[tilespmem:$0x19080] =	vst v63  }
0x24c: {  	s18 =	sld [smem:$0x7E2];
	_ =	sdelay $0x2  }
0x24d: {  	[hbm4b:s18+s3] =	stream.linear.scatter [tilespmem:s13], [sflag:$0x3], $0xC400, $0x38;
	[tilespmem:$0x19080] =	vst v63  }
0x24e: {  	_ =	swait.ge [sflag:s15], $0xC400  }
0x24f: {  	[sflag:s15] =	ssyncset.done $0x0  }
0x250: {  	[sflag:s15] =	ssyncadd.s32 $0xFFFF3C00  }
0x251: {  	_ =	swait.ge [sflag:s14], $0xC400  }
0x252: {  	[sflag:s14] =	ssyncset.done $0x0  }
0x253: {  	s18 =	rddreg [dreg:$0xa];
	[sflag:s14] =	ssyncadd.s32 $0xFFFF3C00  }
0x254: {  	[tilespmem:s13], [sflag:$0x2] =	stream.linear.gather [hbm4b:s18+s3], $0xC400, $0x38;
	[tilespmem:$0x19080] =	vst v63  }
0x255: {  	s18 =	sld [smem:$0x7E4];
	_ =	sdelay $0x2  }
0x256: {  	[hbm4b:s18+s3] =	stream.linear.scatter [tilespmem:s12], [sflag:$0x3], $0xC400, $0x38;
	[tilespmem:$0x19080] =	vst v63  }
0x257: {  	_ =	swait.ge [sflag:s15], $0xC400  }
0x258: {  	[sflag:s15] =	ssyncset.done $0x0  }
0x259: {  	[sflag:s15] =	ssyncadd.s32 $0xFFFF3C00  }
0x25a: {  	_ =	swait.ge [sflag:s14], $0xC400  }
0x25b: {  	[sflag:s14] =	ssyncset.done $0x0  }
0x25c: {  	s18 =	rddreg [dreg:$0xb];
	[sflag:s14] =	ssyncadd.s32 $0xFFFF3C00  }
0x25d: {  	[tilespmem:s12], [sflag:$0x2] =	stream.linear.gather [hbm4b:s18+s3], $0xC400, $0x38;
	[tilespmem:$0x19080] =	vst v63  }
0x25e: {  	s18 =	sld [smem:$0x7E7];
	_ =	sdelay $0x2  }
0x25f: {  	[hbm4b:s18+s3] =	stream.linear.scatter [tilespmem:s13], [sflag:$0x3], $0xC400, $0x38;
	[tilespmem:$0x19080] =	vst v63  }
0x260: {  	_ =	swait.ge [sflag:s15], $0xC400  }
0x261: {  	[sflag:s15] =	ssyncset.done $0x0  }
0x262: {  	[sflag:s15] =	ssyncadd.s32 $0xFFFF3C00  }
0x263: {  	_ =	swait.ge [sflag:s14], $0xC400  }
0x264: {  	[sflag:s14] =	ssyncset.done $0x0  }
0x265: {  	s18 =	rddreg [dreg:$0xc];
	[sflag:s14] =	ssyncadd.s32 $0xFFFF3C00  }
0x266: {  	[tilespmem:s13], [sflag:$0x2] =	stream.linear.gather [hbm4b:s18+s3], $0xC400, $0x38;
	[tilespmem:$0x19080] =	vst v63  }
0x267: {  	s18 =	sld [smem:$0x7F0];
	_ =	sdelay $0x2  }
0x268: {  	[hbm4b:s18+s3] =	stream.linear.scatter [tilespmem:s12], [sflag:$0x3], $0xC400, $0x38;
	[tilespmem:$0x19080] =	vst v63  }
0x269: {  	_ =	swait.ge [sflag:s15], $0xC400  }
0x26a: {  	[sflag:s15] =	ssyncset.done $0x0  }
0x26b: {  	[sflag:s15] =	ssyncadd.s32 $0xFFFF3C00  }
0x26c: {  	_ =	swait.ge [sflag:s14], $0xC400  }
0x26d: {  	[sflag:s14] =	ssyncset.done $0x0  }
0x26e: {  	s18 =	rddreg [dreg:$0xd];
	[sflag:s14] =	ssyncadd.s32 $0xFFFF3C00  }
0x26f: {  	[tilespmem:s12], [sflag:$0x2] =	stream.linear.gather [hbm4b:s18+s3], $0xC400, $0x38;
	[tilespmem:$0x19080] =	vst v63  }
0x270: {  	s18 =	sld [smem:$0x7F1];
	_ =	sdelay $0x2  }
0x271: {  	[hbm4b:s18+s3] =	stream.linear.scatter [tilespmem:s13], [sflag:$0x3], $0xC400, $0x38;
	[tilespmem:$0x19080] =	vst v63  }
0x272: {  	_ =	swait.ge [sflag:s15], $0xC400  }
0x273: {  	[sflag:s15] =	ssyncset.done $0x0  }
0x274: {  	[sflag:s15] =	ssyncadd.s32 $0xFFFF3C00  }
0x275: {  	_ =	swait.ge [sflag:s14], $0xC400  }
0x276: {  	[sflag:s14] =	ssyncset.done $0x0  }
0x277: {  	s18 =	rddreg [dreg:$0xe];
	[sflag:s14] =	ssyncadd.s32 $0xFFFF3C00  }
0x278: {  	[tilespmem:s13], [sflag:$0x2] =	stream.linear.gather [hbm4b:s18+s3], $0xC400, $0x38;
	[tilespmem:$0x19080] =	vst v63  }
0x279: {  	s18 =	sld [smem:$0x7F2];
	_ =	sdelay $0x2  }
0x27a: {  	[hbm4b:s18+s3] =	stream.linear.scatter [tilespmem:s12], [sflag:$0x3], $0xC400, $0x38;
	[tilespmem:$0x19080] =	vst v63  }
0x27b: {  	_ =	swait.ge [sflag:s15], $0xC400  }
0x27c: {  	[sflag:s15] =	ssyncset.done $0x0  }
0x27d: {  	[sflag:s15] =	ssyncadd.s32 $0xFFFF3C00  }
0x27e: {  	_ =	swait.ge [sflag:s14], $0xC400  }
0x27f: {  	[sflag:s14] =	ssyncset.done $0x0  }
0x280: {  	s18 =	rddreg [dreg:$0xf];
	[sflag:s14] =	ssyncadd.s32 $0xFFFF3C00  }
0x281: {  	[tilespmem:s12], [sflag:$0x2] =	stream.linear.gather [hbm4b:s18+s3], $0xC400, $0x38;
	[tilespmem:$0x19080] =	vst v63  }
0x282: {  	s18 =	sld [smem:$0x7F3];
	_ =	sdelay $0x2  }
0x283: {  	[hbm4b:s18+s3] =	stream.linear.scatter [tilespmem:s13], [sflag:$0x3], $0xC400, $0x38;
	[tilespmem:$0x19080] =	vst v63  }
0x284: {  	_ =	swait.ge [sflag:s15], $0xC400  }
0x285: {  	[sflag:s15] =	ssyncset.done $0x0  }
0x286: {  	[sflag:s15] =	ssyncadd.s32 $0xFFFF3C00  }
0x287: {  	_ =	swait.ge [sflag:s14], $0xC400  }
0x288: {  	[sflag:s14] =	ssyncset.done $0x0  }
0x289: {  	s18 =	rddreg [dreg:$0x10];
	[sflag:s14] =	ssyncadd.s32 $0xFFFF3C00  }
0x28a: {  	[tilespmem:s13], [sflag:$0x2] =	stream.linear.gather [hbm4b:s18+s3], $0xC400, $0x38;
	[tilespmem:$0x19080] =	vst v63  }
0x28b: {  	s18 =	sld [smem:$0x7F4];
	_ =	sdelay $0x2  }
0x28c: {  	[hbm4b:s18+s3] =	stream.linear.scatter [tilespmem:s12], [sflag:$0x3], $0xC400, $0x38;
	[tilespmem:$0x19080] =	vst v63  }
0x28d: {  	_ =	swait.ge [sflag:s15], $0xC400  }
0x28e: {  	[sflag:s15] =	ssyncset.done $0x0  }
0x28f: {  	[sflag:s15] =	ssyncadd.s32 $0xFFFF3C00  }
0x290: {  	_ =	swait.ge [sflag:s14], $0xC400  }
0x291: {  	[sflag:s14] =	ssyncset.done $0x0  }
0x292: {  	s18 =	rddreg [dreg:$0x11];
	[sflag:s14] =	ssyncadd.s32 $0xFFFF3C00  }
0x293: {  	[tilespmem:s12], [sflag:$0x2] =	stream.linear.gather [hbm4b:s18+s3], $0xC400, $0x38;
	[tilespmem:$0x19080] =	vst v63  }
0x294: {  	s18 =	sld [smem:$0x7F5];
	_ =	sdelay $0x2  }
0x295: {  	[hbm4b:s18+s3] =	stream.linear.scatter [tilespmem:s13], [sflag:$0x3], $0xC400, $0x38;
	[tilespmem:$0x19080] =	vst v63  }
0x296: {  	_ =	swait.ge [sflag:s15], $0xC400  }
0x297: {  	[sflag:s15] =	ssyncset.done $0x0  }
0x298: {  	[sflag:s15] =	ssyncadd.s32 $0xFFFF3C00  }
0x299: {  	_ =	swait.ge [sflag:s14], $0xC400  }
0x29a: {  	[sflag:s14] =	ssyncset.done $0x0  }
0x29b: {  	s18 =	rddreg [dreg:$0x12];
	[sflag:s14] =	ssyncadd.s32 $0xFFFF3C00  }
0x29c: {  	[tilespmem:s13], [sflag:$0x2] =	stream.linear.gather [hbm4b:s18+s3], $0xC400, $0x38;
	[tilespmem:$0x19080] =	vst v63  }
0x29d: {  	s18 =	sld [smem:$0x7F6];
	_ =	sdelay $0x2  }
0x29e: {  	[hbm4b:s18+s3] =	stream.linear.scatter [tilespmem:s12], [sflag:$0x3], $0xC400, $0x38;
	[tilespmem:$0x19080] =	vst v63  }
0x29f: {  	_ =	swait.ge [sflag:s15], $0xC400  }
0x2a0: {  	[sflag:s15] =	ssyncset.done $0x0  }
0x2a1: {  	[sflag:s15] =	ssyncadd.s32 $0xFFFF3C00  }
0x2a2: {  	_ =	swait.ge [sflag:s14], $0xC400  }
0x2a3: {  	[sflag:s14] =	ssyncset.done $0x0  }
0x2a4: {  	s18 =	rddreg [dreg:$0x13];
	[sflag:s14] =	ssyncadd.s32 $0xFFFF3C00  }
0x2a5: {  	[tilespmem:s12], [sflag:$0x2] =	stream.linear.gather [hbm4b:s18+s3], $0xC400, $0x38;
	[tilespmem:$0x19080] =	vst v63  }
0x2a6: {  	s18 =	sld [smem:$0x7F7];
	_ =	sdelay $0x2  }
0x2a7: {  	[hbm4b:s18+s3] =	stream.linear.scatter [tilespmem:s13], [sflag:$0x3], $0xC400, $0x38;
	[tilespmem:$0x19080] =	vst v63  }
0x2a8: {  	_ =	swait.ge [sflag:s15], $0xC400  }
0x2a9: {  	[sflag:s15] =	ssyncset.done $0x0  }
0x2aa: {  	[sflag:s15] =	ssyncadd.s32 $0xFFFF3C00  }
0x2ab: {  	_ =	swait.ge [sflag:s14], $0xC400  }
0x2ac: {  	[sflag:s14] =	ssyncset.done $0x0  }
0x2ad: {  	s18 =	rddreg [dreg:$0x14];
	[sflag:s14] =	ssyncadd.s32 $0xFFFF3C00  }
0x2ae: {  	[tilespmem:s13], [sflag:$0x2] =	stream.linear.gather [hbm4b:s18+s3], $0xC400, $0x38;
	[tilespmem:$0x19080] =	vst v63  }
0x2af: {  	s18 =	sld [smem:$0x7F8];
	_ =	sdelay $0x2  }
0x2b0: {  	[hbm4b:s18+s3] =	stream.linear.scatter [tilespmem:s12], [sflag:$0x3], $0xC400, $0x38;
	[tilespmem:$0x19080] =	vst v63  }
0x2b1: {  	_ =	swait.ge [sflag:s15], $0xC400  }
0x2b2: {  	[sflag:s15] =	ssyncset.done $0x0  }
0x2b3: {  	[sflag:s15] =	ssyncadd.s32 $0xFFFF3C00  }
0x2b4: {  	_ =	swait.ge [sflag:s14], $0xC400  }
0x2b5: {  	[sflag:s14] =	ssyncset.done $0x0  }
0x2b6: {  	s18 =	rddreg [dreg:$0x15];
	[sflag:s14] =	ssyncadd.s32 $0xFFFF3C00  }
0x2b7: {  	[tilespmem:s12], [sflag:$0x2] =	stream.linear.gather [hbm4b:s18+s3], $0xC400, $0x38;
	[tilespmem:$0x19080] =	vst v63  }
0x2b8: {  	s18 =	sld [smem:$0x7F9];
	_ =	sdelay $0x2  }
0x2b9: {  	[hbm4b:s18+s3] =	stream.linear.scatter [tilespmem:s13], [sflag:$0x3], $0xC400, $0x38;
	[tilespmem:$0x19080] =	vst v63  }
0x2ba: {  	_ =	swait.ge [sflag:s15], $0xC400  }
0x2bb: {  	[sflag:s15] =	ssyncset.done $0x0  }
0x2bc: {  	[sflag:s15] =	ssyncadd.s32 $0xFFFF3C00  }
0x2bd: {  	_ =	swait.ge [sflag:s14], $0xC400  }
0x2be: {  	[sflag:s14] =	ssyncset.done $0x0  }
0x2bf: {  	s18 =	rddreg [dreg:$0x16];
	[sflag:s14] =	ssyncadd.s32 $0xFFFF3C00  }
0x2c0: {  	[tilespmem:s13], [sflag:$0x2] =	stream.linear.gather [hbm4b:s18+s3], $0xC400, $0x38;
	[tilespmem:$0x19080] =	vst v63  }
0x2c1: {  	s18 =	sld [smem:$0x7FA];
	_ =	sdelay $0x2  }
0x2c2: {  	[hbm4b:s18+s3] =	stream.linear.scatter [tilespmem:s12], [sflag:$0x3], $0xC400, $0x38;
	[tilespmem:$0x19080] =	vst v63  }
0x2c3: {  	_ =	swait.ge [sflag:s15], $0xC400  }
0x2c4: {  	[sflag:s15] =	ssyncset.done $0x0  }
0x2c5: {  	[sflag:s15] =	ssyncadd.s32 $0xFFFF3C00  }
0x2c6: {  	_ =	swait.ge [sflag:s14], $0xC400  }
0x2c7: {  	[sflag:s14] =	ssyncset.done $0x0  }
0x2c8: {  	s18 =	rddreg [dreg:$0x17];
	[sflag:s14] =	ssyncadd.s32 $0xFFFF3C00  }
0x2c9: {  	[tilespmem:s12], [sflag:$0x2] =	stream.linear.gather [hbm4b:s18+s3], $0xC400, $0x38;
	[tilespmem:$0x19080] =	vst v63  }
0x2ca: {  	s18 =	sld [smem:$0x7FB];
	_ =	sdelay $0x2  }
0x2cb: {  	[hbm4b:s18+s3] =	stream.linear.scatter [tilespmem:s13], [sflag:$0x3], $0xC400, $0x38;
	[tilespmem:$0x19080] =	vst v63  }
0x2cc: {  	_ =	swait.ge [sflag:s15], $0xC400  }
0x2cd: {  	[sflag:s15] =	ssyncset.done $0x0  }
0x2ce: {  	[sflag:s15] =	ssyncadd.s32 $0xFFFF3C00  }
0x2cf: {  	_ =	swait.ge [sflag:s14], $0xC400  }
0x2d0: {  	[sflag:s14] =	ssyncset.done $0x0  }
0x2d1: {  	s18 =	rddreg [dreg:$0x18];
	[sflag:s14] =	ssyncadd.s32 $0xFFFF3C00  }
0x2d2: {  	[tilespmem:s13], [sflag:$0x2] =	stream.linear.gather [hbm4b:s18+s3], $0xC400, $0x38;
	[tilespmem:$0x19080] =	vst v63  }
0x2d3: {  	s18 =	sld [smem:$0x7FC];
	_ =	sdelay $0x2  }
0x2d4: {  	[hbm4b:s18+s3] =	stream.linear.scatter [tilespmem:s12], [sflag:$0x3], $0xC400, $0x38;
	[tilespmem:$0x19080] =	vst v63  }
0x2d5: {  	_ =	swait.ge [sflag:s15], $0xC400  }
0x2d6: {  	[sflag:s15] =	ssyncset.done $0x0  }
0x2d7: {  	[sflag:s15] =	ssyncadd.s32 $0xFFFF3C00  }
0x2d8: {  	_ =	swait.ge [sflag:s14], $0xC400  }
0x2d9: {  	[sflag:s14] =	ssyncset.done $0x0  }
0x2da: {  	s18 =	rddreg [dreg:$0x19];
	[sflag:s14] =	ssyncadd.s32 $0xFFFF3C00  }
0x2db: {  	[tilespmem:s12], [sflag:$0x2] =	stream.linear.gather [hbm4b:s18+s3], $0xC400, $0x38;
	[tilespmem:$0x19080] =	vst v63  }
0x2dc: {  	_ = 	snop  }
0x2dd: {  	[hbm4b:s20+s3] =	stream.linear.scatter [tilespmem:s13], [sflag:$0x3], $0xC400, $0x38;
	[tilespmem:$0x19080] =	vst v63  }
0x2de: {  	_ =	swait.ge [sflag:s15], $0xC400  }
0x2df: {  	[sflag:s15] =	ssyncset.done $0x0  }
0x2e0: {  	[sflag:s15] =	ssyncadd.s32 $0xFFFF3C00  }
0x2e1: {  	_ =	swait.ge [sflag:s14], $0xC400  }
0x2e2: {  	[sflag:s14] =	ssyncset.done $0x0  }
0x2e3: {  	s18 =	rddreg [dreg:$0x1a];
	[sflag:s14] =	ssyncadd.s32 $0xFFFF3C00  }
0x2e4: {  	[tilespmem:s13], [sflag:$0x2] =	stream.linear.gather [hbm4b:s18+s3], $0xC400, $0x38;
	[tilespmem:$0x19080] =	vst v63  }
0x2e5: {  	_ = 	snop  }
0x2e6: {  	[hbm4b:s21+s3] =	stream.linear.scatter [tilespmem:s12], [sflag:$0x3], $0xC400, $0x38;
	[tilespmem:$0x19080] =	vst v63  }
0x2e7: {  	_ =	swait.ge [sflag:s15], $0xC400  }
0x2e8: {  	[sflag:s15] =	ssyncset.done $0x0  }
0x2e9: {  	[sflag:s15] =	ssyncadd.s32 $0xFFFF3C00  }
0x2ea: {  	s16 =	sadd.s32 $0x1, s16;
	_ =	swait.ge [sflag:s14], $0xC400  }
0x2eb: {  	p0 =	sne.s32 s16, s23;
	[sflag:s14] =	ssyncset.done $0x0  }
.Ltmp16:
0x2ec: {  	[sflag:s14] =	ssyncadd.s32 $0xFFFF3C00;
	(pc) =	sbr.rel @p0 .LBB2_1-.Ltmp16, $4  }
0x2ed: {  	[hbm4b:s22+s3] =	stream.linear.scatter [tilespmem:s13], [sflag:$0x3], $0xC400, $0x38;
	[tilespmem:$0x19080] =	vst v63  }
0x2ee: {  	_ =	swait.ge [sflag:s14], $0xC400  }
0x2ef: {  	[sflag:s14] =	ssyncset.done $0x0  }
0x2f0: {  	[sflag:s14] =	ssyncadd.s32 $0xFFFF3C00  }
0x2f1: {  	_ =	sfence.sel $0x180000  }
0x2f2: {  	[bflag:$0x0] =	sbarrier.arrive $0xFFFF  }
0x2f3: {  	_ =	strace $0x90000047  }
0x2f4: {  	s0 =	stileid.u32;
	[bflag:$0x2] =	sbarrier.arrive $0xFFFF  }
0x2f5: {  	p0 =	sne.s32 s0, $0x0;
	s0 =	rddreg [dreg:$0x2]  }
0x2f6: {  	s0 =	sadd.s32 @!p0 $0x100000, s0  }
0x2f7: {  	[sflag:s0] =	ssyncadd.tile.s32 @!p0 $0x1;
	_ =	shalt  }
.Lfunc_end2:
_tile_overlayer_lowered:
.L_overlay_start_2:
0x2f8: {  	(tag) =	ssettag $0x2  }
0x2f9: {  	s0 =	rddreg [dreg:$0x0];
	s2 =	stileid.u32  }
0x2fa: {  	s1 =	rddreg [dreg:$0x1];
	p0 =	sne.s32 s2, $0x0  }
0x2fb: {  	s3 =	rddreg [dreg:$0x2];
	[bflag:$0x3] =	sbarrier.arrive $0xFFFF;
	s2 =	simm.s32 @!p0 $0x1C04  }
0x2fc: {  	[timem:s3], [sflag:s2] =	dma.local @!p0 [hbm:s0], s1  }
0x2fd: {  	s0 =	simm.s32 @!p0 $0x4  }
0x2fe: {  	_ =	swait.ge @!p0 [sflag:s0], s1  }
0x2ff: {  	s1 =	ssub.s32 @!p0 $0x0, s1;
	[sflag:s0] =	ssyncset.done @!p0 $0x0  }
0x300: {  	[sflag:s0] =	ssyncadd.s32 @!p0 s1  }
0x301: {  	[bflag:$0x3] =	sbarrier.arrive $0xFFFF  }
0x302: {  	_ =	shalt  }

</sc_bundles>
